<compile_context>
chip_gen: v7x
topology: tpu7x:2x2x1
jax: 0.10.2.dev20260603
libtpu: 0.0.44.dev20260713+nightly
codegen_flags: <defaults>
</compile_context>

<pallas_src>
import jax
import jax.numpy as jnp
from jax import lax
from jax.experimental import pallas as pl
from jax.experimental.pallas import tpu as pltpu
from jax.experimental.pallas import tpu_sc as plsc

VOCAB = 100000
EMB_D = 100
BATCH = 16384
SEQ_LEN = 100
N_OUT = 50
LPAD = 128

NC = 2
NS = 16
L = 16
NW = NC * NS

COLS_PER_BLK = 512
NSTRIPE = 4
COLS_PER_STEP = COLS_PER_BLK * NSTRIPE
NSTEP = -(-VOCAB // COLS_PER_STEP)
VPAD = NSTEP * COLS_PER_STEP


def _rowmean_body(*refs):
    emb_refs, out_ref = refs[:NSTRIPE], refs[NSTRIPE]
    ones_row = jnp.full((1, EMB_D), 1.0 / EMB_D, jnp.float32)
    for s in range(NSTRIPE):
        v = jnp.dot(ones_row, emb_refs[s][...],
                    preferred_element_type=jnp.float32)
        out_ref[pl.ds(s * COLS_PER_BLK, COLS_PER_BLK)] = (
            v.reshape(COLS_PER_BLK))


def _rowmean(emb_t):
    return pl.pallas_call(
        _rowmean_body,
        grid=(NSTEP,),
        in_specs=[
            pl.BlockSpec((EMB_D, COLS_PER_BLK),
                         lambda i, s=s: (0, i * NSTRIPE + s))
            for s in range(NSTRIPE)
        ],
        out_specs=pl.BlockSpec((COLS_PER_STEP,), lambda i: (i,)),
        out_shape=jax.ShapeDtypeStruct((VPAD,), jnp.float32),
    )(*([emb_t] * NSTRIPE))


ROWS_PER_W = BATCH // NW
CROWS = 32
NCHUNK = ROWS_PER_W // CROWS
ROW_OFFS = (0, 16, 32, 48, 64, 80, 84)


def _gather_body(tab_hbm, x_hbm, out_hbm, tab_v, idx_v, out_v,
                 sem_t, sem_i0, sem_i1, sem_o0, sem_o1):
    wid = lax.axis_index("s") * NC + lax.axis_index("c")
    base = wid * ROWS_PER_W
    sem_i = (sem_i0, sem_i1)
    sem_o = (sem_o0, sem_o1)

    def idx_copy(c):
        r0 = base + c * CROWS
        return pltpu.make_async_copy(
            x_hbm.at[pl.ds(r0, CROWS), :], idx_v.at[c % 2], sem_i[c % 2])

    def out_copy(c):
        r0 = base + c * CROWS
        return pltpu.make_async_copy(
            out_v.at[c % 2], out_hbm.at[pl.ds(r0, CROWS), :], sem_o[c % 2])

    tab_cp = pltpu.make_async_copy(tab_hbm, tab_v, sem_t)
    tab_cp.start()
    idx_copy(0).start()
    idx_copy(1).start()
    tab_cp.wait()
    head = tab_v[pl.ds(0, L)]
    tab_v[pl.ds(0, L)] = jnp.where(
        lax.broadcasted_iota(jnp.int32, (L,), 0) == 1, 0.0, head)

    for c in range(NCHUNK):
        slot = c % 2
        idx_copy(c).wait()
        if c >= 2:
            out_copy(c - 2).wait()

        def row_body(r, _):
            for off in ROW_OFFS:
                iv = idx_v[slot, r, pl.ds(off, L)]
                out_v[slot, r, pl.ds(off, L)] = plsc.load_gather(
                    tab_v, [iv])
            return 0

        lax.fori_loop(0, CROWS, row_body, 0)
        out_copy(c).start()
        if c + 2 < NCHUNK:
            idx_copy(c + 2).start()
    out_copy(NCHUNK - 2).wait()
    out_copy(NCHUNK - 1).wait()


_gather = pl.kernel(
    _gather_body,
    out_type=jax.ShapeDtypeStruct((BATCH, LPAD), jnp.float32),
    mesh=plsc.VectorSubcoreMesh(core_axis_name="c", subcore_axis_name="s"),
    compiler_params=pltpu.CompilerParams(needs_layout_passes=False),
    scratch_types=[
        pltpu.VMEM((VPAD,), jnp.float32),
        pltpu.VMEM((2, CROWS, SEQ_LEN), jnp.int32),
        pltpu.VMEM((2, CROWS, LPAD), jnp.float32),
        pltpu.SemaphoreType.DMA,
        pltpu.SemaphoreType.DMA,
        pltpu.SemaphoreType.DMA,
        pltpu.SemaphoreType.DMA,
        pltpu.SemaphoreType.DMA,
    ],
)


BM = 2048


def _mm_body(w_ref, m_ref, o_ref):
    o_ref[...] = lax.dot_general(
        w_ref[...], m_ref[...][:, :SEQ_LEN],
        (((1,), (1,)), ((), ())),
        preferred_element_type=jnp.float32)


def _matmul_t(w, m2):
    return pl.pallas_call(
        _mm_body,
        grid=(BATCH // BM,),
        in_specs=[pl.BlockSpec((N_OUT, SEQ_LEN), lambda i: (0, 0)),
                  pl.BlockSpec((BM, LPAD), lambda i: (i, 0))],
        out_specs=pl.BlockSpec((N_OUT, BM), lambda i: (0, i)),
        out_shape=jax.ShapeDtypeStruct((N_OUT, BATCH), jnp.float32),
    )(w, m2)


def kernel(x, x_len, mask, emb_table, W_final):
    del x_len, mask
    rowmean = _rowmean(emb_table.T)
    m = _gather(rowmean, x)
    return _matmul_t(W_final, m).T

# --- scband reference (transcript-rebuilt; emitter-appended) ---
"""Pipeline reference for scband-avg-emb-classifier-6811818131556 (READ-ONLY COPY).

The authoritative reference and input builder live on the scoring server;
editing this copy changes nothing except your own understanding.
"""

import jax, jax.numpy as jnp
import numpy as np

VOCAB = 100000
EMBEDDING_DIM = 100
HIDDEN_DIM = 100
BATCH = 16384
SEQ_LEN = 100

def setup_inputs(seed: int = 0) -> dict:
    key = jax.random.key(seed)
    k1, k2, k3, k4 = jax.random.split(key, 4)
    x = jax.random.randint(k1, (BATCH, SEQ_LEN), 0, VOCAB, dtype=jnp.int64 if jax.config.jax_enable_x64 else jnp.int32).astype(jnp.int32)
    x_len = jax.random.randint(k2, (BATCH,), 0, SEQ_LEN).astype(jnp.int32)
    mask = jnp.ones((BATCH, SEQ_LEN), dtype=bool)
    emb_table = jax.random.normal(k3, (VOCAB, EMBEDDING_DIM), dtype=jnp.float32) * 0.02
    W_final = jax.random.normal(k4, (50, HIDDEN_DIM), dtype=jnp.float32) * 0.05
    return {"x": x, "x_len": x_len, "mask": mask, "emb_table": emb_table, "W_final": W_final}

def reference(x, x_len, mask, emb_table, W_final):
    # padding_idx=1 -> row 1 is forced to zero (as nn.Embedding does)
    et = emb_table.at[1].set(0.0)
    # nn.Embedding lookup (gather)
    e = jnp.take(et, x, axis=0)            # [B, L, EMBEDDING_DIM]
    # x.mean(-1): mean over the embedding dimension
    m = e.mean(-1)                          # [B, L] with L == HIDDEN_DIM == 100
    # self.final: Linear(100, 50, bias=False)
    out = m @ W_final.T                     # [B, 50]
    # .squeeze()
    return jnp.squeeze(out)

if __name__ == "__main__":
    import jax
    _d = setup_inputs()
    print(jax.jit(kernel)(*tuple(_d.values())))

</pallas_src>

<mosaic_0001>
#map = affine_map<(d0, d1) -> (0)>
#map1 = affine_map<(d0, d1) -> (0, 0)>
module attributes {stable_mosaic.version = 14 : i64} {
  func.func @_gather_body(%arg0: i32, %arg1: i32, %arg2: memref<100352xf32, #tpu.memory_space<hbm>>, %arg3: memref<16384x100xi32, #tpu.memory_space<hbm>>, %arg4: memref<16384x128xf32, #tpu.memory_space<hbm>>, %arg5: memref<100352xf32, #tpu.memory_space<vmem>>, %arg6: memref<2x32x100xi32, #tpu.memory_space<vmem>>, %arg7: memref<2x32x128xf32, #tpu.memory_space<vmem>>, %arg8: memref<!tpu.dma_semaphore, #tpu.memory_space<semaphore_mem>>, %arg9: memref<!tpu.dma_semaphore, #tpu.memory_space<semaphore_mem>>, %arg10: memref<!tpu.dma_semaphore, #tpu.memory_space<semaphore_mem>>, %arg11: memref<!tpu.dma_semaphore, #tpu.memory_space<semaphore_mem>>, %arg12: memref<!tpu.dma_semaphore, #tpu.memory_space<semaphore_mem>>) attributes {dimension_semantics = [#tpu.dimension_semantics<core_parallel>, #tpu.dimension_semantics<subcore_parallel>], iteration_bounds = array<i64: 2, 16>, scalar_prefetch = 0 : i64, scratch_operands = 8 : i64, tpu.core_type = #tpu.core_type<sc_vector_subcore>, window_params = [{transform_indices = #map}, {transform_indices = #map1}, {transform_indices = #map1}]} {
    %mul3A = arith.constant 2 : i32
    %mul3A_0 = arith.muli %arg1, %mul3A : i32
    %add3A = arith.addi %mul3A_0, %arg0 : i32
    %mul3A_1 = arith.constant 512 : i32
    %mul3A_2 = arith.muli %add3A, %mul3A_1 : i32
    tpu.enqueue_dma source(%arg2 : memref<100352xf32, #tpu.memory_space<hbm>>) target(%arg5 : memref<100352xf32, #tpu.memory_space<vmem>>) target_semaphore(%arg8 : memref<!tpu.dma_semaphore, #tpu.memory_space<semaphore_mem>>)
    %add3A_3 = arith.constant 0 : i32
    %add3A_4 = arith.addi %mul3A_2, %add3A_3 : i32
    %dma_start3A = arith.constant 0 : i32
    %dma_start3A_5 = arith.constant 0 : i32
    %dma_start3A_6 = arith.constant 0 : i32
    %dma_start3A_7 = tpu.memref_slice %arg6[%dma_start3A, %dma_start3A_5, %dma_start3A_6] : memref<2x32x100xi32, #tpu.memory_space<vmem>> -> memref<1x32x100xi32, #tpu.memory_space<vmem>>
    %dma_start3A_8 = tpu.memref_squeeze %dma_start3A_7 : memref<1x32x100xi32, #tpu.memory_space<vmem>> -> memref<32x100xi32, #tpu.memory_space<vmem>>
    %dma_start3A_9 = arith.constant 0 : i32
    %dma_start3A_10 = tpu.memref_slice %arg3[%add3A_4, %dma_start3A_9] : memref<16384x100xi32, #tpu.memory_space<hbm>> -> memref<32x100xi32, #tpu.memory_space<hbm>>
    %dma_start3A_11 = arith.constant 0 : i32
    %dma_start3A_12 = arith.constant 0 : i32
    %dma_start3A_13 = tpu.memref_slice %arg6[%dma_start3A, %dma_start3A_11, %dma_start3A_12] : memref<2x32x100xi32, #tpu.memory_space<vmem>> -> memref<1x32x100xi32, #tpu.memory_space<vmem>>
    %dma_start3A_14 = tpu.memref_squeeze %dma_start3A_13 : memref<1x32x100xi32, #tpu.memory_space<vmem>> -> memref<32x100xi32, #tpu.memory_space<vmem>>
    %dma_start3A_15 = arith.constant 0 : i32
    %dma_start3A_16 = tpu.memref_slice %arg3[%add3A_4, %dma_start3A_15] : memref<16384x100xi32, #tpu.memory_space<hbm>> -> memref<32x100xi32, #tpu.memory_space<hbm>>
    tpu.enqueue_dma source(%dma_start3A_16 : memref<32x100xi32, #tpu.memory_space<hbm>>) target(%dma_start3A_14 : memref<32x100xi32, #tpu.memory_space<vmem>>) target_semaphore(%arg9 : memref<!tpu.dma_semaphore, #tpu.memory_space<semaphore_mem>>)
    %add3A_17 = arith.constant 32 : i32
    %add3A_18 = arith.addi %mul3A_2, %add3A_17 : i32
    %dma_start3A_19 = arith.constant 1 : i32
    %dma_start3A_20 = arith.constant 0 : i32
    %dma_start3A_21 = arith.constant 0 : i32
    %dma_start3A_22 = tpu.memref_slice %arg6[%dma_start3A_19, %dma_start3A_20, %dma_start3A_21] : memref<2x32x100xi32, #tpu.memory_space<vmem>> -> memref<1x32x100xi32, #tpu.memory_space<vmem>>
    %dma_start3A_23 = tpu.memref_squeeze %dma_start3A_22 : memref<1x32x100xi32, #tpu.memory_space<vmem>> -> memref<32x100xi32, #tpu.memory_space<vmem>>
    %dma_start3A_24 = arith.constant 0 : i32
    %dma_start3A_25 = tpu.memref_slice %arg3[%add3A_18, %dma_start3A_24] : memref<16384x100xi32, #tpu.memory_space<hbm>> -> memref<32x100xi32, #tpu.memory_space<hbm>>
    %dma_start3A_26 = arith.constant 0 : i32
    %dma_start3A_27 = arith.constant 0 : i32
    %dma_start3A_28 = tpu.memref_slice %arg6[%dma_start3A_19, %dma_start3A_26, %dma_start3A_27] : memref<2x32x100xi32, #tpu.memory_space<vmem>> -> memref<1x32x100xi32, #tpu.memory_space<vmem>>
    %dma_start3A_29 = tpu.memref_squeeze %dma_start3A_28 : memref<1x32x100xi32, #tpu.memory_space<vmem>> -> memref<32x100xi32, #tpu.memory_space<vmem>>
    %dma_start3A_30 = arith.constant 0 : i32
    %dma_start3A_31 = tpu.memref_slice %arg3[%add3A_18, %dma_start3A_30] : memref<16384x100xi32, #tpu.memory_space<hbm>> -> memref<32x100xi32, #tpu.memory_space<hbm>>
    tpu.enqueue_dma source(%dma_start3A_31 : memref<32x100xi32, #tpu.memory_space<hbm>>) target(%dma_start3A_29 : memref<32x100xi32, #tpu.memory_space<vmem>>) target_semaphore(%arg10 : memref<!tpu.dma_semaphore, #tpu.memory_space<semaphore_mem>>)
    tpu.wait_dma2 semaphore(%arg8 : memref<!tpu.dma_semaphore, #tpu.memory_space<semaphore_mem>>) src(%arg2 : memref<100352xf32, #tpu.memory_space<hbm>>) dst(%arg5 : memref<100352xf32, #tpu.memory_space<vmem>>)
    %get3A = arith.constant 0 : index
    %get3A_32 = tpu.vector_load %arg5[%get3A] {strides = array<i32>} : memref<100352xf32, #tpu.memory_space<vmem>>, vector<16xf32>,
    %iota3A = tpu.iota {dimensions = array<i32: 0>} : vector<16xi32>
    %eq3A = arith.constant 1 : i32
    %eq3A_33 = vector.broadcast %eq3A : i32 to vector<16xi32>
    %eq3A_34 = arith.cmpi eq, %iota3A, %eq3A_33 : vector<16xi32>
    %jit3A = arith.constant 0.000000e+00 : f32
    %broadcast_in_dim3A = vector.broadcast %jit3A : f32 to vector<16xf32>
    %select_n3A = arith.select %eq3A_34, %broadcast_in_dim3A, %get3A_32 : vector<16xi1>, vector<16xf32>
    %swap3A = arith.constant 0 : index
    %swap3A_35 = tpu.vector_load %arg5[%swap3A] {strides = array<i32>} : memref<100352xf32, #tpu.memory_space<vmem>>, vector<16xf32>,
    tpu.vector_store %arg5[%swap3A], %select_n3A {strides = array<i32>} : memref<100352xf32, #tpu.memory_space<vmem>>, vector<16xf32>,
    %add3A_36 = arith.constant 0 : i32
    %add3A_37 = arith.addi %mul3A_2, %add3A_36 : i32
    %dma_wait3A = arith.constant 0 : i32
    %dma_wait3A_38 = arith.constant 0 : i32
    %dma_wait3A_39 = arith.constant 0 : i32
    %dma_wait3A_40 = tpu.memref_slice %arg6[%dma_wait3A, %dma_wait3A_38, %dma_wait3A_39] : memref<2x32x100xi32, #tpu.memory_space<vmem>> -> memref<1x32x100xi32, #tpu.memory_space<vmem>>
    %dma_wait3A_41 = tpu.memref_squeeze %dma_wait3A_40 : memref<1x32x100xi32, #tpu.memory_space<vmem>> -> memref<32x100xi32, #tpu.memory_space<vmem>>
    %dma_wait3A_42 = arith.constant 0 : i32
    %dma_wait3A_43 = tpu.memref_slice %arg3[%add3A_37, %dma_wait3A_42] : memref<16384x100xi32, #tpu.memory_space<hbm>> -> memref<32x100xi32, #tpu.memory_space<hbm>>
    %dma_wait3A_44 = arith.constant 0 : i32
    %dma_wait3A_45 = arith.constant 0 : i32
    %dma_wait3A_46 = tpu.memref_slice %arg6[%dma_wait3A, %dma_wait3A_44, %dma_wait3A_45] : memref<2x32x100xi32, #tpu.memory_space<vmem>> -> memref<1x32x100xi32, #tpu.memory_space<vmem>>
    %dma_wait3A_47 = tpu.memref_squeeze %dma_wait3A_46 : memref<1x32x100xi32, #tpu.memory_space<vmem>> -> memref<32x100xi32, #tpu.memory_space<vmem>>
    %dma_wait3A_48 = arith.constant 0 : i32
    %dma_wait3A_49 = tpu.memref_slice %arg3[%add3A_37, %dma_wait3A_48] : memref<16384x100xi32, #tpu.memory_space<hbm>> -> memref<32x100xi32, #tpu.memory_space<hbm>>
    tpu.wait_dma2 semaphore(%arg9 : memref<!tpu.dma_semaphore, #tpu.memory_space<semaphore_mem>>) src(%dma_wait3A_49 : memref<32x100xi32, #tpu.memory_space<hbm>>) dst(%dma_wait3A_47 : memref<32x100xi32, #tpu.memory_space<vmem>>)
    %scan3A = arith.constant 0 : i32
    %scan3A_50 = arith.constant 0 : i32
    %scan3A_51 = arith.constant 32 : i32
    %scan3A_52 = arith.addi %scan3A_50, %scan3A_51 : i32
    %scan3A_53 = arith.constant 1 : i32
    %scan3A_54 = scf.for %scan3A_1076 = %scan3A_50 to %scan3A_52 step %scan3A_53 iter_args(%scan3A_1077 = %scan3A) -> (i32)  : i32 {
      %get3A_1078 = arith.constant 0 : i32
      %get3A_1079 = arith.index_cast %get3A_1078 : i32 to index
      %get3A_1080 = arith.index_cast %scan3A_1076 : i32 to index
      %get3A_1081 = arith.constant 0 : index
      %get3A_1082 = tpu.vector_load %arg6[%get3A_1079, %get3A_1080, %get3A_1081] {strides = array<i32>} : memref<2x32x100xi32, #tpu.memory_space<vmem>>, vector<16xi32>,
      %gather3A = tpu.vector_load_idx %arg5[%get3A_1082] : memref<100352xf32, #tpu.memory_space<vmem>>[vector<16xi32>], vector<16xf32>,
      %swap3A_1083 = arith.constant 0 : i32
      %swap3A_1084 = arith.index_cast %swap3A_1083 : i32 to index
      %swap3A_1085 = arith.index_cast %scan3A_1076 : i32 to index
      %swap3A_1086 = arith.constant 0 : index
      %swap3A_1087 = tpu.vector_load %arg7[%swap3A_1084, %swap3A_1085, %swap3A_1086] {strides = array<i32>} : memref<2x32x128xf32, #tpu.memory_space<vmem>>, vector<16xf32>,
      tpu.vector_store %arg7[%swap3A_1084, %swap3A_1085, %swap3A_1086], %gather3A {strides = array<i32>} : memref<2x32x128xf32, #tpu.memory_space<vmem>>, vector<16xf32>,
      %get3A_1088 = arith.constant 0 : i32
      %get3A_1089 = arith.index_cast %get3A_1088 : i32 to index
      %get3A_1090 = arith.index_cast %scan3A_1076 : i32 to index
      %get3A_1091 = arith.constant 16 : index
      %get3A_1092 = tpu.vector_load %arg6[%get3A_1089, %get3A_1090, %get3A_1091] {strides = array<i32>} : memref<2x32x100xi32, #tpu.memory_space<vmem>>, vector<16xi32>,
      %gather3A_1093 = tpu.vector_load_idx %arg5[%get3A_1092] : memref<100352xf32, #tpu.memory_space<vmem>>[vector<16xi32>], vector<16xf32>,
      %swap3A_1094 = arith.constant 0 : i32
      %swap3A_1095 = arith.index_cast %swap3A_1094 : i32 to index
      %swap3A_1096 = arith.index_cast %scan3A_1076 : i32 to index
      %swap3A_1097 = arith.constant 16 : index
      %swap3A_1098 = tpu.vector_load %arg7[%swap3A_1095, %swap3A_1096, %swap3A_1097] {strides = array<i32>} : memref<2x32x128xf32, #tpu.memory_space<vmem>>, vector<16xf32>,
      tpu.vector_store %arg7[%swap3A_1095, %swap3A_1096, %swap3A_1097], %gather3A_1093 {strides = array<i32>} : memref<2x32x128xf32, #tpu.memory_space<vmem>>, vector<16xf32>,
      %get3A_1099 = arith.constant 0 : i32
      %get3A_1100 = arith.index_cast %get3A_1099 : i32 to index
      %get3A_1101 = arith.index_cast %scan3A_1076 : i32 to index
      %get3A_1102 = arith.constant 32 : index
      %get3A_1103 = tpu.vector_load %arg6[%get3A_1100, %get3A_1101, %get3A_1102] {strides = array<i32>} : memref<2x32x100xi32, #tpu.memory_space<vmem>>, vector<16xi32>,
      %gather3A_1104 = tpu.vector_load_idx %arg5[%get3A_1103] : memref<100352xf32, #tpu.memory_space<vmem>>[vector<16xi32>], vector<16xf32>,
      %swap3A_1105 = arith.constant 0 : i32
      %swap3A_1106 = arith.index_cast %swap3A_1105 : i32 to index
      %swap3A_1107 = arith.index_cast %scan3A_1076 : i32 to index
      %swap3A_1108 = arith.constant 32 : index
      %swap3A_1109 = tpu.vector_load %arg7[%swap3A_1106, %swap3A_1107, %swap3A_1108] {strides = array<i32>} : memref<2x32x128xf32, #tpu.memory_space<vmem>>, vector<16xf32>,
      tpu.vector_store %arg7[%swap3A_1106, %swap3A_1107, %swap3A_1108], %gather3A_1104 {strides = array<i32>} : memref<2x32x128xf32, #tpu.memory_space<vmem>>, vector<16xf32>,
      %get3A_1110 = arith.constant 0 : i32
      %get3A_1111 = arith.index_cast %get3A_1110 : i32 to index
      %get3A_1112 = arith.index_cast %scan3A_1076 : i32 to index
      %get3A_1113 = arith.constant 48 : index
      %get3A_1114 = tpu.vector_load %arg6[%get3A_1111, %get3A_1112, %get3A_1113] {strides = array<i32>} : memref<2x32x100xi32, #tpu.memory_space<vmem>>, vector<16xi32>,
      %gather3A_1115 = tpu.vector_load_idx %arg5[%get3A_1114] : memref<100352xf32, #tpu.memory_space<vmem>>[vector<16xi32>], vector<16xf32>,
      %swap3A_1116 = arith.constant 0 : i32
      %swap3A_1117 = arith.index_cast %swap3A_1116 : i32 to index
      %swap3A_1118 = arith.index_cast %scan3A_1076 : i32 to index
      %swap3A_1119 = arith.constant 48 : index
      %swap3A_1120 = tpu.vector_load %arg7[%swap3A_1117, %swap3A_1118, %swap3A_1119] {strides = array<i32>} : memref<2x32x128xf32, #tpu.memory_space<vmem>>, vector<16xf32>,
      tpu.vector_store %arg7[%swap3A_1117, %swap3A_1118, %swap3A_1119], %gather3A_1115 {strides = array<i32>} : memref<2x32x128xf32, #tpu.memory_space<vmem>>, vector<16xf32>,
      %get3A_1121 = arith.constant 0 : i32
      %get3A_1122 = arith.index_cast %get3A_1121 : i32 to index
      %get3A_1123 = arith.index_cast %scan3A_1076 : i32 to index
      %get3A_1124 = arith.constant 64 : index
      %get3A_1125 = tpu.vector_load %arg6[%get3A_1122, %get3A_1123, %get3A_1124] {strides = array<i32>} : memref<2x32x100xi32, #tpu.memory_space<vmem>>, vector<16xi32>,
      %gather3A_1126 = tpu.vector_load_idx %arg5[%get3A_1125] : memref<100352xf32, #tpu.memory_space<vmem>>[vector<16xi32>], vector<16xf32>,
      %swap3A_1127 = arith.constant 0 : i32
      %swap3A_1128 = arith.index_cast %swap3A_1127 : i32 to index
      %swap3A_1129 = arith.index_cast %scan3A_1076 : i32 to index
      %swap3A_1130 = arith.constant 64 : index
      %swap3A_1131 = tpu.vector_load %arg7[%swap3A_1128, %swap3A_1129, %swap3A_1130] {strides = array<i32>} : memref<2x32x128xf32, #tpu.memory_space<vmem>>, vector<16xf32>,
      tpu.vector_store %arg7[%swap3A_1128, %swap3A_1129, %swap3A_1130], %gather3A_1126 {strides = array<i32>} : memref<2x32x128xf32, #tpu.memory_space<vmem>>, vector<16xf32>,
      %get3A_1132 = arith.constant 0 : i32
      %get3A_1133 = arith.index_cast %get3A_1132 : i32 to index
      %get3A_1134 = arith.index_cast %scan3A_1076 : i32 to index
      %get3A_1135 = arith.constant 80 : index
      %get3A_1136 = tpu.vector_load %arg6[%get3A_1133, %get3A_1134, %get3A_1135] {strides = array<i32>} : memref<2x32x100xi32, #tpu.memory_space<vmem>>, vector<16xi32>,
      %gather3A_1137 = tpu.vector_load_idx %arg5[%get3A_1136] : memref<100352xf32, #tpu.memory_space<vmem>>[vector<16xi32>], vector<16xf32>,
      %swap3A_1138 = arith.constant 0 : i32
      %swap3A_1139 = arith.index_cast %swap3A_1138 : i32 to index
      %swap3A_1140 = arith.index_cast %scan3A_1076 : i32 to index
      %swap3A_1141 = arith.constant 80 : index
      %swap3A_1142 = tpu.vector_load %arg7[%swap3A_1139, %swap3A_1140, %swap3A_1141] {strides = array<i32>} : memref<2x32x128xf32, #tpu.memory_space<vmem>>, vector<16xf32>,
      tpu.vector_store %arg7[%swap3A_1139, %swap3A_1140, %swap3A_1141], %gather3A_1137 {strides = array<i32>} : memref<2x32x128xf32, #tpu.memory_space<vmem>>, vector<16xf32>,
      %get3A_1143 = arith.constant 0 : i32
      %get3A_1144 = arith.index_cast %get3A_1143 : i32 to index
      %get3A_1145 = arith.index_cast %scan3A_1076 : i32 to index
      %get3A_1146 = arith.constant 84 : index
      %get3A_1147 = tpu.vector_load %arg6[%get3A_1144, %get3A_1145, %get3A_1146] {strides = array<i32>} : memref<2x32x100xi32, #tpu.memory_space<vmem>>, vector<16xi32>,
      %gather3A_1148 = tpu.vector_load_idx %arg5[%get3A_1147] : memref<100352xf32, #tpu.memory_space<vmem>>[vector<16xi32>], vector<16xf32>,
      %swap3A_1149 = arith.constant 0 : i32
      %swap3A_1150 = arith.index_cast %swap3A_1149 : i32 to index
      %swap3A_1151 = arith.index_cast %scan3A_1076 : i32 to index
      %swap3A_1152 = arith.constant 84 : index
      %swap3A_1153 = tpu.vector_load %arg7[%swap3A_1150, %swap3A_1151, %swap3A_1152] {strides = array<i32>} : memref<2x32x128xf32, #tpu.memory_space<vmem>>, vector<16xf32>,
      tpu.vector_store %arg7[%swap3A_1150, %swap3A_1151, %swap3A_1152], %gather3A_1148 {strides = array<i32>} : memref<2x32x128xf32, #tpu.memory_space<vmem>>, vector<16xf32>,
      %scan3A_1154 = arith.constant 0 : i32
      scf.yield %scan3A_1154 : i32
    }
    %scan3A_55 = arith.constant 32 : i32
    %add3A_56 = arith.constant 0 : i32
    %add3A_57 = arith.addi %mul3A_2, %add3A_56 : i32
    %dma_start3A_58 = arith.constant 0 : i32
    %dma_start3A_59 = arith.constant 0 : i32
    %dma_start3A_60 = arith.constant 0 : i32
    %dma_start3A_61 = tpu.memref_slice %arg7[%dma_start3A_58, %dma_start3A_59, %dma_start3A_60] : memref<2x32x128xf32, #tpu.memory_space<vmem>> -> memref<1x32x128xf32, #tpu.memory_space<vmem>>
    %dma_start3A_62 = tpu.memref_squeeze %dma_start3A_61 : memref<1x32x128xf32, #tpu.memory_space<vmem>> -> memref<32x128xf32, #tpu.memory_space<vmem>>
    %dma_start3A_63 = arith.constant 0 : i32
    %dma_start3A_64 = tpu.memref_slice %arg4[%add3A_57, %dma_start3A_63] : memref<16384x128xf32, #tpu.memory_space<hbm>> -> memref<32x128xf32, #tpu.memory_space<hbm>>
    %dma_start3A_65 = arith.constant 0 : i32
    %dma_start3A_66 = tpu.memref_slice %arg4[%add3A_57, %dma_start3A_65] : memref<16384x128xf32, #tpu.memory_space<hbm>> -> memref<32x128xf32, #tpu.memory_space<hbm>>
    %dma_start3A_67 = arith.constant 0 : i32
    %dma_start3A_68 = arith.constant 0 : i32
    %dma_start3A_69 = tpu.memref_slice %arg7[%dma_start3A_58, %dma_start3A_67, %dma_start3A_68] : memref<2x32x128xf32, #tpu.memory_space<vmem>> -> memref<1x32x128xf32, #tpu.memory_space<vmem>>
    %dma_start3A_70 = tpu.memref_squeeze %dma_start3A_69 : memref<1x32x128xf32, #tpu.memory_space<vmem>> -> memref<32x128xf32, #tpu.memory_space<vmem>>
    tpu.enqueue_dma source(%dma_start3A_70 : memref<32x128xf32, #tpu.memory_space<vmem>>) target(%dma_start3A_66 : memref<32x128xf32, #tpu.memory_space<hbm>>) target_semaphore(%arg11 : memref<!tpu.dma_semaphore, #tpu.memory_space<semaphore_mem>>)
    %add3A_71 = arith.constant 64 : i32
    %add3A_72 = arith.addi %mul3A_2, %add3A_71 : i32
    %dma_start3A_73 = arith.constant 0 : i32
    %dma_start3A_74 = arith.constant 0 : i32
    %dma_start3A_75 = arith.constant 0 : i32
    %dma_start3A_76 = tpu.memref_slice %arg6[%dma_start3A_73, %dma_start3A_74, %dma_start3A_75] : memref<2x32x100xi32, #tpu.memory_space<vmem>> -> memref<1x32x100xi32, #tpu.memory_space<vmem>>
    %dma_start3A_77 = tpu.memref_squeeze %dma_start3A_76 : memref<1x32x100xi32, #tpu.memory_space<vmem>> -> memref<32x100xi32, #tpu.memory_space<vmem>>
    %dma_start3A_78 = arith.constant 0 : i32
    %dma_start3A_79 = tpu.memref_slice %arg3[%add3A_72, %dma_start3A_78] : memref<16384x100xi32, #tpu.memory_space<hbm>> -> memref<32x100xi32, #tpu.memory_space<hbm>>
    %dma_start3A_80 = arith.constant 0 : i32
    %dma_start3A_81 = arith.constant 0 : i32
    %dma_start3A_82 = tpu.memref_slice %arg6[%dma_start3A_73, %dma_start3A_80, %dma_start3A_81] : memref<2x32x100xi32, #tpu.memory_space<vmem>> -> memref<1x32x100xi32, #tpu.memory_space<vmem>>
    %dma_start3A_83 = tpu.memref_squeeze %dma_start3A_82 : memref<1x32x100xi32, #tpu.memory_space<vmem>> -> memref<32x100xi32, #tpu.memory_space<vmem>>
    %dma_start3A_84 = arith.constant 0 : i32
    %dma_start3A_85 = tpu.memref_slice %arg3[%add3A_72, %dma_start3A_84] : memref<16384x100xi32, #tpu.memory_space<hbm>> -> memref<32x100xi32, #tpu.memory_space<hbm>>
    tpu.enqueue_dma source(%dma_start3A_85 : memref<32x100xi32, #tpu.memory_space<hbm>>) target(%dma_start3A_83 : memref<32x100xi32, #tpu.memory_space<vmem>>) target_semaphore(%arg9 : memref<!tpu.dma_semaphore, #tpu.memory_space<semaphore_mem>>)
    %add3A_86 = arith.constant 32 : i32
    %add3A_87 = arith.addi %mul3A_2, %add3A_86 : i32
    %dma_wait3A_88 = arith.constant 1 : i32
    %dma_wait3A_89 = arith.constant 0 : i32
    %dma_wait3A_90 = arith.constant 0 : i32
    %dma_wait3A_91 = tpu.memref_slice %arg6[%dma_wait3A_88, %dma_wait3A_89, %dma_wait3A_90] : memref<2x32x100xi32, #tpu.memory_space<vmem>> -> memref<1x32x100xi32, #tpu.memory_space<vmem>>
    %dma_wait3A_92 = tpu.memref_squeeze %dma_wait3A_91 : memref<1x32x100xi32, #tpu.memory_space<vmem>> -> memref<32x100xi32, #tpu.memory_space<vmem>>
    %dma_wait3A_93 = arith.constant 0 : i32
    %dma_wait3A_94 = tpu.memref_slice %arg3[%add3A_87, %dma_wait3A_93] : memref<16384x100xi32, #tpu.memory_space<hbm>> -> memref<32x100xi32, #tpu.memory_space<hbm>>
    %dma_wait3A_95 = arith.constant 0 : i32
    %dma_wait3A_96 = arith.constant 0 : i32
    %dma_wait3A_97 = tpu.memref_slice %arg6[%dma_wait3A_88, %dma_wait3A_95, %dma_wait3A_96] : memref<2x32x100xi32, #tpu.memory_space<vmem>> -> memref<1x32x100xi32, #tpu.memory_space<vmem>>
    %dma_wait3A_98 = tpu.memref_squeeze %dma_wait3A_97 : memref<1x32x100xi32, #tpu.memory_space<vmem>> -> memref<32x100xi32, #tpu.memory_space<vmem>>
    %dma_wait3A_99 = arith.constant 0 : i32
    %dma_wait3A_100 = tpu.memref_slice %arg3[%add3A_87, %dma_wait3A_99] : memref<16384x100xi32, #tpu.memory_space<hbm>> -> memref<32x100xi32, #tpu.memory_space<hbm>>
    tpu.wait_dma2 semaphore(%arg10 : memref<!tpu.dma_semaphore, #tpu.memory_space<semaphore_mem>>) src(%dma_wait3A_100 : memref<32x100xi32, #tpu.memory_space<hbm>>) dst(%dma_wait3A_98 : memref<32x100xi32, #tpu.memory_space<vmem>>)
    %scan3A_101 = arith.constant 0 : i32
    %scan3A_102 = arith.constant 0 : i32
    %scan3A_103 = arith.constant 32 : i32
    %scan3A_104 = arith.addi %scan3A_102, %scan3A_103 : i32
    %scan3A_105 = arith.constant 1 : i32
    %scan3A_106 = scf.for %scan3A_1076 = %scan3A_102 to %scan3A_104 step %scan3A_105 iter_args(%scan3A_1077 = %scan3A_101) -> (i32)  : i32 {
      %get3A_1078 = arith.constant 1 : i32
      %get3A_1079 = arith.index_cast %get3A_1078 : i32 to index
      %get3A_1080 = arith.index_cast %scan3A_1076 : i32 to index
      %get3A_1081 = arith.constant 0 : index
      %get3A_1082 = tpu.vector_load %arg6[%get3A_1079, %get3A_1080, %get3A_1081] {strides = array<i32>} : memref<2x32x100xi32, #tpu.memory_space<vmem>>, vector<16xi32>,
      %gather3A = tpu.vector_load_idx %arg5[%get3A_1082] : memref<100352xf32, #tpu.memory_space<vmem>>[vector<16xi32>], vector<16xf32>,
      %swap3A_1083 = arith.constant 1 : i32
      %swap3A_1084 = arith.index_cast %swap3A_1083 : i32 to index
      %swap3A_1085 = arith.index_cast %scan3A_1076 : i32 to index
      %swap3A_1086 = arith.constant 0 : index
      %swap3A_1087 = tpu.vector_load %arg7[%swap3A_1084, %swap3A_1085, %swap3A_1086] {strides = array<i32>} : memref<2x32x128xf32, #tpu.memory_space<vmem>>, vector<16xf32>,
      tpu.vector_store %arg7[%swap3A_1084, %swap3A_1085, %swap3A_1086], %gather3A {strides = array<i32>} : memref<2x32x128xf32, #tpu.memory_space<vmem>>, vector<16xf32>,
      %get3A_1088 = arith.constant 1 : i32
      %get3A_1089 = arith.index_cast %get3A_1088 : i32 to index
      %get3A_1090 = arith.index_cast %scan3A_1076 : i32 to index
      %get3A_1091 = arith.constant 16 : index
      %get3A_1092 = tpu.vector_load %arg6[%get3A_1089, %get3A_1090, %get3A_1091] {strides = array<i32>} : memref<2x32x100xi32, #tpu.memory_space<vmem>>, vector<16xi32>,
      %gather3A_1093 = tpu.vector_load_idx %arg5[%get3A_1092] : memref<100352xf32, #tpu.memory_space<vmem>>[vector<16xi32>], vector<16xf32>,
      %swap3A_1094 = arith.constant 1 : i32
      %swap3A_1095 = arith.index_cast %swap3A_1094 : i32 to index
      %swap3A_1096 = arith.index_cast %scan3A_1076 : i32 to index
      %swap3A_1097 = arith.constant 16 : index
      %swap3A_1098 = tpu.vector_load %arg7[%swap3A_1095, %swap3A_1096, %swap3A_1097] {strides = array<i32>} : memref<2x32x128xf32, #tpu.memory_space<vmem>>, vector<16xf32>,
      tpu.vector_store %arg7[%swap3A_1095, %swap3A_1096, %swap3A_1097], %gather3A_1093 {strides = array<i32>} : memref<2x32x128xf32, #tpu.memory_space<vmem>>, vector<16xf32>,
      %get3A_1099 = arith.constant 1 : i32
      %get3A_1100 = arith.index_cast %get3A_1099 : i32 to index
      %get3A_1101 = arith.index_cast %scan3A_1076 : i32 to index
      %get3A_1102 = arith.constant 32 : index
      %get3A_1103 = tpu.vector_load %arg6[%get3A_1100, %get3A_1101, %get3A_1102] {strides = array<i32>} : memref<2x32x100xi32, #tpu.memory_space<vmem>>, vector<16xi32>,
      %gather3A_1104 = tpu.vector_load_idx %arg5[%get3A_1103] : memref<100352xf32, #tpu.memory_space<vmem>>[vector<16xi32>], vector<16xf32>,
      %swap3A_1105 = arith.constant 1 : i32
      %swap3A_1106 = arith.index_cast %swap3A_1105 : i32 to index
      %swap3A_1107 = arith.index_cast %scan3A_1076 : i32 to index
      %swap3A_1108 = arith.constant 32 : index
      %swap3A_1109 = tpu.vector_load %arg7[%swap3A_1106, %swap3A_1107, %swap3A_1108] {strides = array<i32>} : memref<2x32x128xf32, #tpu.memory_space<vmem>>, vector<16xf32>,
      tpu.vector_store %arg7[%swap3A_1106, %swap3A_1107, %swap3A_1108], %gather3A_1104 {strides = array<i32>} : memref<2x32x128xf32, #tpu.memory_space<vmem>>, vector<16xf32>,
      %get3A_1110 = arith.constant 1 : i32
      %get3A_1111 = arith.index_cast %get3A_1110 : i32 to index
      %get3A_1112 = arith.index_cast %scan3A_1076 : i32 to index
      %get3A_1113 = arith.constant 48 : index
      %get3A_1114 = tpu.vector_load %arg6[%get3A_1111, %get3A_1112, %get3A_1113] {strides = array<i32>} : memref<2x32x100xi32, #tpu.memory_space<vmem>>, vector<16xi32>,
      %gather3A_1115 = tpu.vector_load_idx %arg5[%get3A_1114] : memref<100352xf32, #tpu.memory_space<vmem>>[vector<16xi32>], vector<16xf32>,
      %swap3A_1116 = arith.constant 1 : i32
      %swap3A_1117 = arith.index_cast %swap3A_1116 : i32 to index
      %swap3A_1118 = arith.index_cast %scan3A_1076 : i32 to index
      %swap3A_1119 = arith.constant 48 : index
      %swap3A_1120 = tpu.vector_load %arg7[%swap3A_1117, %swap3A_1118, %swap3A_1119] {strides = array<i32>} : memref<2x32x128xf32, #tpu.memory_space<vmem>>, vector<16xf32>,
      tpu.vector_store %arg7[%swap3A_1117, %swap3A_1118, %swap3A_1119], %gather3A_1115 {strides = array<i32>} : memref<2x32x128xf32, #tpu.memory_space<vmem>>, vector<16xf32>,
      %get3A_1121 = arith.constant 1 : i32
      %get3A_1122 = arith.index_cast %get3A_1121 : i32 to index
      %get3A_1123 = arith.index_cast %scan3A_1076 : i32 to index
      %get3A_1124 = arith.constant 64 : index
      %get3A_1125 = tpu.vector_load %arg6[%get3A_1122, %get3A_1123, %get3A_1124] {strides = array<i32>} : memref<2x32x100xi32, #tpu.memory_space<vmem>>, vector<16xi32>,
      %gather3A_1126 = tpu.vector_load_idx %arg5[%get3A_1125] : memref<100352xf32, #tpu.memory_space<vmem>>[vector<16xi32>], vector<16xf32>,
      %swap3A_1127 = arith.constant 1 : i32
      %swap3A_1128 = arith.index_cast %swap3A_1127 : i32 to index
      %swap3A_1129 = arith.index_cast %scan3A_1076 : i32 to index
      %swap3A_1130 = arith.constant 64 : index
      %swap3A_1131 = tpu.vector_load %arg7[%swap3A_1128, %swap3A_1129, %swap3A_1130] {strides = array<i32>} : memref<2x32x128xf32, #tpu.memory_space<vmem>>, vector<16xf32>,
      tpu.vector_store %arg7[%swap3A_1128, %swap3A_1129, %swap3A_1130], %gather3A_1126 {strides = array<i32>} : memref<2x32x128xf32, #tpu.memory_space<vmem>>, vector<16xf32>,
      %get3A_1132 = arith.constant 1 : i32
      %get3A_1133 = arith.index_cast %get3A_1132 : i32 to index
      %get3A_1134 = arith.index_cast %scan3A_1076 : i32 to index
      %get3A_1135 = arith.constant 80 : index
      %get3A_1136 = tpu.vector_load %arg6[%get3A_1133, %get3A_1134, %get3A_1135] {strides = array<i32>} : memref<2x32x100xi32, #tpu.memory_space<vmem>>, vector<16xi32>,
      %gather3A_1137 = tpu.vector_load_idx %arg5[%get3A_1136] : memref<100352xf32, #tpu.memory_space<vmem>>[vector<16xi32>], vector<16xf32>,
      %swap3A_1138 = arith.constant 1 : i32
      %swap3A_1139 = arith.index_cast %swap3A_1138 : i32 to index
      %swap3A_1140 = arith.index_cast %scan3A_1076 : i32 to index
      %swap3A_1141 = arith.constant 80 : index
      %swap3A_1142 = tpu.vector_load %arg7[%swap3A_1139, %swap3A_1140, %swap3A_1141] {strides = array<i32>} : memref<2x32x128xf32, #tpu.memory_space<vmem>>, vector<16xf32>,
      tpu.vector_store %arg7[%swap3A_1139, %swap3A_1140, %swap3A_1141], %gather3A_1137 {strides = array<i32>} : memref<2x32x128xf32, #tpu.memory_space<vmem>>, vector<16xf32>,
      %get3A_1143 = arith.constant 1 : i32
      %get3A_1144 = arith.index_cast %get3A_1143 : i32 to index
      %get3A_1145 = arith.index_cast %scan3A_1076 : i32 to index
      %get3A_1146 = arith.constant 84 : index
      %get3A_1147 = tpu.vector_load %arg6[%get3A_1144, %get3A_1145, %get3A_1146] {strides = array<i32>} : memref<2x32x100xi32, #tpu.memory_space<vmem>>, vector<16xi32>,
      %gather3A_1148 = tpu.vector_load_idx %arg5[%get3A_1147] : memref<100352xf32, #tpu.memory_space<vmem>>[vector<16xi32>], vector<16xf32>,
      %swap3A_1149 = arith.constant 1 : i32
      %swap3A_1150 = arith.index_cast %swap3A_1149 : i32 to index
      %swap3A_1151 = arith.index_cast %scan3A_1076 : i32 to index
      %swap3A_1152 = arith.constant 84 : index
      %swap3A_1153 = tpu.vector_load %arg7[%swap3A_1150, %swap3A_1151, %swap3A_1152] {strides = array<i32>} : memref<2x32x128xf32, #tpu.memory_space<vmem>>, vector<16xf32>,
      tpu.vector_store %arg7[%swap3A_1150, %swap3A_1151, %swap3A_1152], %gather3A_1148 {strides = array<i32>} : memref<2x32x128xf32, #tpu.memory_space<vmem>>, vector<16xf32>,
      %scan3A_1154 = arith.constant 0 : i32
      scf.yield %scan3A_1154 : i32
    }
    %scan3A_107 = arith.constant 32 : i32
    %add3A_108 = arith.constant 32 : i32
    %add3A_109 = arith.addi %mul3A_2, %add3A_108 : i32
    %dma_start3A_110 = arith.constant 1 : i32
    %dma_start3A_111 = arith.constant 0 : i32
    %dma_start3A_112 = arith.constant 0 : i32
    %dma_start3A_113 = tpu.memref_slice %arg7[%dma_start3A_110, %dma_start3A_111, %dma_start3A_112] : memref<2x32x128xf32, #tpu.memory_space<vmem>> -> memref<1x32x128xf32, #tpu.memory_space<vmem>>
    %dma_start3A_114 = tpu.memref_squeeze %dma_start3A_113 : memref<1x32x128xf32, #tpu.memory_space<vmem>> -> memref<32x128xf32, #tpu.memory_space<vmem>>
    %dma_start3A_115 = arith.constant 0 : i32
    %dma_start3A_116 = tpu.memref_slice %arg4[%add3A_109, %dma_start3A_115] : memref<16384x128xf32, #tpu.memory_space<hbm>> -> memref<32x128xf32, #tpu.memory_space<hbm>>
    %dma_start3A_117 = arith.constant 0 : i32
    %dma_start3A_118 = tpu.memref_slice %arg4[%add3A_109, %dma_start3A_117] : memref<16384x128xf32, #tpu.memory_space<hbm>> -> memref<32x128xf32, #tpu.memory_space<hbm>>
    %dma_start3A_119 = arith.constant 0 : i32
    %dma_start3A_120 = arith.constant 0 : i32
    %dma_start3A_121 = tpu.memref_slice %arg7[%dma_start3A_110, %dma_start3A_119, %dma_start3A_120] : memref<2x32x128xf32, #tpu.memory_space<vmem>> -> memref<1x32x128xf32, #tpu.memory_space<vmem>>
    %dma_start3A_122 = tpu.memref_squeeze %dma_start3A_121 : memref<1x32x128xf32, #tpu.memory_space<vmem>> -> memref<32x128xf32, #tpu.memory_space<vmem>>
    tpu.enqueue_dma source(%dma_start3A_122 : memref<32x128xf32, #tpu.memory_space<vmem>>) target(%dma_start3A_118 : memref<32x128xf32, #tpu.memory_space<hbm>>) target_semaphore(%arg12 : memref<!tpu.dma_semaphore, #tpu.memory_space<semaphore_mem>>)
    %add3A_123 = arith.constant 96 : i32
    %add3A_124 = arith.addi %mul3A_2, %add3A_123 : i32
    %dma_start3A_125 = arith.constant 1 : i32
    %dma_start3A_126 = arith.constant 0 : i32
    %dma_start3A_127 = arith.constant 0 : i32
    %dma_start3A_128 = tpu.memref_slice %arg6[%dma_start3A_125, %dma_start3A_126, %dma_start3A_127] : memref<2x32x100xi32, #tpu.memory_space<vmem>> -> memref<1x32x100xi32, #tpu.memory_space<vmem>>
    %dma_start3A_129 = tpu.memref_squeeze %dma_start3A_128 : memref<1x32x100xi32, #tpu.memory_space<vmem>> -> memref<32x100xi32, #tpu.memory_space<vmem>>
    %dma_start3A_130 = arith.constant 0 : i32
    %dma_start3A_131 = tpu.memref_slice %arg3[%add3A_124, %dma_start3A_130] : memref<16384x100xi32, #tpu.memory_space<hbm>> -> memref<32x100xi32, #tpu.memory_space<hbm>>
    %dma_start3A_132 = arith.constant 0 : i32
    %dma_start3A_133 = arith.constant 0 : i32
    %dma_start3A_134 = tpu.memref_slice %arg6[%dma_start3A_125, %dma_start3A_132, %dma_start3A_133] : memref<2x32x100xi32, #tpu.memory_space<vmem>> -> memref<1x32x100xi32, #tpu.memory_space<vmem>>
    %dma_start3A_135 = tpu.memref_squeeze %dma_start3A_134 : memref<1x32x100xi32, #tpu.memory_space<vmem>> -> memref<32x100xi32, #tpu.memory_space<vmem>>
    %dma_start3A_136 = arith.constant 0 : i32
    %dma_start3A_137 = tpu.memref_slice %arg3[%add3A_124, %dma_start3A_136] : memref<16384x100xi32, #tpu.memory_space<hbm>> -> memref<32x100xi32, #tpu.memory_space<hbm>>
    tpu.enqueue_dma source(%dma_start3A_137 : memref<32x100xi32, #tpu.memory_space<hbm>>) target(%dma_start3A_135 : memref<32x100xi32, #tpu.memory_space<vmem>>) target_semaphore(%arg10 : memref<!tpu.dma_semaphore, #tpu.memory_space<semaphore_mem>>)
    %add3A_138 = arith.constant 64 : i32
    %add3A_139 = arith.addi %mul3A_2, %add3A_138 : i32
    %dma_wait3A_140 = arith.constant 0 : i32
    %dma_wait3A_141 = arith.constant 0 : i32
    %dma_wait3A_142 = arith.constant 0 : i32
    %dma_wait3A_143 = tpu.memref_slice %arg6[%dma_wait3A_140, %dma_wait3A_141, %dma_wait3A_142] : memref<2x32x100xi32, #tpu.memory_space<vmem>> -> memref<1x32x100xi32, #tpu.memory_space<vmem>>
    %dma_wait3A_144 = tpu.memref_squeeze %dma_wait3A_143 : memref<1x32x100xi32, #tpu.memory_space<vmem>> -> memref<32x100xi32, #tpu.memory_space<vmem>>
    %dma_wait3A_145 = arith.constant 0 : i32
    %dma_wait3A_146 = tpu.memref_slice %arg3[%add3A_139, %dma_wait3A_145] : memref<16384x100xi32, #tpu.memory_space<hbm>> -> memref<32x100xi32, #tpu.memory_space<hbm>>
    %dma_wait3A_147 = arith.constant 0 : i32
    %dma_wait3A_148 = arith.constant 0 : i32
    %dma_wait3A_149 = tpu.memref_slice %arg6[%dma_wait3A_140, %dma_wait3A_147, %dma_wait3A_148] : memref<2x32x100xi32, #tpu.memory_space<vmem>> -> memref<1x32x100xi32, #tpu.memory_space<vmem>>
    %dma_wait3A_150 = tpu.memref_squeeze %dma_wait3A_149 : memref<1x32x100xi32, #tpu.memory_space<vmem>> -> memref<32x100xi32, #tpu.memory_space<vmem>>
    %dma_wait3A_151 = arith.constant 0 : i32
    %dma_wait3A_152 = tpu.memref_slice %arg3[%add3A_139, %dma_wait3A_151] : memref<16384x100xi32, #tpu.memory_space<hbm>> -> memref<32x100xi32, #tpu.memory_space<hbm>>
    tpu.wait_dma2 semaphore(%arg9 : memref<!tpu.dma_semaphore, #tpu.memory_space<semaphore_mem>>) src(%dma_wait3A_152 : memref<32x100xi32, #tpu.memory_space<hbm>>) dst(%dma_wait3A_150 : memref<32x100xi32, #tpu.memory_space<vmem>>)
    %add3A_153 = arith.constant 0 : i32
    %add3A_154 = arith.addi %mul3A_2, %add3A_153 : i32
    %dma_wait3A_155 = arith.constant 0 : i32
    %dma_wait3A_156 = arith.constant 0 : i32
    %dma_wait3A_157 = arith.constant 0 : i32
    %dma_wait3A_158 = tpu.memref_slice %arg7[%dma_wait3A_155, %dma_wait3A_156, %dma_wait3A_157] : memref<2x32x128xf32, #tpu.memory_space<vmem>> -> memref<1x32x128xf32, #tpu.memory_space<vmem>>
    %dma_wait3A_159 = tpu.memref_squeeze %dma_wait3A_158 : memref<1x32x128xf32, #tpu.memory_space<vmem>> -> memref<32x128xf32, #tpu.memory_space<vmem>>
    %dma_wait3A_160 = arith.constant 0 : i32
    %dma_wait3A_161 = tpu.memref_slice %arg4[%add3A_154, %dma_wait3A_160] : memref<16384x128xf32, #tpu.memory_space<hbm>> -> memref<32x128xf32, #tpu.memory_space<hbm>>
    %dma_wait3A_162 = arith.constant 0 : i32
    %dma_wait3A_163 = tpu.memref_slice %arg4[%add3A_154, %dma_wait3A_162] : memref<16384x128xf32, #tpu.memory_space<hbm>> -> memref<32x128xf32, #tpu.memory_space<hbm>>
    %dma_wait3A_164 = arith.constant 0 : i32
    %dma_wait3A_165 = arith.constant 0 : i32
    %dma_wait3A_166 = tpu.memref_slice %arg7[%dma_wait3A_155, %dma_wait3A_164, %dma_wait3A_165] : memref<2x32x128xf32, #tpu.memory_space<vmem>> -> memref<1x32x128xf32, #tpu.memory_space<vmem>>
    %dma_wait3A_167 = tpu.memref_squeeze %dma_wait3A_166 : memref<1x32x128xf32, #tpu.memory_space<vmem>> -> memref<32x128xf32, #tpu.memory_space<vmem>>
    tpu.wait_dma2 semaphore(%arg11 : memref<!tpu.dma_semaphore, #tpu.memory_space<semaphore_mem>>) src(%dma_wait3A_167 : memref<32x128xf32, #tpu.memory_space<vmem>>) dst(%dma_wait3A_163 : memref<32x128xf32, #tpu.memory_space<hbm>>)
    %scan3A_168 = arith.constant 0 : i32
    %scan3A_169 = arith.constant 0 : i32
    %scan3A_170 = arith.constant 32 : i32
    %scan3A_171 = arith.addi %scan3A_169, %scan3A_170 : i32
    %scan3A_172 = arith.constant 1 : i32
    %scan3A_173 = scf.for %scan3A_1076 = %scan3A_169 to %scan3A_171 step %scan3A_172 iter_args(%scan3A_1077 = %scan3A_168) -> (i32)  : i32 {
      %get3A_1078 = arith.constant 0 : i32
      %get3A_1079 = arith.index_cast %get3A_1078 : i32 to index
      %get3A_1080 = arith.index_cast %scan3A_1076 : i32 to index
      %get3A_1081 = arith.constant 0 : index
      %get3A_1082 = tpu.vector_load %arg6[%get3A_1079, %get3A_1080, %get3A_1081] {strides = array<i32>} : memref<2x32x100xi32, #tpu.memory_space<vmem>>, vector<16xi32>,
      %gather3A = tpu.vector_load_idx %arg5[%get3A_1082] : memref<100352xf32, #tpu.memory_space<vmem>>[vector<16xi32>], vector<16xf32>,
      %swap3A_1083 = arith.constant 0 : i32
      %swap3A_1084 = arith.index_cast %swap3A_1083 : i32 to index
      %swap3A_1085 = arith.index_cast %scan3A_1076 : i32 to index
      %swap3A_1086 = arith.constant 0 : index
      %swap3A_1087 = tpu.vector_load %arg7[%swap3A_1084, %swap3A_1085, %swap3A_1086] {strides = array<i32>} : memref<2x32x128xf32, #tpu.memory_space<vmem>>, vector<16xf32>,
      tpu.vector_store %arg7[%swap3A_1084, %swap3A_1085, %swap3A_1086], %gather3A {strides = array<i32>} : memref<2x32x128xf32, #tpu.memory_space<vmem>>, vector<16xf32>,
      %get3A_1088 = arith.constant 0 : i32
      %get3A_1089 = arith.index_cast %get3A_1088 : i32 to index
      %get3A_1090 = arith.index_cast %scan3A_1076 : i32 to index
      %get3A_1091 = arith.constant 16 : index
      %get3A_1092 = tpu.vector_load %arg6[%get3A_1089, %get3A_1090, %get3A_1091] {strides = array<i32>} : memref<2x32x100xi32, #tpu.memory_space<vmem>>, vector<16xi32>,
      %gather3A_1093 = tpu.vector_load_idx %arg5[%get3A_1092] : memref<100352xf32, #tpu.memory_space<vmem>>[vector<16xi32>], vector<16xf32>,
      %swap3A_1094 = arith.constant 0 : i32
      %swap3A_1095 = arith.index_cast %swap3A_1094 : i32 to index
      %swap3A_1096 = arith.index_cast %scan3A_1076 : i32 to index
      %swap3A_1097 = arith.constant 16 : index
      %swap3A_1098 = tpu.vector_load %arg7[%swap3A_1095, %swap3A_1096, %swap3A_1097] {strides = array<i32>} : memref<2x32x128xf32, #tpu.memory_space<vmem>>, vector<16xf32>,
      tpu.vector_store %arg7[%swap3A_1095, %swap3A_1096, %swap3A_1097], %gather3A_1093 {strides = array<i32>} : memref<2x32x128xf32, #tpu.memory_space<vmem>>, vector<16xf32>,
      %get3A_1099 = arith.constant 0 : i32
      %get3A_1100 = arith.index_cast %get3A_1099 : i32 to index
      %get3A_1101 = arith.index_cast %scan3A_1076 : i32 to index
      %get3A_1102 = arith.constant 32 : index
      %get3A_1103 = tpu.vector_load %arg6[%get3A_1100, %get3A_1101, %get3A_1102] {strides = array<i32>} : memref<2x32x100xi32, #tpu.memory_space<vmem>>, vector<16xi32>,
      %gather3A_1104 = tpu.vector_load_idx %arg5[%get3A_1103] : memref<100352xf32, #tpu.memory_space<vmem>>[vector<16xi32>], vector<16xf32>,
      %swap3A_1105 = arith.constant 0 : i32
      %swap3A_1106 = arith.index_cast %swap3A_1105 : i32 to index
      %swap3A_1107 = arith.index_cast %scan3A_1076 : i32 to index
      %swap3A_1108 = arith.constant 32 : index
      %swap3A_1109 = tpu.vector_load %arg7[%swap3A_1106, %swap3A_1107, %swap3A_1108] {strides = array<i32>} : memref<2x32x128xf32, #tpu.memory_space<vmem>>, vector<16xf32>,
      tpu.vector_store %arg7[%swap3A_1106, %swap3A_1107, %swap3A_1108], %gather3A_1104 {strides = array<i32>} : memref<2x32x128xf32, #tpu.memory_space<vmem>>, vector<16xf32>,
      %get3A_1110 = arith.constant 0 : i32
      %get3A_1111 = arith.index_cast %get3A_1110 : i32 to index
      %get3A_1112 = arith.index_cast %scan3A_1076 : i32 to index
      %get3A_1113 = arith.constant 48 : index
      %get3A_1114 = tpu.vector_load %arg6[%get3A_1111, %get3A_1112, %get3A_1113] {strides = array<i32>} : memref<2x32x100xi32, #tpu.memory_space<vmem>>, vector<16xi32>,
      %gather3A_1115 = tpu.vector_load_idx %arg5[%get3A_1114] : memref<100352xf32, #tpu.memory_space<vmem>>[vector<16xi32>], vector<16xf32>,
      %swap3A_1116 = arith.constant 0 : i32
      %swap3A_1117 = arith.index_cast %swap3A_1116 : i32 to index
      %swap3A_1118 = arith.index_cast %scan3A_1076 : i32 to index
      %swap3A_1119 = arith.constant 48 : index
      %swap3A_1120 = tpu.vector_load %arg7[%swap3A_1117, %swap3A_1118, %swap3A_1119] {strides = array<i32>} : memref<2x32x128xf32, #tpu.memory_space<vmem>>, vector<16xf32>,
      tpu.vector_store %arg7[%swap3A_1117, %swap3A_1118, %swap3A_1119], %gather3A_1115 {strides = array<i32>} : memref<2x32x128xf32, #tpu.memory_space<vmem>>, vector<16xf32>,
      %get3A_1121 = arith.constant 0 : i32
      %get3A_1122 = arith.index_cast %get3A_1121 : i32 to index
      %get3A_1123 = arith.index_cast %scan3A_1076 : i32 to index
      %get3A_1124 = arith.constant 64 : index
      %get3A_1125 = tpu.vector_load %arg6[%get3A_1122, %get3A_1123, %get3A_1124] {strides = array<i32>} : memref<2x32x100xi32, #tpu.memory_space<vmem>>, vector<16xi32>,
      %gather3A_1126 = tpu.vector_load_idx %arg5[%get3A_1125] : memref<100352xf32, #tpu.memory_space<vmem>>[vector<16xi32>], vector<16xf32>,
      %swap3A_1127 = arith.constant 0 : i32
      %swap3A_1128 = arith.index_cast %swap3A_1127 : i32 to index
      %swap3A_1129 = arith.index_cast %scan3A_1076 : i32 to index
      %swap3A_1130 = arith.constant 64 : index
      %swap3A_1131 = tpu.vector_load %arg7[%swap3A_1128, %swap3A_1129, %swap3A_1130] {strides = array<i32>} : memref<2x32x128xf32, #tpu.memory_space<vmem>>, vector<16xf32>,
      tpu.vector_store %arg7[%swap3A_1128, %swap3A_1129, %swap3A_1130], %gather3A_1126 {strides = array<i32>} : memref<2x32x128xf32, #tpu.memory_space<vmem>>, vector<16xf32>,
      %get3A_1132 = arith.constant 0 : i32
      %get3A_1133 = arith.index_cast %get3A_1132 : i32 to index
      %get3A_1134 = arith.index_cast %scan3A_1076 : i32 to index
      %get3A_1135 = arith.constant 80 : index
      %get3A_1136 = tpu.vector_load %arg6[%get3A_1133, %get3A_1134, %get3A_1135] {strides = array<i32>} : memref<2x32x100xi32, #tpu.memory_space<vmem>>, vector<16xi32>,
      %gather3A_1137 = tpu.vector_load_idx %arg5[%get3A_1136] : memref<100352xf32, #tpu.memory_space<vmem>>[vector<16xi32>], vector<16xf32>,
      %swap3A_1138 = arith.constant 0 : i32
      %swap3A_1139 = arith.index_cast %swap3A_1138 : i32 to index
      %swap3A_1140 = arith.index_cast %scan3A_1076 : i32 to index
      %swap3A_1141 = arith.constant 80 : index
      %swap3A_1142 = tpu.vector_load %arg7[%swap3A_1139, %swap3A_1140, %swap3A_1141] {strides = array<i32>} : memref<2x32x128xf32, #tpu.memory_space<vmem>>, vector<16xf32>,
      tpu.vector_store %arg7[%swap3A_1139, %swap3A_1140, %swap3A_1141], %gather3A_1137 {strides = array<i32>} : memref<2x32x128xf32, #tpu.memory_space<vmem>>, vector<16xf32>,
      %get3A_1143 = arith.constant 0 : i32
      %get3A_1144 = arith.index_cast %get3A_1143 : i32 to index
      %get3A_1145 = arith.index_cast %scan3A_1076 : i32 to index
      %get3A_1146 = arith.constant 84 : index
      %get3A_1147 = tpu.vector_load %arg6[%get3A_1144, %get3A_1145, %get3A_1146] {strides = array<i32>} : memref<2x32x100xi32, #tpu.memory_space<vmem>>, vector<16xi32>,
      %gather3A_1148 = tpu.vector_load_idx %arg5[%get3A_1147] : memref<100352xf32, #tpu.memory_space<vmem>>[vector<16xi32>], vector<16xf32>,
      %swap3A_1149 = arith.constant 0 : i32
      %swap3A_1150 = arith.index_cast %swap3A_1149 : i32 to index
      %swap3A_1151 = arith.index_cast %scan3A_1076 : i32 to index
      %swap3A_1152 = arith.constant 84 : index
      %swap3A_1153 = tpu.vector_load %arg7[%swap3A_1150, %swap3A_1151, %swap3A_1152] {strides = array<i32>} : memref<2x32x128xf32, #tpu.memory_space<vmem>>, vector<16xf32>,
      tpu.vector_store %arg7[%swap3A_1150, %swap3A_1151, %swap3A_1152], %gather3A_1148 {strides = array<i32>} : memref<2x32x128xf32, #tpu.memory_space<vmem>>, vector<16xf32>,
      %scan3A_1154 = arith.constant 0 : i32
      scf.yield %scan3A_1154 : i32
    }
    %scan3A_174 = arith.constant 32 : i32
    %add3A_175 = arith.constant 64 : i32
    %add3A_176 = arith.addi %mul3A_2, %add3A_175 : i32
    %dma_start3A_177 = arith.constant 0 : i32
    %dma_start3A_178 = arith.constant 0 : i32
    %dma_start3A_179 = arith.constant 0 : i32
    %dma_start3A_180 = tpu.memref_slice %arg7[%dma_start3A_177, %dma_start3A_178, %dma_start3A_179] : memref<2x32x128xf32, #tpu.memory_space<vmem>> -> memref<1x32x128xf32, #tpu.memory_space<vmem>>
    %dma_start3A_181 = tpu.memref_squeeze %dma_start3A_180 : memref<1x32x128xf32, #tpu.memory_space<vmem>> -> memref<32x128xf32, #tpu.memory_space<vmem>>
    %dma_start3A_182 = arith.constant 0 : i32
    %dma_start3A_183 = tpu.memref_slice %arg4[%add3A_176, %dma_start3A_182] : memref<16384x128xf32, #tpu.memory_space<hbm>> -> memref<32x128xf32, #tpu.memory_space<hbm>>
    %dma_start3A_184 = arith.constant 0 : i32
    %dma_start3A_185 = tpu.memref_slice %arg4[%add3A_176, %dma_start3A_184] : memref<16384x128xf32, #tpu.memory_space<hbm>> -> memref<32x128xf32, #tpu.memory_space<hbm>>
    %dma_start3A_186 = arith.constant 0 : i32
    %dma_start3A_187 = arith.constant 0 : i32
    %dma_start3A_188 = tpu.memref_slice %arg7[%dma_start3A_177, %dma_start3A_186, %dma_start3A_187] : memref<2x32x128xf32, #tpu.memory_space<vmem>> -> memref<1x32x128xf32, #tpu.memory_space<vmem>>
    %dma_start3A_189 = tpu.memref_squeeze %dma_start3A_188 : memref<1x32x128xf32, #tpu.memory_space<vmem>> -> memref<32x128xf32, #tpu.memory_space<vmem>>
    tpu.enqueue_dma source(%dma_start3A_189 : memref<32x128xf32, #tpu.memory_space<vmem>>) target(%dma_start3A_185 : memref<32x128xf32, #tpu.memory_space<hbm>>) target_semaphore(%arg11 : memref<!tpu.dma_semaphore, #tpu.memory_space<semaphore_mem>>)
    %add3A_190 = arith.constant 128 : i32
    %add3A_191 = arith.addi %mul3A_2, %add3A_190 : i32
    %dma_start3A_192 = arith.constant 0 : i32
    %dma_start3A_193 = arith.constant 0 : i32
    %dma_start3A_194 = arith.constant 0 : i32
    %dma_start3A_195 = tpu.memref_slice %arg6[%dma_start3A_192, %dma_start3A_193, %dma_start3A_194] : memref<2x32x100xi32, #tpu.memory_space<vmem>> -> memref<1x32x100xi32, #tpu.memory_space<vmem>>
    %dma_start3A_196 = tpu.memref_squeeze %dma_start3A_195 : memref<1x32x100xi32, #tpu.memory_space<vmem>> -> memref<32x100xi32, #tpu.memory_space<vmem>>
    %dma_start3A_197 = arith.constant 0 : i32
    %dma_start3A_198 = tpu.memref_slice %arg3[%add3A_191, %dma_start3A_197] : memref<16384x100xi32, #tpu.memory_space<hbm>> -> memref<32x100xi32, #tpu.memory_space<hbm>>
    %dma_start3A_199 = arith.constant 0 : i32
    %dma_start3A_200 = arith.constant 0 : i32
    %dma_start3A_201 = tpu.memref_slice %arg6[%dma_start3A_192, %dma_start3A_199, %dma_start3A_200] : memref<2x32x100xi32, #tpu.memory_space<vmem>> -> memref<1x32x100xi32, #tpu.memory_space<vmem>>
    %dma_start3A_202 = tpu.memref_squeeze %dma_start3A_201 : memref<1x32x100xi32, #tpu.memory_space<vmem>> -> memref<32x100xi32, #tpu.memory_space<vmem>>
    %dma_start3A_203 = arith.constant 0 : i32
    %dma_start3A_204 = tpu.memref_slice %arg3[%add3A_191, %dma_start3A_203] : memref<16384x100xi32, #tpu.memory_space<hbm>> -> memref<32x100xi32, #tpu.memory_space<hbm>>
    tpu.enqueue_dma source(%dma_start3A_204 : memref<32x100xi32, #tpu.memory_space<hbm>>) target(%dma_start3A_202 : memref<32x100xi32, #tpu.memory_space<vmem>>) target_semaphore(%arg9 : memref<!tpu.dma_semaphore, #tpu.memory_space<semaphore_mem>>)
    %add3A_205 = arith.constant 96 : i32
    %add3A_206 = arith.addi %mul3A_2, %add3A_205 : i32
    %dma_wait3A_207 = arith.constant 1 : i32
    %dma_wait3A_208 = arith.constant 0 : i32
    %dma_wait3A_209 = arith.constant 0 : i32
    %dma_wait3A_210 = tpu.memref_slice %arg6[%dma_wait3A_207, %dma_wait3A_208, %dma_wait3A_209] : memref<2x32x100xi32, #tpu.memory_space<vmem>> -> memref<1x32x100xi32, #tpu.memory_space<vmem>>
    %dma_wait3A_211 = tpu.memref_squeeze %dma_wait3A_210 : memref<1x32x100xi32, #tpu.memory_space<vmem>> -> memref<32x100xi32, #tpu.memory_space<vmem>>
    %dma_wait3A_212 = arith.constant 0 : i32
    %dma_wait3A_213 = tpu.memref_slice %arg3[%add3A_206, %dma_wait3A_212] : memref<16384x100xi32, #tpu.memory_space<hbm>> -> memref<32x100xi32, #tpu.memory_space<hbm>>
    %dma_wait3A_214 = arith.constant 0 : i32
    %dma_wait3A_215 = arith.constant 0 : i32
    %dma_wait3A_216 = tpu.memref_slice %arg6[%dma_wait3A_207, %dma_wait3A_214, %dma_wait3A_215] : memref<2x32x100xi32, #tpu.memory_space<vmem>> -> memref<1x32x100xi32, #tpu.memory_space<vmem>>
    %dma_wait3A_217 = tpu.memref_squeeze %dma_wait3A_216 : memref<1x32x100xi32, #tpu.memory_space<vmem>> -> memref<32x100xi32, #tpu.memory_space<vmem>>
    %dma_wait3A_218 = arith.constant 0 : i32
    %dma_wait3A_219 = tpu.memref_slice %arg3[%add3A_206, %dma_wait3A_218] : memref<16384x100xi32, #tpu.memory_space<hbm>> -> memref<32x100xi32, #tpu.memory_space<hbm>>
    tpu.wait_dma2 semaphore(%arg10 : memref<!tpu.dma_semaphore, #tpu.memory_space<semaphore_mem>>) src(%dma_wait3A_219 : memref<32x100xi32, #tpu.memory_space<hbm>>) dst(%dma_wait3A_217 : memref<32x100xi32, #tpu.memory_space<vmem>>)
    %add3A_220 = arith.constant 32 : i32
    %add3A_221 = arith.addi %mul3A_2, %add3A_220 : i32
    %dma_wait3A_222 = arith.constant 1 : i32
    %dma_wait3A_223 = arith.constant 0 : i32
    %dma_wait3A_224 = arith.constant 0 : i32
    %dma_wait3A_225 = tpu.memref_slice %arg7[%dma_wait3A_222, %dma_wait3A_223, %dma_wait3A_224] : memref<2x32x128xf32, #tpu.memory_space<vmem>> -> memref<1x32x128xf32, #tpu.memory_space<vmem>>
    %dma_wait3A_226 = tpu.memref_squeeze %dma_wait3A_225 : memref<1x32x128xf32, #tpu.memory_space<vmem>> -> memref<32x128xf32, #tpu.memory_space<vmem>>
    %dma_wait3A_227 = arith.constant 0 : i32
    %dma_wait3A_228 = tpu.memref_slice %arg4[%add3A_221, %dma_wait3A_227] : memref<16384x128xf32, #tpu.memory_space<hbm>> -> memref<32x128xf32, #tpu.memory_space<hbm>>
    %dma_wait3A_229 = arith.constant 0 : i32
    %dma_wait3A_230 = tpu.memref_slice %arg4[%add3A_221, %dma_wait3A_229] : memref<16384x128xf32, #tpu.memory_space<hbm>> -> memref<32x128xf32, #tpu.memory_space<hbm>>
    %dma_wait3A_231 = arith.constant 0 : i32
    %dma_wait3A_232 = arith.constant 0 : i32
    %dma_wait3A_233 = tpu.memref_slice %arg7[%dma_wait3A_222, %dma_wait3A_231, %dma_wait3A_232] : memref<2x32x128xf32, #tpu.memory_space<vmem>> -> memref<1x32x128xf32, #tpu.memory_space<vmem>>
    %dma_wait3A_234 = tpu.memref_squeeze %dma_wait3A_233 : memref<1x32x128xf32, #tpu.memory_space<vmem>> -> memref<32x128xf32, #tpu.memory_space<vmem>>
    tpu.wait_dma2 semaphore(%arg12 : memref<!tpu.dma_semaphore, #tpu.memory_space<semaphore_mem>>) src(%dma_wait3A_234 : memref<32x128xf32, #tpu.memory_space<vmem>>) dst(%dma_wait3A_230 : memref<32x128xf32, #tpu.memory_space<hbm>>)
    %scan3A_235 = arith.constant 0 : i32
    %scan3A_236 = arith.constant 0 : i32
    %scan3A_237 = arith.constant 32 : i32
    %scan3A_238 = arith.addi %scan3A_236, %scan3A_237 : i32
    %scan3A_239 = arith.constant 1 : i32
    %scan3A_240 = scf.for %scan3A_1076 = %scan3A_236 to %scan3A_238 step %scan3A_239 iter_args(%scan3A_1077 = %scan3A_235) -> (i32)  : i32 {
      %get3A_1078 = arith.constant 1 : i32
      %get3A_1079 = arith.index_cast %get3A_1078 : i32 to index
      %get3A_1080 = arith.index_cast %scan3A_1076 : i32 to index
      %get3A_1081 = arith.constant 0 : index
      %get3A_1082 = tpu.vector_load %arg6[%get3A_1079, %get3A_1080, %get3A_1081] {strides = array<i32>} : memref<2x32x100xi32, #tpu.memory_space<vmem>>, vector<16xi32>,
      %gather3A = tpu.vector_load_idx %arg5[%get3A_1082] : memref<100352xf32, #tpu.memory_space<vmem>>[vector<16xi32>], vector<16xf32>,
      %swap3A_1083 = arith.constant 1 : i32
      %swap3A_1084 = arith.index_cast %swap3A_1083 : i32 to index
      %swap3A_1085 = arith.index_cast %scan3A_1076 : i32 to index
      %swap3A_1086 = arith.constant 0 : index
      %swap3A_1087 = tpu.vector_load %arg7[%swap3A_1084, %swap3A_1085, %swap3A_1086] {strides = array<i32>} : memref<2x32x128xf32, #tpu.memory_space<vmem>>, vector<16xf32>,
      tpu.vector_store %arg7[%swap3A_1084, %swap3A_1085, %swap3A_1086], %gather3A {strides = array<i32>} : memref<2x32x128xf32, #tpu.memory_space<vmem>>, vector<16xf32>,
      %get3A_1088 = arith.constant 1 : i32
      %get3A_1089 = arith.index_cast %get3A_1088 : i32 to index
      %get3A_1090 = arith.index_cast %scan3A_1076 : i32 to index
      %get3A_1091 = arith.constant 16 : index
      %get3A_1092 = tpu.vector_load %arg6[%get3A_1089, %get3A_1090, %get3A_1091] {strides = array<i32>} : memref<2x32x100xi32, #tpu.memory_space<vmem>>, vector<16xi32>,
      %gather3A_1093 = tpu.vector_load_idx %arg5[%get3A_1092] : memref<100352xf32, #tpu.memory_space<vmem>>[vector<16xi32>], vector<16xf32>,
      %swap3A_1094 = arith.constant 1 : i32
      %swap3A_1095 = arith.index_cast %swap3A_1094 : i32 to index
      %swap3A_1096 = arith.index_cast %scan3A_1076 : i32 to index
      %swap3A_1097 = arith.constant 16 : index
      %swap3A_1098 = tpu.vector_load %arg7[%swap3A_1095, %swap3A_1096, %swap3A_1097] {strides = array<i32>} : memref<2x32x128xf32, #tpu.memory_space<vmem>>, vector<16xf32>,
      tpu.vector_store %arg7[%swap3A_1095, %swap3A_1096, %swap3A_1097], %gather3A_1093 {strides = array<i32>} : memref<2x32x128xf32, #tpu.memory_space<vmem>>, vector<16xf32>,
      %get3A_1099 = arith.constant 1 : i32
      %get3A_1100 = arith.index_cast %get3A_1099 : i32 to index
      %get3A_1101 = arith.index_cast %scan3A_1076 : i32 to index
      %get3A_1102 = arith.constant 32 : index
      %get3A_1103 = tpu.vector_load %arg6[%get3A_1100, %get3A_1101, %get3A_1102] {strides = array<i32>} : memref<2x32x100xi32, #tpu.memory_space<vmem>>, vector<16xi32>,
      %gather3A_1104 = tpu.vector_load_idx %arg5[%get3A_1103] : memref<100352xf32, #tpu.memory_space<vmem>>[vector<16xi32>], vector<16xf32>,
      %swap3A_1105 = arith.constant 1 : i32
      %swap3A_1106 = arith.index_cast %swap3A_1105 : i32 to index
      %swap3A_1107 = arith.index_cast %scan3A_1076 : i32 to index
      %swap3A_1108 = arith.constant 32 : index
      %swap3A_1109 = tpu.vector_load %arg7[%swap3A_1106, %swap3A_1107, %swap3A_1108] {strides = array<i32>} : memref<2x32x128xf32, #tpu.memory_space<vmem>>, vector<16xf32>,
      tpu.vector_store %arg7[%swap3A_1106, %swap3A_1107, %swap3A_1108], %gather3A_1104 {strides = array<i32>} : memref<2x32x128xf32, #tpu.memory_space<vmem>>, vector<16xf32>,
      %get3A_1110 = arith.constant 1 : i32
      %get3A_1111 = arith.index_cast %get3A_1110 : i32 to index
      %get3A_1112 = arith.index_cast %scan3A_1076 : i32 to index
      %get3A_1113 = arith.constant 48 : index
      %get3A_1114 = tpu.vector_load %arg6[%get3A_1111, %get3A_1112, %get3A_1113] {strides = array<i32>} : memref<2x32x100xi32, #tpu.memory_space<vmem>>, vector<16xi32>,
      %gather3A_1115 = tpu.vector_load_idx %arg5[%get3A_1114] : memref<100352xf32, #tpu.memory_space<vmem>>[vector<16xi32>], vector<16xf32>,
      %swap3A_1116 = arith.constant 1 : i32
      %swap3A_1117 = arith.index_cast %swap3A_1116 : i32 to index
      %swap3A_1118 = arith.index_cast %scan3A_1076 : i32 to index
      %swap3A_1119 = arith.constant 48 : index
      %swap3A_1120 = tpu.vector_load %arg7[%swap3A_1117, %swap3A_1118, %swap3A_1119] {strides = array<i32>} : memref<2x32x128xf32, #tpu.memory_space<vmem>>, vector<16xf32>,
      tpu.vector_store %arg7[%swap3A_1117, %swap3A_1118, %swap3A_1119], %gather3A_1115 {strides = array<i32>} : memref<2x32x128xf32, #tpu.memory_space<vmem>>, vector<16xf32>,
      %get3A_1121 = arith.constant 1 : i32
      %get3A_1122 = arith.index_cast %get3A_1121 : i32 to index
      %get3A_1123 = arith.index_cast %scan3A_1076 : i32 to index
      %get3A_1124 = arith.constant 64 : index
      %get3A_1125 = tpu.vector_load %arg6[%get3A_1122, %get3A_1123, %get3A_1124] {strides = array<i32>} : memref<2x32x100xi32, #tpu.memory_space<vmem>>, vector<16xi32>,
      %gather3A_1126 = tpu.vector_load_idx %arg5[%get3A_1125] : memref<100352xf32, #tpu.memory_space<vmem>>[vector<16xi32>], vector<16xf32>,
      %swap3A_1127 = arith.constant 1 : i32
      %swap3A_1128 = arith.index_cast %swap3A_1127 : i32 to index
      %swap3A_1129 = arith.index_cast %scan3A_1076 : i32 to index
      %swap3A_1130 = arith.constant 64 : index
      %swap3A_1131 = tpu.vector_load %arg7[%swap3A_1128, %swap3A_1129, %swap3A_1130] {strides = array<i32>} : memref<2x32x128xf32, #tpu.memory_space<vmem>>, vector<16xf32>,
      tpu.vector_store %arg7[%swap3A_1128, %swap3A_1129, %swap3A_1130], %gather3A_1126 {strides = array<i32>} : memref<2x32x128xf32, #tpu.memory_space<vmem>>, vector<16xf32>,
      %get3A_1132 = arith.constant 1 : i32
      %get3A_1133 = arith.index_cast %get3A_1132 : i32 to index
      %get3A_1134 = arith.index_cast %scan3A_1076 : i32 to index
      %get3A_1135 = arith.constant 80 : index
      %get3A_1136 = tpu.vector_load %arg6[%get3A_1133, %get3A_1134, %get3A_1135] {strides = array<i32>} : memref<2x32x100xi32, #tpu.memory_space<vmem>>, vector<16xi32>,
      %gather3A_1137 = tpu.vector_load_idx %arg5[%get3A_1136] : memref<100352xf32, #tpu.memory_space<vmem>>[vector<16xi32>], vector<16xf32>,
      %swap3A_1138 = arith.constant 1 : i32
      %swap3A_1139 = arith.index_cast %swap3A_1138 : i32 to index
      %swap3A_1140 = arith.index_cast %scan3A_1076 : i32 to index
      %swap3A_1141 = arith.constant 80 : index
      %swap3A_1142 = tpu.vector_load %arg7[%swap3A_1139, %swap3A_1140, %swap3A_1141] {strides = array<i32>} : memref<2x32x128xf32, #tpu.memory_space<vmem>>, vector<16xf32>,
      tpu.vector_store %arg7[%swap3A_1139, %swap3A_1140, %swap3A_1141], %gather3A_1137 {strides = array<i32>} : memref<2x32x128xf32, #tpu.memory_space<vmem>>, vector<16xf32>,
      %get3A_1143 = arith.constant 1 : i32
      %get3A_1144 = arith.index_cast %get3A_1143 : i32 to index
      %get3A_1145 = arith.index_cast %scan3A_1076 : i32 to index
      %get3A_1146 = arith.constant 84 : index
      %get3A_1147 = tpu.vector_load %arg6[%get3A_1144, %get3A_1145, %get3A_1146] {strides = array<i32>} : memref<2x32x100xi32, #tpu.memory_space<vmem>>, vector<16xi32>,
      %gather3A_1148 = tpu.vector_load_idx %arg5[%get3A_1147] : memref<100352xf32, #tpu.memory_space<vmem>>[vector<16xi32>], vector<16xf32>,
      %swap3A_1149 = arith.constant 1 : i32
      %swap3A_1150 = arith.index_cast %swap3A_1149 : i32 to index
      %swap3A_1151 = arith.index_cast %scan3A_1076 : i32 to index
      %swap3A_1152 = arith.constant 84 : index
      %swap3A_1153 = tpu.vector_load %arg7[%swap3A_1150, %swap3A_1151, %swap3A_1152] {strides = array<i32>} : memref<2x32x128xf32, #tpu.memory_space<vmem>>, vector<16xf32>,
      tpu.vector_store %arg7[%swap3A_1150, %swap3A_1151, %swap3A_1152], %gather3A_1148 {strides = array<i32>} : memref<2x32x128xf32, #tpu.memory_space<vmem>>, vector<16xf32>,
      %scan3A_1154 = arith.constant 0 : i32
      scf.yield %scan3A_1154 : i32
    }
    %scan3A_241 = arith.constant 32 : i32
    %add3A_242 = arith.constant 96 : i32
    %add3A_243 = arith.addi %mul3A_2, %add3A_242 : i32
    %dma_start3A_244 = arith.constant 1 : i32
    %dma_start3A_245 = arith.constant 0 : i32
    %dma_start3A_246 = arith.constant 0 : i32
    %dma_start3A_247 = tpu.memref_slice %arg7[%dma_start3A_244, %dma_start3A_245, %dma_start3A_246] : memref<2x32x128xf32, #tpu.memory_space<vmem>> -> memref<1x32x128xf32, #tpu.memory_space<vmem>>
    %dma_start3A_248 = tpu.memref_squeeze %dma_start3A_247 : memref<1x32x128xf32, #tpu.memory_space<vmem>> -> memref<32x128xf32, #tpu.memory_space<vmem>>
    %dma_start3A_249 = arith.constant 0 : i32
    %dma_start3A_250 = tpu.memref_slice %arg4[%add3A_243, %dma_start3A_249] : memref<16384x128xf32, #tpu.memory_space<hbm>> -> memref<32x128xf32, #tpu.memory_space<hbm>>
    %dma_start3A_251 = arith.constant 0 : i32
    %dma_start3A_252 = tpu.memref_slice %arg4[%add3A_243, %dma_start3A_251] : memref<16384x128xf32, #tpu.memory_space<hbm>> -> memref<32x128xf32, #tpu.memory_space<hbm>>
    %dma_start3A_253 = arith.constant 0 : i32
    %dma_start3A_254 = arith.constant 0 : i32
    %dma_start3A_255 = tpu.memref_slice %arg7[%dma_start3A_244, %dma_start3A_253, %dma_start3A_254] : memref<2x32x128xf32, #tpu.memory_space<vmem>> -> memref<1x32x128xf32, #tpu.memory_space<vmem>>
    %dma_start3A_256 = tpu.memref_squeeze %dma_start3A_255 : memref<1x32x128xf32, #tpu.memory_space<vmem>> -> memref<32x128xf32, #tpu.memory_space<vmem>>
    tpu.enqueue_dma source(%dma_start3A_256 : memref<32x128xf32, #tpu.memory_space<vmem>>) target(%dma_start3A_252 : memref<32x128xf32, #tpu.memory_space<hbm>>) target_semaphore(%arg12 : memref<!tpu.dma_semaphore, #tpu.memory_space<semaphore_mem>>)
    %add3A_257 = arith.constant 160 : i32
    %add3A_258 = arith.addi %mul3A_2, %add3A_257 : i32
    %dma_start3A_259 = arith.constant 1 : i32
    %dma_start3A_260 = arith.constant 0 : i32
    %dma_start3A_261 = arith.constant 0 : i32
    %dma_start3A_262 = tpu.memref_slice %arg6[%dma_start3A_259, %dma_start3A_260, %dma_start3A_261] : memref<2x32x100xi32, #tpu.memory_space<vmem>> -> memref<1x32x100xi32, #tpu.memory_space<vmem>>
    %dma_start3A_263 = tpu.memref_squeeze %dma_start3A_262 : memref<1x32x100xi32, #tpu.memory_space<vmem>> -> memref<32x100xi32, #tpu.memory_space<vmem>>
    %dma_start3A_264 = arith.constant 0 : i32
    %dma_start3A_265 = tpu.memref_slice %arg3[%add3A_258, %dma_start3A_264] : memref<16384x100xi32, #tpu.memory_space<hbm>> -> memref<32x100xi32, #tpu.memory_space<hbm>>
    %dma_start3A_266 = arith.constant 0 : i32
    %dma_start3A_267 = arith.constant 0 : i32
    %dma_start3A_268 = tpu.memref_slice %arg6[%dma_start3A_259, %dma_start3A_266, %dma_start3A_267] : memref<2x32x100xi32, #tpu.memory_space<vmem>> -> memref<1x32x100xi32, #tpu.memory_space<vmem>>
    %dma_start3A_269 = tpu.memref_squeeze %dma_start3A_268 : memref<1x32x100xi32, #tpu.memory_space<vmem>> -> memref<32x100xi32, #tpu.memory_space<vmem>>
    %dma_start3A_270 = arith.constant 0 : i32
    %dma_start3A_271 = tpu.memref_slice %arg3[%add3A_258, %dma_start3A_270] : memref<16384x100xi32, #tpu.memory_space<hbm>> -> memref<32x100xi32, #tpu.memory_space<hbm>>
    tpu.enqueue_dma source(%dma_start3A_271 : memref<32x100xi32, #tpu.memory_space<hbm>>) target(%dma_start3A_269 : memref<32x100xi32, #tpu.memory_space<vmem>>) target_semaphore(%arg10 : memref<!tpu.dma_semaphore, #tpu.memory_space<semaphore_mem>>)
    %add3A_272 = arith.constant 128 : i32
    %add3A_273 = arith.addi %mul3A_2, %add3A_272 : i32
    %dma_wait3A_274 = arith.constant 0 : i32
    %dma_wait3A_275 = arith.constant 0 : i32
    %dma_wait3A_276 = arith.constant 0 : i32
    %dma_wait3A_277 = tpu.memref_slice %arg6[%dma_wait3A_274, %dma_wait3A_275, %dma_wait3A_276] : memref<2x32x100xi32, #tpu.memory_space<vmem>> -> memref<1x32x100xi32, #tpu.memory_space<vmem>>
    %dma_wait3A_278 = tpu.memref_squeeze %dma_wait3A_277 : memref<1x32x100xi32, #tpu.memory_space<vmem>> -> memref<32x100xi32, #tpu.memory_space<vmem>>
    %dma_wait3A_279 = arith.constant 0 : i32
    %dma_wait3A_280 = tpu.memref_slice %arg3[%add3A_273, %dma_wait3A_279] : memref<16384x100xi32, #tpu.memory_space<hbm>> -> memref<32x100xi32, #tpu.memory_space<hbm>>
    %dma_wait3A_281 = arith.constant 0 : i32
    %dma_wait3A_282 = arith.constant 0 : i32
    %dma_wait3A_283 = tpu.memref_slice %arg6[%dma_wait3A_274, %dma_wait3A_281, %dma_wait3A_282] : memref<2x32x100xi32, #tpu.memory_space<vmem>> -> memref<1x32x100xi32, #tpu.memory_space<vmem>>
    %dma_wait3A_284 = tpu.memref_squeeze %dma_wait3A_283 : memref<1x32x100xi32, #tpu.memory_space<vmem>> -> memref<32x100xi32, #tpu.memory_space<vmem>>
    %dma_wait3A_285 = arith.constant 0 : i32
    %dma_wait3A_286 = tpu.memref_slice %arg3[%add3A_273, %dma_wait3A_285] : memref<16384x100xi32, #tpu.memory_space<hbm>> -> memref<32x100xi32, #tpu.memory_space<hbm>>
    tpu.wait_dma2 semaphore(%arg9 : memref<!tpu.dma_semaphore, #tpu.memory_space<semaphore_mem>>) src(%dma_wait3A_286 : memref<32x100xi32, #tpu.memory_space<hbm>>) dst(%dma_wait3A_284 : memref<32x100xi32, #tpu.memory_space<vmem>>)
    %add3A_287 = arith.constant 64 : i32
    %add3A_288 = arith.addi %mul3A_2, %add3A_287 : i32
    %dma_wait3A_289 = arith.constant 0 : i32
    %dma_wait3A_290 = arith.constant 0 : i32
    %dma_wait3A_291 = arith.constant 0 : i32
    %dma_wait3A_292 = tpu.memref_slice %arg7[%dma_wait3A_289, %dma_wait3A_290, %dma_wait3A_291] : memref<2x32x128xf32, #tpu.memory_space<vmem>> -> memref<1x32x128xf32, #tpu.memory_space<vmem>>
    %dma_wait3A_293 = tpu.memref_squeeze %dma_wait3A_292 : memref<1x32x128xf32, #tpu.memory_space<vmem>> -> memref<32x128xf32, #tpu.memory_space<vmem>>
    %dma_wait3A_294 = arith.constant 0 : i32
    %dma_wait3A_295 = tpu.memref_slice %arg4[%add3A_288, %dma_wait3A_294] : memref<16384x128xf32, #tpu.memory_space<hbm>> -> memref<32x128xf32, #tpu.memory_space<hbm>>
    %dma_wait3A_296 = arith.constant 0 : i32
    %dma_wait3A_297 = tpu.memref_slice %arg4[%add3A_288, %dma_wait3A_296] : memref<16384x128xf32, #tpu.memory_space<hbm>> -> memref<32x128xf32, #tpu.memory_space<hbm>>
    %dma_wait3A_298 = arith.constant 0 : i32
    %dma_wait3A_299 = arith.constant 0 : i32
    %dma_wait3A_300 = tpu.memref_slice %arg7[%dma_wait3A_289, %dma_wait3A_298, %dma_wait3A_299] : memref<2x32x128xf32, #tpu.memory_space<vmem>> -> memref<1x32x128xf32, #tpu.memory_space<vmem>>
    %dma_wait3A_301 = tpu.memref_squeeze %dma_wait3A_300 : memref<1x32x128xf32, #tpu.memory_space<vmem>> -> memref<32x128xf32, #tpu.memory_space<vmem>>
    tpu.wait_dma2 semaphore(%arg11 : memref<!tpu.dma_semaphore, #tpu.memory_space<semaphore_mem>>) src(%dma_wait3A_301 : memref<32x128xf32, #tpu.memory_space<vmem>>) dst(%dma_wait3A_297 : memref<32x128xf32, #tpu.memory_space<hbm>>)
    %scan3A_302 = arith.constant 0 : i32
    %scan3A_303 = arith.constant 0 : i32
    %scan3A_304 = arith.constant 32 : i32
    %scan3A_305 = arith.addi %scan3A_303, %scan3A_304 : i32
    %scan3A_306 = arith.constant 1 : i32
    %scan3A_307 = scf.for %scan3A_1076 = %scan3A_303 to %scan3A_305 step %scan3A_306 iter_args(%scan3A_1077 = %scan3A_302) -> (i32)  : i32 {
      %get3A_1078 = arith.constant 0 : i32
      %get3A_1079 = arith.index_cast %get3A_1078 : i32 to index
      %get3A_1080 = arith.index_cast %scan3A_1076 : i32 to index
      %get3A_1081 = arith.constant 0 : index
      %get3A_1082 = tpu.vector_load %arg6[%get3A_1079, %get3A_1080, %get3A_1081] {strides = array<i32>} : memref<2x32x100xi32, #tpu.memory_space<vmem>>, vector<16xi32>,
      %gather3A = tpu.vector_load_idx %arg5[%get3A_1082] : memref<100352xf32, #tpu.memory_space<vmem>>[vector<16xi32>], vector<16xf32>,
      %swap3A_1083 = arith.constant 0 : i32
      %swap3A_1084 = arith.index_cast %swap3A_1083 : i32 to index
      %swap3A_1085 = arith.index_cast %scan3A_1076 : i32 to index
      %swap3A_1086 = arith.constant 0 : index
      %swap3A_1087 = tpu.vector_load %arg7[%swap3A_1084, %swap3A_1085, %swap3A_1086] {strides = array<i32>} : memref<2x32x128xf32, #tpu.memory_space<vmem>>, vector<16xf32>,
      tpu.vector_store %arg7[%swap3A_1084, %swap3A_1085, %swap3A_1086], %gather3A {strides = array<i32>} : memref<2x32x128xf32, #tpu.memory_space<vmem>>, vector<16xf32>,
      %get3A_1088 = arith.constant 0 : i32
      %get3A_1089 = arith.index_cast %get3A_1088 : i32 to index
      %get3A_1090 = arith.index_cast %scan3A_1076 : i32 to index
      %get3A_1091 = arith.constant 16 : index
      %get3A_1092 = tpu.vector_load %arg6[%get3A_1089, %get3A_1090, %get3A_1091] {strides = array<i32>} : memref<2x32x100xi32, #tpu.memory_space<vmem>>, vector<16xi32>,
      %gather3A_1093 = tpu.vector_load_idx %arg5[%get3A_1092] : memref<100352xf32, #tpu.memory_space<vmem>>[vector<16xi32>], vector<16xf32>,
      %swap3A_1094 = arith.constant 0 : i32
      %swap3A_1095 = arith.index_cast %swap3A_1094 : i32 to index
      %swap3A_1096 = arith.index_cast %scan3A_1076 : i32 to index
      %swap3A_1097 = arith.constant 16 : index
      %swap3A_1098 = tpu.vector_load %arg7[%swap3A_1095, %swap3A_1096, %swap3A_1097] {strides = array<i32>} : memref<2x32x128xf32, #tpu.memory_space<vmem>>, vector<16xf32>,
      tpu.vector_store %arg7[%swap3A_1095, %swap3A_1096, %swap3A_1097], %gather3A_1093 {strides = array<i32>} : memref<2x32x128xf32, #tpu.memory_space<vmem>>, vector<16xf32>,
      %get3A_1099 = arith.constant 0 : i32
      %get3A_1100 = arith.index_cast %get3A_1099 : i32 to index
      %get3A_1101 = arith.index_cast %scan3A_1076 : i32 to index
      %get3A_1102 = arith.constant 32 : index
      %get3A_1103 = tpu.vector_load %arg6[%get3A_1100, %get3A_1101, %get3A_1102] {strides = array<i32>} : memref<2x32x100xi32, #tpu.memory_space<vmem>>, vector<16xi32>,
      %gather3A_1104 = tpu.vector_load_idx %arg5[%get3A_1103] : memref<100352xf32, #tpu.memory_space<vmem>>[vector<16xi32>], vector<16xf32>,
      %swap3A_1105 = arith.constant 0 : i32
      %swap3A_1106 = arith.index_cast %swap3A_1105 : i32 to index
      %swap3A_1107 = arith.index_cast %scan3A_1076 : i32 to index
      %swap3A_1108 = arith.constant 32 : index
      %swap3A_1109 = tpu.vector_load %arg7[%swap3A_1106, %swap3A_1107, %swap3A_1108] {strides = array<i32>} : memref<2x32x128xf32, #tpu.memory_space<vmem>>, vector<16xf32>,
      tpu.vector_store %arg7[%swap3A_1106, %swap3A_1107, %swap3A_1108], %gather3A_1104 {strides = array<i32>} : memref<2x32x128xf32, #tpu.memory_space<vmem>>, vector<16xf32>,
      %get3A_1110 = arith.constant 0 : i32
      %get3A_1111 = arith.index_cast %get3A_1110 : i32 to index
      %get3A_1112 = arith.index_cast %scan3A_1076 : i32 to index
      %get3A_1113 = arith.constant 48 : index
      %get3A_1114 = tpu.vector_load %arg6[%get3A_1111, %get3A_1112, %get3A_1113] {strides = array<i32>} : memref<2x32x100xi32, #tpu.memory_space<vmem>>, vector<16xi32>,
      %gather3A_1115 = tpu.vector_load_idx %arg5[%get3A_1114] : memref<100352xf32, #tpu.memory_space<vmem>>[vector<16xi32>], vector<16xf32>,
      %swap3A_1116 = arith.constant 0 : i32
      %swap3A_1117 = arith.index_cast %swap3A_1116 : i32 to index
      %swap3A_1118 = arith.index_cast %scan3A_1076 : i32 to index
      %swap3A_1119 = arith.constant 48 : index
      %swap3A_1120 = tpu.vector_load %arg7[%swap3A_1117, %swap3A_1118, %swap3A_1119] {strides = array<i32>} : memref<2x32x128xf32, #tpu.memory_space<vmem>>, vector<16xf32>,
      tpu.vector_store %arg7[%swap3A_1117, %swap3A_1118, %swap3A_1119], %gather3A_1115 {strides = array<i32>} : memref<2x32x128xf32, #tpu.memory_space<vmem>>, vector<16xf32>,
      %get3A_1121 = arith.constant 0 : i32
      %get3A_1122 = arith.index_cast %get3A_1121 : i32 to index
      %get3A_1123 = arith.index_cast %scan3A_1076 : i32 to index
      %get3A_1124 = arith.constant 64 : index
      %get3A_1125 = tpu.vector_load %arg6[%get3A_1122, %get3A_1123, %get3A_1124] {strides = array<i32>} : memref<2x32x100xi32, #tpu.memory_space<vmem>>, vector<16xi32>,
      %gather3A_1126 = tpu.vector_load_idx %arg5[%get3A_1125] : memref<100352xf32, #tpu.memory_space<vmem>>[vector<16xi32>], vector<16xf32>,
      %swap3A_1127 = arith.constant 0 : i32
      %swap3A_1128 = arith.index_cast %swap3A_1127 : i32 to index
      %swap3A_1129 = arith.index_cast %scan3A_1076 : i32 to index
      %swap3A_1130 = arith.constant 64 : index
      %swap3A_1131 = tpu.vector_load %arg7[%swap3A_1128, %swap3A_1129, %swap3A_1130] {strides = array<i32>} : memref<2x32x128xf32, #tpu.memory_space<vmem>>, vector<16xf32>,
      tpu.vector_store %arg7[%swap3A_1128, %swap3A_1129, %swap3A_1130], %gather3A_1126 {strides = array<i32>} : memref<2x32x128xf32, #tpu.memory_space<vmem>>, vector<16xf32>,
      %get3A_1132 = arith.constant 0 : i32
      %get3A_1133 = arith.index_cast %get3A_1132 : i32 to index
      %get3A_1134 = arith.index_cast %scan3A_1076 : i32 to index
      %get3A_1135 = arith.constant 80 : index
      %get3A_1136 = tpu.vector_load %arg6[%get3A_1133, %get3A_1134, %get3A_1135] {strides = array<i32>} : memref<2x32x100xi32, #tpu.memory_space<vmem>>, vector<16xi32>,
      %gather3A_1137 = tpu.vector_load_idx %arg5[%get3A_1136] : memref<100352xf32, #tpu.memory_space<vmem>>[vector<16xi32>], vector<16xf32>,
      %swap3A_1138 = arith.constant 0 : i32
      %swap3A_1139 = arith.index_cast %swap3A_1138 : i32 to index
      %swap3A_1140 = arith.index_cast %scan3A_1076 : i32 to index
      %swap3A_1141 = arith.constant 80 : index
      %swap3A_1142 = tpu.vector_load %arg7[%swap3A_1139, %swap3A_1140, %swap3A_1141] {strides = array<i32>} : memref<2x32x128xf32, #tpu.memory_space<vmem>>, vector<16xf32>,
      tpu.vector_store %arg7[%swap3A_1139, %swap3A_1140, %swap3A_1141], %gather3A_1137 {strides = array<i32>} : memref<2x32x128xf32, #tpu.memory_space<vmem>>, vector<16xf32>,
      %get3A_1143 = arith.constant 0 : i32
      %get3A_1144 = arith.index_cast %get3A_1143 : i32 to index
      %get3A_1145 = arith.index_cast %scan3A_1076 : i32 to index
      %get3A_1146 = arith.constant 84 : index
      %get3A_1147 = tpu.vector_load %arg6[%get3A_1144, %get3A_1145, %get3A_1146] {strides = array<i32>} : memref<2x32x100xi32, #tpu.memory_space<vmem>>, vector<16xi32>,
      %gather3A_1148 = tpu.vector_load_idx %arg5[%get3A_1147] : memref<100352xf32, #tpu.memory_space<vmem>>[vector<16xi32>], vector<16xf32>,
      %swap3A_1149 = arith.constant 0 : i32
      %swap3A_1150 = arith.index_cast %swap3A_1149 : i32 to index
      %swap3A_1151 = arith.index_cast %scan3A_1076 : i32 to index
      %swap3A_1152 = arith.constant 84 : index
      %swap3A_1153 = tpu.vector_load %arg7[%swap3A_1150, %swap3A_1151, %swap3A_1152] {strides = array<i32>} : memref<2x32x128xf32, #tpu.memory_space<vmem>>, vector<16xf32>,
      tpu.vector_store %arg7[%swap3A_1150, %swap3A_1151, %swap3A_1152], %gather3A_1148 {strides = array<i32>} : memref<2x32x128xf32, #tpu.memory_space<vmem>>, vector<16xf32>,
      %scan3A_1154 = arith.constant 0 : i32
      scf.yield %scan3A_1154 : i32
    }
    %scan3A_308 = arith.constant 32 : i32
    %add3A_309 = arith.constant 128 : i32
    %add3A_310 = arith.addi %mul3A_2, %add3A_309 : i32
    %dma_start3A_311 = arith.constant 0 : i32
    %dma_start3A_312 = arith.constant 0 : i32
    %dma_start3A_313 = arith.constant 0 : i32
    %dma_start3A_314 = tpu.memref_slice %arg7[%dma_start3A_311, %dma_start3A_312, %dma_start3A_313] : memref<2x32x128xf32, #tpu.memory_space<vmem>> -> memref<1x32x128xf32, #tpu.memory_space<vmem>>
    %dma_start3A_315 = tpu.memref_squeeze %dma_start3A_314 : memref<1x32x128xf32, #tpu.memory_space<vmem>> -> memref<32x128xf32, #tpu.memory_space<vmem>>
    %dma_start3A_316 = arith.constant 0 : i32
    %dma_start3A_317 = tpu.memref_slice %arg4[%add3A_310, %dma_start3A_316] : memref<16384x128xf32, #tpu.memory_space<hbm>> -> memref<32x128xf32, #tpu.memory_space<hbm>>
    %dma_start3A_318 = arith.constant 0 : i32
    %dma_start3A_319 = tpu.memref_slice %arg4[%add3A_310, %dma_start3A_318] : memref<16384x128xf32, #tpu.memory_space<hbm>> -> memref<32x128xf32, #tpu.memory_space<hbm>>
    %dma_start3A_320 = arith.constant 0 : i32
    %dma_start3A_321 = arith.constant 0 : i32
    %dma_start3A_322 = tpu.memref_slice %arg7[%dma_start3A_311, %dma_start3A_320, %dma_start3A_321] : memref<2x32x128xf32, #tpu.memory_space<vmem>> -> memref<1x32x128xf32, #tpu.memory_space<vmem>>
    %dma_start3A_323 = tpu.memref_squeeze %dma_start3A_322 : memref<1x32x128xf32, #tpu.memory_space<vmem>> -> memref<32x128xf32, #tpu.memory_space<vmem>>
    tpu.enqueue_dma source(%dma_start3A_323 : memref<32x128xf32, #tpu.memory_space<vmem>>) target(%dma_start3A_319 : memref<32x128xf32, #tpu.memory_space<hbm>>) target_semaphore(%arg11 : memref<!tpu.dma_semaphore, #tpu.memory_space<semaphore_mem>>)
    %add3A_324 = arith.constant 192 : i32
    %add3A_325 = arith.addi %mul3A_2, %add3A_324 : i32
    %dma_start3A_326 = arith.constant 0 : i32
    %dma_start3A_327 = arith.constant 0 : i32
    %dma_start3A_328 = arith.constant 0 : i32
    %dma_start3A_329 = tpu.memref_slice %arg6[%dma_start3A_326, %dma_start3A_327, %dma_start3A_328] : memref<2x32x100xi32, #tpu.memory_space<vmem>> -> memref<1x32x100xi32, #tpu.memory_space<vmem>>
    %dma_start3A_330 = tpu.memref_squeeze %dma_start3A_329 : memref<1x32x100xi32, #tpu.memory_space<vmem>> -> memref<32x100xi32, #tpu.memory_space<vmem>>
    %dma_start3A_331 = arith.constant 0 : i32
    %dma_start3A_332 = tpu.memref_slice %arg3[%add3A_325, %dma_start3A_331] : memref<16384x100xi32, #tpu.memory_space<hbm>> -> memref<32x100xi32, #tpu.memory_space<hbm>>
    %dma_start3A_333 = arith.constant 0 : i32
    %dma_start3A_334 = arith.constant 0 : i32
    %dma_start3A_335 = tpu.memref_slice %arg6[%dma_start3A_326, %dma_start3A_333, %dma_start3A_334] : memref<2x32x100xi32, #tpu.memory_space<vmem>> -> memref<1x32x100xi32, #tpu.memory_space<vmem>>
    %dma_start3A_336 = tpu.memref_squeeze %dma_start3A_335 : memref<1x32x100xi32, #tpu.memory_space<vmem>> -> memref<32x100xi32, #tpu.memory_space<vmem>>
    %dma_start3A_337 = arith.constant 0 : i32
    %dma_start3A_338 = tpu.memref_slice %arg3[%add3A_325, %dma_start3A_337] : memref<16384x100xi32, #tpu.memory_space<hbm>> -> memref<32x100xi32, #tpu.memory_space<hbm>>
    tpu.enqueue_dma source(%dma_start3A_338 : memref<32x100xi32, #tpu.memory_space<hbm>>) target(%dma_start3A_336 : memref<32x100xi32, #tpu.memory_space<vmem>>) target_semaphore(%arg9 : memref<!tpu.dma_semaphore, #tpu.memory_space<semaphore_mem>>)
    %add3A_339 = arith.constant 160 : i32
    %add3A_340 = arith.addi %mul3A_2, %add3A_339 : i32
    %dma_wait3A_341 = arith.constant 1 : i32
    %dma_wait3A_342 = arith.constant 0 : i32
    %dma_wait3A_343 = arith.constant 0 : i32
    %dma_wait3A_344 = tpu.memref_slice %arg6[%dma_wait3A_341, %dma_wait3A_342, %dma_wait3A_343] : memref<2x32x100xi32, #tpu.memory_space<vmem>> -> memref<1x32x100xi32, #tpu.memory_space<vmem>>
    %dma_wait3A_345 = tpu.memref_squeeze %dma_wait3A_344 : memref<1x32x100xi32, #tpu.memory_space<vmem>> -> memref<32x100xi32, #tpu.memory_space<vmem>>
    %dma_wait3A_346 = arith.constant 0 : i32
    %dma_wait3A_347 = tpu.memref_slice %arg3[%add3A_340, %dma_wait3A_346] : memref<16384x100xi32, #tpu.memory_space<hbm>> -> memref<32x100xi32, #tpu.memory_space<hbm>>
    %dma_wait3A_348 = arith.constant 0 : i32
    %dma_wait3A_349 = arith.constant 0 : i32
    %dma_wait3A_350 = tpu.memref_slice %arg6[%dma_wait3A_341, %dma_wait3A_348, %dma_wait3A_349] : memref<2x32x100xi32, #tpu.memory_space<vmem>> -> memref<1x32x100xi32, #tpu.memory_space<vmem>>
    %dma_wait3A_351 = tpu.memref_squeeze %dma_wait3A_350 : memref<1x32x100xi32, #tpu.memory_space<vmem>> -> memref<32x100xi32, #tpu.memory_space<vmem>>
    %dma_wait3A_352 = arith.constant 0 : i32
    %dma_wait3A_353 = tpu.memref_slice %arg3[%add3A_340, %dma_wait3A_352] : memref<16384x100xi32, #tpu.memory_space<hbm>> -> memref<32x100xi32, #tpu.memory_space<hbm>>
    tpu.wait_dma2 semaphore(%arg10 : memref<!tpu.dma_semaphore, #tpu.memory_space<semaphore_mem>>) src(%dma_wait3A_353 : memref<32x100xi32, #tpu.memory_space<hbm>>) dst(%dma_wait3A_351 : memref<32x100xi32, #tpu.memory_space<vmem>>)
    %add3A_354 = arith.constant 96 : i32
    %add3A_355 = arith.addi %mul3A_2, %add3A_354 : i32
    %dma_wait3A_356 = arith.constant 1 : i32
    %dma_wait3A_357 = arith.constant 0 : i32
    %dma_wait3A_358 = arith.constant 0 : i32
    %dma_wait3A_359 = tpu.memref_slice %arg7[%dma_wait3A_356, %dma_wait3A_357, %dma_wait3A_358] : memref<2x32x128xf32, #tpu.memory_space<vmem>> -> memref<1x32x128xf32, #tpu.memory_space<vmem>>
    %dma_wait3A_360 = tpu.memref_squeeze %dma_wait3A_359 : memref<1x32x128xf32, #tpu.memory_space<vmem>> -> memref<32x128xf32, #tpu.memory_space<vmem>>
    %dma_wait3A_361 = arith.constant 0 : i32
    %dma_wait3A_362 = tpu.memref_slice %arg4[%add3A_355, %dma_wait3A_361] : memref<16384x128xf32, #tpu.memory_space<hbm>> -> memref<32x128xf32, #tpu.memory_space<hbm>>
    %dma_wait3A_363 = arith.constant 0 : i32
    %dma_wait3A_364 = tpu.memref_slice %arg4[%add3A_355, %dma_wait3A_363] : memref<16384x128xf32, #tpu.memory_space<hbm>> -> memref<32x128xf32, #tpu.memory_space<hbm>>
    %dma_wait3A_365 = arith.constant 0 : i32
    %dma_wait3A_366 = arith.constant 0 : i32
    %dma_wait3A_367 = tpu.memref_slice %arg7[%dma_wait3A_356, %dma_wait3A_365, %dma_wait3A_366] : memref<2x32x128xf32, #tpu.memory_space<vmem>> -> memref<1x32x128xf32, #tpu.memory_space<vmem>>
    %dma_wait3A_368 = tpu.memref_squeeze %dma_wait3A_367 : memref<1x32x128xf32, #tpu.memory_space<vmem>> -> memref<32x128xf32, #tpu.memory_space<vmem>>
    tpu.wait_dma2 semaphore(%arg12 : memref<!tpu.dma_semaphore, #tpu.memory_space<semaphore_mem>>) src(%dma_wait3A_368 : memref<32x128xf32, #tpu.memory_space<vmem>>) dst(%dma_wait3A_364 : memref<32x128xf32, #tpu.memory_space<hbm>>)
    %scan3A_369 = arith.constant 0 : i32
    %scan3A_370 = arith.constant 0 : i32
    %scan3A_371 = arith.constant 32 : i32
    %scan3A_372 = arith.addi %scan3A_370, %scan3A_371 : i32
    %scan3A_373 = arith.constant 1 : i32
    %scan3A_374 = scf.for %scan3A_1076 = %scan3A_370 to %scan3A_372 step %scan3A_373 iter_args(%scan3A_1077 = %scan3A_369) -> (i32)  : i32 {
      %get3A_1078 = arith.constant 1 : i32
      %get3A_1079 = arith.index_cast %get3A_1078 : i32 to index
      %get3A_1080 = arith.index_cast %scan3A_1076 : i32 to index
      %get3A_1081 = arith.constant 0 : index
      %get3A_1082 = tpu.vector_load %arg6[%get3A_1079, %get3A_1080, %get3A_1081] {strides = array<i32>} : memref<2x32x100xi32, #tpu.memory_space<vmem>>, vector<16xi32>,
      %gather3A = tpu.vector_load_idx %arg5[%get3A_1082] : memref<100352xf32, #tpu.memory_space<vmem>>[vector<16xi32>], vector<16xf32>,
      %swap3A_1083 = arith.constant 1 : i32
      %swap3A_1084 = arith.index_cast %swap3A_1083 : i32 to index
      %swap3A_1085 = arith.index_cast %scan3A_1076 : i32 to index
      %swap3A_1086 = arith.constant 0 : index
      %swap3A_1087 = tpu.vector_load %arg7[%swap3A_1084, %swap3A_1085, %swap3A_1086] {strides = array<i32>} : memref<2x32x128xf32, #tpu.memory_space<vmem>>, vector<16xf32>,
      tpu.vector_store %arg7[%swap3A_1084, %swap3A_1085, %swap3A_1086], %gather3A {strides = array<i32>} : memref<2x32x128xf32, #tpu.memory_space<vmem>>, vector<16xf32>,
      %get3A_1088 = arith.constant 1 : i32
      %get3A_1089 = arith.index_cast %get3A_1088 : i32 to index
      %get3A_1090 = arith.index_cast %scan3A_1076 : i32 to index
      %get3A_1091 = arith.constant 16 : index
      %get3A_1092 = tpu.vector_load %arg6[%get3A_1089, %get3A_1090, %get3A_1091] {strides = array<i32>} : memref<2x32x100xi32, #tpu.memory_space<vmem>>, vector<16xi32>,
      %gather3A_1093 = tpu.vector_load_idx %arg5[%get3A_1092] : memref<100352xf32, #tpu.memory_space<vmem>>[vector<16xi32>], vector<16xf32>,
      %swap3A_1094 = arith.constant 1 : i32
      %swap3A_1095 = arith.index_cast %swap3A_1094 : i32 to index
      %swap3A_1096 = arith.index_cast %scan3A_1076 : i32 to index
      %swap3A_1097 = arith.constant 16 : index
      %swap3A_1098 = tpu.vector_load %arg7[%swap3A_1095, %swap3A_1096, %swap3A_1097] {strides = array<i32>} : memref<2x32x128xf32, #tpu.memory_space<vmem>>, vector<16xf32>,
      tpu.vector_store %arg7[%swap3A_1095, %swap3A_1096, %swap3A_1097], %gather3A_1093 {strides = array<i32>} : memref<2x32x128xf32, #tpu.memory_space<vmem>>, vector<16xf32>,
      %get3A_1099 = arith.constant 1 : i32
      %get3A_1100 = arith.index_cast %get3A_1099 : i32 to index
      %get3A_1101 = arith.index_cast %scan3A_1076 : i32 to index
      %get3A_1102 = arith.constant 32 : index
      %get3A_1103 = tpu.vector_load %arg6[%get3A_1100, %get3A_1101, %get3A_1102] {strides = array<i32>} : memref<2x32x100xi32, #tpu.memory_space<vmem>>, vector<16xi32>,
      %gather3A_1104 = tpu.vector_load_idx %arg5[%get3A_1103] : memref<100352xf32, #tpu.memory_space<vmem>>[vector<16xi32>], vector<16xf32>,
      %swap3A_1105 = arith.constant 1 : i32
      %swap3A_1106 = arith.index_cast %swap3A_1105 : i32 to index
      %swap3A_1107 = arith.index_cast %scan3A_1076 : i32 to index
      %swap3A_1108 = arith.constant 32 : index
      %swap3A_1109 = tpu.vector_load %arg7[%swap3A_1106, %swap3A_1107, %swap3A_1108] {strides = array<i32>} : memref<2x32x128xf32, #tpu.memory_space<vmem>>, vector<16xf32>,
      tpu.vector_store %arg7[%swap3A_1106, %swap3A_1107, %swap3A_1108], %gather3A_1104 {strides = array<i32>} : memref<2x32x128xf32, #tpu.memory_space<vmem>>, vector<16xf32>,
      %get3A_1110 = arith.constant 1 : i32
      %get3A_1111 = arith.index_cast %get3A_1110 : i32 to index
      %get3A_1112 = arith.index_cast %scan3A_1076 : i32 to index
      %get3A_1113 = arith.constant 48 : index
      %get3A_1114 = tpu.vector_load %arg6[%get3A_1111, %get3A_1112, %get3A_1113] {strides = array<i32>} : memref<2x32x100xi32, #tpu.memory_space<vmem>>, vector<16xi32>,
      %gather3A_1115 = tpu.vector_load_idx %arg5[%get3A_1114] : memref<100352xf32, #tpu.memory_space<vmem>>[vector<16xi32>], vector<16xf32>,
      %swap3A_1116 = arith.constant 1 : i32
      %swap3A_1117 = arith.index_cast %swap3A_1116 : i32 to index
      %swap3A_1118 = arith.index_cast %scan3A_1076 : i32 to index
      %swap3A_1119 = arith.constant 48 : index
      %swap3A_1120 = tpu.vector_load %arg7[%swap3A_1117, %swap3A_1118, %swap3A_1119] {strides = array<i32>} : memref<2x32x128xf32, #tpu.memory_space<vmem>>, vector<16xf32>,
      tpu.vector_store %arg7[%swap3A_1117, %swap3A_1118, %swap3A_1119], %gather3A_1115 {strides = array<i32>} : memref<2x32x128xf32, #tpu.memory_space<vmem>>, vector<16xf32>,
      %get3A_1121 = arith.constant 1 : i32
      %get3A_1122 = arith.index_cast %get3A_1121 : i32 to index
      %get3A_1123 = arith.index_cast %scan3A_1076 : i32 to index
      %get3A_1124 = arith.constant 64 : index
      %get3A_1125 = tpu.vector_load %arg6[%get3A_1122, %get3A_1123, %get3A_1124] {strides = array<i32>} : memref<2x32x100xi32, #tpu.memory_space<vmem>>, vector<16xi32>,
      %gather3A_1126 = tpu.vector_load_idx %arg5[%get3A_1125] : memref<100352xf32, #tpu.memory_space<vmem>>[vector<16xi32>], vector<16xf32>,
      %swap3A_1127 = arith.constant 1 : i32
      %swap3A_1128 = arith.index_cast %swap3A_1127 : i32 to index
      %swap3A_1129 = arith.index_cast %scan3A_1076 : i32 to index
      %swap3A_1130 = arith.constant 64 : index
      %swap3A_1131 = tpu.vector_load %arg7[%swap3A_1128, %swap3A_1129, %swap3A_1130] {strides = array<i32>} : memref<2x32x128xf32, #tpu.memory_space<vmem>>, vector<16xf32>,
      tpu.vector_store %arg7[%swap3A_1128, %swap3A_1129, %swap3A_1130], %gather3A_1126 {strides = array<i32>} : memref<2x32x128xf32, #tpu.memory_space<vmem>>, vector<16xf32>,
      %get3A_1132 = arith.constant 1 : i32
      %get3A_1133 = arith.index_cast %get3A_1132 : i32 to index
      %get3A_1134 = arith.index_cast %scan3A_1076 : i32 to index
      %get3A_1135 = arith.constant 80 : index
      %get3A_1136 = tpu.vector_load %arg6[%get3A_1133, %get3A_1134, %get3A_1135] {strides = array<i32>} : memref<2x32x100xi32, #tpu.memory_space<vmem>>, vector<16xi32>,
      %gather3A_1137 = tpu.vector_load_idx %arg5[%get3A_1136] : memref<100352xf32, #tpu.memory_space<vmem>>[vector<16xi32>], vector<16xf32>,
      %swap3A_1138 = arith.constant 1 : i32
      %swap3A_1139 = arith.index_cast %swap3A_1138 : i32 to index
      %swap3A_1140 = arith.index_cast %scan3A_1076 : i32 to index
      %swap3A_1141 = arith.constant 80 : index
      %swap3A_1142 = tpu.vector_load %arg7[%swap3A_1139, %swap3A_1140, %swap3A_1141] {strides = array<i32>} : memref<2x32x128xf32, #tpu.memory_space<vmem>>, vector<16xf32>,
      tpu.vector_store %arg7[%swap3A_1139, %swap3A_1140, %swap3A_1141], %gather3A_1137 {strides = array<i32>} : memref<2x32x128xf32, #tpu.memory_space<vmem>>, vector<16xf32>,
      %get3A_1143 = arith.constant 1 : i32
      %get3A_1144 = arith.index_cast %get3A_1143 : i32 to index
      %get3A_1145 = arith.index_cast %scan3A_1076 : i32 to index
      %get3A_1146 = arith.constant 84 : index
      %get3A_1147 = tpu.vector_load %arg6[%get3A_1144, %get3A_1145, %get3A_1146] {strides = array<i32>} : memref<2x32x100xi32, #tpu.memory_space<vmem>>, vector<16xi32>,
      %gather3A_1148 = tpu.vector_load_idx %arg5[%get3A_1147] : memref<100352xf32, #tpu.memory_space<vmem>>[vector<16xi32>], vector<16xf32>,
      %swap3A_1149 = arith.constant 1 : i32
      %swap3A_1150 = arith.index_cast %swap3A_1149 : i32 to index
      %swap3A_1151 = arith.index_cast %scan3A_1076 : i32 to index
      %swap3A_1152 = arith.constant 84 : index
      %swap3A_1153 = tpu.vector_load %arg7[%swap3A_1150, %swap3A_1151, %swap3A_1152] {strides = array<i32>} : memref<2x32x128xf32, #tpu.memory_space<vmem>>, vector<16xf32>,
      tpu.vector_store %arg7[%swap3A_1150, %swap3A_1151, %swap3A_1152], %gather3A_1148 {strides = array<i32>} : memref<2x32x128xf32, #tpu.memory_space<vmem>>, vector<16xf32>,
      %scan3A_1154 = arith.constant 0 : i32
      scf.yield %scan3A_1154 : i32
    }
    %scan3A_375 = arith.constant 32 : i32
    %add3A_376 = arith.constant 160 : i32
    %add3A_377 = arith.addi %mul3A_2, %add3A_376 : i32
    %dma_start3A_378 = arith.constant 1 : i32
    %dma_start3A_379 = arith.constant 0 : i32
    %dma_start3A_380 = arith.constant 0 : i32
    %dma_start3A_381 = tpu.memref_slice %arg7[%dma_start3A_378, %dma_start3A_379, %dma_start3A_380] : memref<2x32x128xf32, #tpu.memory_space<vmem>> -> memref<1x32x128xf32, #tpu.memory_space<vmem>>
    %dma_start3A_382 = tpu.memref_squeeze %dma_start3A_381 : memref<1x32x128xf32, #tpu.memory_space<vmem>> -> memref<32x128xf32, #tpu.memory_space<vmem>>
    %dma_start3A_383 = arith.constant 0 : i32
    %dma_start3A_384 = tpu.memref_slice %arg4[%add3A_377, %dma_start3A_383] : memref<16384x128xf32, #tpu.memory_space<hbm>> -> memref<32x128xf32, #tpu.memory_space<hbm>>
    %dma_start3A_385 = arith.constant 0 : i32
    %dma_start3A_386 = tpu.memref_slice %arg4[%add3A_377, %dma_start3A_385] : memref<16384x128xf32, #tpu.memory_space<hbm>> -> memref<32x128xf32, #tpu.memory_space<hbm>>
    %dma_start3A_387 = arith.constant 0 : i32
    %dma_start3A_388 = arith.constant 0 : i32
    %dma_start3A_389 = tpu.memref_slice %arg7[%dma_start3A_378, %dma_start3A_387, %dma_start3A_388] : memref<2x32x128xf32, #tpu.memory_space<vmem>> -> memref<1x32x128xf32, #tpu.memory_space<vmem>>
    %dma_start3A_390 = tpu.memref_squeeze %dma_start3A_389 : memref<1x32x128xf32, #tpu.memory_space<vmem>> -> memref<32x128xf32, #tpu.memory_space<vmem>>
    tpu.enqueue_dma source(%dma_start3A_390 : memref<32x128xf32, #tpu.memory_space<vmem>>) target(%dma_start3A_386 : memref<32x128xf32, #tpu.memory_space<hbm>>) target_semaphore(%arg12 : memref<!tpu.dma_semaphore, #tpu.memory_space<semaphore_mem>>)
    %add3A_391 = arith.constant 224 : i32
    %add3A_392 = arith.addi %mul3A_2, %add3A_391 : i32
    %dma_start3A_393 = arith.constant 1 : i32
    %dma_start3A_394 = arith.constant 0 : i32
    %dma_start3A_395 = arith.constant 0 : i32
    %dma_start3A_396 = tpu.memref_slice %arg6[%dma_start3A_393, %dma_start3A_394, %dma_start3A_395] : memref<2x32x100xi32, #tpu.memory_space<vmem>> -> memref<1x32x100xi32, #tpu.memory_space<vmem>>
    %dma_start3A_397 = tpu.memref_squeeze %dma_start3A_396 : memref<1x32x100xi32, #tpu.memory_space<vmem>> -> memref<32x100xi32, #tpu.memory_space<vmem>>
    %dma_start3A_398 = arith.constant 0 : i32
    %dma_start3A_399 = tpu.memref_slice %arg3[%add3A_392, %dma_start3A_398] : memref<16384x100xi32, #tpu.memory_space<hbm>> -> memref<32x100xi32, #tpu.memory_space<hbm>>
    %dma_start3A_400 = arith.constant 0 : i32
    %dma_start3A_401 = arith.constant 0 : i32
    %dma_start3A_402 = tpu.memref_slice %arg6[%dma_start3A_393, %dma_start3A_400, %dma_start3A_401] : memref<2x32x100xi32, #tpu.memory_space<vmem>> -> memref<1x32x100xi32, #tpu.memory_space<vmem>>
    %dma_start3A_403 = tpu.memref_squeeze %dma_start3A_402 : memref<1x32x100xi32, #tpu.memory_space<vmem>> -> memref<32x100xi32, #tpu.memory_space<vmem>>
    %dma_start3A_404 = arith.constant 0 : i32
    %dma_start3A_405 = tpu.memref_slice %arg3[%add3A_392, %dma_start3A_404] : memref<16384x100xi32, #tpu.memory_space<hbm>> -> memref<32x100xi32, #tpu.memory_space<hbm>>
    tpu.enqueue_dma source(%dma_start3A_405 : memref<32x100xi32, #tpu.memory_space<hbm>>) target(%dma_start3A_403 : memref<32x100xi32, #tpu.memory_space<vmem>>) target_semaphore(%arg10 : memref<!tpu.dma_semaphore, #tpu.memory_space<semaphore_mem>>)
    %add3A_406 = arith.constant 192 : i32
    %add3A_407 = arith.addi %mul3A_2, %add3A_406 : i32
    %dma_wait3A_408 = arith.constant 0 : i32
    %dma_wait3A_409 = arith.constant 0 : i32
    %dma_wait3A_410 = arith.constant 0 : i32
    %dma_wait3A_411 = tpu.memref_slice %arg6[%dma_wait3A_408, %dma_wait3A_409, %dma_wait3A_410] : memref<2x32x100xi32, #tpu.memory_space<vmem>> -> memref<1x32x100xi32, #tpu.memory_space<vmem>>
    %dma_wait3A_412 = tpu.memref_squeeze %dma_wait3A_411 : memref<1x32x100xi32, #tpu.memory_space<vmem>> -> memref<32x100xi32, #tpu.memory_space<vmem>>
    %dma_wait3A_413 = arith.constant 0 : i32
    %dma_wait3A_414 = tpu.memref_slice %arg3[%add3A_407, %dma_wait3A_413] : memref<16384x100xi32, #tpu.memory_space<hbm>> -> memref<32x100xi32, #tpu.memory_space<hbm>>
    %dma_wait3A_415 = arith.constant 0 : i32
    %dma_wait3A_416 = arith.constant 0 : i32
    %dma_wait3A_417 = tpu.memref_slice %arg6[%dma_wait3A_408, %dma_wait3A_415, %dma_wait3A_416] : memref<2x32x100xi32, #tpu.memory_space<vmem>> -> memref<1x32x100xi32, #tpu.memory_space<vmem>>
    %dma_wait3A_418 = tpu.memref_squeeze %dma_wait3A_417 : memref<1x32x100xi32, #tpu.memory_space<vmem>> -> memref<32x100xi32, #tpu.memory_space<vmem>>
    %dma_wait3A_419 = arith.constant 0 : i32
    %dma_wait3A_420 = tpu.memref_slice %arg3[%add3A_407, %dma_wait3A_419] : memref<16384x100xi32, #tpu.memory_space<hbm>> -> memref<32x100xi32, #tpu.memory_space<hbm>>
    tpu.wait_dma2 semaphore(%arg9 : memref<!tpu.dma_semaphore, #tpu.memory_space<semaphore_mem>>) src(%dma_wait3A_420 : memref<32x100xi32, #tpu.memory_space<hbm>>) dst(%dma_wait3A_418 : memref<32x100xi32, #tpu.memory_space<vmem>>)
    %add3A_421 = arith.constant 128 : i32
    %add3A_422 = arith.addi %mul3A_2, %add3A_421 : i32
    %dma_wait3A_423 = arith.constant 0 : i32
    %dma_wait3A_424 = arith.constant 0 : i32
    %dma_wait3A_425 = arith.constant 0 : i32
    %dma_wait3A_426 = tpu.memref_slice %arg7[%dma_wait3A_423, %dma_wait3A_424, %dma_wait3A_425] : memref<2x32x128xf32, #tpu.memory_space<vmem>> -> memref<1x32x128xf32, #tpu.memory_space<vmem>>
    %dma_wait3A_427 = tpu.memref_squeeze %dma_wait3A_426 : memref<1x32x128xf32, #tpu.memory_space<vmem>> -> memref<32x128xf32, #tpu.memory_space<vmem>>
    %dma_wait3A_428 = arith.constant 0 : i32
    %dma_wait3A_429 = tpu.memref_slice %arg4[%add3A_422, %dma_wait3A_428] : memref<16384x128xf32, #tpu.memory_space<hbm>> -> memref<32x128xf32, #tpu.memory_space<hbm>>
    %dma_wait3A_430 = arith.constant 0 : i32
    %dma_wait3A_431 = tpu.memref_slice %arg4[%add3A_422, %dma_wait3A_430] : memref<16384x128xf32, #tpu.memory_space<hbm>> -> memref<32x128xf32, #tpu.memory_space<hbm>>
    %dma_wait3A_432 = arith.constant 0 : i32
    %dma_wait3A_433 = arith.constant 0 : i32
    %dma_wait3A_434 = tpu.memref_slice %arg7[%dma_wait3A_423, %dma_wait3A_432, %dma_wait3A_433] : memref<2x32x128xf32, #tpu.memory_space<vmem>> -> memref<1x32x128xf32, #tpu.memory_space<vmem>>
    %dma_wait3A_435 = tpu.memref_squeeze %dma_wait3A_434 : memref<1x32x128xf32, #tpu.memory_space<vmem>> -> memref<32x128xf32, #tpu.memory_space<vmem>>
    tpu.wait_dma2 semaphore(%arg11 : memref<!tpu.dma_semaphore, #tpu.memory_space<semaphore_mem>>) src(%dma_wait3A_435 : memref<32x128xf32, #tpu.memory_space<vmem>>) dst(%dma_wait3A_431 : memref<32x128xf32, #tpu.memory_space<hbm>>)
    %scan3A_436 = arith.constant 0 : i32
    %scan3A_437 = arith.constant 0 : i32
    %scan3A_438 = arith.constant 32 : i32
    %scan3A_439 = arith.addi %scan3A_437, %scan3A_438 : i32
    %scan3A_440 = arith.constant 1 : i32
    %scan3A_441 = scf.for %scan3A_1076 = %scan3A_437 to %scan3A_439 step %scan3A_440 iter_args(%scan3A_1077 = %scan3A_436) -> (i32)  : i32 {
      %get3A_1078 = arith.constant 0 : i32
      %get3A_1079 = arith.index_cast %get3A_1078 : i32 to index
      %get3A_1080 = arith.index_cast %scan3A_1076 : i32 to index
      %get3A_1081 = arith.constant 0 : index
      %get3A_1082 = tpu.vector_load %arg6[%get3A_1079, %get3A_1080, %get3A_1081] {strides = array<i32>} : memref<2x32x100xi32, #tpu.memory_space<vmem>>, vector<16xi32>,
      %gather3A = tpu.vector_load_idx %arg5[%get3A_1082] : memref<100352xf32, #tpu.memory_space<vmem>>[vector<16xi32>], vector<16xf32>,
      %swap3A_1083 = arith.constant 0 : i32
      %swap3A_1084 = arith.index_cast %swap3A_1083 : i32 to index
      %swap3A_1085 = arith.index_cast %scan3A_1076 : i32 to index
      %swap3A_1086 = arith.constant 0 : index
      %swap3A_1087 = tpu.vector_load %arg7[%swap3A_1084, %swap3A_1085, %swap3A_1086] {strides = array<i32>} : memref<2x32x128xf32, #tpu.memory_space<vmem>>, vector<16xf32>,
      tpu.vector_store %arg7[%swap3A_1084, %swap3A_1085, %swap3A_1086], %gather3A {strides = array<i32>} : memref<2x32x128xf32, #tpu.memory_space<vmem>>, vector<16xf32>,
      %get3A_1088 = arith.constant 0 : i32
      %get3A_1089 = arith.index_cast %get3A_1088 : i32 to index
      %get3A_1090 = arith.index_cast %scan3A_1076 : i32 to index
      %get3A_1091 = arith.constant 16 : index
      %get3A_1092 = tpu.vector_load %arg6[%get3A_1089, %get3A_1090, %get3A_1091] {strides = array<i32>} : memref<2x32x100xi32, #tpu.memory_space<vmem>>, vector<16xi32>,
      %gather3A_1093 = tpu.vector_load_idx %arg5[%get3A_1092] : memref<100352xf32, #tpu.memory_space<vmem>>[vector<16xi32>], vector<16xf32>,
      %swap3A_1094 = arith.constant 0 : i32
      %swap3A_1095 = arith.index_cast %swap3A_1094 : i32 to index
      %swap3A_1096 = arith.index_cast %scan3A_1076 : i32 to index
      %swap3A_1097 = arith.constant 16 : index
      %swap3A_1098 = tpu.vector_load %arg7[%swap3A_1095, %swap3A_1096, %swap3A_1097] {strides = array<i32>} : memref<2x32x128xf32, #tpu.memory_space<vmem>>, vector<16xf32>,
      tpu.vector_store %arg7[%swap3A_1095, %swap3A_1096, %swap3A_1097], %gather3A_1093 {strides = array<i32>} : memref<2x32x128xf32, #tpu.memory_space<vmem>>, vector<16xf32>,
      %get3A_1099 = arith.constant 0 : i32
      %get3A_1100 = arith.index_cast %get3A_1099 : i32 to index
      %get3A_1101 = arith.index_cast %scan3A_1076 : i32 to index
      %get3A_1102 = arith.constant 32 : index
      %get3A_1103 = tpu.vector_load %arg6[%get3A_1100, %get3A_1101, %get3A_1102] {strides = array<i32>} : memref<2x32x100xi32, #tpu.memory_space<vmem>>, vector<16xi32>,
      %gather3A_1104 = tpu.vector_load_idx %arg5[%get3A_1103] : memref<100352xf32, #tpu.memory_space<vmem>>[vector<16xi32>], vector<16xf32>,
      %swap3A_1105 = arith.constant 0 : i32
      %swap3A_1106 = arith.index_cast %swap3A_1105 : i32 to index
      %swap3A_1107 = arith.index_cast %scan3A_1076 : i32 to index
      %swap3A_1108 = arith.constant 32 : index
      %swap3A_1109 = tpu.vector_load %arg7[%swap3A_1106, %swap3A_1107, %swap3A_1108] {strides = array<i32>} : memref<2x32x128xf32, #tpu.memory_space<vmem>>, vector<16xf32>,
      tpu.vector_store %arg7[%swap3A_1106, %swap3A_1107, %swap3A_1108], %gather3A_1104 {strides = array<i32>} : memref<2x32x128xf32, #tpu.memory_space<vmem>>, vector<16xf32>,
      %get3A_1110 = arith.constant 0 : i32
      %get3A_1111 = arith.index_cast %get3A_1110 : i32 to index
      %get3A_1112 = arith.index_cast %scan3A_1076 : i32 to index
      %get3A_1113 = arith.constant 48 : index
      %get3A_1114 = tpu.vector_load %arg6[%get3A_1111, %get3A_1112, %get3A_1113] {strides = array<i32>} : memref<2x32x100xi32, #tpu.memory_space<vmem>>, vector<16xi32>,
      %gather3A_1115 = tpu.vector_load_idx %arg5[%get3A_1114] : memref<100352xf32, #tpu.memory_space<vmem>>[vector<16xi32>], vector<16xf32>,
      %swap3A_1116 = arith.constant 0 : i32
      %swap3A_1117 = arith.index_cast %swap3A_1116 : i32 to index
      %swap3A_1118 = arith.index_cast %scan3A_1076 : i32 to index
      %swap3A_1119 = arith.constant 48 : index
      %swap3A_1120 = tpu.vector_load %arg7[%swap3A_1117, %swap3A_1118, %swap3A_1119] {strides = array<i32>} : memref<2x32x128xf32, #tpu.memory_space<vmem>>, vector<16xf32>,
      tpu.vector_store %arg7[%swap3A_1117, %swap3A_1118, %swap3A_1119], %gather3A_1115 {strides = array<i32>} : memref<2x32x128xf32, #tpu.memory_space<vmem>>, vector<16xf32>,
      %get3A_1121 = arith.constant 0 : i32
      %get3A_1122 = arith.index_cast %get3A_1121 : i32 to index
      %get3A_1123 = arith.index_cast %scan3A_1076 : i32 to index
      %get3A_1124 = arith.constant 64 : index
      %get3A_1125 = tpu.vector_load %arg6[%get3A_1122, %get3A_1123, %get3A_1124] {strides = array<i32>} : memref<2x32x100xi32, #tpu.memory_space<vmem>>, vector<16xi32>,
      %gather3A_1126 = tpu.vector_load_idx %arg5[%get3A_1125] : memref<100352xf32, #tpu.memory_space<vmem>>[vector<16xi32>], vector<16xf32>,
      %swap3A_1127 = arith.constant 0 : i32
      %swap3A_1128 = arith.index_cast %swap3A_1127 : i32 to index
      %swap3A_1129 = arith.index_cast %scan3A_1076 : i32 to index
      %swap3A_1130 = arith.constant 64 : index
      %swap3A_1131 = tpu.vector_load %arg7[%swap3A_1128, %swap3A_1129, %swap3A_1130] {strides = array<i32>} : memref<2x32x128xf32, #tpu.memory_space<vmem>>, vector<16xf32>,
      tpu.vector_store %arg7[%swap3A_1128, %swap3A_1129, %swap3A_1130], %gather3A_1126 {strides = array<i32>} : memref<2x32x128xf32, #tpu.memory_space<vmem>>, vector<16xf32>,
      %get3A_1132 = arith.constant 0 : i32
      %get3A_1133 = arith.index_cast %get3A_1132 : i32 to index
      %get3A_1134 = arith.index_cast %scan3A_1076 : i32 to index
      %get3A_1135 = arith.constant 80 : index
      %get3A_1136 = tpu.vector_load %arg6[%get3A_1133, %get3A_1134, %get3A_1135] {strides = array<i32>} : memref<2x32x100xi32, #tpu.memory_space<vmem>>, vector<16xi32>,
      %gather3A_1137 = tpu.vector_load_idx %arg5[%get3A_1136] : memref<100352xf32, #tpu.memory_space<vmem>>[vector<16xi32>], vector<16xf32>,
      %swap3A_1138 = arith.constant 0 : i32
      %swap3A_1139 = arith.index_cast %swap3A_1138 : i32 to index
      %swap3A_1140 = arith.index_cast %scan3A_1076 : i32 to index
      %swap3A_1141 = arith.constant 80 : index
      %swap3A_1142 = tpu.vector_load %arg7[%swap3A_1139, %swap3A_1140, %swap3A_1141] {strides = array<i32>} : memref<2x32x128xf32, #tpu.memory_space<vmem>>, vector<16xf32>,
      tpu.vector_store %arg7[%swap3A_1139, %swap3A_1140, %swap3A_1141], %gather3A_1137 {strides = array<i32>} : memref<2x32x128xf32, #tpu.memory_space<vmem>>, vector<16xf32>,
      %get3A_1143 = arith.constant 0 : i32
      %get3A_1144 = arith.index_cast %get3A_1143 : i32 to index
      %get3A_1145 = arith.index_cast %scan3A_1076 : i32 to index
      %get3A_1146 = arith.constant 84 : index
      %get3A_1147 = tpu.vector_load %arg6[%get3A_1144, %get3A_1145, %get3A_1146] {strides = array<i32>} : memref<2x32x100xi32, #tpu.memory_space<vmem>>, vector<16xi32>,
      %gather3A_1148 = tpu.vector_load_idx %arg5[%get3A_1147] : memref<100352xf32, #tpu.memory_space<vmem>>[vector<16xi32>], vector<16xf32>,
      %swap3A_1149 = arith.constant 0 : i32
      %swap3A_1150 = arith.index_cast %swap3A_1149 : i32 to index
      %swap3A_1151 = arith.index_cast %scan3A_1076 : i32 to index
      %swap3A_1152 = arith.constant 84 : index
      %swap3A_1153 = tpu.vector_load %arg7[%swap3A_1150, %swap3A_1151, %swap3A_1152] {strides = array<i32>} : memref<2x32x128xf32, #tpu.memory_space<vmem>>, vector<16xf32>,
      tpu.vector_store %arg7[%swap3A_1150, %swap3A_1151, %swap3A_1152], %gather3A_1148 {strides = array<i32>} : memref<2x32x128xf32, #tpu.memory_space<vmem>>, vector<16xf32>,
      %scan3A_1154 = arith.constant 0 : i32
      scf.yield %scan3A_1154 : i32
    }
    %scan3A_442 = arith.constant 32 : i32
    %add3A_443 = arith.constant 192 : i32
    %add3A_444 = arith.addi %mul3A_2, %add3A_443 : i32
    %dma_start3A_445 = arith.constant 0 : i32
    %dma_start3A_446 = arith.constant 0 : i32
    %dma_start3A_447 = arith.constant 0 : i32
    %dma_start3A_448 = tpu.memref_slice %arg7[%dma_start3A_445, %dma_start3A_446, %dma_start3A_447] : memref<2x32x128xf32, #tpu.memory_space<vmem>> -> memref<1x32x128xf32, #tpu.memory_space<vmem>>
    %dma_start3A_449 = tpu.memref_squeeze %dma_start3A_448 : memref<1x32x128xf32, #tpu.memory_space<vmem>> -> memref<32x128xf32, #tpu.memory_space<vmem>>
    %dma_start3A_450 = arith.constant 0 : i32
    %dma_start3A_451 = tpu.memref_slice %arg4[%add3A_444, %dma_start3A_450] : memref<16384x128xf32, #tpu.memory_space<hbm>> -> memref<32x128xf32, #tpu.memory_space<hbm>>
    %dma_start3A_452 = arith.constant 0 : i32
    %dma_start3A_453 = tpu.memref_slice %arg4[%add3A_444, %dma_start3A_452] : memref<16384x128xf32, #tpu.memory_space<hbm>> -> memref<32x128xf32, #tpu.memory_space<hbm>>
    %dma_start3A_454 = arith.constant 0 : i32
    %dma_start3A_455 = arith.constant 0 : i32
    %dma_start3A_456 = tpu.memref_slice %arg7[%dma_start3A_445, %dma_start3A_454, %dma_start3A_455] : memref<2x32x128xf32, #tpu.memory_space<vmem>> -> memref<1x32x128xf32, #tpu.memory_space<vmem>>
    %dma_start3A_457 = tpu.memref_squeeze %dma_start3A_456 : memref<1x32x128xf32, #tpu.memory_space<vmem>> -> memref<32x128xf32, #tpu.memory_space<vmem>>
    tpu.enqueue_dma source(%dma_start3A_457 : memref<32x128xf32, #tpu.memory_space<vmem>>) target(%dma_start3A_453 : memref<32x128xf32, #tpu.memory_space<hbm>>) target_semaphore(%arg11 : memref<!tpu.dma_semaphore, #tpu.memory_space<semaphore_mem>>)
    %add3A_458 = arith.constant 256 : i32
    %add3A_459 = arith.addi %mul3A_2, %add3A_458 : i32
    %dma_start3A_460 = arith.constant 0 : i32
    %dma_start3A_461 = arith.constant 0 : i32
    %dma_start3A_462 = arith.constant 0 : i32
    %dma_start3A_463 = tpu.memref_slice %arg6[%dma_start3A_460, %dma_start3A_461, %dma_start3A_462] : memref<2x32x100xi32, #tpu.memory_space<vmem>> -> memref<1x32x100xi32, #tpu.memory_space<vmem>>
    %dma_start3A_464 = tpu.memref_squeeze %dma_start3A_463 : memref<1x32x100xi32, #tpu.memory_space<vmem>> -> memref<32x100xi32, #tpu.memory_space<vmem>>
    %dma_start3A_465 = arith.constant 0 : i32
    %dma_start3A_466 = tpu.memref_slice %arg3[%add3A_459, %dma_start3A_465] : memref<16384x100xi32, #tpu.memory_space<hbm>> -> memref<32x100xi32, #tpu.memory_space<hbm>>
    %dma_start3A_467 = arith.constant 0 : i32
    %dma_start3A_468 = arith.constant 0 : i32
    %dma_start3A_469 = tpu.memref_slice %arg6[%dma_start3A_460, %dma_start3A_467, %dma_start3A_468] : memref<2x32x100xi32, #tpu.memory_space<vmem>> -> memref<1x32x100xi32, #tpu.memory_space<vmem>>
    %dma_start3A_470 = tpu.memref_squeeze %dma_start3A_469 : memref<1x32x100xi32, #tpu.memory_space<vmem>> -> memref<32x100xi32, #tpu.memory_space<vmem>>
    %dma_start3A_471 = arith.constant 0 : i32
    %dma_start3A_472 = tpu.memref_slice %arg3[%add3A_459, %dma_start3A_471] : memref<16384x100xi32, #tpu.memory_space<hbm>> -> memref<32x100xi32, #tpu.memory_space<hbm>>
    tpu.enqueue_dma source(%dma_start3A_472 : memref<32x100xi32, #tpu.memory_space<hbm>>) target(%dma_start3A_470 : memref<32x100xi32, #tpu.memory_space<vmem>>) target_semaphore(%arg9 : memref<!tpu.dma_semaphore, #tpu.memory_space<semaphore_mem>>)
    %add3A_473 = arith.constant 224 : i32
    %add3A_474 = arith.addi %mul3A_2, %add3A_473 : i32
    %dma_wait3A_475 = arith.constant 1 : i32
    %dma_wait3A_476 = arith.constant 0 : i32
    %dma_wait3A_477 = arith.constant 0 : i32
    %dma_wait3A_478 = tpu.memref_slice %arg6[%dma_wait3A_475, %dma_wait3A_476, %dma_wait3A_477] : memref<2x32x100xi32, #tpu.memory_space<vmem>> -> memref<1x32x100xi32, #tpu.memory_space<vmem>>
    %dma_wait3A_479 = tpu.memref_squeeze %dma_wait3A_478 : memref<1x32x100xi32, #tpu.memory_space<vmem>> -> memref<32x100xi32, #tpu.memory_space<vmem>>
    %dma_wait3A_480 = arith.constant 0 : i32
    %dma_wait3A_481 = tpu.memref_slice %arg3[%add3A_474, %dma_wait3A_480] : memref<16384x100xi32, #tpu.memory_space<hbm>> -> memref<32x100xi32, #tpu.memory_space<hbm>>
    %dma_wait3A_482 = arith.constant 0 : i32
    %dma_wait3A_483 = arith.constant 0 : i32
    %dma_wait3A_484 = tpu.memref_slice %arg6[%dma_wait3A_475, %dma_wait3A_482, %dma_wait3A_483] : memref<2x32x100xi32, #tpu.memory_space<vmem>> -> memref<1x32x100xi32, #tpu.memory_space<vmem>>
    %dma_wait3A_485 = tpu.memref_squeeze %dma_wait3A_484 : memref<1x32x100xi32, #tpu.memory_space<vmem>> -> memref<32x100xi32, #tpu.memory_space<vmem>>
    %dma_wait3A_486 = arith.constant 0 : i32
    %dma_wait3A_487 = tpu.memref_slice %arg3[%add3A_474, %dma_wait3A_486] : memref<16384x100xi32, #tpu.memory_space<hbm>> -> memref<32x100xi32, #tpu.memory_space<hbm>>
    tpu.wait_dma2 semaphore(%arg10 : memref<!tpu.dma_semaphore, #tpu.memory_space<semaphore_mem>>) src(%dma_wait3A_487 : memref<32x100xi32, #tpu.memory_space<hbm>>) dst(%dma_wait3A_485 : memref<32x100xi32, #tpu.memory_space<vmem>>)
    %add3A_488 = arith.constant 160 : i32
    %add3A_489 = arith.addi %mul3A_2, %add3A_488 : i32
    %dma_wait3A_490 = arith.constant 1 : i32
    %dma_wait3A_491 = arith.constant 0 : i32
    %dma_wait3A_492 = arith.constant 0 : i32
    %dma_wait3A_493 = tpu.memref_slice %arg7[%dma_wait3A_490, %dma_wait3A_491, %dma_wait3A_492] : memref<2x32x128xf32, #tpu.memory_space<vmem>> -> memref<1x32x128xf32, #tpu.memory_space<vmem>>
    %dma_wait3A_494 = tpu.memref_squeeze %dma_wait3A_493 : memref<1x32x128xf32, #tpu.memory_space<vmem>> -> memref<32x128xf32, #tpu.memory_space<vmem>>
    %dma_wait3A_495 = arith.constant 0 : i32
    %dma_wait3A_496 = tpu.memref_slice %arg4[%add3A_489, %dma_wait3A_495] : memref<16384x128xf32, #tpu.memory_space<hbm>> -> memref<32x128xf32, #tpu.memory_space<hbm>>
    %dma_wait3A_497 = arith.constant 0 : i32
    %dma_wait3A_498 = tpu.memref_slice %arg4[%add3A_489, %dma_wait3A_497] : memref<16384x128xf32, #tpu.memory_space<hbm>> -> memref<32x128xf32, #tpu.memory_space<hbm>>
    %dma_wait3A_499 = arith.constant 0 : i32
    %dma_wait3A_500 = arith.constant 0 : i32
    %dma_wait3A_501 = tpu.memref_slice %arg7[%dma_wait3A_490, %dma_wait3A_499, %dma_wait3A_500] : memref<2x32x128xf32, #tpu.memory_space<vmem>> -> memref<1x32x128xf32, #tpu.memory_space<vmem>>
    %dma_wait3A_502 = tpu.memref_squeeze %dma_wait3A_501 : memref<1x32x128xf32, #tpu.memory_space<vmem>> -> memref<32x128xf32, #tpu.memory_space<vmem>>
    tpu.wait_dma2 semaphore(%arg12 : memref<!tpu.dma_semaphore, #tpu.memory_space<semaphore_mem>>) src(%dma_wait3A_502 : memref<32x128xf32, #tpu.memory_space<vmem>>) dst(%dma_wait3A_498 : memref<32x128xf32, #tpu.memory_space<hbm>>)
    %scan3A_503 = arith.constant 0 : i32
    %scan3A_504 = arith.constant 0 : i32
    %scan3A_505 = arith.constant 32 : i32
    %scan3A_506 = arith.addi %scan3A_504, %scan3A_505 : i32
    %scan3A_507 = arith.constant 1 : i32
    %scan3A_508 = scf.for %scan3A_1076 = %scan3A_504 to %scan3A_506 step %scan3A_507 iter_args(%scan3A_1077 = %scan3A_503) -> (i32)  : i32 {
      %get3A_1078 = arith.constant 1 : i32
      %get3A_1079 = arith.index_cast %get3A_1078 : i32 to index
      %get3A_1080 = arith.index_cast %scan3A_1076 : i32 to index
      %get3A_1081 = arith.constant 0 : index
      %get3A_1082 = tpu.vector_load %arg6[%get3A_1079, %get3A_1080, %get3A_1081] {strides = array<i32>} : memref<2x32x100xi32, #tpu.memory_space<vmem>>, vector<16xi32>,
      %gather3A = tpu.vector_load_idx %arg5[%get3A_1082] : memref<100352xf32, #tpu.memory_space<vmem>>[vector<16xi32>], vector<16xf32>,
      %swap3A_1083 = arith.constant 1 : i32
      %swap3A_1084 = arith.index_cast %swap3A_1083 : i32 to index
      %swap3A_1085 = arith.index_cast %scan3A_1076 : i32 to index
      %swap3A_1086 = arith.constant 0 : index
      %swap3A_1087 = tpu.vector_load %arg7[%swap3A_1084, %swap3A_1085, %swap3A_1086] {strides = array<i32>} : memref<2x32x128xf32, #tpu.memory_space<vmem>>, vector<16xf32>,
      tpu.vector_store %arg7[%swap3A_1084, %swap3A_1085, %swap3A_1086], %gather3A {strides = array<i32>} : memref<2x32x128xf32, #tpu.memory_space<vmem>>, vector<16xf32>,
      %get3A_1088 = arith.constant 1 : i32
      %get3A_1089 = arith.index_cast %get3A_1088 : i32 to index
      %get3A_1090 = arith.index_cast %scan3A_1076 : i32 to index
      %get3A_1091 = arith.constant 16 : index
      %get3A_1092 = tpu.vector_load %arg6[%get3A_1089, %get3A_1090, %get3A_1091] {strides = array<i32>} : memref<2x32x100xi32, #tpu.memory_space<vmem>>, vector<16xi32>,
      %gather3A_1093 = tpu.vector_load_idx %arg5[%get3A_1092] : memref<100352xf32, #tpu.memory_space<vmem>>[vector<16xi32>], vector<16xf32>,
      %swap3A_1094 = arith.constant 1 : i32
      %swap3A_1095 = arith.index_cast %swap3A_1094 : i32 to index
      %swap3A_1096 = arith.index_cast %scan3A_1076 : i32 to index
      %swap3A_1097 = arith.constant 16 : index
      %swap3A_1098 = tpu.vector_load %arg7[%swap3A_1095, %swap3A_1096, %swap3A_1097] {strides = array<i32>} : memref<2x32x128xf32, #tpu.memory_space<vmem>>, vector<16xf32>,
      tpu.vector_store %arg7[%swap3A_1095, %swap3A_1096, %swap3A_1097], %gather3A_1093 {strides = array<i32>} : memref<2x32x128xf32, #tpu.memory_space<vmem>>, vector<16xf32>,
      %get3A_1099 = arith.constant 1 : i32
      %get3A_1100 = arith.index_cast %get3A_1099 : i32 to index
      %get3A_1101 = arith.index_cast %scan3A_1076 : i32 to index
      %get3A_1102 = arith.constant 32 : index
      %get3A_1103 = tpu.vector_load %arg6[%get3A_1100, %get3A_1101, %get3A_1102] {strides = array<i32>} : memref<2x32x100xi32, #tpu.memory_space<vmem>>, vector<16xi32>,
      %gather3A_1104 = tpu.vector_load_idx %arg5[%get3A_1103] : memref<100352xf32, #tpu.memory_space<vmem>>[vector<16xi32>], vector<16xf32>,
      %swap3A_1105 = arith.constant 1 : i32
      %swap3A_1106 = arith.index_cast %swap3A_1105 : i32 to index
      %swap3A_1107 = arith.index_cast %scan3A_1076 : i32 to index
      %swap3A_1108 = arith.constant 32 : index
      %swap3A_1109 = tpu.vector_load %arg7[%swap3A_1106, %swap3A_1107, %swap3A_1108] {strides = array<i32>} : memref<2x32x128xf32, #tpu.memory_space<vmem>>, vector<16xf32>,
      tpu.vector_store %arg7[%swap3A_1106, %swap3A_1107, %swap3A_1108], %gather3A_1104 {strides = array<i32>} : memref<2x32x128xf32, #tpu.memory_space<vmem>>, vector<16xf32>,
      %get3A_1110 = arith.constant 1 : i32
      %get3A_1111 = arith.index_cast %get3A_1110 : i32 to index
      %get3A_1112 = arith.index_cast %scan3A_1076 : i32 to index
      %get3A_1113 = arith.constant 48 : index
      %get3A_1114 = tpu.vector_load %arg6[%get3A_1111, %get3A_1112, %get3A_1113] {strides = array<i32>} : memref<2x32x100xi32, #tpu.memory_space<vmem>>, vector<16xi32>,
      %gather3A_1115 = tpu.vector_load_idx %arg5[%get3A_1114] : memref<100352xf32, #tpu.memory_space<vmem>>[vector<16xi32>], vector<16xf32>,
      %swap3A_1116 = arith.constant 1 : i32
      %swap3A_1117 = arith.index_cast %swap3A_1116 : i32 to index
      %swap3A_1118 = arith.index_cast %scan3A_1076 : i32 to index
      %swap3A_1119 = arith.constant 48 : index
      %swap3A_1120 = tpu.vector_load %arg7[%swap3A_1117, %swap3A_1118, %swap3A_1119] {strides = array<i32>} : memref<2x32x128xf32, #tpu.memory_space<vmem>>, vector<16xf32>,
      tpu.vector_store %arg7[%swap3A_1117, %swap3A_1118, %swap3A_1119], %gather3A_1115 {strides = array<i32>} : memref<2x32x128xf32, #tpu.memory_space<vmem>>, vector<16xf32>,
      %get3A_1121 = arith.constant 1 : i32
      %get3A_1122 = arith.index_cast %get3A_1121 : i32 to index
      %get3A_1123 = arith.index_cast %scan3A_1076 : i32 to index
      %get3A_1124 = arith.constant 64 : index
      %get3A_1125 = tpu.vector_load %arg6[%get3A_1122, %get3A_1123, %get3A_1124] {strides = array<i32>} : memref<2x32x100xi32, #tpu.memory_space<vmem>>, vector<16xi32>,
      %gather3A_1126 = tpu.vector_load_idx %arg5[%get3A_1125] : memref<100352xf32, #tpu.memory_space<vmem>>[vector<16xi32>], vector<16xf32>,
      %swap3A_1127 = arith.constant 1 : i32
      %swap3A_1128 = arith.index_cast %swap3A_1127 : i32 to index
      %swap3A_1129 = arith.index_cast %scan3A_1076 : i32 to index
      %swap3A_1130 = arith.constant 64 : index
      %swap3A_1131 = tpu.vector_load %arg7[%swap3A_1128, %swap3A_1129, %swap3A_1130] {strides = array<i32>} : memref<2x32x128xf32, #tpu.memory_space<vmem>>, vector<16xf32>,
      tpu.vector_store %arg7[%swap3A_1128, %swap3A_1129, %swap3A_1130], %gather3A_1126 {strides = array<i32>} : memref<2x32x128xf32, #tpu.memory_space<vmem>>, vector<16xf32>,
      %get3A_1132 = arith.constant 1 : i32
      %get3A_1133 = arith.index_cast %get3A_1132 : i32 to index
      %get3A_1134 = arith.index_cast %scan3A_1076 : i32 to index
      %get3A_1135 = arith.constant 80 : index
      %get3A_1136 = tpu.vector_load %arg6[%get3A_1133, %get3A_1134, %get3A_1135] {strides = array<i32>} : memref<2x32x100xi32, #tpu.memory_space<vmem>>, vector<16xi32>,
      %gather3A_1137 = tpu.vector_load_idx %arg5[%get3A_1136] : memref<100352xf32, #tpu.memory_space<vmem>>[vector<16xi32>], vector<16xf32>,
      %swap3A_1138 = arith.constant 1 : i32
      %swap3A_1139 = arith.index_cast %swap3A_1138 : i32 to index
      %swap3A_1140 = arith.index_cast %scan3A_1076 : i32 to index
      %swap3A_1141 = arith.constant 80 : index
      %swap3A_1142 = tpu.vector_load %arg7[%swap3A_1139, %swap3A_1140, %swap3A_1141] {strides = array<i32>} : memref<2x32x128xf32, #tpu.memory_space<vmem>>, vector<16xf32>,
      tpu.vector_store %arg7[%swap3A_1139, %swap3A_1140, %swap3A_1141], %gather3A_1137 {strides = array<i32>} : memref<2x32x128xf32, #tpu.memory_space<vmem>>, vector<16xf32>,
      %get3A_1143 = arith.constant 1 : i32
      %get3A_1144 = arith.index_cast %get3A_1143 : i32 to index
      %get3A_1145 = arith.index_cast %scan3A_1076 : i32 to index
      %get3A_1146 = arith.constant 84 : index
      %get3A_1147 = tpu.vector_load %arg6[%get3A_1144, %get3A_1145, %get3A_1146] {strides = array<i32>} : memref<2x32x100xi32, #tpu.memory_space<vmem>>, vector<16xi32>,
      %gather3A_1148 = tpu.vector_load_idx %arg5[%get3A_1147] : memref<100352xf32, #tpu.memory_space<vmem>>[vector<16xi32>], vector<16xf32>,
      %swap3A_1149 = arith.constant 1 : i32
      %swap3A_1150 = arith.index_cast %swap3A_1149 : i32 to index
      %swap3A_1151 = arith.index_cast %scan3A_1076 : i32 to index
      %swap3A_1152 = arith.constant 84 : index
      %swap3A_1153 = tpu.vector_load %arg7[%swap3A_1150, %swap3A_1151, %swap3A_1152] {strides = array<i32>} : memref<2x32x128xf32, #tpu.memory_space<vmem>>, vector<16xf32>,
      tpu.vector_store %arg7[%swap3A_1150, %swap3A_1151, %swap3A_1152], %gather3A_1148 {strides = array<i32>} : memref<2x32x128xf32, #tpu.memory_space<vmem>>, vector<16xf32>,
      %scan3A_1154 = arith.constant 0 : i32
      scf.yield %scan3A_1154 : i32
    }
    %scan3A_509 = arith.constant 32 : i32
    %add3A_510 = arith.constant 224 : i32
    %add3A_511 = arith.addi %mul3A_2, %add3A_510 : i32
    %dma_start3A_512 = arith.constant 1 : i32
    %dma_start3A_513 = arith.constant 0 : i32
    %dma_start3A_514 = arith.constant 0 : i32
    %dma_start3A_515 = tpu.memref_slice %arg7[%dma_start3A_512, %dma_start3A_513, %dma_start3A_514] : memref<2x32x128xf32, #tpu.memory_space<vmem>> -> memref<1x32x128xf32, #tpu.memory_space<vmem>>
    %dma_start3A_516 = tpu.memref_squeeze %dma_start3A_515 : memref<1x32x128xf32, #tpu.memory_space<vmem>> -> memref<32x128xf32, #tpu.memory_space<vmem>>
    %dma_start3A_517 = arith.constant 0 : i32
    %dma_start3A_518 = tpu.memref_slice %arg4[%add3A_511, %dma_start3A_517] : memref<16384x128xf32, #tpu.memory_space<hbm>> -> memref<32x128xf32, #tpu.memory_space<hbm>>
    %dma_start3A_519 = arith.constant 0 : i32
    %dma_start3A_520 = tpu.memref_slice %arg4[%add3A_511, %dma_start3A_519] : memref<16384x128xf32, #tpu.memory_space<hbm>> -> memref<32x128xf32, #tpu.memory_space<hbm>>
    %dma_start3A_521 = arith.constant 0 : i32
    %dma_start3A_522 = arith.constant 0 : i32
    %dma_start3A_523 = tpu.memref_slice %arg7[%dma_start3A_512, %dma_start3A_521, %dma_start3A_522] : memref<2x32x128xf32, #tpu.memory_space<vmem>> -> memref<1x32x128xf32, #tpu.memory_space<vmem>>
    %dma_start3A_524 = tpu.memref_squeeze %dma_start3A_523 : memref<1x32x128xf32, #tpu.memory_space<vmem>> -> memref<32x128xf32, #tpu.memory_space<vmem>>
    tpu.enqueue_dma source(%dma_start3A_524 : memref<32x128xf32, #tpu.memory_space<vmem>>) target(%dma_start3A_520 : memref<32x128xf32, #tpu.memory_space<hbm>>) target_semaphore(%arg12 : memref<!tpu.dma_semaphore, #tpu.memory_space<semaphore_mem>>)
    %add3A_525 = arith.constant 288 : i32
    %add3A_526 = arith.addi %mul3A_2, %add3A_525 : i32
    %dma_start3A_527 = arith.constant 1 : i32
    %dma_start3A_528 = arith.constant 0 : i32
    %dma_start3A_529 = arith.constant 0 : i32
    %dma_start3A_530 = tpu.memref_slice %arg6[%dma_start3A_527, %dma_start3A_528, %dma_start3A_529] : memref<2x32x100xi32, #tpu.memory_space<vmem>> -> memref<1x32x100xi32, #tpu.memory_space<vmem>>
    %dma_start3A_531 = tpu.memref_squeeze %dma_start3A_530 : memref<1x32x100xi32, #tpu.memory_space<vmem>> -> memref<32x100xi32, #tpu.memory_space<vmem>>
    %dma_start3A_532 = arith.constant 0 : i32
    %dma_start3A_533 = tpu.memref_slice %arg3[%add3A_526, %dma_start3A_532] : memref<16384x100xi32, #tpu.memory_space<hbm>> -> memref<32x100xi32, #tpu.memory_space<hbm>>
    %dma_start3A_534 = arith.constant 0 : i32
    %dma_start3A_535 = arith.constant 0 : i32
    %dma_start3A_536 = tpu.memref_slice %arg6[%dma_start3A_527, %dma_start3A_534, %dma_start3A_535] : memref<2x32x100xi32, #tpu.memory_space<vmem>> -> memref<1x32x100xi32, #tpu.memory_space<vmem>>
    %dma_start3A_537 = tpu.memref_squeeze %dma_start3A_536 : memref<1x32x100xi32, #tpu.memory_space<vmem>> -> memref<32x100xi32, #tpu.memory_space<vmem>>
    %dma_start3A_538 = arith.constant 0 : i32
    %dma_start3A_539 = tpu.memref_slice %arg3[%add3A_526, %dma_start3A_538] : memref<16384x100xi32, #tpu.memory_space<hbm>> -> memref<32x100xi32, #tpu.memory_space<hbm>>
    tpu.enqueue_dma source(%dma_start3A_539 : memref<32x100xi32, #tpu.memory_space<hbm>>) target(%dma_start3A_537 : memref<32x100xi32, #tpu.memory_space<vmem>>) target_semaphore(%arg10 : memref<!tpu.dma_semaphore, #tpu.memory_space<semaphore_mem>>)
    %add3A_540 = arith.constant 256 : i32
    %add3A_541 = arith.addi %mul3A_2, %add3A_540 : i32
    %dma_wait3A_542 = arith.constant 0 : i32
    %dma_wait3A_543 = arith.constant 0 : i32
    %dma_wait3A_544 = arith.constant 0 : i32
    %dma_wait3A_545 = tpu.memref_slice %arg6[%dma_wait3A_542, %dma_wait3A_543, %dma_wait3A_544] : memref<2x32x100xi32, #tpu.memory_space<vmem>> -> memref<1x32x100xi32, #tpu.memory_space<vmem>>
    %dma_wait3A_546 = tpu.memref_squeeze %dma_wait3A_545 : memref<1x32x100xi32, #tpu.memory_space<vmem>> -> memref<32x100xi32, #tpu.memory_space<vmem>>
    %dma_wait3A_547 = arith.constant 0 : i32
    %dma_wait3A_548 = tpu.memref_slice %arg3[%add3A_541, %dma_wait3A_547] : memref<16384x100xi32, #tpu.memory_space<hbm>> -> memref<32x100xi32, #tpu.memory_space<hbm>>
    %dma_wait3A_549 = arith.constant 0 : i32
    %dma_wait3A_550 = arith.constant 0 : i32
    %dma_wait3A_551 = tpu.memref_slice %arg6[%dma_wait3A_542, %dma_wait3A_549, %dma_wait3A_550] : memref<2x32x100xi32, #tpu.memory_space<vmem>> -> memref<1x32x100xi32, #tpu.memory_space<vmem>>
    %dma_wait3A_552 = tpu.memref_squeeze %dma_wait3A_551 : memref<1x32x100xi32, #tpu.memory_space<vmem>> -> memref<32x100xi32, #tpu.memory_space<vmem>>
    %dma_wait3A_553 = arith.constant 0 : i32
    %dma_wait3A_554 = tpu.memref_slice %arg3[%add3A_541, %dma_wait3A_553] : memref<16384x100xi32, #tpu.memory_space<hbm>> -> memref<32x100xi32, #tpu.memory_space<hbm>>
    tpu.wait_dma2 semaphore(%arg9 : memref<!tpu.dma_semaphore, #tpu.memory_space<semaphore_mem>>) src(%dma_wait3A_554 : memref<32x100xi32, #tpu.memory_space<hbm>>) dst(%dma_wait3A_552 : memref<32x100xi32, #tpu.memory_space<vmem>>)
    %add3A_555 = arith.constant 192 : i32
    %add3A_556 = arith.addi %mul3A_2, %add3A_555 : i32
    %dma_wait3A_557 = arith.constant 0 : i32
    %dma_wait3A_558 = arith.constant 0 : i32
    %dma_wait3A_559 = arith.constant 0 : i32
    %dma_wait3A_560 = tpu.memref_slice %arg7[%dma_wait3A_557, %dma_wait3A_558, %dma_wait3A_559] : memref<2x32x128xf32, #tpu.memory_space<vmem>> -> memref<1x32x128xf32, #tpu.memory_space<vmem>>
    %dma_wait3A_561 = tpu.memref_squeeze %dma_wait3A_560 : memref<1x32x128xf32, #tpu.memory_space<vmem>> -> memref<32x128xf32, #tpu.memory_space<vmem>>
    %dma_wait3A_562 = arith.constant 0 : i32
    %dma_wait3A_563 = tpu.memref_slice %arg4[%add3A_556, %dma_wait3A_562] : memref<16384x128xf32, #tpu.memory_space<hbm>> -> memref<32x128xf32, #tpu.memory_space<hbm>>
    %dma_wait3A_564 = arith.constant 0 : i32
    %dma_wait3A_565 = tpu.memref_slice %arg4[%add3A_556, %dma_wait3A_564] : memref<16384x128xf32, #tpu.memory_space<hbm>> -> memref<32x128xf32, #tpu.memory_space<hbm>>
    %dma_wait3A_566 = arith.constant 0 : i32
    %dma_wait3A_567 = arith.constant 0 : i32
    %dma_wait3A_568 = tpu.memref_slice %arg7[%dma_wait3A_557, %dma_wait3A_566, %dma_wait3A_567] : memref<2x32x128xf32, #tpu.memory_space<vmem>> -> memref<1x32x128xf32, #tpu.memory_space<vmem>>
    %dma_wait3A_569 = tpu.memref_squeeze %dma_wait3A_568 : memref<1x32x128xf32, #tpu.memory_space<vmem>> -> memref<32x128xf32, #tpu.memory_space<vmem>>
    tpu.wait_dma2 semaphore(%arg11 : memref<!tpu.dma_semaphore, #tpu.memory_space<semaphore_mem>>) src(%dma_wait3A_569 : memref<32x128xf32, #tpu.memory_space<vmem>>) dst(%dma_wait3A_565 : memref<32x128xf32, #tpu.memory_space<hbm>>)
    %scan3A_570 = arith.constant 0 : i32
    %scan3A_571 = arith.constant 0 : i32
    %scan3A_572 = arith.constant 32 : i32
    %scan3A_573 = arith.addi %scan3A_571, %scan3A_572 : i32
    %scan3A_574 = arith.constant 1 : i32
    %scan3A_575 = scf.for %scan3A_1076 = %scan3A_571 to %scan3A_573 step %scan3A_574 iter_args(%scan3A_1077 = %scan3A_570) -> (i32)  : i32 {
      %get3A_1078 = arith.constant 0 : i32
      %get3A_1079 = arith.index_cast %get3A_1078 : i32 to index
      %get3A_1080 = arith.index_cast %scan3A_1076 : i32 to index
      %get3A_1081 = arith.constant 0 : index
      %get3A_1082 = tpu.vector_load %arg6[%get3A_1079, %get3A_1080, %get3A_1081] {strides = array<i32>} : memref<2x32x100xi32, #tpu.memory_space<vmem>>, vector<16xi32>,
      %gather3A = tpu.vector_load_idx %arg5[%get3A_1082] : memref<100352xf32, #tpu.memory_space<vmem>>[vector<16xi32>], vector<16xf32>,
      %swap3A_1083 = arith.constant 0 : i32
      %swap3A_1084 = arith.index_cast %swap3A_1083 : i32 to index
      %swap3A_1085 = arith.index_cast %scan3A_1076 : i32 to index
      %swap3A_1086 = arith.constant 0 : index
      %swap3A_1087 = tpu.vector_load %arg7[%swap3A_1084, %swap3A_1085, %swap3A_1086] {strides = array<i32>} : memref<2x32x128xf32, #tpu.memory_space<vmem>>, vector<16xf32>,
      tpu.vector_store %arg7[%swap3A_1084, %swap3A_1085, %swap3A_1086], %gather3A {strides = array<i32>} : memref<2x32x128xf32, #tpu.memory_space<vmem>>, vector<16xf32>,
      %get3A_1088 = arith.constant 0 : i32
      %get3A_1089 = arith.index_cast %get3A_1088 : i32 to index
      %get3A_1090 = arith.index_cast %scan3A_1076 : i32 to index
      %get3A_1091 = arith.constant 16 : index
      %get3A_1092 = tpu.vector_load %arg6[%get3A_1089, %get3A_1090, %get3A_1091] {strides = array<i32>} : memref<2x32x100xi32, #tpu.memory_space<vmem>>, vector<16xi32>,
      %gather3A_1093 = tpu.vector_load_idx %arg5[%get3A_1092] : memref<100352xf32, #tpu.memory_space<vmem>>[vector<16xi32>], vector<16xf32>,
      %swap3A_1094 = arith.constant 0 : i32
      %swap3A_1095 = arith.index_cast %swap3A_1094 : i32 to index
      %swap3A_1096 = arith.index_cast %scan3A_1076 : i32 to index
      %swap3A_1097 = arith.constant 16 : index
      %swap3A_1098 = tpu.vector_load %arg7[%swap3A_1095, %swap3A_1096, %swap3A_1097] {strides = array<i32>} : memref<2x32x128xf32, #tpu.memory_space<vmem>>, vector<16xf32>,
      tpu.vector_store %arg7[%swap3A_1095, %swap3A_1096, %swap3A_1097], %gather3A_1093 {strides = array<i32>} : memref<2x32x128xf32, #tpu.memory_space<vmem>>, vector<16xf32>,
      %get3A_1099 = arith.constant 0 : i32
      %get3A_1100 = arith.index_cast %get3A_1099 : i32 to index
      %get3A_1101 = arith.index_cast %scan3A_1076 : i32 to index
      %get3A_1102 = arith.constant 32 : index
      %get3A_1103 = tpu.vector_load %arg6[%get3A_1100, %get3A_1101, %get3A_1102] {strides = array<i32>} : memref<2x32x100xi32, #tpu.memory_space<vmem>>, vector<16xi32>,
      %gather3A_1104 = tpu.vector_load_idx %arg5[%get3A_1103] : memref<100352xf32, #tpu.memory_space<vmem>>[vector<16xi32>], vector<16xf32>,
      %swap3A_1105 = arith.constant 0 : i32
      %swap3A_1106 = arith.index_cast %swap3A_1105 : i32 to index
      %swap3A_1107 = arith.index_cast %scan3A_1076 : i32 to index
      %swap3A_1108 = arith.constant 32 : index
      %swap3A_1109 = tpu.vector_load %arg7[%swap3A_1106, %swap3A_1107, %swap3A_1108] {strides = array<i32>} : memref<2x32x128xf32, #tpu.memory_space<vmem>>, vector<16xf32>,
      tpu.vector_store %arg7[%swap3A_1106, %swap3A_1107, %swap3A_1108], %gather3A_1104 {strides = array<i32>} : memref<2x32x128xf32, #tpu.memory_space<vmem>>, vector<16xf32>,
      %get3A_1110 = arith.constant 0 : i32
      %get3A_1111 = arith.index_cast %get3A_1110 : i32 to index
      %get3A_1112 = arith.index_cast %scan3A_1076 : i32 to index
      %get3A_1113 = arith.constant 48 : index
      %get3A_1114 = tpu.vector_load %arg6[%get3A_1111, %get3A_1112, %get3A_1113] {strides = array<i32>} : memref<2x32x100xi32, #tpu.memory_space<vmem>>, vector<16xi32>,
      %gather3A_1115 = tpu.vector_load_idx %arg5[%get3A_1114] : memref<100352xf32, #tpu.memory_space<vmem>>[vector<16xi32>], vector<16xf32>,
      %swap3A_1116 = arith.constant 0 : i32
      %swap3A_1117 = arith.index_cast %swap3A_1116 : i32 to index
      %swap3A_1118 = arith.index_cast %scan3A_1076 : i32 to index
      %swap3A_1119 = arith.constant 48 : index
      %swap3A_1120 = tpu.vector_load %arg7[%swap3A_1117, %swap3A_1118, %swap3A_1119] {strides = array<i32>} : memref<2x32x128xf32, #tpu.memory_space<vmem>>, vector<16xf32>,
      tpu.vector_store %arg7[%swap3A_1117, %swap3A_1118, %swap3A_1119], %gather3A_1115 {strides = array<i32>} : memref<2x32x128xf32, #tpu.memory_space<vmem>>, vector<16xf32>,
      %get3A_1121 = arith.constant 0 : i32
      %get3A_1122 = arith.index_cast %get3A_1121 : i32 to index
      %get3A_1123 = arith.index_cast %scan3A_1076 : i32 to index
      %get3A_1124 = arith.constant 64 : index
      %get3A_1125 = tpu.vector_load %arg6[%get3A_1122, %get3A_1123, %get3A_1124] {strides = array<i32>} : memref<2x32x100xi32, #tpu.memory_space<vmem>>, vector<16xi32>,
      %gather3A_1126 = tpu.vector_load_idx %arg5[%get3A_1125] : memref<100352xf32, #tpu.memory_space<vmem>>[vector<16xi32>], vector<16xf32>,
      %swap3A_1127 = arith.constant 0 : i32
      %swap3A_1128 = arith.index_cast %swap3A_1127 : i32 to index
      %swap3A_1129 = arith.index_cast %scan3A_1076 : i32 to index
      %swap3A_1130 = arith.constant 64 : index
      %swap3A_1131 = tpu.vector_load %arg7[%swap3A_1128, %swap3A_1129, %swap3A_1130] {strides = array<i32>} : memref<2x32x128xf32, #tpu.memory_space<vmem>>, vector<16xf32>,
      tpu.vector_store %arg7[%swap3A_1128, %swap3A_1129, %swap3A_1130], %gather3A_1126 {strides = array<i32>} : memref<2x32x128xf32, #tpu.memory_space<vmem>>, vector<16xf32>,
      %get3A_1132 = arith.constant 0 : i32
      %get3A_1133 = arith.index_cast %get3A_1132 : i32 to index
      %get3A_1134 = arith.index_cast %scan3A_1076 : i32 to index
      %get3A_1135 = arith.constant 80 : index
      %get3A_1136 = tpu.vector_load %arg6[%get3A_1133, %get3A_1134, %get3A_1135] {strides = array<i32>} : memref<2x32x100xi32, #tpu.memory_space<vmem>>, vector<16xi32>,
      %gather3A_1137 = tpu.vector_load_idx %arg5[%get3A_1136] : memref<100352xf32, #tpu.memory_space<vmem>>[vector<16xi32>], vector<16xf32>,
      %swap3A_1138 = arith.constant 0 : i32
      %swap3A_1139 = arith.index_cast %swap3A_1138 : i32 to index
      %swap3A_1140 = arith.index_cast %scan3A_1076 : i32 to index
      %swap3A_1141 = arith.constant 80 : index
      %swap3A_1142 = tpu.vector_load %arg7[%swap3A_1139, %swap3A_1140, %swap3A_1141] {strides = array<i32>} : memref<2x32x128xf32, #tpu.memory_space<vmem>>, vector<16xf32>,
      tpu.vector_store %arg7[%swap3A_1139, %swap3A_1140, %swap3A_1141], %gather3A_1137 {strides = array<i32>} : memref<2x32x128xf32, #tpu.memory_space<vmem>>, vector<16xf32>,
      %get3A_1143 = arith.constant 0 : i32
      %get3A_1144 = arith.index_cast %get3A_1143 : i32 to index
      %get3A_1145 = arith.index_cast %scan3A_1076 : i32 to index
      %get3A_1146 = arith.constant 84 : index
      %get3A_1147 = tpu.vector_load %arg6[%get3A_1144, %get3A_1145, %get3A_1146] {strides = array<i32>} : memref<2x32x100xi32, #tpu.memory_space<vmem>>, vector<16xi32>,
      %gather3A_1148 = tpu.vector_load_idx %arg5[%get3A_1147] : memref<100352xf32, #tpu.memory_space<vmem>>[vector<16xi32>], vector<16xf32>,
      %swap3A_1149 = arith.constant 0 : i32
      %swap3A_1150 = arith.index_cast %swap3A_1149 : i32 to index
      %swap3A_1151 = arith.index_cast %scan3A_1076 : i32 to index
      %swap3A_1152 = arith.constant 84 : index
      %swap3A_1153 = tpu.vector_load %arg7[%swap3A_1150, %swap3A_1151, %swap3A_1152] {strides = array<i32>} : memref<2x32x128xf32, #tpu.memory_space<vmem>>, vector<16xf32>,
      tpu.vector_store %arg7[%swap3A_1150, %swap3A_1151, %swap3A_1152], %gather3A_1148 {strides = array<i32>} : memref<2x32x128xf32, #tpu.memory_space<vmem>>, vector<16xf32>,
      %scan3A_1154 = arith.constant 0 : i32
      scf.yield %scan3A_1154 : i32
    }
    %scan3A_576 = arith.constant 32 : i32
    %add3A_577 = arith.constant 256 : i32
    %add3A_578 = arith.addi %mul3A_2, %add3A_577 : i32
    %dma_start3A_579 = arith.constant 0 : i32
    %dma_start3A_580 = arith.constant 0 : i32
    %dma_start3A_581 = arith.constant 0 : i32
    %dma_start3A_582 = tpu.memref_slice %arg7[%dma_start3A_579, %dma_start3A_580, %dma_start3A_581] : memref<2x32x128xf32, #tpu.memory_space<vmem>> -> memref<1x32x128xf32, #tpu.memory_space<vmem>>
    %dma_start3A_583 = tpu.memref_squeeze %dma_start3A_582 : memref<1x32x128xf32, #tpu.memory_space<vmem>> -> memref<32x128xf32, #tpu.memory_space<vmem>>
    %dma_start3A_584 = arith.constant 0 : i32
    %dma_start3A_585 = tpu.memref_slice %arg4[%add3A_578, %dma_start3A_584] : memref<16384x128xf32, #tpu.memory_space<hbm>> -> memref<32x128xf32, #tpu.memory_space<hbm>>
    %dma_start3A_586 = arith.constant 0 : i32
    %dma_start3A_587 = tpu.memref_slice %arg4[%add3A_578, %dma_start3A_586] : memref<16384x128xf32, #tpu.memory_space<hbm>> -> memref<32x128xf32, #tpu.memory_space<hbm>>
    %dma_start3A_588 = arith.constant 0 : i32
    %dma_start3A_589 = arith.constant 0 : i32
    %dma_start3A_590 = tpu.memref_slice %arg7[%dma_start3A_579, %dma_start3A_588, %dma_start3A_589] : memref<2x32x128xf32, #tpu.memory_space<vmem>> -> memref<1x32x128xf32, #tpu.memory_space<vmem>>
    %dma_start3A_591 = tpu.memref_squeeze %dma_start3A_590 : memref<1x32x128xf32, #tpu.memory_space<vmem>> -> memref<32x128xf32, #tpu.memory_space<vmem>>
    tpu.enqueue_dma source(%dma_start3A_591 : memref<32x128xf32, #tpu.memory_space<vmem>>) target(%dma_start3A_587 : memref<32x128xf32, #tpu.memory_space<hbm>>) target_semaphore(%arg11 : memref<!tpu.dma_semaphore, #tpu.memory_space<semaphore_mem>>)
    %add3A_592 = arith.constant 320 : i32
    %add3A_593 = arith.addi %mul3A_2, %add3A_592 : i32
    %dma_start3A_594 = arith.constant 0 : i32
    %dma_start3A_595 = arith.constant 0 : i32
    %dma_start3A_596 = arith.constant 0 : i32
    %dma_start3A_597 = tpu.memref_slice %arg6[%dma_start3A_594, %dma_start3A_595, %dma_start3A_596] : memref<2x32x100xi32, #tpu.memory_space<vmem>> -> memref<1x32x100xi32, #tpu.memory_space<vmem>>
    %dma_start3A_598 = tpu.memref_squeeze %dma_start3A_597 : memref<1x32x100xi32, #tpu.memory_space<vmem>> -> memref<32x100xi32, #tpu.memory_space<vmem>>
    %dma_start3A_599 = arith.constant 0 : i32
    %dma_start3A_600 = tpu.memref_slice %arg3[%add3A_593, %dma_start3A_599] : memref<16384x100xi32, #tpu.memory_space<hbm>> -> memref<32x100xi32, #tpu.memory_space<hbm>>
    %dma_start3A_601 = arith.constant 0 : i32
    %dma_start3A_602 = arith.constant 0 : i32
    %dma_start3A_603 = tpu.memref_slice %arg6[%dma_start3A_594, %dma_start3A_601, %dma_start3A_602] : memref<2x32x100xi32, #tpu.memory_space<vmem>> -> memref<1x32x100xi32, #tpu.memory_space<vmem>>
    %dma_start3A_604 = tpu.memref_squeeze %dma_start3A_603 : memref<1x32x100xi32, #tpu.memory_space<vmem>> -> memref<32x100xi32, #tpu.memory_space<vmem>>
    %dma_start3A_605 = arith.constant 0 : i32
    %dma_start3A_606 = tpu.memref_slice %arg3[%add3A_593, %dma_start3A_605] : memref<16384x100xi32, #tpu.memory_space<hbm>> -> memref<32x100xi32, #tpu.memory_space<hbm>>
    tpu.enqueue_dma source(%dma_start3A_606 : memref<32x100xi32, #tpu.memory_space<hbm>>) target(%dma_start3A_604 : memref<32x100xi32, #tpu.memory_space<vmem>>) target_semaphore(%arg9 : memref<!tpu.dma_semaphore, #tpu.memory_space<semaphore_mem>>)
    %add3A_607 = arith.constant 288 : i32
    %add3A_608 = arith.addi %mul3A_2, %add3A_607 : i32
    %dma_wait3A_609 = arith.constant 1 : i32
    %dma_wait3A_610 = arith.constant 0 : i32
    %dma_wait3A_611 = arith.constant 0 : i32
    %dma_wait3A_612 = tpu.memref_slice %arg6[%dma_wait3A_609, %dma_wait3A_610, %dma_wait3A_611] : memref<2x32x100xi32, #tpu.memory_space<vmem>> -> memref<1x32x100xi32, #tpu.memory_space<vmem>>
    %dma_wait3A_613 = tpu.memref_squeeze %dma_wait3A_612 : memref<1x32x100xi32, #tpu.memory_space<vmem>> -> memref<32x100xi32, #tpu.memory_space<vmem>>
    %dma_wait3A_614 = arith.constant 0 : i32
    %dma_wait3A_615 = tpu.memref_slice %arg3[%add3A_608, %dma_wait3A_614] : memref<16384x100xi32, #tpu.memory_space<hbm>> -> memref<32x100xi32, #tpu.memory_space<hbm>>
    %dma_wait3A_616 = arith.constant 0 : i32
    %dma_wait3A_617 = arith.constant 0 : i32
    %dma_wait3A_618 = tpu.memref_slice %arg6[%dma_wait3A_609, %dma_wait3A_616, %dma_wait3A_617] : memref<2x32x100xi32, #tpu.memory_space<vmem>> -> memref<1x32x100xi32, #tpu.memory_space<vmem>>
    %dma_wait3A_619 = tpu.memref_squeeze %dma_wait3A_618 : memref<1x32x100xi32, #tpu.memory_space<vmem>> -> memref<32x100xi32, #tpu.memory_space<vmem>>
    %dma_wait3A_620 = arith.constant 0 : i32
    %dma_wait3A_621 = tpu.memref_slice %arg3[%add3A_608, %dma_wait3A_620] : memref<16384x100xi32, #tpu.memory_space<hbm>> -> memref<32x100xi32, #tpu.memory_space<hbm>>
    tpu.wait_dma2 semaphore(%arg10 : memref<!tpu.dma_semaphore, #tpu.memory_space<semaphore_mem>>) src(%dma_wait3A_621 : memref<32x100xi32, #tpu.memory_space<hbm>>) dst(%dma_wait3A_619 : memref<32x100xi32, #tpu.memory_space<vmem>>)
    %add3A_622 = arith.constant 224 : i32
    %add3A_623 = arith.addi %mul3A_2, %add3A_622 : i32
    %dma_wait3A_624 = arith.constant 1 : i32
    %dma_wait3A_625 = arith.constant 0 : i32
    %dma_wait3A_626 = arith.constant 0 : i32
    %dma_wait3A_627 = tpu.memref_slice %arg7[%dma_wait3A_624, %dma_wait3A_625, %dma_wait3A_626] : memref<2x32x128xf32, #tpu.memory_space<vmem>> -> memref<1x32x128xf32, #tpu.memory_space<vmem>>
    %dma_wait3A_628 = tpu.memref_squeeze %dma_wait3A_627 : memref<1x32x128xf32, #tpu.memory_space<vmem>> -> memref<32x128xf32, #tpu.memory_space<vmem>>
    %dma_wait3A_629 = arith.constant 0 : i32
    %dma_wait3A_630 = tpu.memref_slice %arg4[%add3A_623, %dma_wait3A_629] : memref<16384x128xf32, #tpu.memory_space<hbm>> -> memref<32x128xf32, #tpu.memory_space<hbm>>
    %dma_wait3A_631 = arith.constant 0 : i32
    %dma_wait3A_632 = tpu.memref_slice %arg4[%add3A_623, %dma_wait3A_631] : memref<16384x128xf32, #tpu.memory_space<hbm>> -> memref<32x128xf32, #tpu.memory_space<hbm>>
    %dma_wait3A_633 = arith.constant 0 : i32
    %dma_wait3A_634 = arith.constant 0 : i32
    %dma_wait3A_635 = tpu.memref_slice %arg7[%dma_wait3A_624, %dma_wait3A_633, %dma_wait3A_634] : memref<2x32x128xf32, #tpu.memory_space<vmem>> -> memref<1x32x128xf32, #tpu.memory_space<vmem>>
    %dma_wait3A_636 = tpu.memref_squeeze %dma_wait3A_635 : memref<1x32x128xf32, #tpu.memory_space<vmem>> -> memref<32x128xf32, #tpu.memory_space<vmem>>
    tpu.wait_dma2 semaphore(%arg12 : memref<!tpu.dma_semaphore, #tpu.memory_space<semaphore_mem>>) src(%dma_wait3A_636 : memref<32x128xf32, #tpu.memory_space<vmem>>) dst(%dma_wait3A_632 : memref<32x128xf32, #tpu.memory_space<hbm>>)
    %scan3A_637 = arith.constant 0 : i32
    %scan3A_638 = arith.constant 0 : i32
    %scan3A_639 = arith.constant 32 : i32
    %scan3A_640 = arith.addi %scan3A_638, %scan3A_639 : i32
    %scan3A_641 = arith.constant 1 : i32
    %scan3A_642 = scf.for %scan3A_1076 = %scan3A_638 to %scan3A_640 step %scan3A_641 iter_args(%scan3A_1077 = %scan3A_637) -> (i32)  : i32 {
      %get3A_1078 = arith.constant 1 : i32
      %get3A_1079 = arith.index_cast %get3A_1078 : i32 to index
      %get3A_1080 = arith.index_cast %scan3A_1076 : i32 to index
      %get3A_1081 = arith.constant 0 : index
      %get3A_1082 = tpu.vector_load %arg6[%get3A_1079, %get3A_1080, %get3A_1081] {strides = array<i32>} : memref<2x32x100xi32, #tpu.memory_space<vmem>>, vector<16xi32>,
      %gather3A = tpu.vector_load_idx %arg5[%get3A_1082] : memref<100352xf32, #tpu.memory_space<vmem>>[vector<16xi32>], vector<16xf32>,
      %swap3A_1083 = arith.constant 1 : i32
      %swap3A_1084 = arith.index_cast %swap3A_1083 : i32 to index
      %swap3A_1085 = arith.index_cast %scan3A_1076 : i32 to index
      %swap3A_1086 = arith.constant 0 : index
      %swap3A_1087 = tpu.vector_load %arg7[%swap3A_1084, %swap3A_1085, %swap3A_1086] {strides = array<i32>} : memref<2x32x128xf32, #tpu.memory_space<vmem>>, vector<16xf32>,
      tpu.vector_store %arg7[%swap3A_1084, %swap3A_1085, %swap3A_1086], %gather3A {strides = array<i32>} : memref<2x32x128xf32, #tpu.memory_space<vmem>>, vector<16xf32>,
      %get3A_1088 = arith.constant 1 : i32
      %get3A_1089 = arith.index_cast %get3A_1088 : i32 to index
      %get3A_1090 = arith.index_cast %scan3A_1076 : i32 to index
      %get3A_1091 = arith.constant 16 : index
      %get3A_1092 = tpu.vector_load %arg6[%get3A_1089, %get3A_1090, %get3A_1091] {strides = array<i32>} : memref<2x32x100xi32, #tpu.memory_space<vmem>>, vector<16xi32>,
      %gather3A_1093 = tpu.vector_load_idx %arg5[%get3A_1092] : memref<100352xf32, #tpu.memory_space<vmem>>[vector<16xi32>], vector<16xf32>,
      %swap3A_1094 = arith.constant 1 : i32
      %swap3A_1095 = arith.index_cast %swap3A_1094 : i32 to index
      %swap3A_1096 = arith.index_cast %scan3A_1076 : i32 to index
      %swap3A_1097 = arith.constant 16 : index
      %swap3A_1098 = tpu.vector_load %arg7[%swap3A_1095, %swap3A_1096, %swap3A_1097] {strides = array<i32>} : memref<2x32x128xf32, #tpu.memory_space<vmem>>, vector<16xf32>,
      tpu.vector_store %arg7[%swap3A_1095, %swap3A_1096, %swap3A_1097], %gather3A_1093 {strides = array<i32>} : memref<2x32x128xf32, #tpu.memory_space<vmem>>, vector<16xf32>,
      %get3A_1099 = arith.constant 1 : i32
      %get3A_1100 = arith.index_cast %get3A_1099 : i32 to index
      %get3A_1101 = arith.index_cast %scan3A_1076 : i32 to index
      %get3A_1102 = arith.constant 32 : index
      %get3A_1103 = tpu.vector_load %arg6[%get3A_1100, %get3A_1101, %get3A_1102] {strides = array<i32>} : memref<2x32x100xi32, #tpu.memory_space<vmem>>, vector<16xi32>,
      %gather3A_1104 = tpu.vector_load_idx %arg5[%get3A_1103] : memref<100352xf32, #tpu.memory_space<vmem>>[vector<16xi32>], vector<16xf32>,
      %swap3A_1105 = arith.constant 1 : i32
      %swap3A_1106 = arith.index_cast %swap3A_1105 : i32 to index
      %swap3A_1107 = arith.index_cast %scan3A_1076 : i32 to index
      %swap3A_1108 = arith.constant 32 : index
      %swap3A_1109 = tpu.vector_load %arg7[%swap3A_1106, %swap3A_1107, %swap3A_1108] {strides = array<i32>} : memref<2x32x128xf32, #tpu.memory_space<vmem>>, vector<16xf32>,
      tpu.vector_store %arg7[%swap3A_1106, %swap3A_1107, %swap3A_1108], %gather3A_1104 {strides = array<i32>} : memref<2x32x128xf32, #tpu.memory_space<vmem>>, vector<16xf32>,
      %get3A_1110 = arith.constant 1 : i32
      %get3A_1111 = arith.index_cast %get3A_1110 : i32 to index
      %get3A_1112 = arith.index_cast %scan3A_1076 : i32 to index
      %get3A_1113 = arith.constant 48 : index
      %get3A_1114 = tpu.vector_load %arg6[%get3A_1111, %get3A_1112, %get3A_1113] {strides = array<i32>} : memref<2x32x100xi32, #tpu.memory_space<vmem>>, vector<16xi32>,
      %gather3A_1115 = tpu.vector_load_idx %arg5[%get3A_1114] : memref<100352xf32, #tpu.memory_space<vmem>>[vector<16xi32>], vector<16xf32>,
      %swap3A_1116 = arith.constant 1 : i32
      %swap3A_1117 = arith.index_cast %swap3A_1116 : i32 to index
      %swap3A_1118 = arith.index_cast %scan3A_1076 : i32 to index
      %swap3A_1119 = arith.constant 48 : index
      %swap3A_1120 = tpu.vector_load %arg7[%swap3A_1117, %swap3A_1118, %swap3A_1119] {strides = array<i32>} : memref<2x32x128xf32, #tpu.memory_space<vmem>>, vector<16xf32>,
      tpu.vector_store %arg7[%swap3A_1117, %swap3A_1118, %swap3A_1119], %gather3A_1115 {strides = array<i32>} : memref<2x32x128xf32, #tpu.memory_space<vmem>>, vector<16xf32>,
      %get3A_1121 = arith.constant 1 : i32
      %get3A_1122 = arith.index_cast %get3A_1121 : i32 to index
      %get3A_1123 = arith.index_cast %scan3A_1076 : i32 to index
      %get3A_1124 = arith.constant 64 : index
      %get3A_1125 = tpu.vector_load %arg6[%get3A_1122, %get3A_1123, %get3A_1124] {strides = array<i32>} : memref<2x32x100xi32, #tpu.memory_space<vmem>>, vector<16xi32>,
      %gather3A_1126 = tpu.vector_load_idx %arg5[%get3A_1125] : memref<100352xf32, #tpu.memory_space<vmem>>[vector<16xi32>], vector<16xf32>,
      %swap3A_1127 = arith.constant 1 : i32
      %swap3A_1128 = arith.index_cast %swap3A_1127 : i32 to index
      %swap3A_1129 = arith.index_cast %scan3A_1076 : i32 to index
      %swap3A_1130 = arith.constant 64 : index
      %swap3A_1131 = tpu.vector_load %arg7[%swap3A_1128, %swap3A_1129, %swap3A_1130] {strides = array<i32>} : memref<2x32x128xf32, #tpu.memory_space<vmem>>, vector<16xf32>,
      tpu.vector_store %arg7[%swap3A_1128, %swap3A_1129, %swap3A_1130], %gather3A_1126 {strides = array<i32>} : memref<2x32x128xf32, #tpu.memory_space<vmem>>, vector<16xf32>,
      %get3A_1132 = arith.constant 1 : i32
      %get3A_1133 = arith.index_cast %get3A_1132 : i32 to index
      %get3A_1134 = arith.index_cast %scan3A_1076 : i32 to index
      %get3A_1135 = arith.constant 80 : index
      %get3A_1136 = tpu.vector_load %arg6[%get3A_1133, %get3A_1134, %get3A_1135] {strides = array<i32>} : memref<2x32x100xi32, #tpu.memory_space<vmem>>, vector<16xi32>,
      %gather3A_1137 = tpu.vector_load_idx %arg5[%get3A_1136] : memref<100352xf32, #tpu.memory_space<vmem>>[vector<16xi32>], vector<16xf32>,
      %swap3A_1138 = arith.constant 1 : i32
      %swap3A_1139 = arith.index_cast %swap3A_1138 : i32 to index
      %swap3A_1140 = arith.index_cast %scan3A_1076 : i32 to index
      %swap3A_1141 = arith.constant 80 : index
      %swap3A_1142 = tpu.vector_load %arg7[%swap3A_1139, %swap3A_1140, %swap3A_1141] {strides = array<i32>} : memref<2x32x128xf32, #tpu.memory_space<vmem>>, vector<16xf32>,
      tpu.vector_store %arg7[%swap3A_1139, %swap3A_1140, %swap3A_1141], %gather3A_1137 {strides = array<i32>} : memref<2x32x128xf32, #tpu.memory_space<vmem>>, vector<16xf32>,
      %get3A_1143 = arith.constant 1 : i32
      %get3A_1144 = arith.index_cast %get3A_1143 : i32 to index
      %get3A_1145 = arith.index_cast %scan3A_1076 : i32 to index
      %get3A_1146 = arith.constant 84 : index
      %get3A_1147 = tpu.vector_load %arg6[%get3A_1144, %get3A_1145, %get3A_1146] {strides = array<i32>} : memref<2x32x100xi32, #tpu.memory_space<vmem>>, vector<16xi32>,
      %gather3A_1148 = tpu.vector_load_idx %arg5[%get3A_1147] : memref<100352xf32, #tpu.memory_space<vmem>>[vector<16xi32>], vector<16xf32>,
      %swap3A_1149 = arith.constant 1 : i32
      %swap3A_1150 = arith.index_cast %swap3A_1149 : i32 to index
      %swap3A_1151 = arith.index_cast %scan3A_1076 : i32 to index
      %swap3A_1152 = arith.constant 84 : index
      %swap3A_1153 = tpu.vector_load %arg7[%swap3A_1150, %swap3A_1151, %swap3A_1152] {strides = array<i32>} : memref<2x32x128xf32, #tpu.memory_space<vmem>>, vector<16xf32>,
      tpu.vector_store %arg7[%swap3A_1150, %swap3A_1151, %swap3A_1152], %gather3A_1148 {strides = array<i32>} : memref<2x32x128xf32, #tpu.memory_space<vmem>>, vector<16xf32>,
      %scan3A_1154 = arith.constant 0 : i32
      scf.yield %scan3A_1154 : i32
    }
    %scan3A_643 = arith.constant 32 : i32
    %add3A_644 = arith.constant 288 : i32
    %add3A_645 = arith.addi %mul3A_2, %add3A_644 : i32
    %dma_start3A_646 = arith.constant 1 : i32
    %dma_start3A_647 = arith.constant 0 : i32
    %dma_start3A_648 = arith.constant 0 : i32
    %dma_start3A_649 = tpu.memref_slice %arg7[%dma_start3A_646, %dma_start3A_647, %dma_start3A_648] : memref<2x32x128xf32, #tpu.memory_space<vmem>> -> memref<1x32x128xf32, #tpu.memory_space<vmem>>
    %dma_start3A_650 = tpu.memref_squeeze %dma_start3A_649 : memref<1x32x128xf32, #tpu.memory_space<vmem>> -> memref<32x128xf32, #tpu.memory_space<vmem>>
    %dma_start3A_651 = arith.constant 0 : i32
    %dma_start3A_652 = tpu.memref_slice %arg4[%add3A_645, %dma_start3A_651] : memref<16384x128xf32, #tpu.memory_space<hbm>> -> memref<32x128xf32, #tpu.memory_space<hbm>>
    %dma_start3A_653 = arith.constant 0 : i32
    %dma_start3A_654 = tpu.memref_slice %arg4[%add3A_645, %dma_start3A_653] : memref<16384x128xf32, #tpu.memory_space<hbm>> -> memref<32x128xf32, #tpu.memory_space<hbm>>
    %dma_start3A_655 = arith.constant 0 : i32
    %dma_start3A_656 = arith.constant 0 : i32
    %dma_start3A_657 = tpu.memref_slice %arg7[%dma_start3A_646, %dma_start3A_655, %dma_start3A_656] : memref<2x32x128xf32, #tpu.memory_space<vmem>> -> memref<1x32x128xf32, #tpu.memory_space<vmem>>
    %dma_start3A_658 = tpu.memref_squeeze %dma_start3A_657 : memref<1x32x128xf32, #tpu.memory_space<vmem>> -> memref<32x128xf32, #tpu.memory_space<vmem>>
    tpu.enqueue_dma source(%dma_start3A_658 : memref<32x128xf32, #tpu.memory_space<vmem>>) target(%dma_start3A_654 : memref<32x128xf32, #tpu.memory_space<hbm>>) target_semaphore(%arg12 : memref<!tpu.dma_semaphore, #tpu.memory_space<semaphore_mem>>)
    %add3A_659 = arith.constant 352 : i32
    %add3A_660 = arith.addi %mul3A_2, %add3A_659 : i32
    %dma_start3A_661 = arith.constant 1 : i32
    %dma_start3A_662 = arith.constant 0 : i32
    %dma_start3A_663 = arith.constant 0 : i32
    %dma_start3A_664 = tpu.memref_slice %arg6[%dma_start3A_661, %dma_start3A_662, %dma_start3A_663] : memref<2x32x100xi32, #tpu.memory_space<vmem>> -> memref<1x32x100xi32, #tpu.memory_space<vmem>>
    %dma_start3A_665 = tpu.memref_squeeze %dma_start3A_664 : memref<1x32x100xi32, #tpu.memory_space<vmem>> -> memref<32x100xi32, #tpu.memory_space<vmem>>
    %dma_start3A_666 = arith.constant 0 : i32
    %dma_start3A_667 = tpu.memref_slice %arg3[%add3A_660, %dma_start3A_666] : memref<16384x100xi32, #tpu.memory_space<hbm>> -> memref<32x100xi32, #tpu.memory_space<hbm>>
    %dma_start3A_668 = arith.constant 0 : i32
    %dma_start3A_669 = arith.constant 0 : i32
    %dma_start3A_670 = tpu.memref_slice %arg6[%dma_start3A_661, %dma_start3A_668, %dma_start3A_669] : memref<2x32x100xi32, #tpu.memory_space<vmem>> -> memref<1x32x100xi32, #tpu.memory_space<vmem>>
    %dma_start3A_671 = tpu.memref_squeeze %dma_start3A_670 : memref<1x32x100xi32, #tpu.memory_space<vmem>> -> memref<32x100xi32, #tpu.memory_space<vmem>>
    %dma_start3A_672 = arith.constant 0 : i32
    %dma_start3A_673 = tpu.memref_slice %arg3[%add3A_660, %dma_start3A_672] : memref<16384x100xi32, #tpu.memory_space<hbm>> -> memref<32x100xi32, #tpu.memory_space<hbm>>
    tpu.enqueue_dma source(%dma_start3A_673 : memref<32x100xi32, #tpu.memory_space<hbm>>) target(%dma_start3A_671 : memref<32x100xi32, #tpu.memory_space<vmem>>) target_semaphore(%arg10 : memref<!tpu.dma_semaphore, #tpu.memory_space<semaphore_mem>>)
    %add3A_674 = arith.constant 320 : i32
    %add3A_675 = arith.addi %mul3A_2, %add3A_674 : i32
    %dma_wait3A_676 = arith.constant 0 : i32
    %dma_wait3A_677 = arith.constant 0 : i32
    %dma_wait3A_678 = arith.constant 0 : i32
    %dma_wait3A_679 = tpu.memref_slice %arg6[%dma_wait3A_676, %dma_wait3A_677, %dma_wait3A_678] : memref<2x32x100xi32, #tpu.memory_space<vmem>> -> memref<1x32x100xi32, #tpu.memory_space<vmem>>
    %dma_wait3A_680 = tpu.memref_squeeze %dma_wait3A_679 : memref<1x32x100xi32, #tpu.memory_space<vmem>> -> memref<32x100xi32, #tpu.memory_space<vmem>>
    %dma_wait3A_681 = arith.constant 0 : i32
    %dma_wait3A_682 = tpu.memref_slice %arg3[%add3A_675, %dma_wait3A_681] : memref<16384x100xi32, #tpu.memory_space<hbm>> -> memref<32x100xi32, #tpu.memory_space<hbm>>
    %dma_wait3A_683 = arith.constant 0 : i32
    %dma_wait3A_684 = arith.constant 0 : i32
    %dma_wait3A_685 = tpu.memref_slice %arg6[%dma_wait3A_676, %dma_wait3A_683, %dma_wait3A_684] : memref<2x32x100xi32, #tpu.memory_space<vmem>> -> memref<1x32x100xi32, #tpu.memory_space<vmem>>
    %dma_wait3A_686 = tpu.memref_squeeze %dma_wait3A_685 : memref<1x32x100xi32, #tpu.memory_space<vmem>> -> memref<32x100xi32, #tpu.memory_space<vmem>>
    %dma_wait3A_687 = arith.constant 0 : i32
    %dma_wait3A_688 = tpu.memref_slice %arg3[%add3A_675, %dma_wait3A_687] : memref<16384x100xi32, #tpu.memory_space<hbm>> -> memref<32x100xi32, #tpu.memory_space<hbm>>
    tpu.wait_dma2 semaphore(%arg9 : memref<!tpu.dma_semaphore, #tpu.memory_space<semaphore_mem>>) src(%dma_wait3A_688 : memref<32x100xi32, #tpu.memory_space<hbm>>) dst(%dma_wait3A_686 : memref<32x100xi32, #tpu.memory_space<vmem>>)
    %add3A_689 = arith.constant 256 : i32
    %add3A_690 = arith.addi %mul3A_2, %add3A_689 : i32
    %dma_wait3A_691 = arith.constant 0 : i32
    %dma_wait3A_692 = arith.constant 0 : i32
    %dma_wait3A_693 = arith.constant 0 : i32
    %dma_wait3A_694 = tpu.memref_slice %arg7[%dma_wait3A_691, %dma_wait3A_692, %dma_wait3A_693] : memref<2x32x128xf32, #tpu.memory_space<vmem>> -> memref<1x32x128xf32, #tpu.memory_space<vmem>>
    %dma_wait3A_695 = tpu.memref_squeeze %dma_wait3A_694 : memref<1x32x128xf32, #tpu.memory_space<vmem>> -> memref<32x128xf32, #tpu.memory_space<vmem>>
    %dma_wait3A_696 = arith.constant 0 : i32
    %dma_wait3A_697 = tpu.memref_slice %arg4[%add3A_690, %dma_wait3A_696] : memref<16384x128xf32, #tpu.memory_space<hbm>> -> memref<32x128xf32, #tpu.memory_space<hbm>>
    %dma_wait3A_698 = arith.constant 0 : i32
    %dma_wait3A_699 = tpu.memref_slice %arg4[%add3A_690, %dma_wait3A_698] : memref<16384x128xf32, #tpu.memory_space<hbm>> -> memref<32x128xf32, #tpu.memory_space<hbm>>
    %dma_wait3A_700 = arith.constant 0 : i32
    %dma_wait3A_701 = arith.constant 0 : i32
    %dma_wait3A_702 = tpu.memref_slice %arg7[%dma_wait3A_691, %dma_wait3A_700, %dma_wait3A_701] : memref<2x32x128xf32, #tpu.memory_space<vmem>> -> memref<1x32x128xf32, #tpu.memory_space<vmem>>
    %dma_wait3A_703 = tpu.memref_squeeze %dma_wait3A_702 : memref<1x32x128xf32, #tpu.memory_space<vmem>> -> memref<32x128xf32, #tpu.memory_space<vmem>>
    tpu.wait_dma2 semaphore(%arg11 : memref<!tpu.dma_semaphore, #tpu.memory_space<semaphore_mem>>) src(%dma_wait3A_703 : memref<32x128xf32, #tpu.memory_space<vmem>>) dst(%dma_wait3A_699 : memref<32x128xf32, #tpu.memory_space<hbm>>)
    %scan3A_704 = arith.constant 0 : i32
    %scan3A_705 = arith.constant 0 : i32
    %scan3A_706 = arith.constant 32 : i32
    %scan3A_707 = arith.addi %scan3A_705, %scan3A_706 : i32
    %scan3A_708 = arith.constant 1 : i32
    %scan3A_709 = scf.for %scan3A_1076 = %scan3A_705 to %scan3A_707 step %scan3A_708 iter_args(%scan3A_1077 = %scan3A_704) -> (i32)  : i32 {
      %get3A_1078 = arith.constant 0 : i32
      %get3A_1079 = arith.index_cast %get3A_1078 : i32 to index
      %get3A_1080 = arith.index_cast %scan3A_1076 : i32 to index
      %get3A_1081 = arith.constant 0 : index
      %get3A_1082 = tpu.vector_load %arg6[%get3A_1079, %get3A_1080, %get3A_1081] {strides = array<i32>} : memref<2x32x100xi32, #tpu.memory_space<vmem>>, vector<16xi32>,
      %gather3A = tpu.vector_load_idx %arg5[%get3A_1082] : memref<100352xf32, #tpu.memory_space<vmem>>[vector<16xi32>], vector<16xf32>,
      %swap3A_1083 = arith.constant 0 : i32
      %swap3A_1084 = arith.index_cast %swap3A_1083 : i32 to index
      %swap3A_1085 = arith.index_cast %scan3A_1076 : i32 to index
      %swap3A_1086 = arith.constant 0 : index
      %swap3A_1087 = tpu.vector_load %arg7[%swap3A_1084, %swap3A_1085, %swap3A_1086] {strides = array<i32>} : memref<2x32x128xf32, #tpu.memory_space<vmem>>, vector<16xf32>,
      tpu.vector_store %arg7[%swap3A_1084, %swap3A_1085, %swap3A_1086], %gather3A {strides = array<i32>} : memref<2x32x128xf32, #tpu.memory_space<vmem>>, vector<16xf32>,
      %get3A_1088 = arith.constant 0 : i32
      %get3A_1089 = arith.index_cast %get3A_1088 : i32 to index
      %get3A_1090 = arith.index_cast %scan3A_1076 : i32 to index
      %get3A_1091 = arith.constant 16 : index
      %get3A_1092 = tpu.vector_load %arg6[%get3A_1089, %get3A_1090, %get3A_1091] {strides = array<i32>} : memref<2x32x100xi32, #tpu.memory_space<vmem>>, vector<16xi32>,
      %gather3A_1093 = tpu.vector_load_idx %arg5[%get3A_1092] : memref<100352xf32, #tpu.memory_space<vmem>>[vector<16xi32>], vector<16xf32>,
      %swap3A_1094 = arith.constant 0 : i32
      %swap3A_1095 = arith.index_cast %swap3A_1094 : i32 to index
      %swap3A_1096 = arith.index_cast %scan3A_1076 : i32 to index
      %swap3A_1097 = arith.constant 16 : index
      %swap3A_1098 = tpu.vector_load %arg7[%swap3A_1095, %swap3A_1096, %swap3A_1097] {strides = array<i32>} : memref<2x32x128xf32, #tpu.memory_space<vmem>>, vector<16xf32>,
      tpu.vector_store %arg7[%swap3A_1095, %swap3A_1096, %swap3A_1097], %gather3A_1093 {strides = array<i32>} : memref<2x32x128xf32, #tpu.memory_space<vmem>>, vector<16xf32>,
      %get3A_1099 = arith.constant 0 : i32
      %get3A_1100 = arith.index_cast %get3A_1099 : i32 to index
      %get3A_1101 = arith.index_cast %scan3A_1076 : i32 to index
      %get3A_1102 = arith.constant 32 : index
      %get3A_1103 = tpu.vector_load %arg6[%get3A_1100, %get3A_1101, %get3A_1102] {strides = array<i32>} : memref<2x32x100xi32, #tpu.memory_space<vmem>>, vector<16xi32>,
      %gather3A_1104 = tpu.vector_load_idx %arg5[%get3A_1103] : memref<100352xf32, #tpu.memory_space<vmem>>[vector<16xi32>], vector<16xf32>,
      %swap3A_1105 = arith.constant 0 : i32
      %swap3A_1106 = arith.index_cast %swap3A_1105 : i32 to index
      %swap3A_1107 = arith.index_cast %scan3A_1076 : i32 to index
      %swap3A_1108 = arith.constant 32 : index
      %swap3A_1109 = tpu.vector_load %arg7[%swap3A_1106, %swap3A_1107, %swap3A_1108] {strides = array<i32>} : memref<2x32x128xf32, #tpu.memory_space<vmem>>, vector<16xf32>,
      tpu.vector_store %arg7[%swap3A_1106, %swap3A_1107, %swap3A_1108], %gather3A_1104 {strides = array<i32>} : memref<2x32x128xf32, #tpu.memory_space<vmem>>, vector<16xf32>,
      %get3A_1110 = arith.constant 0 : i32
      %get3A_1111 = arith.index_cast %get3A_1110 : i32 to index
      %get3A_1112 = arith.index_cast %scan3A_1076 : i32 to index
      %get3A_1113 = arith.constant 48 : index
      %get3A_1114 = tpu.vector_load %arg6[%get3A_1111, %get3A_1112, %get3A_1113] {strides = array<i32>} : memref<2x32x100xi32, #tpu.memory_space<vmem>>, vector<16xi32>,
      %gather3A_1115 = tpu.vector_load_idx %arg5[%get3A_1114] : memref<100352xf32, #tpu.memory_space<vmem>>[vector<16xi32>], vector<16xf32>,
      %swap3A_1116 = arith.constant 0 : i32
      %swap3A_1117 = arith.index_cast %swap3A_1116 : i32 to index
      %swap3A_1118 = arith.index_cast %scan3A_1076 : i32 to index
      %swap3A_1119 = arith.constant 48 : index
      %swap3A_1120 = tpu.vector_load %arg7[%swap3A_1117, %swap3A_1118, %swap3A_1119] {strides = array<i32>} : memref<2x32x128xf32, #tpu.memory_space<vmem>>, vector<16xf32>,
      tpu.vector_store %arg7[%swap3A_1117, %swap3A_1118, %swap3A_1119], %gather3A_1115 {strides = array<i32>} : memref<2x32x128xf32, #tpu.memory_space<vmem>>, vector<16xf32>,
      %get3A_1121 = arith.constant 0 : i32
      %get3A_1122 = arith.index_cast %get3A_1121 : i32 to index
      %get3A_1123 = arith.index_cast %scan3A_1076 : i32 to index
      %get3A_1124 = arith.constant 64 : index
      %get3A_1125 = tpu.vector_load %arg6[%get3A_1122, %get3A_1123, %get3A_1124] {strides = array<i32>} : memref<2x32x100xi32, #tpu.memory_space<vmem>>, vector<16xi32>,
      %gather3A_1126 = tpu.vector_load_idx %arg5[%get3A_1125] : memref<100352xf32, #tpu.memory_space<vmem>>[vector<16xi32>], vector<16xf32>,
      %swap3A_1127 = arith.constant 0 : i32
      %swap3A_1128 = arith.index_cast %swap3A_1127 : i32 to index
      %swap3A_1129 = arith.index_cast %scan3A_1076 : i32 to index
      %swap3A_1130 = arith.constant 64 : index
      %swap3A_1131 = tpu.vector_load %arg7[%swap3A_1128, %swap3A_1129, %swap3A_1130] {strides = array<i32>} : memref<2x32x128xf32, #tpu.memory_space<vmem>>, vector<16xf32>,
      tpu.vector_store %arg7[%swap3A_1128, %swap3A_1129, %swap3A_1130], %gather3A_1126 {strides = array<i32>} : memref<2x32x128xf32, #tpu.memory_space<vmem>>, vector<16xf32>,
      %get3A_1132 = arith.constant 0 : i32
      %get3A_1133 = arith.index_cast %get3A_1132 : i32 to index
      %get3A_1134 = arith.index_cast %scan3A_1076 : i32 to index
      %get3A_1135 = arith.constant 80 : index
      %get3A_1136 = tpu.vector_load %arg6[%get3A_1133, %get3A_1134, %get3A_1135] {strides = array<i32>} : memref<2x32x100xi32, #tpu.memory_space<vmem>>, vector<16xi32>,
      %gather3A_1137 = tpu.vector_load_idx %arg5[%get3A_1136] : memref<100352xf32, #tpu.memory_space<vmem>>[vector<16xi32>], vector<16xf32>,
      %swap3A_1138 = arith.constant 0 : i32
      %swap3A_1139 = arith.index_cast %swap3A_1138 : i32 to index
      %swap3A_1140 = arith.index_cast %scan3A_1076 : i32 to index
      %swap3A_1141 = arith.constant 80 : index
      %swap3A_1142 = tpu.vector_load %arg7[%swap3A_1139, %swap3A_1140, %swap3A_1141] {strides = array<i32>} : memref<2x32x128xf32, #tpu.memory_space<vmem>>, vector<16xf32>,
      tpu.vector_store %arg7[%swap3A_1139, %swap3A_1140, %swap3A_1141], %gather3A_1137 {strides = array<i32>} : memref<2x32x128xf32, #tpu.memory_space<vmem>>, vector<16xf32>,
      %get3A_1143 = arith.constant 0 : i32
      %get3A_1144 = arith.index_cast %get3A_1143 : i32 to index
      %get3A_1145 = arith.index_cast %scan3A_1076 : i32 to index
      %get3A_1146 = arith.constant 84 : index
      %get3A_1147 = tpu.vector_load %arg6[%get3A_1144, %get3A_1145, %get3A_1146] {strides = array<i32>} : memref<2x32x100xi32, #tpu.memory_space<vmem>>, vector<16xi32>,
      %gather3A_1148 = tpu.vector_load_idx %arg5[%get3A_1147] : memref<100352xf32, #tpu.memory_space<vmem>>[vector<16xi32>], vector<16xf32>,
      %swap3A_1149 = arith.constant 0 : i32
      %swap3A_1150 = arith.index_cast %swap3A_1149 : i32 to index
      %swap3A_1151 = arith.index_cast %scan3A_1076 : i32 to index
      %swap3A_1152 = arith.constant 84 : index
      %swap3A_1153 = tpu.vector_load %arg7[%swap3A_1150, %swap3A_1151, %swap3A_1152] {strides = array<i32>} : memref<2x32x128xf32, #tpu.memory_space<vmem>>, vector<16xf32>,
      tpu.vector_store %arg7[%swap3A_1150, %swap3A_1151, %swap3A_1152], %gather3A_1148 {strides = array<i32>} : memref<2x32x128xf32, #tpu.memory_space<vmem>>, vector<16xf32>,
      %scan3A_1154 = arith.constant 0 : i32
      scf.yield %scan3A_1154 : i32
    }
    %scan3A_710 = arith.constant 32 : i32
    %add3A_711 = arith.constant 320 : i32
    %add3A_712 = arith.addi %mul3A_2, %add3A_711 : i32
    %dma_start3A_713 = arith.constant 0 : i32
    %dma_start3A_714 = arith.constant 0 : i32
    %dma_start3A_715 = arith.constant 0 : i32
    %dma_start3A_716 = tpu.memref_slice %arg7[%dma_start3A_713, %dma_start3A_714, %dma_start3A_715] : memref<2x32x128xf32, #tpu.memory_space<vmem>> -> memref<1x32x128xf32, #tpu.memory_space<vmem>>
    %dma_start3A_717 = tpu.memref_squeeze %dma_start3A_716 : memref<1x32x128xf32, #tpu.memory_space<vmem>> -> memref<32x128xf32, #tpu.memory_space<vmem>>
    %dma_start3A_718 = arith.constant 0 : i32
    %dma_start3A_719 = tpu.memref_slice %arg4[%add3A_712, %dma_start3A_718] : memref<16384x128xf32, #tpu.memory_space<hbm>> -> memref<32x128xf32, #tpu.memory_space<hbm>>
    %dma_start3A_720 = arith.constant 0 : i32
    %dma_start3A_721 = tpu.memref_slice %arg4[%add3A_712, %dma_start3A_720] : memref<16384x128xf32, #tpu.memory_space<hbm>> -> memref<32x128xf32, #tpu.memory_space<hbm>>
    %dma_start3A_722 = arith.constant 0 : i32
    %dma_start3A_723 = arith.constant 0 : i32
    %dma_start3A_724 = tpu.memref_slice %arg7[%dma_start3A_713, %dma_start3A_722, %dma_start3A_723] : memref<2x32x128xf32, #tpu.memory_space<vmem>> -> memref<1x32x128xf32, #tpu.memory_space<vmem>>
    %dma_start3A_725 = tpu.memref_squeeze %dma_start3A_724 : memref<1x32x128xf32, #tpu.memory_space<vmem>> -> memref<32x128xf32, #tpu.memory_space<vmem>>
    tpu.enqueue_dma source(%dma_start3A_725 : memref<32x128xf32, #tpu.memory_space<vmem>>) target(%dma_start3A_721 : memref<32x128xf32, #tpu.memory_space<hbm>>) target_semaphore(%arg11 : memref<!tpu.dma_semaphore, #tpu.memory_space<semaphore_mem>>)
    %add3A_726 = arith.constant 384 : i32
    %add3A_727 = arith.addi %mul3A_2, %add3A_726 : i32
    %dma_start3A_728 = arith.constant 0 : i32
    %dma_start3A_729 = arith.constant 0 : i32
    %dma_start3A_730 = arith.constant 0 : i32
    %dma_start3A_731 = tpu.memref_slice %arg6[%dma_start3A_728, %dma_start3A_729, %dma_start3A_730] : memref<2x32x100xi32, #tpu.memory_space<vmem>> -> memref<1x32x100xi32, #tpu.memory_space<vmem>>
    %dma_start3A_732 = tpu.memref_squeeze %dma_start3A_731 : memref<1x32x100xi32, #tpu.memory_space<vmem>> -> memref<32x100xi32, #tpu.memory_space<vmem>>
    %dma_start3A_733 = arith.constant 0 : i32
    %dma_start3A_734 = tpu.memref_slice %arg3[%add3A_727, %dma_start3A_733] : memref<16384x100xi32, #tpu.memory_space<hbm>> -> memref<32x100xi32, #tpu.memory_space<hbm>>
    %dma_start3A_735 = arith.constant 0 : i32
    %dma_start3A_736 = arith.constant 0 : i32
    %dma_start3A_737 = tpu.memref_slice %arg6[%dma_start3A_728, %dma_start3A_735, %dma_start3A_736] : memref<2x32x100xi32, #tpu.memory_space<vmem>> -> memref<1x32x100xi32, #tpu.memory_space<vmem>>
    %dma_start3A_738 = tpu.memref_squeeze %dma_start3A_737 : memref<1x32x100xi32, #tpu.memory_space<vmem>> -> memref<32x100xi32, #tpu.memory_space<vmem>>
    %dma_start3A_739 = arith.constant 0 : i32
    %dma_start3A_740 = tpu.memref_slice %arg3[%add3A_727, %dma_start3A_739] : memref<16384x100xi32, #tpu.memory_space<hbm>> -> memref<32x100xi32, #tpu.memory_space<hbm>>
    tpu.enqueue_dma source(%dma_start3A_740 : memref<32x100xi32, #tpu.memory_space<hbm>>) target(%dma_start3A_738 : memref<32x100xi32, #tpu.memory_space<vmem>>) target_semaphore(%arg9 : memref<!tpu.dma_semaphore, #tpu.memory_space<semaphore_mem>>)
    %add3A_741 = arith.constant 352 : i32
    %add3A_742 = arith.addi %mul3A_2, %add3A_741 : i32
    %dma_wait3A_743 = arith.constant 1 : i32
    %dma_wait3A_744 = arith.constant 0 : i32
    %dma_wait3A_745 = arith.constant 0 : i32
    %dma_wait3A_746 = tpu.memref_slice %arg6[%dma_wait3A_743, %dma_wait3A_744, %dma_wait3A_745] : memref<2x32x100xi32, #tpu.memory_space<vmem>> -> memref<1x32x100xi32, #tpu.memory_space<vmem>>
    %dma_wait3A_747 = tpu.memref_squeeze %dma_wait3A_746 : memref<1x32x100xi32, #tpu.memory_space<vmem>> -> memref<32x100xi32, #tpu.memory_space<vmem>>
    %dma_wait3A_748 = arith.constant 0 : i32
    %dma_wait3A_749 = tpu.memref_slice %arg3[%add3A_742, %dma_wait3A_748] : memref<16384x100xi32, #tpu.memory_space<hbm>> -> memref<32x100xi32, #tpu.memory_space<hbm>>
    %dma_wait3A_750 = arith.constant 0 : i32
    %dma_wait3A_751 = arith.constant 0 : i32
    %dma_wait3A_752 = tpu.memref_slice %arg6[%dma_wait3A_743, %dma_wait3A_750, %dma_wait3A_751] : memref<2x32x100xi32, #tpu.memory_space<vmem>> -> memref<1x32x100xi32, #tpu.memory_space<vmem>>
    %dma_wait3A_753 = tpu.memref_squeeze %dma_wait3A_752 : memref<1x32x100xi32, #tpu.memory_space<vmem>> -> memref<32x100xi32, #tpu.memory_space<vmem>>
    %dma_wait3A_754 = arith.constant 0 : i32
    %dma_wait3A_755 = tpu.memref_slice %arg3[%add3A_742, %dma_wait3A_754] : memref<16384x100xi32, #tpu.memory_space<hbm>> -> memref<32x100xi32, #tpu.memory_space<hbm>>
    tpu.wait_dma2 semaphore(%arg10 : memref<!tpu.dma_semaphore, #tpu.memory_space<semaphore_mem>>) src(%dma_wait3A_755 : memref<32x100xi32, #tpu.memory_space<hbm>>) dst(%dma_wait3A_753 : memref<32x100xi32, #tpu.memory_space<vmem>>)
    %add3A_756 = arith.constant 288 : i32
    %add3A_757 = arith.addi %mul3A_2, %add3A_756 : i32
    %dma_wait3A_758 = arith.constant 1 : i32
    %dma_wait3A_759 = arith.constant 0 : i32
    %dma_wait3A_760 = arith.constant 0 : i32
    %dma_wait3A_761 = tpu.memref_slice %arg7[%dma_wait3A_758, %dma_wait3A_759, %dma_wait3A_760] : memref<2x32x128xf32, #tpu.memory_space<vmem>> -> memref<1x32x128xf32, #tpu.memory_space<vmem>>
    %dma_wait3A_762 = tpu.memref_squeeze %dma_wait3A_761 : memref<1x32x128xf32, #tpu.memory_space<vmem>> -> memref<32x128xf32, #tpu.memory_space<vmem>>
    %dma_wait3A_763 = arith.constant 0 : i32
    %dma_wait3A_764 = tpu.memref_slice %arg4[%add3A_757, %dma_wait3A_763] : memref<16384x128xf32, #tpu.memory_space<hbm>> -> memref<32x128xf32, #tpu.memory_space<hbm>>
    %dma_wait3A_765 = arith.constant 0 : i32
    %dma_wait3A_766 = tpu.memref_slice %arg4[%add3A_757, %dma_wait3A_765] : memref<16384x128xf32, #tpu.memory_space<hbm>> -> memref<32x128xf32, #tpu.memory_space<hbm>>
    %dma_wait3A_767 = arith.constant 0 : i32
    %dma_wait3A_768 = arith.constant 0 : i32
    %dma_wait3A_769 = tpu.memref_slice %arg7[%dma_wait3A_758, %dma_wait3A_767, %dma_wait3A_768] : memref<2x32x128xf32, #tpu.memory_space<vmem>> -> memref<1x32x128xf32, #tpu.memory_space<vmem>>
    %dma_wait3A_770 = tpu.memref_squeeze %dma_wait3A_769 : memref<1x32x128xf32, #tpu.memory_space<vmem>> -> memref<32x128xf32, #tpu.memory_space<vmem>>
    tpu.wait_dma2 semaphore(%arg12 : memref<!tpu.dma_semaphore, #tpu.memory_space<semaphore_mem>>) src(%dma_wait3A_770 : memref<32x128xf32, #tpu.memory_space<vmem>>) dst(%dma_wait3A_766 : memref<32x128xf32, #tpu.memory_space<hbm>>)
    %scan3A_771 = arith.constant 0 : i32
    %scan3A_772 = arith.constant 0 : i32
    %scan3A_773 = arith.constant 32 : i32
    %scan3A_774 = arith.addi %scan3A_772, %scan3A_773 : i32
    %scan3A_775 = arith.constant 1 : i32
    %scan3A_776 = scf.for %scan3A_1076 = %scan3A_772 to %scan3A_774 step %scan3A_775 iter_args(%scan3A_1077 = %scan3A_771) -> (i32)  : i32 {
      %get3A_1078 = arith.constant 1 : i32
      %get3A_1079 = arith.index_cast %get3A_1078 : i32 to index
      %get3A_1080 = arith.index_cast %scan3A_1076 : i32 to index
      %get3A_1081 = arith.constant 0 : index
      %get3A_1082 = tpu.vector_load %arg6[%get3A_1079, %get3A_1080, %get3A_1081] {strides = array<i32>} : memref<2x32x100xi32, #tpu.memory_space<vmem>>, vector<16xi32>,
      %gather3A = tpu.vector_load_idx %arg5[%get3A_1082] : memref<100352xf32, #tpu.memory_space<vmem>>[vector<16xi32>], vector<16xf32>,
      %swap3A_1083 = arith.constant 1 : i32
      %swap3A_1084 = arith.index_cast %swap3A_1083 : i32 to index
      %swap3A_1085 = arith.index_cast %scan3A_1076 : i32 to index
      %swap3A_1086 = arith.constant 0 : index
      %swap3A_1087 = tpu.vector_load %arg7[%swap3A_1084, %swap3A_1085, %swap3A_1086] {strides = array<i32>} : memref<2x32x128xf32, #tpu.memory_space<vmem>>, vector<16xf32>,
      tpu.vector_store %arg7[%swap3A_1084, %swap3A_1085, %swap3A_1086], %gather3A {strides = array<i32>} : memref<2x32x128xf32, #tpu.memory_space<vmem>>, vector<16xf32>,
      %get3A_1088 = arith.constant 1 : i32
      %get3A_1089 = arith.index_cast %get3A_1088 : i32 to index
      %get3A_1090 = arith.index_cast %scan3A_1076 : i32 to index
      %get3A_1091 = arith.constant 16 : index
      %get3A_1092 = tpu.vector_load %arg6[%get3A_1089, %get3A_1090, %get3A_1091] {strides = array<i32>} : memref<2x32x100xi32, #tpu.memory_space<vmem>>, vector<16xi32>,
      %gather3A_1093 = tpu.vector_load_idx %arg5[%get3A_1092] : memref<100352xf32, #tpu.memory_space<vmem>>[vector<16xi32>], vector<16xf32>,
      %swap3A_1094 = arith.constant 1 : i32
      %swap3A_1095 = arith.index_cast %swap3A_1094 : i32 to index
      %swap3A_1096 = arith.index_cast %scan3A_1076 : i32 to index
      %swap3A_1097 = arith.constant 16 : index
      %swap3A_1098 = tpu.vector_load %arg7[%swap3A_1095, %swap3A_1096, %swap3A_1097] {strides = array<i32>} : memref<2x32x128xf32, #tpu.memory_space<vmem>>, vector<16xf32>,
      tpu.vector_store %arg7[%swap3A_1095, %swap3A_1096, %swap3A_1097], %gather3A_1093 {strides = array<i32>} : memref<2x32x128xf32, #tpu.memory_space<vmem>>, vector<16xf32>,
      %get3A_1099 = arith.constant 1 : i32
      %get3A_1100 = arith.index_cast %get3A_1099 : i32 to index
      %get3A_1101 = arith.index_cast %scan3A_1076 : i32 to index
      %get3A_1102 = arith.constant 32 : index
      %get3A_1103 = tpu.vector_load %arg6[%get3A_1100, %get3A_1101, %get3A_1102] {strides = array<i32>} : memref<2x32x100xi32, #tpu.memory_space<vmem>>, vector<16xi32>,
      %gather3A_1104 = tpu.vector_load_idx %arg5[%get3A_1103] : memref<100352xf32, #tpu.memory_space<vmem>>[vector<16xi32>], vector<16xf32>,
      %swap3A_1105 = arith.constant 1 : i32
      %swap3A_1106 = arith.index_cast %swap3A_1105 : i32 to index
      %swap3A_1107 = arith.index_cast %scan3A_1076 : i32 to index
      %swap3A_1108 = arith.constant 32 : index
      %swap3A_1109 = tpu.vector_load %arg7[%swap3A_1106, %swap3A_1107, %swap3A_1108] {strides = array<i32>} : memref<2x32x128xf32, #tpu.memory_space<vmem>>, vector<16xf32>,
      tpu.vector_store %arg7[%swap3A_1106, %swap3A_1107, %swap3A_1108], %gather3A_1104 {strides = array<i32>} : memref<2x32x128xf32, #tpu.memory_space<vmem>>, vector<16xf32>,
      %get3A_1110 = arith.constant 1 : i32
      %get3A_1111 = arith.index_cast %get3A_1110 : i32 to index
      %get3A_1112 = arith.index_cast %scan3A_1076 : i32 to index
      %get3A_1113 = arith.constant 48 : index
      %get3A_1114 = tpu.vector_load %arg6[%get3A_1111, %get3A_1112, %get3A_1113] {strides = array<i32>} : memref<2x32x100xi32, #tpu.memory_space<vmem>>, vector<16xi32>,
      %gather3A_1115 = tpu.vector_load_idx %arg5[%get3A_1114] : memref<100352xf32, #tpu.memory_space<vmem>>[vector<16xi32>], vector<16xf32>,
      %swap3A_1116 = arith.constant 1 : i32
      %swap3A_1117 = arith.index_cast %swap3A_1116 : i32 to index
      %swap3A_1118 = arith.index_cast %scan3A_1076 : i32 to index
      %swap3A_1119 = arith.constant 48 : index
      %swap3A_1120 = tpu.vector_load %arg7[%swap3A_1117, %swap3A_1118, %swap3A_1119] {strides = array<i32>} : memref<2x32x128xf32, #tpu.memory_space<vmem>>, vector<16xf32>,
      tpu.vector_store %arg7[%swap3A_1117, %swap3A_1118, %swap3A_1119], %gather3A_1115 {strides = array<i32>} : memref<2x32x128xf32, #tpu.memory_space<vmem>>, vector<16xf32>,
      %get3A_1121 = arith.constant 1 : i32
      %get3A_1122 = arith.index_cast %get3A_1121 : i32 to index
      %get3A_1123 = arith.index_cast %scan3A_1076 : i32 to index
      %get3A_1124 = arith.constant 64 : index
      %get3A_1125 = tpu.vector_load %arg6[%get3A_1122, %get3A_1123, %get3A_1124] {strides = array<i32>} : memref<2x32x100xi32, #tpu.memory_space<vmem>>, vector<16xi32>,
      %gather3A_1126 = tpu.vector_load_idx %arg5[%get3A_1125] : memref<100352xf32, #tpu.memory_space<vmem>>[vector<16xi32>], vector<16xf32>,
      %swap3A_1127 = arith.constant 1 : i32
      %swap3A_1128 = arith.index_cast %swap3A_1127 : i32 to index
      %swap3A_1129 = arith.index_cast %scan3A_1076 : i32 to index
      %swap3A_1130 = arith.constant 64 : index
      %swap3A_1131 = tpu.vector_load %arg7[%swap3A_1128, %swap3A_1129, %swap3A_1130] {strides = array<i32>} : memref<2x32x128xf32, #tpu.memory_space<vmem>>, vector<16xf32>,
      tpu.vector_store %arg7[%swap3A_1128, %swap3A_1129, %swap3A_1130], %gather3A_1126 {strides = array<i32>} : memref<2x32x128xf32, #tpu.memory_space<vmem>>, vector<16xf32>,
      %get3A_1132 = arith.constant 1 : i32
      %get3A_1133 = arith.index_cast %get3A_1132 : i32 to index
      %get3A_1134 = arith.index_cast %scan3A_1076 : i32 to index
      %get3A_1135 = arith.constant 80 : index
      %get3A_1136 = tpu.vector_load %arg6[%get3A_1133, %get3A_1134, %get3A_1135] {strides = array<i32>} : memref<2x32x100xi32, #tpu.memory_space<vmem>>, vector<16xi32>,
      %gather3A_1137 = tpu.vector_load_idx %arg5[%get3A_1136] : memref<100352xf32, #tpu.memory_space<vmem>>[vector<16xi32>], vector<16xf32>,
      %swap3A_1138 = arith.constant 1 : i32
      %swap3A_1139 = arith.index_cast %swap3A_1138 : i32 to index
      %swap3A_1140 = arith.index_cast %scan3A_1076 : i32 to index
      %swap3A_1141 = arith.constant 80 : index
      %swap3A_1142 = tpu.vector_load %arg7[%swap3A_1139, %swap3A_1140, %swap3A_1141] {strides = array<i32>} : memref<2x32x128xf32, #tpu.memory_space<vmem>>, vector<16xf32>,
      tpu.vector_store %arg7[%swap3A_1139, %swap3A_1140, %swap3A_1141], %gather3A_1137 {strides = array<i32>} : memref<2x32x128xf32, #tpu.memory_space<vmem>>, vector<16xf32>,
      %get3A_1143 = arith.constant 1 : i32
      %get3A_1144 = arith.index_cast %get3A_1143 : i32 to index
      %get3A_1145 = arith.index_cast %scan3A_1076 : i32 to index
      %get3A_1146 = arith.constant 84 : index
      %get3A_1147 = tpu.vector_load %arg6[%get3A_1144, %get3A_1145, %get3A_1146] {strides = array<i32>} : memref<2x32x100xi32, #tpu.memory_space<vmem>>, vector<16xi32>,
      %gather3A_1148 = tpu.vector_load_idx %arg5[%get3A_1147] : memref<100352xf32, #tpu.memory_space<vmem>>[vector<16xi32>], vector<16xf32>,
      %swap3A_1149 = arith.constant 1 : i32
      %swap3A_1150 = arith.index_cast %swap3A_1149 : i32 to index
      %swap3A_1151 = arith.index_cast %scan3A_1076 : i32 to index
      %swap3A_1152 = arith.constant 84 : index
      %swap3A_1153 = tpu.vector_load %arg7[%swap3A_1150, %swap3A_1151, %swap3A_1152] {strides = array<i32>} : memref<2x32x128xf32, #tpu.memory_space<vmem>>, vector<16xf32>,
      tpu.vector_store %arg7[%swap3A_1150, %swap3A_1151, %swap3A_1152], %gather3A_1148 {strides = array<i32>} : memref<2x32x128xf32, #tpu.memory_space<vmem>>, vector<16xf32>,
      %scan3A_1154 = arith.constant 0 : i32
      scf.yield %scan3A_1154 : i32
    }
    %scan3A_777 = arith.constant 32 : i32
    %add3A_778 = arith.constant 352 : i32
    %add3A_779 = arith.addi %mul3A_2, %add3A_778 : i32
    %dma_start3A_780 = arith.constant 1 : i32
    %dma_start3A_781 = arith.constant 0 : i32
    %dma_start3A_782 = arith.constant 0 : i32
    %dma_start3A_783 = tpu.memref_slice %arg7[%dma_start3A_780, %dma_start3A_781, %dma_start3A_782] : memref<2x32x128xf32, #tpu.memory_space<vmem>> -> memref<1x32x128xf32, #tpu.memory_space<vmem>>
    %dma_start3A_784 = tpu.memref_squeeze %dma_start3A_783 : memref<1x32x128xf32, #tpu.memory_space<vmem>> -> memref<32x128xf32, #tpu.memory_space<vmem>>
    %dma_start3A_785 = arith.constant 0 : i32
    %dma_start3A_786 = tpu.memref_slice %arg4[%add3A_779, %dma_start3A_785] : memref<16384x128xf32, #tpu.memory_space<hbm>> -> memref<32x128xf32, #tpu.memory_space<hbm>>
    %dma_start3A_787 = arith.constant 0 : i32
    %dma_start3A_788 = tpu.memref_slice %arg4[%add3A_779, %dma_start3A_787] : memref<16384x128xf32, #tpu.memory_space<hbm>> -> memref<32x128xf32, #tpu.memory_space<hbm>>
    %dma_start3A_789 = arith.constant 0 : i32
    %dma_start3A_790 = arith.constant 0 : i32
    %dma_start3A_791 = tpu.memref_slice %arg7[%dma_start3A_780, %dma_start3A_789, %dma_start3A_790] : memref<2x32x128xf32, #tpu.memory_space<vmem>> -> memref<1x32x128xf32, #tpu.memory_space<vmem>>
    %dma_start3A_792 = tpu.memref_squeeze %dma_start3A_791 : memref<1x32x128xf32, #tpu.memory_space<vmem>> -> memref<32x128xf32, #tpu.memory_space<vmem>>
    tpu.enqueue_dma source(%dma_start3A_792 : memref<32x128xf32, #tpu.memory_space<vmem>>) target(%dma_start3A_788 : memref<32x128xf32, #tpu.memory_space<hbm>>) target_semaphore(%arg12 : memref<!tpu.dma_semaphore, #tpu.memory_space<semaphore_mem>>)
    %add3A_793 = arith.constant 416 : i32
    %add3A_794 = arith.addi %mul3A_2, %add3A_793 : i32
    %dma_start3A_795 = arith.constant 1 : i32
    %dma_start3A_796 = arith.constant 0 : i32
    %dma_start3A_797 = arith.constant 0 : i32
    %dma_start3A_798 = tpu.memref_slice %arg6[%dma_start3A_795, %dma_start3A_796, %dma_start3A_797] : memref<2x32x100xi32, #tpu.memory_space<vmem>> -> memref<1x32x100xi32, #tpu.memory_space<vmem>>
    %dma_start3A_799 = tpu.memref_squeeze %dma_start3A_798 : memref<1x32x100xi32, #tpu.memory_space<vmem>> -> memref<32x100xi32, #tpu.memory_space<vmem>>
    %dma_start3A_800 = arith.constant 0 : i32
    %dma_start3A_801 = tpu.memref_slice %arg3[%add3A_794, %dma_start3A_800] : memref<16384x100xi32, #tpu.memory_space<hbm>> -> memref<32x100xi32, #tpu.memory_space<hbm>>
    %dma_start3A_802 = arith.constant 0 : i32
    %dma_start3A_803 = arith.constant 0 : i32
    %dma_start3A_804 = tpu.memref_slice %arg6[%dma_start3A_795, %dma_start3A_802, %dma_start3A_803] : memref<2x32x100xi32, #tpu.memory_space<vmem>> -> memref<1x32x100xi32, #tpu.memory_space<vmem>>
    %dma_start3A_805 = tpu.memref_squeeze %dma_start3A_804 : memref<1x32x100xi32, #tpu.memory_space<vmem>> -> memref<32x100xi32, #tpu.memory_space<vmem>>
    %dma_start3A_806 = arith.constant 0 : i32
    %dma_start3A_807 = tpu.memref_slice %arg3[%add3A_794, %dma_start3A_806] : memref<16384x100xi32, #tpu.memory_space<hbm>> -> memref<32x100xi32, #tpu.memory_space<hbm>>
    tpu.enqueue_dma source(%dma_start3A_807 : memref<32x100xi32, #tpu.memory_space<hbm>>) target(%dma_start3A_805 : memref<32x100xi32, #tpu.memory_space<vmem>>) target_semaphore(%arg10 : memref<!tpu.dma_semaphore, #tpu.memory_space<semaphore_mem>>)
    %add3A_808 = arith.constant 384 : i32
    %add3A_809 = arith.addi %mul3A_2, %add3A_808 : i32
    %dma_wait3A_810 = arith.constant 0 : i32
    %dma_wait3A_811 = arith.constant 0 : i32
    %dma_wait3A_812 = arith.constant 0 : i32
    %dma_wait3A_813 = tpu.memref_slice %arg6[%dma_wait3A_810, %dma_wait3A_811, %dma_wait3A_812] : memref<2x32x100xi32, #tpu.memory_space<vmem>> -> memref<1x32x100xi32, #tpu.memory_space<vmem>>
    %dma_wait3A_814 = tpu.memref_squeeze %dma_wait3A_813 : memref<1x32x100xi32, #tpu.memory_space<vmem>> -> memref<32x100xi32, #tpu.memory_space<vmem>>
    %dma_wait3A_815 = arith.constant 0 : i32
    %dma_wait3A_816 = tpu.memref_slice %arg3[%add3A_809, %dma_wait3A_815] : memref<16384x100xi32, #tpu.memory_space<hbm>> -> memref<32x100xi32, #tpu.memory_space<hbm>>
    %dma_wait3A_817 = arith.constant 0 : i32
    %dma_wait3A_818 = arith.constant 0 : i32
    %dma_wait3A_819 = tpu.memref_slice %arg6[%dma_wait3A_810, %dma_wait3A_817, %dma_wait3A_818] : memref<2x32x100xi32, #tpu.memory_space<vmem>> -> memref<1x32x100xi32, #tpu.memory_space<vmem>>
    %dma_wait3A_820 = tpu.memref_squeeze %dma_wait3A_819 : memref<1x32x100xi32, #tpu.memory_space<vmem>> -> memref<32x100xi32, #tpu.memory_space<vmem>>
    %dma_wait3A_821 = arith.constant 0 : i32
    %dma_wait3A_822 = tpu.memref_slice %arg3[%add3A_809, %dma_wait3A_821] : memref<16384x100xi32, #tpu.memory_space<hbm>> -> memref<32x100xi32, #tpu.memory_space<hbm>>
    tpu.wait_dma2 semaphore(%arg9 : memref<!tpu.dma_semaphore, #tpu.memory_space<semaphore_mem>>) src(%dma_wait3A_822 : memref<32x100xi32, #tpu.memory_space<hbm>>) dst(%dma_wait3A_820 : memref<32x100xi32, #tpu.memory_space<vmem>>)
    %add3A_823 = arith.constant 320 : i32
    %add3A_824 = arith.addi %mul3A_2, %add3A_823 : i32
    %dma_wait3A_825 = arith.constant 0 : i32
    %dma_wait3A_826 = arith.constant 0 : i32
    %dma_wait3A_827 = arith.constant 0 : i32
    %dma_wait3A_828 = tpu.memref_slice %arg7[%dma_wait3A_825, %dma_wait3A_826, %dma_wait3A_827] : memref<2x32x128xf32, #tpu.memory_space<vmem>> -> memref<1x32x128xf32, #tpu.memory_space<vmem>>
    %dma_wait3A_829 = tpu.memref_squeeze %dma_wait3A_828 : memref<1x32x128xf32, #tpu.memory_space<vmem>> -> memref<32x128xf32, #tpu.memory_space<vmem>>
    %dma_wait3A_830 = arith.constant 0 : i32
    %dma_wait3A_831 = tpu.memref_slice %arg4[%add3A_824, %dma_wait3A_830] : memref<16384x128xf32, #tpu.memory_space<hbm>> -> memref<32x128xf32, #tpu.memory_space<hbm>>
    %dma_wait3A_832 = arith.constant 0 : i32
    %dma_wait3A_833 = tpu.memref_slice %arg4[%add3A_824, %dma_wait3A_832] : memref<16384x128xf32, #tpu.memory_space<hbm>> -> memref<32x128xf32, #tpu.memory_space<hbm>>
    %dma_wait3A_834 = arith.constant 0 : i32
    %dma_wait3A_835 = arith.constant 0 : i32
    %dma_wait3A_836 = tpu.memref_slice %arg7[%dma_wait3A_825, %dma_wait3A_834, %dma_wait3A_835] : memref<2x32x128xf32, #tpu.memory_space<vmem>> -> memref<1x32x128xf32, #tpu.memory_space<vmem>>
    %dma_wait3A_837 = tpu.memref_squeeze %dma_wait3A_836 : memref<1x32x128xf32, #tpu.memory_space<vmem>> -> memref<32x128xf32, #tpu.memory_space<vmem>>
    tpu.wait_dma2 semaphore(%arg11 : memref<!tpu.dma_semaphore, #tpu.memory_space<semaphore_mem>>) src(%dma_wait3A_837 : memref<32x128xf32, #tpu.memory_space<vmem>>) dst(%dma_wait3A_833 : memref<32x128xf32, #tpu.memory_space<hbm>>)
    %scan3A_838 = arith.constant 0 : i32
    %scan3A_839 = arith.constant 0 : i32
    %scan3A_840 = arith.constant 32 : i32
    %scan3A_841 = arith.addi %scan3A_839, %scan3A_840 : i32
    %scan3A_842 = arith.constant 1 : i32
    %scan3A_843 = scf.for %scan3A_1076 = %scan3A_839 to %scan3A_841 step %scan3A_842 iter_args(%scan3A_1077 = %scan3A_838) -> (i32)  : i32 {
      %get3A_1078 = arith.constant 0 : i32
      %get3A_1079 = arith.index_cast %get3A_1078 : i32 to index
      %get3A_1080 = arith.index_cast %scan3A_1076 : i32 to index
      %get3A_1081 = arith.constant 0 : index
      %get3A_1082 = tpu.vector_load %arg6[%get3A_1079, %get3A_1080, %get3A_1081] {strides = array<i32>} : memref<2x32x100xi32, #tpu.memory_space<vmem>>, vector<16xi32>,
      %gather3A = tpu.vector_load_idx %arg5[%get3A_1082] : memref<100352xf32, #tpu.memory_space<vmem>>[vector<16xi32>], vector<16xf32>,
      %swap3A_1083 = arith.constant 0 : i32
      %swap3A_1084 = arith.index_cast %swap3A_1083 : i32 to index
      %swap3A_1085 = arith.index_cast %scan3A_1076 : i32 to index
      %swap3A_1086 = arith.constant 0 : index
      %swap3A_1087 = tpu.vector_load %arg7[%swap3A_1084, %swap3A_1085, %swap3A_1086] {strides = array<i32>} : memref<2x32x128xf32, #tpu.memory_space<vmem>>, vector<16xf32>,
      tpu.vector_store %arg7[%swap3A_1084, %swap3A_1085, %swap3A_1086], %gather3A {strides = array<i32>} : memref<2x32x128xf32, #tpu.memory_space<vmem>>, vector<16xf32>,
      %get3A_1088 = arith.constant 0 : i32
      %get3A_1089 = arith.index_cast %get3A_1088 : i32 to index
      %get3A_1090 = arith.index_cast %scan3A_1076 : i32 to index
      %get3A_1091 = arith.constant 16 : index
      %get3A_1092 = tpu.vector_load %arg6[%get3A_1089, %get3A_1090, %get3A_1091] {strides = array<i32>} : memref<2x32x100xi32, #tpu.memory_space<vmem>>, vector<16xi32>,
      %gather3A_1093 = tpu.vector_load_idx %arg5[%get3A_1092] : memref<100352xf32, #tpu.memory_space<vmem>>[vector<16xi32>], vector<16xf32>,
      %swap3A_1094 = arith.constant 0 : i32
      %swap3A_1095 = arith.index_cast %swap3A_1094 : i32 to index
      %swap3A_1096 = arith.index_cast %scan3A_1076 : i32 to index
      %swap3A_1097 = arith.constant 16 : index
      %swap3A_1098 = tpu.vector_load %arg7[%swap3A_1095, %swap3A_1096, %swap3A_1097] {strides = array<i32>} : memref<2x32x128xf32, #tpu.memory_space<vmem>>, vector<16xf32>,
      tpu.vector_store %arg7[%swap3A_1095, %swap3A_1096, %swap3A_1097], %gather3A_1093 {strides = array<i32>} : memref<2x32x128xf32, #tpu.memory_space<vmem>>, vector<16xf32>,
      %get3A_1099 = arith.constant 0 : i32
      %get3A_1100 = arith.index_cast %get3A_1099 : i32 to index
      %get3A_1101 = arith.index_cast %scan3A_1076 : i32 to index
      %get3A_1102 = arith.constant 32 : index
      %get3A_1103 = tpu.vector_load %arg6[%get3A_1100, %get3A_1101, %get3A_1102] {strides = array<i32>} : memref<2x32x100xi32, #tpu.memory_space<vmem>>, vector<16xi32>,
      %gather3A_1104 = tpu.vector_load_idx %arg5[%get3A_1103] : memref<100352xf32, #tpu.memory_space<vmem>>[vector<16xi32>], vector<16xf32>,
      %swap3A_1105 = arith.constant 0 : i32
      %swap3A_1106 = arith.index_cast %swap3A_1105 : i32 to index
      %swap3A_1107 = arith.index_cast %scan3A_1076 : i32 to index
      %swap3A_1108 = arith.constant 32 : index
      %swap3A_1109 = tpu.vector_load %arg7[%swap3A_1106, %swap3A_1107, %swap3A_1108] {strides = array<i32>} : memref<2x32x128xf32, #tpu.memory_space<vmem>>, vector<16xf32>,
      tpu.vector_store %arg7[%swap3A_1106, %swap3A_1107, %swap3A_1108], %gather3A_1104 {strides = array<i32>} : memref<2x32x128xf32, #tpu.memory_space<vmem>>, vector<16xf32>,
      %get3A_1110 = arith.constant 0 : i32
      %get3A_1111 = arith.index_cast %get3A_1110 : i32 to index
      %get3A_1112 = arith.index_cast %scan3A_1076 : i32 to index
      %get3A_1113 = arith.constant 48 : index
      %get3A_1114 = tpu.vector_load %arg6[%get3A_1111, %get3A_1112, %get3A_1113] {strides = array<i32>} : memref<2x32x100xi32, #tpu.memory_space<vmem>>, vector<16xi32>,
      %gather3A_1115 = tpu.vector_load_idx %arg5[%get3A_1114] : memref<100352xf32, #tpu.memory_space<vmem>>[vector<16xi32>], vector<16xf32>,
      %swap3A_1116 = arith.constant 0 : i32
      %swap3A_1117 = arith.index_cast %swap3A_1116 : i32 to index
      %swap3A_1118 = arith.index_cast %scan3A_1076 : i32 to index
      %swap3A_1119 = arith.constant 48 : index
      %swap3A_1120 = tpu.vector_load %arg7[%swap3A_1117, %swap3A_1118, %swap3A_1119] {strides = array<i32>} : memref<2x32x128xf32, #tpu.memory_space<vmem>>, vector<16xf32>,
      tpu.vector_store %arg7[%swap3A_1117, %swap3A_1118, %swap3A_1119], %gather3A_1115 {strides = array<i32>} : memref<2x32x128xf32, #tpu.memory_space<vmem>>, vector<16xf32>,
      %get3A_1121 = arith.constant 0 : i32
      %get3A_1122 = arith.index_cast %get3A_1121 : i32 to index
      %get3A_1123 = arith.index_cast %scan3A_1076 : i32 to index
      %get3A_1124 = arith.constant 64 : index
      %get3A_1125 = tpu.vector_load %arg6[%get3A_1122, %get3A_1123, %get3A_1124] {strides = array<i32>} : memref<2x32x100xi32, #tpu.memory_space<vmem>>, vector<16xi32>,
      %gather3A_1126 = tpu.vector_load_idx %arg5[%get3A_1125] : memref<100352xf32, #tpu.memory_space<vmem>>[vector<16xi32>], vector<16xf32>,
      %swap3A_1127 = arith.constant 0 : i32
      %swap3A_1128 = arith.index_cast %swap3A_1127 : i32 to index
      %swap3A_1129 = arith.index_cast %scan3A_1076 : i32 to index
      %swap3A_1130 = arith.constant 64 : index
      %swap3A_1131 = tpu.vector_load %arg7[%swap3A_1128, %swap3A_1129, %swap3A_1130] {strides = array<i32>} : memref<2x32x128xf32, #tpu.memory_space<vmem>>, vector<16xf32>,
      tpu.vector_store %arg7[%swap3A_1128, %swap3A_1129, %swap3A_1130], %gather3A_1126 {strides = array<i32>} : memref<2x32x128xf32, #tpu.memory_space<vmem>>, vector<16xf32>,
      %get3A_1132 = arith.constant 0 : i32
      %get3A_1133 = arith.index_cast %get3A_1132 : i32 to index
      %get3A_1134 = arith.index_cast %scan3A_1076 : i32 to index
      %get3A_1135 = arith.constant 80 : index
      %get3A_1136 = tpu.vector_load %arg6[%get3A_1133, %get3A_1134, %get3A_1135] {strides = array<i32>} : memref<2x32x100xi32, #tpu.memory_space<vmem>>, vector<16xi32>,
      %gather3A_1137 = tpu.vector_load_idx %arg5[%get3A_1136] : memref<100352xf32, #tpu.memory_space<vmem>>[vector<16xi32>], vector<16xf32>,
      %swap3A_1138 = arith.constant 0 : i32
      %swap3A_1139 = arith.index_cast %swap3A_1138 : i32 to index
      %swap3A_1140 = arith.index_cast %scan3A_1076 : i32 to index
      %swap3A_1141 = arith.constant 80 : index
      %swap3A_1142 = tpu.vector_load %arg7[%swap3A_1139, %swap3A_1140, %swap3A_1141] {strides = array<i32>} : memref<2x32x128xf32, #tpu.memory_space<vmem>>, vector<16xf32>,
      tpu.vector_store %arg7[%swap3A_1139, %swap3A_1140, %swap3A_1141], %gather3A_1137 {strides = array<i32>} : memref<2x32x128xf32, #tpu.memory_space<vmem>>, vector<16xf32>,
      %get3A_1143 = arith.constant 0 : i32
      %get3A_1144 = arith.index_cast %get3A_1143 : i32 to index
      %get3A_1145 = arith.index_cast %scan3A_1076 : i32 to index
      %get3A_1146 = arith.constant 84 : index
      %get3A_1147 = tpu.vector_load %arg6[%get3A_1144, %get3A_1145, %get3A_1146] {strides = array<i32>} : memref<2x32x100xi32, #tpu.memory_space<vmem>>, vector<16xi32>,
      %gather3A_1148 = tpu.vector_load_idx %arg5[%get3A_1147] : memref<100352xf32, #tpu.memory_space<vmem>>[vector<16xi32>], vector<16xf32>,
      %swap3A_1149 = arith.constant 0 : i32
      %swap3A_1150 = arith.index_cast %swap3A_1149 : i32 to index
      %swap3A_1151 = arith.index_cast %scan3A_1076 : i32 to index
      %swap3A_1152 = arith.constant 84 : index
      %swap3A_1153 = tpu.vector_load %arg7[%swap3A_1150, %swap3A_1151, %swap3A_1152] {strides = array<i32>} : memref<2x32x128xf32, #tpu.memory_space<vmem>>, vector<16xf32>,
      tpu.vector_store %arg7[%swap3A_1150, %swap3A_1151, %swap3A_1152], %gather3A_1148 {strides = array<i32>} : memref<2x32x128xf32, #tpu.memory_space<vmem>>, vector<16xf32>,
      %scan3A_1154 = arith.constant 0 : i32
      scf.yield %scan3A_1154 : i32
    }
    %scan3A_844 = arith.constant 32 : i32
    %add3A_845 = arith.constant 384 : i32
    %add3A_846 = arith.addi %mul3A_2, %add3A_845 : i32
    %dma_start3A_847 = arith.constant 0 : i32
    %dma_start3A_848 = arith.constant 0 : i32
    %dma_start3A_849 = arith.constant 0 : i32
    %dma_start3A_850 = tpu.memref_slice %arg7[%dma_start3A_847, %dma_start3A_848, %dma_start3A_849] : memref<2x32x128xf32, #tpu.memory_space<vmem>> -> memref<1x32x128xf32, #tpu.memory_space<vmem>>
    %dma_start3A_851 = tpu.memref_squeeze %dma_start3A_850 : memref<1x32x128xf32, #tpu.memory_space<vmem>> -> memref<32x128xf32, #tpu.memory_space<vmem>>
    %dma_start3A_852 = arith.constant 0 : i32
    %dma_start3A_853 = tpu.memref_slice %arg4[%add3A_846, %dma_start3A_852] : memref<16384x128xf32, #tpu.memory_space<hbm>> -> memref<32x128xf32, #tpu.memory_space<hbm>>
    %dma_start3A_854 = arith.constant 0 : i32
    %dma_start3A_855 = tpu.memref_slice %arg4[%add3A_846, %dma_start3A_854] : memref<16384x128xf32, #tpu.memory_space<hbm>> -> memref<32x128xf32, #tpu.memory_space<hbm>>
    %dma_start3A_856 = arith.constant 0 : i32
    %dma_start3A_857 = arith.constant 0 : i32
    %dma_start3A_858 = tpu.memref_slice %arg7[%dma_start3A_847, %dma_start3A_856, %dma_start3A_857] : memref<2x32x128xf32, #tpu.memory_space<vmem>> -> memref<1x32x128xf32, #tpu.memory_space<vmem>>
    %dma_start3A_859 = tpu.memref_squeeze %dma_start3A_858 : memref<1x32x128xf32, #tpu.memory_space<vmem>> -> memref<32x128xf32, #tpu.memory_space<vmem>>
    tpu.enqueue_dma source(%dma_start3A_859 : memref<32x128xf32, #tpu.memory_space<vmem>>) target(%dma_start3A_855 : memref<32x128xf32, #tpu.memory_space<hbm>>) target_semaphore(%arg11 : memref<!tpu.dma_semaphore, #tpu.memory_space<semaphore_mem>>)
    %add3A_860 = arith.constant 448 : i32
    %add3A_861 = arith.addi %mul3A_2, %add3A_860 : i32
    %dma_start3A_862 = arith.constant 0 : i32
    %dma_start3A_863 = arith.constant 0 : i32
    %dma_start3A_864 = arith.constant 0 : i32
    %dma_start3A_865 = tpu.memref_slice %arg6[%dma_start3A_862, %dma_start3A_863, %dma_start3A_864] : memref<2x32x100xi32, #tpu.memory_space<vmem>> -> memref<1x32x100xi32, #tpu.memory_space<vmem>>
    %dma_start3A_866 = tpu.memref_squeeze %dma_start3A_865 : memref<1x32x100xi32, #tpu.memory_space<vmem>> -> memref<32x100xi32, #tpu.memory_space<vmem>>
    %dma_start3A_867 = arith.constant 0 : i32
    %dma_start3A_868 = tpu.memref_slice %arg3[%add3A_861, %dma_start3A_867] : memref<16384x100xi32, #tpu.memory_space<hbm>> -> memref<32x100xi32, #tpu.memory_space<hbm>>
    %dma_start3A_869 = arith.constant 0 : i32
    %dma_start3A_870 = arith.constant 0 : i32
    %dma_start3A_871 = tpu.memref_slice %arg6[%dma_start3A_862, %dma_start3A_869, %dma_start3A_870] : memref<2x32x100xi32, #tpu.memory_space<vmem>> -> memref<1x32x100xi32, #tpu.memory_space<vmem>>
    %dma_start3A_872 = tpu.memref_squeeze %dma_start3A_871 : memref<1x32x100xi32, #tpu.memory_space<vmem>> -> memref<32x100xi32, #tpu.memory_space<vmem>>
    %dma_start3A_873 = arith.constant 0 : i32
    %dma_start3A_874 = tpu.memref_slice %arg3[%add3A_861, %dma_start3A_873] : memref<16384x100xi32, #tpu.memory_space<hbm>> -> memref<32x100xi32, #tpu.memory_space<hbm>>
    tpu.enqueue_dma source(%dma_start3A_874 : memref<32x100xi32, #tpu.memory_space<hbm>>) target(%dma_start3A_872 : memref<32x100xi32, #tpu.memory_space<vmem>>) target_semaphore(%arg9 : memref<!tpu.dma_semaphore, #tpu.memory_space<semaphore_mem>>)
    %add3A_875 = arith.constant 416 : i32
    %add3A_876 = arith.addi %mul3A_2, %add3A_875 : i32
    %dma_wait3A_877 = arith.constant 1 : i32
    %dma_wait3A_878 = arith.constant 0 : i32
    %dma_wait3A_879 = arith.constant 0 : i32
    %dma_wait3A_880 = tpu.memref_slice %arg6[%dma_wait3A_877, %dma_wait3A_878, %dma_wait3A_879] : memref<2x32x100xi32, #tpu.memory_space<vmem>> -> memref<1x32x100xi32, #tpu.memory_space<vmem>>
    %dma_wait3A_881 = tpu.memref_squeeze %dma_wait3A_880 : memref<1x32x100xi32, #tpu.memory_space<vmem>> -> memref<32x100xi32, #tpu.memory_space<vmem>>
    %dma_wait3A_882 = arith.constant 0 : i32
    %dma_wait3A_883 = tpu.memref_slice %arg3[%add3A_876, %dma_wait3A_882] : memref<16384x100xi32, #tpu.memory_space<hbm>> -> memref<32x100xi32, #tpu.memory_space<hbm>>
    %dma_wait3A_884 = arith.constant 0 : i32
    %dma_wait3A_885 = arith.constant 0 : i32
    %dma_wait3A_886 = tpu.memref_slice %arg6[%dma_wait3A_877, %dma_wait3A_884, %dma_wait3A_885] : memref<2x32x100xi32, #tpu.memory_space<vmem>> -> memref<1x32x100xi32, #tpu.memory_space<vmem>>
    %dma_wait3A_887 = tpu.memref_squeeze %dma_wait3A_886 : memref<1x32x100xi32, #tpu.memory_space<vmem>> -> memref<32x100xi32, #tpu.memory_space<vmem>>
    %dma_wait3A_888 = arith.constant 0 : i32
    %dma_wait3A_889 = tpu.memref_slice %arg3[%add3A_876, %dma_wait3A_888] : memref<16384x100xi32, #tpu.memory_space<hbm>> -> memref<32x100xi32, #tpu.memory_space<hbm>>
    tpu.wait_dma2 semaphore(%arg10 : memref<!tpu.dma_semaphore, #tpu.memory_space<semaphore_mem>>) src(%dma_wait3A_889 : memref<32x100xi32, #tpu.memory_space<hbm>>) dst(%dma_wait3A_887 : memref<32x100xi32, #tpu.memory_space<vmem>>)
    %add3A_890 = arith.constant 352 : i32
    %add3A_891 = arith.addi %mul3A_2, %add3A_890 : i32
    %dma_wait3A_892 = arith.constant 1 : i32
    %dma_wait3A_893 = arith.constant 0 : i32
    %dma_wait3A_894 = arith.constant 0 : i32
    %dma_wait3A_895 = tpu.memref_slice %arg7[%dma_wait3A_892, %dma_wait3A_893, %dma_wait3A_894] : memref<2x32x128xf32, #tpu.memory_space<vmem>> -> memref<1x32x128xf32, #tpu.memory_space<vmem>>
    %dma_wait3A_896 = tpu.memref_squeeze %dma_wait3A_895 : memref<1x32x128xf32, #tpu.memory_space<vmem>> -> memref<32x128xf32, #tpu.memory_space<vmem>>
    %dma_wait3A_897 = arith.constant 0 : i32
    %dma_wait3A_898 = tpu.memref_slice %arg4[%add3A_891, %dma_wait3A_897] : memref<16384x128xf32, #tpu.memory_space<hbm>> -> memref<32x128xf32, #tpu.memory_space<hbm>>
    %dma_wait3A_899 = arith.constant 0 : i32
    %dma_wait3A_900 = tpu.memref_slice %arg4[%add3A_891, %dma_wait3A_899] : memref<16384x128xf32, #tpu.memory_space<hbm>> -> memref<32x128xf32, #tpu.memory_space<hbm>>
    %dma_wait3A_901 = arith.constant 0 : i32
    %dma_wait3A_902 = arith.constant 0 : i32
    %dma_wait3A_903 = tpu.memref_slice %arg7[%dma_wait3A_892, %dma_wait3A_901, %dma_wait3A_902] : memref<2x32x128xf32, #tpu.memory_space<vmem>> -> memref<1x32x128xf32, #tpu.memory_space<vmem>>
    %dma_wait3A_904 = tpu.memref_squeeze %dma_wait3A_903 : memref<1x32x128xf32, #tpu.memory_space<vmem>> -> memref<32x128xf32, #tpu.memory_space<vmem>>
    tpu.wait_dma2 semaphore(%arg12 : memref<!tpu.dma_semaphore, #tpu.memory_space<semaphore_mem>>) src(%dma_wait3A_904 : memref<32x128xf32, #tpu.memory_space<vmem>>) dst(%dma_wait3A_900 : memref<32x128xf32, #tpu.memory_space<hbm>>)
    %scan3A_905 = arith.constant 0 : i32
    %scan3A_906 = arith.constant 0 : i32
    %scan3A_907 = arith.constant 32 : i32
    %scan3A_908 = arith.addi %scan3A_906, %scan3A_907 : i32
    %scan3A_909 = arith.constant 1 : i32
    %scan3A_910 = scf.for %scan3A_1076 = %scan3A_906 to %scan3A_908 step %scan3A_909 iter_args(%scan3A_1077 = %scan3A_905) -> (i32)  : i32 {
      %get3A_1078 = arith.constant 1 : i32
      %get3A_1079 = arith.index_cast %get3A_1078 : i32 to index
      %get3A_1080 = arith.index_cast %scan3A_1076 : i32 to index
      %get3A_1081 = arith.constant 0 : index
      %get3A_1082 = tpu.vector_load %arg6[%get3A_1079, %get3A_1080, %get3A_1081] {strides = array<i32>} : memref<2x32x100xi32, #tpu.memory_space<vmem>>, vector<16xi32>,
      %gather3A = tpu.vector_load_idx %arg5[%get3A_1082] : memref<100352xf32, #tpu.memory_space<vmem>>[vector<16xi32>], vector<16xf32>,
      %swap3A_1083 = arith.constant 1 : i32
      %swap3A_1084 = arith.index_cast %swap3A_1083 : i32 to index
      %swap3A_1085 = arith.index_cast %scan3A_1076 : i32 to index
      %swap3A_1086 = arith.constant 0 : index
      %swap3A_1087 = tpu.vector_load %arg7[%swap3A_1084, %swap3A_1085, %swap3A_1086] {strides = array<i32>} : memref<2x32x128xf32, #tpu.memory_space<vmem>>, vector<16xf32>,
      tpu.vector_store %arg7[%swap3A_1084, %swap3A_1085, %swap3A_1086], %gather3A {strides = array<i32>} : memref<2x32x128xf32, #tpu.memory_space<vmem>>, vector<16xf32>,
      %get3A_1088 = arith.constant 1 : i32
      %get3A_1089 = arith.index_cast %get3A_1088 : i32 to index
      %get3A_1090 = arith.index_cast %scan3A_1076 : i32 to index
      %get3A_1091 = arith.constant 16 : index
      %get3A_1092 = tpu.vector_load %arg6[%get3A_1089, %get3A_1090, %get3A_1091] {strides = array<i32>} : memref<2x32x100xi32, #tpu.memory_space<vmem>>, vector<16xi32>,
      %gather3A_1093 = tpu.vector_load_idx %arg5[%get3A_1092] : memref<100352xf32, #tpu.memory_space<vmem>>[vector<16xi32>], vector<16xf32>,
      %swap3A_1094 = arith.constant 1 : i32
      %swap3A_1095 = arith.index_cast %swap3A_1094 : i32 to index
      %swap3A_1096 = arith.index_cast %scan3A_1076 : i32 to index
      %swap3A_1097 = arith.constant 16 : index
      %swap3A_1098 = tpu.vector_load %arg7[%swap3A_1095, %swap3A_1096, %swap3A_1097] {strides = array<i32>} : memref<2x32x128xf32, #tpu.memory_space<vmem>>, vector<16xf32>,
      tpu.vector_store %arg7[%swap3A_1095, %swap3A_1096, %swap3A_1097], %gather3A_1093 {strides = array<i32>} : memref<2x32x128xf32, #tpu.memory_space<vmem>>, vector<16xf32>,
      %get3A_1099 = arith.constant 1 : i32
      %get3A_1100 = arith.index_cast %get3A_1099 : i32 to index
      %get3A_1101 = arith.index_cast %scan3A_1076 : i32 to index
      %get3A_1102 = arith.constant 32 : index
      %get3A_1103 = tpu.vector_load %arg6[%get3A_1100, %get3A_1101, %get3A_1102] {strides = array<i32>} : memref<2x32x100xi32, #tpu.memory_space<vmem>>, vector<16xi32>,
      %gather3A_1104 = tpu.vector_load_idx %arg5[%get3A_1103] : memref<100352xf32, #tpu.memory_space<vmem>>[vector<16xi32>], vector<16xf32>,
      %swap3A_1105 = arith.constant 1 : i32
      %swap3A_1106 = arith.index_cast %swap3A_1105 : i32 to index
      %swap3A_1107 = arith.index_cast %scan3A_1076 : i32 to index
      %swap3A_1108 = arith.constant 32 : index
      %swap3A_1109 = tpu.vector_load %arg7[%swap3A_1106, %swap3A_1107, %swap3A_1108] {strides = array<i32>} : memref<2x32x128xf32, #tpu.memory_space<vmem>>, vector<16xf32>,
      tpu.vector_store %arg7[%swap3A_1106, %swap3A_1107, %swap3A_1108], %gather3A_1104 {strides = array<i32>} : memref<2x32x128xf32, #tpu.memory_space<vmem>>, vector<16xf32>,
      %get3A_1110 = arith.constant 1 : i32
      %get3A_1111 = arith.index_cast %get3A_1110 : i32 to index
      %get3A_1112 = arith.index_cast %scan3A_1076 : i32 to index
      %get3A_1113 = arith.constant 48 : index
      %get3A_1114 = tpu.vector_load %arg6[%get3A_1111, %get3A_1112, %get3A_1113] {strides = array<i32>} : memref<2x32x100xi32, #tpu.memory_space<vmem>>, vector<16xi32>,
      %gather3A_1115 = tpu.vector_load_idx %arg5[%get3A_1114] : memref<100352xf32, #tpu.memory_space<vmem>>[vector<16xi32>], vector<16xf32>,
      %swap3A_1116 = arith.constant 1 : i32
      %swap3A_1117 = arith.index_cast %swap3A_1116 : i32 to index
      %swap3A_1118 = arith.index_cast %scan3A_1076 : i32 to index
      %swap3A_1119 = arith.constant 48 : index
      %swap3A_1120 = tpu.vector_load %arg7[%swap3A_1117, %swap3A_1118, %swap3A_1119] {strides = array<i32>} : memref<2x32x128xf32, #tpu.memory_space<vmem>>, vector<16xf32>,
      tpu.vector_store %arg7[%swap3A_1117, %swap3A_1118, %swap3A_1119], %gather3A_1115 {strides = array<i32>} : memref<2x32x128xf32, #tpu.memory_space<vmem>>, vector<16xf32>,
      %get3A_1121 = arith.constant 1 : i32
      %get3A_1122 = arith.index_cast %get3A_1121 : i32 to index
      %get3A_1123 = arith.index_cast %scan3A_1076 : i32 to index
      %get3A_1124 = arith.constant 64 : index
      %get3A_1125 = tpu.vector_load %arg6[%get3A_1122, %get3A_1123, %get3A_1124] {strides = array<i32>} : memref<2x32x100xi32, #tpu.memory_space<vmem>>, vector<16xi32>,
      %gather3A_1126 = tpu.vector_load_idx %arg5[%get3A_1125] : memref<100352xf32, #tpu.memory_space<vmem>>[vector<16xi32>], vector<16xf32>,
      %swap3A_1127 = arith.constant 1 : i32
      %swap3A_1128 = arith.index_cast %swap3A_1127 : i32 to index
      %swap3A_1129 = arith.index_cast %scan3A_1076 : i32 to index
      %swap3A_1130 = arith.constant 64 : index
      %swap3A_1131 = tpu.vector_load %arg7[%swap3A_1128, %swap3A_1129, %swap3A_1130] {strides = array<i32>} : memref<2x32x128xf32, #tpu.memory_space<vmem>>, vector<16xf32>,
      tpu.vector_store %arg7[%swap3A_1128, %swap3A_1129, %swap3A_1130], %gather3A_1126 {strides = array<i32>} : memref<2x32x128xf32, #tpu.memory_space<vmem>>, vector<16xf32>,
      %get3A_1132 = arith.constant 1 : i32
      %get3A_1133 = arith.index_cast %get3A_1132 : i32 to index
      %get3A_1134 = arith.index_cast %scan3A_1076 : i32 to index
      %get3A_1135 = arith.constant 80 : index
      %get3A_1136 = tpu.vector_load %arg6[%get3A_1133, %get3A_1134, %get3A_1135] {strides = array<i32>} : memref<2x32x100xi32, #tpu.memory_space<vmem>>, vector<16xi32>,
      %gather3A_1137 = tpu.vector_load_idx %arg5[%get3A_1136] : memref<100352xf32, #tpu.memory_space<vmem>>[vector<16xi32>], vector<16xf32>,
      %swap3A_1138 = arith.constant 1 : i32
      %swap3A_1139 = arith.index_cast %swap3A_1138 : i32 to index
      %swap3A_1140 = arith.index_cast %scan3A_1076 : i32 to index
      %swap3A_1141 = arith.constant 80 : index
      %swap3A_1142 = tpu.vector_load %arg7[%swap3A_1139, %swap3A_1140, %swap3A_1141] {strides = array<i32>} : memref<2x32x128xf32, #tpu.memory_space<vmem>>, vector<16xf32>,
      tpu.vector_store %arg7[%swap3A_1139, %swap3A_1140, %swap3A_1141], %gather3A_1137 {strides = array<i32>} : memref<2x32x128xf32, #tpu.memory_space<vmem>>, vector<16xf32>,
      %get3A_1143 = arith.constant 1 : i32
      %get3A_1144 = arith.index_cast %get3A_1143 : i32 to index
      %get3A_1145 = arith.index_cast %scan3A_1076 : i32 to index
      %get3A_1146 = arith.constant 84 : index
      %get3A_1147 = tpu.vector_load %arg6[%get3A_1144, %get3A_1145, %get3A_1146] {strides = array<i32>} : memref<2x32x100xi32, #tpu.memory_space<vmem>>, vector<16xi32>,
      %gather3A_1148 = tpu.vector_load_idx %arg5[%get3A_1147] : memref<100352xf32, #tpu.memory_space<vmem>>[vector<16xi32>], vector<16xf32>,
      %swap3A_1149 = arith.constant 1 : i32
      %swap3A_1150 = arith.index_cast %swap3A_1149 : i32 to index
      %swap3A_1151 = arith.index_cast %scan3A_1076 : i32 to index
      %swap3A_1152 = arith.constant 84 : index
      %swap3A_1153 = tpu.vector_load %arg7[%swap3A_1150, %swap3A_1151, %swap3A_1152] {strides = array<i32>} : memref<2x32x128xf32, #tpu.memory_space<vmem>>, vector<16xf32>,
      tpu.vector_store %arg7[%swap3A_1150, %swap3A_1151, %swap3A_1152], %gather3A_1148 {strides = array<i32>} : memref<2x32x128xf32, #tpu.memory_space<vmem>>, vector<16xf32>,
      %scan3A_1154 = arith.constant 0 : i32
      scf.yield %scan3A_1154 : i32
    }
    %scan3A_911 = arith.constant 32 : i32
    %add3A_912 = arith.constant 416 : i32
    %add3A_913 = arith.addi %mul3A_2, %add3A_912 : i32
    %dma_start3A_914 = arith.constant 1 : i32
    %dma_start3A_915 = arith.constant 0 : i32
    %dma_start3A_916 = arith.constant 0 : i32
    %dma_start3A_917 = tpu.memref_slice %arg7[%dma_start3A_914, %dma_start3A_915, %dma_start3A_916] : memref<2x32x128xf32, #tpu.memory_space<vmem>> -> memref<1x32x128xf32, #tpu.memory_space<vmem>>
    %dma_start3A_918 = tpu.memref_squeeze %dma_start3A_917 : memref<1x32x128xf32, #tpu.memory_space<vmem>> -> memref<32x128xf32, #tpu.memory_space<vmem>>
    %dma_start3A_919 = arith.constant 0 : i32
    %dma_start3A_920 = tpu.memref_slice %arg4[%add3A_913, %dma_start3A_919] : memref<16384x128xf32, #tpu.memory_space<hbm>> -> memref<32x128xf32, #tpu.memory_space<hbm>>
    %dma_start3A_921 = arith.constant 0 : i32
    %dma_start3A_922 = tpu.memref_slice %arg4[%add3A_913, %dma_start3A_921] : memref<16384x128xf32, #tpu.memory_space<hbm>> -> memref<32x128xf32, #tpu.memory_space<hbm>>
    %dma_start3A_923 = arith.constant 0 : i32
    %dma_start3A_924 = arith.constant 0 : i32
    %dma_start3A_925 = tpu.memref_slice %arg7[%dma_start3A_914, %dma_start3A_923, %dma_start3A_924] : memref<2x32x128xf32, #tpu.memory_space<vmem>> -> memref<1x32x128xf32, #tpu.memory_space<vmem>>
    %dma_start3A_926 = tpu.memref_squeeze %dma_start3A_925 : memref<1x32x128xf32, #tpu.memory_space<vmem>> -> memref<32x128xf32, #tpu.memory_space<vmem>>
    tpu.enqueue_dma source(%dma_start3A_926 : memref<32x128xf32, #tpu.memory_space<vmem>>) target(%dma_start3A_922 : memref<32x128xf32, #tpu.memory_space<hbm>>) target_semaphore(%arg12 : memref<!tpu.dma_semaphore, #tpu.memory_space<semaphore_mem>>)
    %add3A_927 = arith.constant 480 : i32
    %add3A_928 = arith.addi %mul3A_2, %add3A_927 : i32
    %dma_start3A_929 = arith.constant 1 : i32
    %dma_start3A_930 = arith.constant 0 : i32
    %dma_start3A_931 = arith.constant 0 : i32
    %dma_start3A_932 = tpu.memref_slice %arg6[%dma_start3A_929, %dma_start3A_930, %dma_start3A_931] : memref<2x32x100xi32, #tpu.memory_space<vmem>> -> memref<1x32x100xi32, #tpu.memory_space<vmem>>
    %dma_start3A_933 = tpu.memref_squeeze %dma_start3A_932 : memref<1x32x100xi32, #tpu.memory_space<vmem>> -> memref<32x100xi32, #tpu.memory_space<vmem>>
    %dma_start3A_934 = arith.constant 0 : i32
    %dma_start3A_935 = tpu.memref_slice %arg3[%add3A_928, %dma_start3A_934] : memref<16384x100xi32, #tpu.memory_space<hbm>> -> memref<32x100xi32, #tpu.memory_space<hbm>>
    %dma_start3A_936 = arith.constant 0 : i32
    %dma_start3A_937 = arith.constant 0 : i32
    %dma_start3A_938 = tpu.memref_slice %arg6[%dma_start3A_929, %dma_start3A_936, %dma_start3A_937] : memref<2x32x100xi32, #tpu.memory_space<vmem>> -> memref<1x32x100xi32, #tpu.memory_space<vmem>>
    %dma_start3A_939 = tpu.memref_squeeze %dma_start3A_938 : memref<1x32x100xi32, #tpu.memory_space<vmem>> -> memref<32x100xi32, #tpu.memory_space<vmem>>
    %dma_start3A_940 = arith.constant 0 : i32
    %dma_start3A_941 = tpu.memref_slice %arg3[%add3A_928, %dma_start3A_940] : memref<16384x100xi32, #tpu.memory_space<hbm>> -> memref<32x100xi32, #tpu.memory_space<hbm>>
    tpu.enqueue_dma source(%dma_start3A_941 : memref<32x100xi32, #tpu.memory_space<hbm>>) target(%dma_start3A_939 : memref<32x100xi32, #tpu.memory_space<vmem>>) target_semaphore(%arg10 : memref<!tpu.dma_semaphore, #tpu.memory_space<semaphore_mem>>)
    %add3A_942 = arith.constant 448 : i32
    %add3A_943 = arith.addi %mul3A_2, %add3A_942 : i32
    %dma_wait3A_944 = arith.constant 0 : i32
    %dma_wait3A_945 = arith.constant 0 : i32
    %dma_wait3A_946 = arith.constant 0 : i32
    %dma_wait3A_947 = tpu.memref_slice %arg6[%dma_wait3A_944, %dma_wait3A_945, %dma_wait3A_946] : memref<2x32x100xi32, #tpu.memory_space<vmem>> -> memref<1x32x100xi32, #tpu.memory_space<vmem>>
    %dma_wait3A_948 = tpu.memref_squeeze %dma_wait3A_947 : memref<1x32x100xi32, #tpu.memory_space<vmem>> -> memref<32x100xi32, #tpu.memory_space<vmem>>
    %dma_wait3A_949 = arith.constant 0 : i32
    %dma_wait3A_950 = tpu.memref_slice %arg3[%add3A_943, %dma_wait3A_949] : memref<16384x100xi32, #tpu.memory_space<hbm>> -> memref<32x100xi32, #tpu.memory_space<hbm>>
    %dma_wait3A_951 = arith.constant 0 : i32
    %dma_wait3A_952 = arith.constant 0 : i32
    %dma_wait3A_953 = tpu.memref_slice %arg6[%dma_wait3A_944, %dma_wait3A_951, %dma_wait3A_952] : memref<2x32x100xi32, #tpu.memory_space<vmem>> -> memref<1x32x100xi32, #tpu.memory_space<vmem>>
    %dma_wait3A_954 = tpu.memref_squeeze %dma_wait3A_953 : memref<1x32x100xi32, #tpu.memory_space<vmem>> -> memref<32x100xi32, #tpu.memory_space<vmem>>
    %dma_wait3A_955 = arith.constant 0 : i32
    %dma_wait3A_956 = tpu.memref_slice %arg3[%add3A_943, %dma_wait3A_955] : memref<16384x100xi32, #tpu.memory_space<hbm>> -> memref<32x100xi32, #tpu.memory_space<hbm>>
    tpu.wait_dma2 semaphore(%arg9 : memref<!tpu.dma_semaphore, #tpu.memory_space<semaphore_mem>>) src(%dma_wait3A_956 : memref<32x100xi32, #tpu.memory_space<hbm>>) dst(%dma_wait3A_954 : memref<32x100xi32, #tpu.memory_space<vmem>>)
    %add3A_957 = arith.constant 384 : i32
    %add3A_958 = arith.addi %mul3A_2, %add3A_957 : i32
    %dma_wait3A_959 = arith.constant 0 : i32
    %dma_wait3A_960 = arith.constant 0 : i32
    %dma_wait3A_961 = arith.constant 0 : i32
    %dma_wait3A_962 = tpu.memref_slice %arg7[%dma_wait3A_959, %dma_wait3A_960, %dma_wait3A_961] : memref<2x32x128xf32, #tpu.memory_space<vmem>> -> memref<1x32x128xf32, #tpu.memory_space<vmem>>
    %dma_wait3A_963 = tpu.memref_squeeze %dma_wait3A_962 : memref<1x32x128xf32, #tpu.memory_space<vmem>> -> memref<32x128xf32, #tpu.memory_space<vmem>>
    %dma_wait3A_964 = arith.constant 0 : i32
    %dma_wait3A_965 = tpu.memref_slice %arg4[%add3A_958, %dma_wait3A_964] : memref<16384x128xf32, #tpu.memory_space<hbm>> -> memref<32x128xf32, #tpu.memory_space<hbm>>
    %dma_wait3A_966 = arith.constant 0 : i32
    %dma_wait3A_967 = tpu.memref_slice %arg4[%add3A_958, %dma_wait3A_966] : memref<16384x128xf32, #tpu.memory_space<hbm>> -> memref<32x128xf32, #tpu.memory_space<hbm>>
    %dma_wait3A_968 = arith.constant 0 : i32
    %dma_wait3A_969 = arith.constant 0 : i32
    %dma_wait3A_970 = tpu.memref_slice %arg7[%dma_wait3A_959, %dma_wait3A_968, %dma_wait3A_969] : memref<2x32x128xf32, #tpu.memory_space<vmem>> -> memref<1x32x128xf32, #tpu.memory_space<vmem>>
    %dma_wait3A_971 = tpu.memref_squeeze %dma_wait3A_970 : memref<1x32x128xf32, #tpu.memory_space<vmem>> -> memref<32x128xf32, #tpu.memory_space<vmem>>
    tpu.wait_dma2 semaphore(%arg11 : memref<!tpu.dma_semaphore, #tpu.memory_space<semaphore_mem>>) src(%dma_wait3A_971 : memref<32x128xf32, #tpu.memory_space<vmem>>) dst(%dma_wait3A_967 : memref<32x128xf32, #tpu.memory_space<hbm>>)
    %scan3A_972 = arith.constant 0 : i32
    %scan3A_973 = arith.constant 0 : i32
    %scan3A_974 = arith.constant 32 : i32
    %scan3A_975 = arith.addi %scan3A_973, %scan3A_974 : i32
    %scan3A_976 = arith.constant 1 : i32
    %scan3A_977 = scf.for %scan3A_1076 = %scan3A_973 to %scan3A_975 step %scan3A_976 iter_args(%scan3A_1077 = %scan3A_972) -> (i32)  : i32 {
      %get3A_1078 = arith.constant 0 : i32
      %get3A_1079 = arith.index_cast %get3A_1078 : i32 to index
      %get3A_1080 = arith.index_cast %scan3A_1076 : i32 to index
      %get3A_1081 = arith.constant 0 : index
      %get3A_1082 = tpu.vector_load %arg6[%get3A_1079, %get3A_1080, %get3A_1081] {strides = array<i32>} : memref<2x32x100xi32, #tpu.memory_space<vmem>>, vector<16xi32>,
      %gather3A = tpu.vector_load_idx %arg5[%get3A_1082] : memref<100352xf32, #tpu.memory_space<vmem>>[vector<16xi32>], vector<16xf32>,
      %swap3A_1083 = arith.constant 0 : i32
      %swap3A_1084 = arith.index_cast %swap3A_1083 : i32 to index
      %swap3A_1085 = arith.index_cast %scan3A_1076 : i32 to index
      %swap3A_1086 = arith.constant 0 : index
      %swap3A_1087 = tpu.vector_load %arg7[%swap3A_1084, %swap3A_1085, %swap3A_1086] {strides = array<i32>} : memref<2x32x128xf32, #tpu.memory_space<vmem>>, vector<16xf32>,
      tpu.vector_store %arg7[%swap3A_1084, %swap3A_1085, %swap3A_1086], %gather3A {strides = array<i32>} : memref<2x32x128xf32, #tpu.memory_space<vmem>>, vector<16xf32>,
      %get3A_1088 = arith.constant 0 : i32
      %get3A_1089 = arith.index_cast %get3A_1088 : i32 to index
      %get3A_1090 = arith.index_cast %scan3A_1076 : i32 to index
      %get3A_1091 = arith.constant 16 : index
      %get3A_1092 = tpu.vector_load %arg6[%get3A_1089, %get3A_1090, %get3A_1091] {strides = array<i32>} : memref<2x32x100xi32, #tpu.memory_space<vmem>>, vector<16xi32>,
      %gather3A_1093 = tpu.vector_load_idx %arg5[%get3A_1092] : memref<100352xf32, #tpu.memory_space<vmem>>[vector<16xi32>], vector<16xf32>,
      %swap3A_1094 = arith.constant 0 : i32
      %swap3A_1095 = arith.index_cast %swap3A_1094 : i32 to index
      %swap3A_1096 = arith.index_cast %scan3A_1076 : i32 to index
      %swap3A_1097 = arith.constant 16 : index
      %swap3A_1098 = tpu.vector_load %arg7[%swap3A_1095, %swap3A_1096, %swap3A_1097] {strides = array<i32>} : memref<2x32x128xf32, #tpu.memory_space<vmem>>, vector<16xf32>,
      tpu.vector_store %arg7[%swap3A_1095, %swap3A_1096, %swap3A_1097], %gather3A_1093 {strides = array<i32>} : memref<2x32x128xf32, #tpu.memory_space<vmem>>, vector<16xf32>,
      %get3A_1099 = arith.constant 0 : i32
      %get3A_1100 = arith.index_cast %get3A_1099 : i32 to index
      %get3A_1101 = arith.index_cast %scan3A_1076 : i32 to index
      %get3A_1102 = arith.constant 32 : index
      %get3A_1103 = tpu.vector_load %arg6[%get3A_1100, %get3A_1101, %get3A_1102] {strides = array<i32>} : memref<2x32x100xi32, #tpu.memory_space<vmem>>, vector<16xi32>,
      %gather3A_1104 = tpu.vector_load_idx %arg5[%get3A_1103] : memref<100352xf32, #tpu.memory_space<vmem>>[vector<16xi32>], vector<16xf32>,
      %swap3A_1105 = arith.constant 0 : i32
      %swap3A_1106 = arith.index_cast %swap3A_1105 : i32 to index
      %swap3A_1107 = arith.index_cast %scan3A_1076 : i32 to index
      %swap3A_1108 = arith.constant 32 : index
      %swap3A_1109 = tpu.vector_load %arg7[%swap3A_1106, %swap3A_1107, %swap3A_1108] {strides = array<i32>} : memref<2x32x128xf32, #tpu.memory_space<vmem>>, vector<16xf32>,
      tpu.vector_store %arg7[%swap3A_1106, %swap3A_1107, %swap3A_1108], %gather3A_1104 {strides = array<i32>} : memref<2x32x128xf32, #tpu.memory_space<vmem>>, vector<16xf32>,
      %get3A_1110 = arith.constant 0 : i32
      %get3A_1111 = arith.index_cast %get3A_1110 : i32 to index
      %get3A_1112 = arith.index_cast %scan3A_1076 : i32 to index
      %get3A_1113 = arith.constant 48 : index
      %get3A_1114 = tpu.vector_load %arg6[%get3A_1111, %get3A_1112, %get3A_1113] {strides = array<i32>} : memref<2x32x100xi32, #tpu.memory_space<vmem>>, vector<16xi32>,
      %gather3A_1115 = tpu.vector_load_idx %arg5[%get3A_1114] : memref<100352xf32, #tpu.memory_space<vmem>>[vector<16xi32>], vector<16xf32>,
      %swap3A_1116 = arith.constant 0 : i32
      %swap3A_1117 = arith.index_cast %swap3A_1116 : i32 to index
      %swap3A_1118 = arith.index_cast %scan3A_1076 : i32 to index
      %swap3A_1119 = arith.constant 48 : index
      %swap3A_1120 = tpu.vector_load %arg7[%swap3A_1117, %swap3A_1118, %swap3A_1119] {strides = array<i32>} : memref<2x32x128xf32, #tpu.memory_space<vmem>>, vector<16xf32>,
      tpu.vector_store %arg7[%swap3A_1117, %swap3A_1118, %swap3A_1119], %gather3A_1115 {strides = array<i32>} : memref<2x32x128xf32, #tpu.memory_space<vmem>>, vector<16xf32>,
      %get3A_1121 = arith.constant 0 : i32
      %get3A_1122 = arith.index_cast %get3A_1121 : i32 to index
      %get3A_1123 = arith.index_cast %scan3A_1076 : i32 to index
      %get3A_1124 = arith.constant 64 : index
      %get3A_1125 = tpu.vector_load %arg6[%get3A_1122, %get3A_1123, %get3A_1124] {strides = array<i32>} : memref<2x32x100xi32, #tpu.memory_space<vmem>>, vector<16xi32>,
      %gather3A_1126 = tpu.vector_load_idx %arg5[%get3A_1125] : memref<100352xf32, #tpu.memory_space<vmem>>[vector<16xi32>], vector<16xf32>,
      %swap3A_1127 = arith.constant 0 : i32
      %swap3A_1128 = arith.index_cast %swap3A_1127 : i32 to index
      %swap3A_1129 = arith.index_cast %scan3A_1076 : i32 to index
      %swap3A_1130 = arith.constant 64 : index
      %swap3A_1131 = tpu.vector_load %arg7[%swap3A_1128, %swap3A_1129, %swap3A_1130] {strides = array<i32>} : memref<2x32x128xf32, #tpu.memory_space<vmem>>, vector<16xf32>,
      tpu.vector_store %arg7[%swap3A_1128, %swap3A_1129, %swap3A_1130], %gather3A_1126 {strides = array<i32>} : memref<2x32x128xf32, #tpu.memory_space<vmem>>, vector<16xf32>,
      %get3A_1132 = arith.constant 0 : i32
      %get3A_1133 = arith.index_cast %get3A_1132 : i32 to index
      %get3A_1134 = arith.index_cast %scan3A_1076 : i32 to index
      %get3A_1135 = arith.constant 80 : index
      %get3A_1136 = tpu.vector_load %arg6[%get3A_1133, %get3A_1134, %get3A_1135] {strides = array<i32>} : memref<2x32x100xi32, #tpu.memory_space<vmem>>, vector<16xi32>,
      %gather3A_1137 = tpu.vector_load_idx %arg5[%get3A_1136] : memref<100352xf32, #tpu.memory_space<vmem>>[vector<16xi32>], vector<16xf32>,
      %swap3A_1138 = arith.constant 0 : i32
      %swap3A_1139 = arith.index_cast %swap3A_1138 : i32 to index
      %swap3A_1140 = arith.index_cast %scan3A_1076 : i32 to index
      %swap3A_1141 = arith.constant 80 : index
      %swap3A_1142 = tpu.vector_load %arg7[%swap3A_1139, %swap3A_1140, %swap3A_1141] {strides = array<i32>} : memref<2x32x128xf32, #tpu.memory_space<vmem>>, vector<16xf32>,
      tpu.vector_store %arg7[%swap3A_1139, %swap3A_1140, %swap3A_1141], %gather3A_1137 {strides = array<i32>} : memref<2x32x128xf32, #tpu.memory_space<vmem>>, vector<16xf32>,
      %get3A_1143 = arith.constant 0 : i32
      %get3A_1144 = arith.index_cast %get3A_1143 : i32 to index
      %get3A_1145 = arith.index_cast %scan3A_1076 : i32 to index
      %get3A_1146 = arith.constant 84 : index
      %get3A_1147 = tpu.vector_load %arg6[%get3A_1144, %get3A_1145, %get3A_1146] {strides = array<i32>} : memref<2x32x100xi32, #tpu.memory_space<vmem>>, vector<16xi32>,
      %gather3A_1148 = tpu.vector_load_idx %arg5[%get3A_1147] : memref<100352xf32, #tpu.memory_space<vmem>>[vector<16xi32>], vector<16xf32>,
      %swap3A_1149 = arith.constant 0 : i32
      %swap3A_1150 = arith.index_cast %swap3A_1149 : i32 to index
      %swap3A_1151 = arith.index_cast %scan3A_1076 : i32 to index
      %swap3A_1152 = arith.constant 84 : index
      %swap3A_1153 = tpu.vector_load %arg7[%swap3A_1150, %swap3A_1151, %swap3A_1152] {strides = array<i32>} : memref<2x32x128xf32, #tpu.memory_space<vmem>>, vector<16xf32>,
      tpu.vector_store %arg7[%swap3A_1150, %swap3A_1151, %swap3A_1152], %gather3A_1148 {strides = array<i32>} : memref<2x32x128xf32, #tpu.memory_space<vmem>>, vector<16xf32>,
      %scan3A_1154 = arith.constant 0 : i32
      scf.yield %scan3A_1154 : i32
    }
    %scan3A_978 = arith.constant 32 : i32
    %add3A_979 = arith.constant 448 : i32
    %add3A_980 = arith.addi %mul3A_2, %add3A_979 : i32
    %dma_start3A_981 = arith.constant 0 : i32
    %dma_start3A_982 = arith.constant 0 : i32
    %dma_start3A_983 = arith.constant 0 : i32
    %dma_start3A_984 = tpu.memref_slice %arg7[%dma_start3A_981, %dma_start3A_982, %dma_start3A_983] : memref<2x32x128xf32, #tpu.memory_space<vmem>> -> memref<1x32x128xf32, #tpu.memory_space<vmem>>
    %dma_start3A_985 = tpu.memref_squeeze %dma_start3A_984 : memref<1x32x128xf32, #tpu.memory_space<vmem>> -> memref<32x128xf32, #tpu.memory_space<vmem>>
    %dma_start3A_986 = arith.constant 0 : i32
    %dma_start3A_987 = tpu.memref_slice %arg4[%add3A_980, %dma_start3A_986] : memref<16384x128xf32, #tpu.memory_space<hbm>> -> memref<32x128xf32, #tpu.memory_space<hbm>>
    %dma_start3A_988 = arith.constant 0 : i32
    %dma_start3A_989 = tpu.memref_slice %arg4[%add3A_980, %dma_start3A_988] : memref<16384x128xf32, #tpu.memory_space<hbm>> -> memref<32x128xf32, #tpu.memory_space<hbm>>
    %dma_start3A_990 = arith.constant 0 : i32
    %dma_start3A_991 = arith.constant 0 : i32
    %dma_start3A_992 = tpu.memref_slice %arg7[%dma_start3A_981, %dma_start3A_990, %dma_start3A_991] : memref<2x32x128xf32, #tpu.memory_space<vmem>> -> memref<1x32x128xf32, #tpu.memory_space<vmem>>
    %dma_start3A_993 = tpu.memref_squeeze %dma_start3A_992 : memref<1x32x128xf32, #tpu.memory_space<vmem>> -> memref<32x128xf32, #tpu.memory_space<vmem>>
    tpu.enqueue_dma source(%dma_start3A_993 : memref<32x128xf32, #tpu.memory_space<vmem>>) target(%dma_start3A_989 : memref<32x128xf32, #tpu.memory_space<hbm>>) target_semaphore(%arg11 : memref<!tpu.dma_semaphore, #tpu.memory_space<semaphore_mem>>)
    %add3A_994 = arith.constant 480 : i32
    %add3A_995 = arith.addi %mul3A_2, %add3A_994 : i32
    %dma_wait3A_996 = arith.constant 1 : i32
    %dma_wait3A_997 = arith.constant 0 : i32
    %dma_wait3A_998 = arith.constant 0 : i32
    %dma_wait3A_999 = tpu.memref_slice %arg6[%dma_wait3A_996, %dma_wait3A_997, %dma_wait3A_998] : memref<2x32x100xi32, #tpu.memory_space<vmem>> -> memref<1x32x100xi32, #tpu.memory_space<vmem>>
    %dma_wait3A_1000 = tpu.memref_squeeze %dma_wait3A_999 : memref<1x32x100xi32, #tpu.memory_space<vmem>> -> memref<32x100xi32, #tpu.memory_space<vmem>>
    %dma_wait3A_1001 = arith.constant 0 : i32
    %dma_wait3A_1002 = tpu.memref_slice %arg3[%add3A_995, %dma_wait3A_1001] : memref<16384x100xi32, #tpu.memory_space<hbm>> -> memref<32x100xi32, #tpu.memory_space<hbm>>
    %dma_wait3A_1003 = arith.constant 0 : i32
    %dma_wait3A_1004 = arith.constant 0 : i32
    %dma_wait3A_1005 = tpu.memref_slice %arg6[%dma_wait3A_996, %dma_wait3A_1003, %dma_wait3A_1004] : memref<2x32x100xi32, #tpu.memory_space<vmem>> -> memref<1x32x100xi32, #tpu.memory_space<vmem>>
    %dma_wait3A_1006 = tpu.memref_squeeze %dma_wait3A_1005 : memref<1x32x100xi32, #tpu.memory_space<vmem>> -> memref<32x100xi32, #tpu.memory_space<vmem>>
    %dma_wait3A_1007 = arith.constant 0 : i32
    %dma_wait3A_1008 = tpu.memref_slice %arg3[%add3A_995, %dma_wait3A_1007] : memref<16384x100xi32, #tpu.memory_space<hbm>> -> memref<32x100xi32, #tpu.memory_space<hbm>>
    tpu.wait_dma2 semaphore(%arg10 : memref<!tpu.dma_semaphore, #tpu.memory_space<semaphore_mem>>) src(%dma_wait3A_1008 : memref<32x100xi32, #tpu.memory_space<hbm>>) dst(%dma_wait3A_1006 : memref<32x100xi32, #tpu.memory_space<vmem>>)
    %add3A_1009 = arith.constant 416 : i32
    %add3A_1010 = arith.addi %mul3A_2, %add3A_1009 : i32
    %dma_wait3A_1011 = arith.constant 1 : i32
    %dma_wait3A_1012 = arith.constant 0 : i32
    %dma_wait3A_1013 = arith.constant 0 : i32
    %dma_wait3A_1014 = tpu.memref_slice %arg7[%dma_wait3A_1011, %dma_wait3A_1012, %dma_wait3A_1013] : memref<2x32x128xf32, #tpu.memory_space<vmem>> -> memref<1x32x128xf32, #tpu.memory_space<vmem>>
    %dma_wait3A_1015 = tpu.memref_squeeze %dma_wait3A_1014 : memref<1x32x128xf32, #tpu.memory_space<vmem>> -> memref<32x128xf32, #tpu.memory_space<vmem>>
    %dma_wait3A_1016 = arith.constant 0 : i32
    %dma_wait3A_1017 = tpu.memref_slice %arg4[%add3A_1010, %dma_wait3A_1016] : memref<16384x128xf32, #tpu.memory_space<hbm>> -> memref<32x128xf32, #tpu.memory_space<hbm>>
    %dma_wait3A_1018 = arith.constant 0 : i32
    %dma_wait3A_1019 = tpu.memref_slice %arg4[%add3A_1010, %dma_wait3A_1018] : memref<16384x128xf32, #tpu.memory_space<hbm>> -> memref<32x128xf32, #tpu.memory_space<hbm>>
    %dma_wait3A_1020 = arith.constant 0 : i32
    %dma_wait3A_1021 = arith.constant 0 : i32
    %dma_wait3A_1022 = tpu.memref_slice %arg7[%dma_wait3A_1011, %dma_wait3A_1020, %dma_wait3A_1021] : memref<2x32x128xf32, #tpu.memory_space<vmem>> -> memref<1x32x128xf32, #tpu.memory_space<vmem>>
    %dma_wait3A_1023 = tpu.memref_squeeze %dma_wait3A_1022 : memref<1x32x128xf32, #tpu.memory_space<vmem>> -> memref<32x128xf32, #tpu.memory_space<vmem>>
    tpu.wait_dma2 semaphore(%arg12 : memref<!tpu.dma_semaphore, #tpu.memory_space<semaphore_mem>>) src(%dma_wait3A_1023 : memref<32x128xf32, #tpu.memory_space<vmem>>) dst(%dma_wait3A_1019 : memref<32x128xf32, #tpu.memory_space<hbm>>)
    %scan3A_1024 = arith.constant 0 : i32
    %scan3A_1025 = arith.constant 0 : i32
    %scan3A_1026 = arith.constant 32 : i32
    %scan3A_1027 = arith.addi %scan3A_1025, %scan3A_1026 : i32
    %scan3A_1028 = arith.constant 1 : i32
    %scan3A_1029 = scf.for %scan3A_1076 = %scan3A_1025 to %scan3A_1027 step %scan3A_1028 iter_args(%scan3A_1077 = %scan3A_1024) -> (i32)  : i32 {
      %get3A_1078 = arith.constant 1 : i32
      %get3A_1079 = arith.index_cast %get3A_1078 : i32 to index
      %get3A_1080 = arith.index_cast %scan3A_1076 : i32 to index
      %get3A_1081 = arith.constant 0 : index
      %get3A_1082 = tpu.vector_load %arg6[%get3A_1079, %get3A_1080, %get3A_1081] {strides = array<i32>} : memref<2x32x100xi32, #tpu.memory_space<vmem>>, vector<16xi32>,
      %gather3A = tpu.vector_load_idx %arg5[%get3A_1082] : memref<100352xf32, #tpu.memory_space<vmem>>[vector<16xi32>], vector<16xf32>,
      %swap3A_1083 = arith.constant 1 : i32
      %swap3A_1084 = arith.index_cast %swap3A_1083 : i32 to index
      %swap3A_1085 = arith.index_cast %scan3A_1076 : i32 to index
      %swap3A_1086 = arith.constant 0 : index
      %swap3A_1087 = tpu.vector_load %arg7[%swap3A_1084, %swap3A_1085, %swap3A_1086] {strides = array<i32>} : memref<2x32x128xf32, #tpu.memory_space<vmem>>, vector<16xf32>,
      tpu.vector_store %arg7[%swap3A_1084, %swap3A_1085, %swap3A_1086], %gather3A {strides = array<i32>} : memref<2x32x128xf32, #tpu.memory_space<vmem>>, vector<16xf32>,
      %get3A_1088 = arith.constant 1 : i32
      %get3A_1089 = arith.index_cast %get3A_1088 : i32 to index
      %get3A_1090 = arith.index_cast %scan3A_1076 : i32 to index
      %get3A_1091 = arith.constant 16 : index
      %get3A_1092 = tpu.vector_load %arg6[%get3A_1089, %get3A_1090, %get3A_1091] {strides = array<i32>} : memref<2x32x100xi32, #tpu.memory_space<vmem>>, vector<16xi32>,
      %gather3A_1093 = tpu.vector_load_idx %arg5[%get3A_1092] : memref<100352xf32, #tpu.memory_space<vmem>>[vector<16xi32>], vector<16xf32>,
      %swap3A_1094 = arith.constant 1 : i32
      %swap3A_1095 = arith.index_cast %swap3A_1094 : i32 to index
      %swap3A_1096 = arith.index_cast %scan3A_1076 : i32 to index
      %swap3A_1097 = arith.constant 16 : index
      %swap3A_1098 = tpu.vector_load %arg7[%swap3A_1095, %swap3A_1096, %swap3A_1097] {strides = array<i32>} : memref<2x32x128xf32, #tpu.memory_space<vmem>>, vector<16xf32>,
      tpu.vector_store %arg7[%swap3A_1095, %swap3A_1096, %swap3A_1097], %gather3A_1093 {strides = array<i32>} : memref<2x32x128xf32, #tpu.memory_space<vmem>>, vector<16xf32>,
      %get3A_1099 = arith.constant 1 : i32
      %get3A_1100 = arith.index_cast %get3A_1099 : i32 to index
      %get3A_1101 = arith.index_cast %scan3A_1076 : i32 to index
      %get3A_1102 = arith.constant 32 : index
      %get3A_1103 = tpu.vector_load %arg6[%get3A_1100, %get3A_1101, %get3A_1102] {strides = array<i32>} : memref<2x32x100xi32, #tpu.memory_space<vmem>>, vector<16xi32>,
      %gather3A_1104 = tpu.vector_load_idx %arg5[%get3A_1103] : memref<100352xf32, #tpu.memory_space<vmem>>[vector<16xi32>], vector<16xf32>,
      %swap3A_1105 = arith.constant 1 : i32
      %swap3A_1106 = arith.index_cast %swap3A_1105 : i32 to index
      %swap3A_1107 = arith.index_cast %scan3A_1076 : i32 to index
      %swap3A_1108 = arith.constant 32 : index
      %swap3A_1109 = tpu.vector_load %arg7[%swap3A_1106, %swap3A_1107, %swap3A_1108] {strides = array<i32>} : memref<2x32x128xf32, #tpu.memory_space<vmem>>, vector<16xf32>,
      tpu.vector_store %arg7[%swap3A_1106, %swap3A_1107, %swap3A_1108], %gather3A_1104 {strides = array<i32>} : memref<2x32x128xf32, #tpu.memory_space<vmem>>, vector<16xf32>,
      %get3A_1110 = arith.constant 1 : i32
      %get3A_1111 = arith.index_cast %get3A_1110 : i32 to index
      %get3A_1112 = arith.index_cast %scan3A_1076 : i32 to index
      %get3A_1113 = arith.constant 48 : index
      %get3A_1114 = tpu.vector_load %arg6[%get3A_1111, %get3A_1112, %get3A_1113] {strides = array<i32>} : memref<2x32x100xi32, #tpu.memory_space<vmem>>, vector<16xi32>,
      %gather3A_1115 = tpu.vector_load_idx %arg5[%get3A_1114] : memref<100352xf32, #tpu.memory_space<vmem>>[vector<16xi32>], vector<16xf32>,
      %swap3A_1116 = arith.constant 1 : i32
      %swap3A_1117 = arith.index_cast %swap3A_1116 : i32 to index
      %swap3A_1118 = arith.index_cast %scan3A_1076 : i32 to index
      %swap3A_1119 = arith.constant 48 : index
      %swap3A_1120 = tpu.vector_load %arg7[%swap3A_1117, %swap3A_1118, %swap3A_1119] {strides = array<i32>} : memref<2x32x128xf32, #tpu.memory_space<vmem>>, vector<16xf32>,
      tpu.vector_store %arg7[%swap3A_1117, %swap3A_1118, %swap3A_1119], %gather3A_1115 {strides = array<i32>} : memref<2x32x128xf32, #tpu.memory_space<vmem>>, vector<16xf32>,
      %get3A_1121 = arith.constant 1 : i32
      %get3A_1122 = arith.index_cast %get3A_1121 : i32 to index
      %get3A_1123 = arith.index_cast %scan3A_1076 : i32 to index
      %get3A_1124 = arith.constant 64 : index
      %get3A_1125 = tpu.vector_load %arg6[%get3A_1122, %get3A_1123, %get3A_1124] {strides = array<i32>} : memref<2x32x100xi32, #tpu.memory_space<vmem>>, vector<16xi32>,
      %gather3A_1126 = tpu.vector_load_idx %arg5[%get3A_1125] : memref<100352xf32, #tpu.memory_space<vmem>>[vector<16xi32>], vector<16xf32>,
      %swap3A_1127 = arith.constant 1 : i32
      %swap3A_1128 = arith.index_cast %swap3A_1127 : i32 to index
      %swap3A_1129 = arith.index_cast %scan3A_1076 : i32 to index
      %swap3A_1130 = arith.constant 64 : index
      %swap3A_1131 = tpu.vector_load %arg7[%swap3A_1128, %swap3A_1129, %swap3A_1130] {strides = array<i32>} : memref<2x32x128xf32, #tpu.memory_space<vmem>>, vector<16xf32>,
      tpu.vector_store %arg7[%swap3A_1128, %swap3A_1129, %swap3A_1130], %gather3A_1126 {strides = array<i32>} : memref<2x32x128xf32, #tpu.memory_space<vmem>>, vector<16xf32>,
      %get3A_1132 = arith.constant 1 : i32
      %get3A_1133 = arith.index_cast %get3A_1132 : i32 to index
      %get3A_1134 = arith.index_cast %scan3A_1076 : i32 to index
      %get3A_1135 = arith.constant 80 : index
      %get3A_1136 = tpu.vector_load %arg6[%get3A_1133, %get3A_1134, %get3A_1135] {strides = array<i32>} : memref<2x32x100xi32, #tpu.memory_space<vmem>>, vector<16xi32>,
      %gather3A_1137 = tpu.vector_load_idx %arg5[%get3A_1136] : memref<100352xf32, #tpu.memory_space<vmem>>[vector<16xi32>], vector<16xf32>,
      %swap3A_1138 = arith.constant 1 : i32
      %swap3A_1139 = arith.index_cast %swap3A_1138 : i32 to index
      %swap3A_1140 = arith.index_cast %scan3A_1076 : i32 to index
      %swap3A_1141 = arith.constant 80 : index
      %swap3A_1142 = tpu.vector_load %arg7[%swap3A_1139, %swap3A_1140, %swap3A_1141] {strides = array<i32>} : memref<2x32x128xf32, #tpu.memory_space<vmem>>, vector<16xf32>,
      tpu.vector_store %arg7[%swap3A_1139, %swap3A_1140, %swap3A_1141], %gather3A_1137 {strides = array<i32>} : memref<2x32x128xf32, #tpu.memory_space<vmem>>, vector<16xf32>,
      %get3A_1143 = arith.constant 1 : i32
      %get3A_1144 = arith.index_cast %get3A_1143 : i32 to index
      %get3A_1145 = arith.index_cast %scan3A_1076 : i32 to index
      %get3A_1146 = arith.constant 84 : index
      %get3A_1147 = tpu.vector_load %arg6[%get3A_1144, %get3A_1145, %get3A_1146] {strides = array<i32>} : memref<2x32x100xi32, #tpu.memory_space<vmem>>, vector<16xi32>,
      %gather3A_1148 = tpu.vector_load_idx %arg5[%get3A_1147] : memref<100352xf32, #tpu.memory_space<vmem>>[vector<16xi32>], vector<16xf32>,
      %swap3A_1149 = arith.constant 1 : i32
      %swap3A_1150 = arith.index_cast %swap3A_1149 : i32 to index
      %swap3A_1151 = arith.index_cast %scan3A_1076 : i32 to index
      %swap3A_1152 = arith.constant 84 : index
      %swap3A_1153 = tpu.vector_load %arg7[%swap3A_1150, %swap3A_1151, %swap3A_1152] {strides = array<i32>} : memref<2x32x128xf32, #tpu.memory_space<vmem>>, vector<16xf32>,
      tpu.vector_store %arg7[%swap3A_1150, %swap3A_1151, %swap3A_1152], %gather3A_1148 {strides = array<i32>} : memref<2x32x128xf32, #tpu.memory_space<vmem>>, vector<16xf32>,
      %scan3A_1154 = arith.constant 0 : i32
      scf.yield %scan3A_1154 : i32
    }
    %scan3A_1030 = arith.constant 32 : i32
    %add3A_1031 = arith.constant 480 : i32
    %add3A_1032 = arith.addi %mul3A_2, %add3A_1031 : i32
    %dma_start3A_1033 = arith.constant 1 : i32
    %dma_start3A_1034 = arith.constant 0 : i32
    %dma_start3A_1035 = arith.constant 0 : i32
    %dma_start3A_1036 = tpu.memref_slice %arg7[%dma_start3A_1033, %dma_start3A_1034, %dma_start3A_1035] : memref<2x32x128xf32, #tpu.memory_space<vmem>> -> memref<1x32x128xf32, #tpu.memory_space<vmem>>
    %dma_start3A_1037 = tpu.memref_squeeze %dma_start3A_1036 : memref<1x32x128xf32, #tpu.memory_space<vmem>> -> memref<32x128xf32, #tpu.memory_space<vmem>>
    %dma_start3A_1038 = arith.constant 0 : i32
    %dma_start3A_1039 = tpu.memref_slice %arg4[%add3A_1032, %dma_start3A_1038] : memref<16384x128xf32, #tpu.memory_space<hbm>> -> memref<32x128xf32, #tpu.memory_space<hbm>>
    %dma_start3A_1040 = arith.constant 0 : i32
    %dma_start3A_1041 = tpu.memref_slice %arg4[%add3A_1032, %dma_start3A_1040] : memref<16384x128xf32, #tpu.memory_space<hbm>> -> memref<32x128xf32, #tpu.memory_space<hbm>>
    %dma_start3A_1042 = arith.constant 0 : i32
    %dma_start3A_1043 = arith.constant 0 : i32
    %dma_start3A_1044 = tpu.memref_slice %arg7[%dma_start3A_1033, %dma_start3A_1042, %dma_start3A_1043] : memref<2x32x128xf32, #tpu.memory_space<vmem>> -> memref<1x32x128xf32, #tpu.memory_space<vmem>>
    %dma_start3A_1045 = tpu.memref_squeeze %dma_start3A_1044 : memref<1x32x128xf32, #tpu.memory_space<vmem>> -> memref<32x128xf32, #tpu.memory_space<vmem>>
    tpu.enqueue_dma source(%dma_start3A_1045 : memref<32x128xf32, #tpu.memory_space<vmem>>) target(%dma_start3A_1041 : memref<32x128xf32, #tpu.memory_space<hbm>>) target_semaphore(%arg12 : memref<!tpu.dma_semaphore, #tpu.memory_space<semaphore_mem>>)
    %add3A_1046 = arith.constant 448 : i32
    %add3A_1047 = arith.addi %mul3A_2, %add3A_1046 : i32
    %dma_wait3A_1048 = arith.constant 0 : i32
    %dma_wait3A_1049 = arith.constant 0 : i32
    %dma_wait3A_1050 = arith.constant 0 : i32
    %dma_wait3A_1051 = tpu.memref_slice %arg7[%dma_wait3A_1048, %dma_wait3A_1049, %dma_wait3A_1050] : memref<2x32x128xf32, #tpu.memory_space<vmem>> -> memref<1x32x128xf32, #tpu.memory_space<vmem>>
    %dma_wait3A_1052 = tpu.memref_squeeze %dma_wait3A_1051 : memref<1x32x128xf32, #tpu.memory_space<vmem>> -> memref<32x128xf32, #tpu.memory_space<vmem>>
    %dma_wait3A_1053 = arith.constant 0 : i32
    %dma_wait3A_1054 = tpu.memref_slice %arg4[%add3A_1047, %dma_wait3A_1053] : memref<16384x128xf32, #tpu.memory_space<hbm>> -> memref<32x128xf32, #tpu.memory_space<hbm>>
    %dma_wait3A_1055 = arith.constant 0 : i32
    %dma_wait3A_1056 = tpu.memref_slice %arg4[%add3A_1047, %dma_wait3A_1055] : memref<16384x128xf32, #tpu.memory_space<hbm>> -> memref<32x128xf32, #tpu.memory_space<hbm>>
    %dma_wait3A_1057 = arith.constant 0 : i32
    %dma_wait3A_1058 = arith.constant 0 : i32
    %dma_wait3A_1059 = tpu.memref_slice %arg7[%dma_wait3A_1048, %dma_wait3A_1057, %dma_wait3A_1058] : memref<2x32x128xf32, #tpu.memory_space<vmem>> -> memref<1x32x128xf32, #tpu.memory_space<vmem>>
    %dma_wait3A_1060 = tpu.memref_squeeze %dma_wait3A_1059 : memref<1x32x128xf32, #tpu.memory_space<vmem>> -> memref<32x128xf32, #tpu.memory_space<vmem>>
    tpu.wait_dma2 semaphore(%arg11 : memref<!tpu.dma_semaphore, #tpu.memory_space<semaphore_mem>>) src(%dma_wait3A_1060 : memref<32x128xf32, #tpu.memory_space<vmem>>) dst(%dma_wait3A_1056 : memref<32x128xf32, #tpu.memory_space<hbm>>)
    %add3A_1061 = arith.constant 480 : i32
    %add3A_1062 = arith.addi %mul3A_2, %add3A_1061 : i32
    %dma_wait3A_1063 = arith.constant 1 : i32
    %dma_wait3A_1064 = arith.constant 0 : i32
    %dma_wait3A_1065 = arith.constant 0 : i32
    %dma_wait3A_1066 = tpu.memref_slice %arg7[%dma_wait3A_1063, %dma_wait3A_1064, %dma_wait3A_1065] : memref<2x32x128xf32, #tpu.memory_space<vmem>> -> memref<1x32x128xf32, #tpu.memory_space<vmem>>
    %dma_wait3A_1067 = tpu.memref_squeeze %dma_wait3A_1066 : memref<1x32x128xf32, #tpu.memory_space<vmem>> -> memref<32x128xf32, #tpu.memory_space<vmem>>
    %dma_wait3A_1068 = arith.constant 0 : i32
    %dma_wait3A_1069 = tpu.memref_slice %arg4[%add3A_1062, %dma_wait3A_1068] : memref<16384x128xf32, #tpu.memory_space<hbm>> -> memref<32x128xf32, #tpu.memory_space<hbm>>
    %dma_wait3A_1070 = arith.constant 0 : i32
    %dma_wait3A_1071 = tpu.memref_slice %arg4[%add3A_1062, %dma_wait3A_1070] : memref<16384x128xf32, #tpu.memory_space<hbm>> -> memref<32x128xf32, #tpu.memory_space<hbm>>
    %dma_wait3A_1072 = arith.constant 0 : i32
    %dma_wait3A_1073 = arith.constant 0 : i32
    %dma_wait3A_1074 = tpu.memref_slice %arg7[%dma_wait3A_1063, %dma_wait3A_1072, %dma_wait3A_1073] : memref<2x32x128xf32, #tpu.memory_space<vmem>> -> memref<1x32x128xf32, #tpu.memory_space<vmem>>
    %dma_wait3A_1075 = tpu.memref_squeeze %dma_wait3A_1074 : memref<1x32x128xf32, #tpu.memory_space<vmem>> -> memref<32x128xf32, #tpu.memory_space<vmem>>
    tpu.wait_dma2 semaphore(%arg12 : memref<!tpu.dma_semaphore, #tpu.memory_space<semaphore_mem>>) src(%dma_wait3A_1075 : memref<32x128xf32, #tpu.memory_space<vmem>>) dst(%dma_wait3A_1071 : memref<32x128xf32, #tpu.memory_space<hbm>>)
    return
  }
}

module attributes {stable_mosaic.version = 14 : i64} {
  func.func @_mm_body(%arg0: i32, %arg1: memref<50x100xf32, #tpu.memory_space<vmem>>, %arg2: memref<2048x128xf32, #tpu.memory_space<vmem>>, %arg3: memref<50x2048xf32, #tpu.memory_space<vmem>>) attributes {dimension_semantics = [#tpu.dimension_semantics<arbitrary>], iteration_bounds = array<i64: 8>, scalar_prefetch = 0 : i64, scratch_operands = 0 : i64, tpu.core_type = #tpu.core_type<tc>, window_params = [{pipeline_mode = #tpu.pipeline_mode<synchronous>, transform_indices = @transform_0, window_bounds = array<i64: 50, 100>}, {transform_indices = @transform_1, window_bounds = array<i64: 2048, 128>}, {transform_indices = @transform_2, window_bounds = array<i64: 50, 2048>}]} {
    %get3A = arith.constant 0 : index
    %get3A_0 = arith.constant 0 : index
    %get3A_1 = vector.load %arg1[%get3A, %get3A_0] : memref<50x100xf32, #tpu.memory_space<vmem>>, vector<50x100xf32>
    %get3A_2 = arith.constant 0 : index
    %get3A_3 = arith.constant 0 : index
    %get3A_4 = vector.load %arg2[%get3A_2, %get3A_3] : memref<2048x128xf32, #tpu.memory_space<vmem>>, vector<2048x128xf32>
    %slice3A = vector.extract_strided_slice %get3A_4 {offsets = [0, 0], sizes = [2048, 100], strides = [1, 1]} : vector<2048x128xf32> to vector<2048x100xf32>
    %dot_general3A = arith.constant dense<0.000000e+00> : vector<50x2048xf32>
    %dot_general3A_5 = tpu.matmul %get3A_1, %slice3A, %dot_general3A {dimension_numbers = #tpu.dot_dimension_numbers<[1], [1], [0], [0], [0, 0, 1, 0], [], []>, transpose_lhs_hint = false} : vector<50x100xf32>, vector<2048x100xf32>, vector<50x2048xf32> -> vector<50x2048xf32>
    %swap3A = arith.constant 0 : index
    %swap3A_6 = arith.constant 0 : index
    %swap3A_7 = vector.load %arg3[%swap3A, %swap3A_6] : memref<50x2048xf32, #tpu.memory_space<vmem>>, vector<50x2048xf32>
    tpu.vector_store %arg3[%swap3A, %swap3A_6], %dot_general3A_5 {strides = array<i32>} : memref<50x2048xf32, #tpu.memory_space<vmem>>, vector<50x2048xf32>,
    return
  }
  func.func @transform_0(%arg0: i32) -> (i32, i32) {
    %c0_i32 = arith.constant 0 : i32
    %c0_i32_0 = arith.constant 0 : i32
    %c0_i32_1 = arith.constant 0 : i32
    return %c0_i32, %c0_i32_0 : i32, i32
  }
  func.func @transform_1(%arg0: i32) -> (i32, i32) {
    %c0_i32 = arith.constant 0 : i32
    %c0_i32_0 = arith.constant 0 : i32
    return %arg0, %c0_i32 : i32, i32
  }
  func.func @transform_2(%arg0: i32) -> (i32, i32) {
    %c0_i32 = arith.constant 0 : i32
    %c0_i32_0 = arith.constant 0 : i32
    return %c0_i32, %arg0 : i32, i32
  }
}

module attributes {stable_mosaic.version = 14 : i64} {
  func.func @_rowmean_body(%arg0: i32, %arg1: memref<100x512xf32, #tpu.memory_space<vmem>>, %arg2: memref<100x512xf32, #tpu.memory_space<vmem>>, %arg3: memref<100x512xf32, #tpu.memory_space<vmem>>, %arg4: memref<100x512xf32, #tpu.memory_space<vmem>>, %arg5: memref<2048xf32, #tpu.memory_space<vmem>>) attributes {dimension_semantics = [#tpu.dimension_semantics<arbitrary>], iteration_bounds = array<i64: 49>, scalar_prefetch = 0 : i64, scratch_operands = 0 : i64, tpu.core_type = #tpu.core_type<tc>, window_params = [{transform_indices = @transform_0, window_bounds = array<i64: 100, 512>}, {transform_indices = @transform_1, window_bounds = array<i64: 100, 512>}, {transform_indices = @transform_2, window_bounds = array<i64: 100, 512>}, {transform_indices = @transform_3, window_bounds = array<i64: 100, 512>}, {transform_indices = @transform_4, window_bounds = array<i64: 2048>}]} {
    %broadcast_in_dim3A = arith.constant 0.00999999977 : f32
    %broadcast_in_dim3A_0 = vector.broadcast %broadcast_in_dim3A : f32 to vector<1x100xf32>
    %get3A = arith.constant 0 : index
    %get3A_1 = arith.constant 0 : index
    %get3A_2 = vector.load %arg1[%get3A, %get3A_1] : memref<100x512xf32, #tpu.memory_space<vmem>>, vector<100x512xf32>
    %dot_general3A = arith.constant dense<0.000000e+00> : vector<1x512xf32>
    %dot_general3A_3 = tpu.matmul %broadcast_in_dim3A_0, %get3A_2, %dot_general3A {dimension_numbers = #tpu.dot_dimension_numbers<[1], [0], [0], [1], [0, 0, 1, 1], [], []>, transpose_lhs_hint = false} : vector<1x100xf32>, vector<100x512xf32>, vector<1x512xf32> -> vector<1x512xf32>
    %reshape3A = vector.shape_cast %dot_general3A_3 : vector<1x512xf32> to vector<512xf32>
    %swap3A = arith.constant 0 : index
    %swap3A_4 = vector.load %arg5[%swap3A] : memref<2048xf32, #tpu.memory_space<vmem>>, vector<512xf32>
    tpu.vector_store %arg5[%swap3A], %reshape3A {strides = array<i32>} : memref<2048xf32, #tpu.memory_space<vmem>>, vector<512xf32>,
    %get3A_5 = arith.constant 0 : index
    %get3A_6 = arith.constant 0 : index
    %get3A_7 = vector.load %arg2[%get3A_5, %get3A_6] : memref<100x512xf32, #tpu.memory_space<vmem>>, vector<100x512xf32>
    %dot_general3A_8 = arith.constant dense<0.000000e+00> : vector<1x512xf32>
    %dot_general3A_9 = tpu.matmul %broadcast_in_dim3A_0, %get3A_7, %dot_general3A_8 {dimension_numbers = #tpu.dot_dimension_numbers<[1], [0], [0], [1], [0, 0, 1, 1], [], []>, transpose_lhs_hint = false} : vector<1x100xf32>, vector<100x512xf32>, vector<1x512xf32> -> vector<1x512xf32>
    %reshape3A_10 = vector.shape_cast %dot_general3A_9 : vector<1x512xf32> to vector<512xf32>
    %swap3A_11 = arith.constant 512 : index
    %swap3A_12 = vector.load %arg5[%swap3A_11] : memref<2048xf32, #tpu.memory_space<vmem>>, vector<512xf32>
    tpu.vector_store %arg5[%swap3A_11], %reshape3A_10 {strides = array<i32>} : memref<2048xf32, #tpu.memory_space<vmem>>, vector<512xf32>,
    %get3A_13 = arith.constant 0 : index
    %get3A_14 = arith.constant 0 : index
    %get3A_15 = vector.load %arg3[%get3A_13, %get3A_14] : memref<100x512xf32, #tpu.memory_space<vmem>>, vector<100x512xf32>
    %dot_general3A_16 = arith.constant dense<0.000000e+00> : vector<1x512xf32>
    %dot_general3A_17 = tpu.matmul %broadcast_in_dim3A_0, %get3A_15, %dot_general3A_16 {dimension_numbers = #tpu.dot_dimension_numbers<[1], [0], [0], [1], [0, 0, 1, 1], [], []>, transpose_lhs_hint = false} : vector<1x100xf32>, vector<100x512xf32>, vector<1x512xf32> -> vector<1x512xf32>
    %reshape3A_18 = vector.shape_cast %dot_general3A_17 : vector<1x512xf32> to vector<512xf32>
    %swap3A_19 = arith.constant 1024 : index
    %swap3A_20 = vector.load %arg5[%swap3A_19] : memref<2048xf32, #tpu.memory_space<vmem>>, vector<512xf32>
    tpu.vector_store %arg5[%swap3A_19], %reshape3A_18 {strides = array<i32>} : memref<2048xf32, #tpu.memory_space<vmem>>, vector<512xf32>,
    %get3A_21 = arith.constant 0 : index
    %get3A_22 = arith.constant 0 : index
    %get3A_23 = vector.load %arg4[%get3A_21, %get3A_22] : memref<100x512xf32, #tpu.memory_space<vmem>>, vector<100x512xf32>
    %dot_general3A_24 = arith.constant dense<0.000000e+00> : vector<1x512xf32>
    %dot_general3A_25 = tpu.matmul %broadcast_in_dim3A_0, %get3A_23, %dot_general3A_24 {dimension_numbers = #tpu.dot_dimension_numbers<[1], [0], [0], [1], [0, 0, 1, 1], [], []>, transpose_lhs_hint = false} : vector<1x100xf32>, vector<100x512xf32>, vector<1x512xf32> -> vector<1x512xf32>
    %reshape3A_26 = vector.shape_cast %dot_general3A_25 : vector<1x512xf32> to vector<512xf32>
    %swap3A_27 = arith.constant 1536 : index
    %swap3A_28 = vector.load %arg5[%swap3A_27] : memref<2048xf32, #tpu.memory_space<vmem>>, vector<512xf32>
    tpu.vector_store %arg5[%swap3A_27], %reshape3A_26 {strides = array<i32>} : memref<2048xf32, #tpu.memory_space<vmem>>, vector<512xf32>,
    return
  }
  func.func @transform_0(%arg0: i32) -> (i32, i32) {
    %mul3A = arith.constant 4 : i32
    %mul3A_0 = arith.muli %arg0, %mul3A : i32
    %add3A = arith.constant 0 : i32
    %add3A_1 = arith.addi %mul3A_0, %add3A : i32
    %c0_i32 = arith.constant 0 : i32
    %c0_i32_2 = arith.constant 0 : i32
    return %c0_i32, %add3A_1 : i32, i32
  }
  func.func @transform_1(%arg0: i32) -> (i32, i32) {
    %mul3A = arith.constant 4 : i32
    %mul3A_0 = arith.muli %arg0, %mul3A : i32
    %add3A = arith.constant 1 : i32
    %add3A_1 = arith.addi %mul3A_0, %add3A : i32
    %c0_i32 = arith.constant 0 : i32
    %c0_i32_2 = arith.constant 0 : i32
    return %c0_i32, %add3A_1 : i32, i32
  }
  func.func @transform_2(%arg0: i32) -> (i32, i32) {
    %mul3A = arith.constant 4 : i32
    %mul3A_0 = arith.muli %arg0, %mul3A : i32
    %add3A = arith.constant 2 : i32
    %add3A_1 = arith.addi %mul3A_0, %add3A : i32
    %c0_i32 = arith.constant 0 : i32
    %c0_i32_2 = arith.constant 0 : i32
    return %c0_i32, %add3A_1 : i32, i32
  }
  func.func @transform_3(%arg0: i32) -> (i32, i32) {
    %mul3A = arith.constant 4 : i32
    %mul3A_0 = arith.muli %arg0, %mul3A : i32
    %add3A = arith.constant 3 : i32
    %add3A_1 = arith.addi %mul3A_0, %add3A : i32
    %c0_i32 = arith.constant 0 : i32
    %c0_i32_2 = arith.constant 0 : i32
    return %c0_i32, %add3A_1 : i32, i32
  }
  func.func @transform_4(%arg0: i32) -> i32 {
    %c0_i32 = arith.constant 0 : i32
    return %arg0 : i32
  }
}

</mosaic_0001>

<sc_bundles>
// kernel: kernel.5.cloned.1.call-start
scs
__scs_entry_jumppad:
0x0: {  	(pc) =	sbr.rel $0x88, $3  }
0x1: {  	(tag) =	ssettag $0x0;
	lr =	simm.s32 $0x1  }
0x2: {  	[smem:$0x3F9E] =	sst lr;
	_ =	strace $0xD0000000  }
0x3: {  	_ = 	snop  }
0x4: {  	_ = 	snop  }
0x5: {  	_ = 	snop  }
0x6: {  	_ = 	snop  }
0x7: {  	_ = 	snop  }
__scs_overlays_trampoline_lowered:
0x8: {  	[smem:$0x3FAD] =	sst s0  }
0x9: {  	[smem:$0x3FAE] =	sst s1  }
0xa: {  	[smem:$0x3FAF] =	sst s2  }
0xb: {  	[smem:$0x3FB0] =	sst s3  }
0xc: {  	[smem:$0x3FB1] =	sst s4  }
0xd: {  	[smem:$0x3FB2] =	sst s5  }
0xe: {  	[smem:$0x3FB3] =	sst s6  }
0xf: {  	[smem:$0x3FB4] =	sst s7  }
0x10: {  	[smem:$0x3FB5] =	sst s8  }
0x11: {  	[smem:$0x3FB6] =	sst s9;
	s0 =	simm.s32 @!p0 $0x0  }
0x12: {  	s1 =	sld [smem:$0x3F9C];
	s0 =	simm.s32 @p0 $0x1  }
0x13: {  	[smem:$0x3FB7] =	sst s0;
	s0 =	simm.s32 @!p1 $0x0  }
0x14: {  	s2 =	sld [smem:$0x3F9B];
	s0 =	simm.s32 @p1 $0x1  }
0x15: {  	[smem:$0x3FB8] =	sst s0;
	s0 =	simm.s32 @!p2 $0x0  }
0x16: {  	s3 =	sld [smem:$0x3FDB];
	s0 =	simm.s32 @p2 $0x1  }
0x17: {  	s4 =	simm.s32 $0x1BF5;
	[smem:$0x3FBA] =	sst s0  }
0x18: {  	s0 =	sld [smem:$0x3F9D];
	_ =	swait.ge [sflag:s4], $0x0  }
0x19: {  	s7 =	sld [smem:$0x3F9E]  }
0x1a: {  	s8 =	sadd.s32 $0xFFFFE003, lr  }
0x1b: {  	s9 =	sadd.s32 $0xFFFFFEF7, lr;
	s5 =	simm.s32 $0xFFFFFFFF;
	p2 =	slt.u32 s8, $0xFFFFF086  }
0x1c: {  	p1 =	slt.u32 s9, $0xF7A;
	s5 =	simm.s32 @!p2 $0x0  }
0x1d: {  	s5 =	simm.s32 @p1 $0x1;
	p0 =	seq.s32 s7, s2  }
0x1e: {  	s7 =	smul.u32 @!p0 $0xF7A, s2;
	p2 =	seq.s32 @!p0 s5, $0x0  }
0x1f: {  	s9 =	smul.u32 $0xF7A, s1;
	s8 =	simm.s32 @!p0 $0x1BF5;
	p2 =	por !p2, p0  }
0x20: {  	[sflag:s8] =	ssyncset.s32 @!p0 $0xFFFFF086;
	s6 =	sadd.s32 @!p0 s3, s7;
	s7 =	simm.s32 @!p0 $0x108  }
0x21: {  	s3 =	sadd.s32 s3, s9;
	s6 =	sadd.s32 @!p0 $0x88, s6;
	s7 =	simm.s32 @p2 $0x1082  }
0x22: {  	[simem:s7], [sflag:s8] =	dma.local @!p0 [hbm:s6], $0xF7A  }
0x23: {  	s9 =	sor.u32 $0xD0000000, s2;
	s6 =	simm.s32 $0x108;
	_ =	swait.ge @!p0 [sflag:s8], $0x0  }
0x24: {  	s3 =	sadd.s32 $0x88, s3;
	s6 =	simm.s32 @!p1 $0x1082;
	[sflag:s4] =	ssyncset.s32 $0xFFFFF086  }
0x25: {  	[simem:s6], [sflag:s4] =	dma.local [hbm:s3], $0xF7A  }
0x26: {  	[smem:$0x3F9E] =	sst s1;
	(tag) =	ssettag s2;
	_ =	strace s9  }
0x27: {  	s1 =	sld [smem:$0x3FAE]  }
0x28: {  	s2 =	sld [smem:$0x3FAF]  }
0x29: {  	s4 =	sld [smem:$0x3FB1]  }
0x2a: {  	p0 =	seq.s32 s5, $0x0;
	s5 =	sld [smem:$0x3FB2]  }
0x2b: {  	s6 =	sld [smem:$0x3FB3]  }
0x2c: {  	s7 =	sld [smem:$0x3FB4]  }
0x2d: {  	s3 =	simm.s32 $0x108;
	s8 =	sld [smem:$0x3FB5]  }
0x2e: {  	s3 =	simm.s32 @!p0 $0x1082;
	s9 =	sld [smem:$0x3FB6]  }
0x2f: {  	lr =	sadd.s32 s0, s3;
	s0 =	sld [smem:$0x3FAD]  }
0x30: {  	s3 =	sld [smem:$0x3FB0]  }
0x31: {  	[smem:$0x3FB9] =	sst s10  }
0x32: {  	s10 =	sld [smem:$0x3FB7];
	_ =	sdelay $0x3  }
0x33: {  	p0 =	seq.s32 s10, $0x1;
	s10 =	sld [smem:$0x3FB9];
	_ =	sdelay $0x3  }
0x34: {  	[smem:$0x3FB9] =	sst s10  }
0x35: {  	s10 =	sld [smem:$0x3FB8];
	_ =	sdelay $0x3  }
0x36: {  	p1 =	seq.s32 s10, $0x1;
	s10 =	sld [smem:$0x3FB9];
	_ =	sdelay $0x3  }
0x37: {  	[smem:$0x3FB9] =	sst s10  }
0x38: {  	s10 =	sld [smem:$0x3FBA]  }
0x39: {  	_ = 	snop;
	(pc) =	sbr.ind lr, $3  }
0x3a: {  	_ = 	snop  }
0x3b: {  	_ = 	snop  }
0x3c: {  	p2 =	seq.s32 s10, $0x1;
	s10 =	sld [smem:$0x3FB9]  }
0x3d: {  	_ =	shalt  }
0x3e: {  	_ =	shalt  }
0x3f: {  	_ =	shalt  }
0x40: {  	_ =	shalt  }
0x41: {  	_ =	shalt  }
0x42: {  	_ =	shalt  }
0x43: {  	_ =	shalt  }
0x44: {  	_ =	shalt  }
0x45: {  	_ =	shalt  }
0x46: {  	_ =	shalt  }
0x47: {  	_ =	shalt  }
0x48: {  	_ =	shalt  }
0x49: {  	_ =	shalt  }
0x4a: {  	_ =	shalt  }
0x4b: {  	_ =	shalt  }
0x4c: {  	_ =	shalt  }
0x4d: {  	_ =	shalt  }
0x4e: {  	_ =	shalt  }
0x4f: {  	_ =	shalt  }
0x50: {  	_ =	shalt  }
0x51: {  	_ =	shalt  }
0x52: {  	_ =	shalt  }
0x53: {  	_ =	shalt  }
0x54: {  	_ =	shalt  }
0x55: {  	_ =	shalt  }
0x56: {  	_ =	shalt  }
0x57: {  	_ =	shalt  }
0x58: {  	_ =	shalt  }
0x59: {  	_ =	shalt  }
0x5a: {  	_ =	shalt  }
0x5b: {  	_ =	shalt  }
0x5c: {  	_ =	shalt  }
0x5d: {  	_ =	shalt  }
0x5e: {  	_ =	shalt  }
0x5f: {  	_ =	shalt  }
0x60: {  	_ =	shalt  }
0x61: {  	_ =	shalt  }
0x62: {  	_ =	shalt  }
0x63: {  	_ =	shalt  }
0x64: {  	_ =	shalt  }
0x65: {  	_ =	shalt  }
0x66: {  	_ =	shalt  }
0x67: {  	_ =	shalt  }
0x68: {  	_ =	shalt  }
0x69: {  	_ =	shalt  }
0x6a: {  	_ =	shalt  }
0x6b: {  	_ =	shalt  }
0x6c: {  	_ =	shalt  }
0x6d: {  	_ =	shalt  }
0x6e: {  	_ =	shalt  }
0x6f: {  	_ =	shalt  }
0x70: {  	_ =	shalt  }
0x71: {  	_ =	shalt  }
0x72: {  	_ =	shalt  }
0x73: {  	_ =	shalt  }
0x74: {  	_ =	shalt  }
0x75: {  	_ =	shalt  }
0x76: {  	_ =	shalt  }
0x77: {  	_ =	shalt  }
0x78: {  	_ =	shalt  }
0x79: {  	_ =	shalt  }
0x7a: {  	_ =	shalt  }
0x7b: {  	_ =	shalt  }
0x7c: {  	_ =	shalt  }
0x7d: {  	_ =	shalt  }
0x7e: {  	_ =	shalt  }
0x7f: {  	_ =	shalt  }
0x80: {  	_ =	shalt  }
0x81: {  	_ =	shalt  }
0x82: {  	_ =	shalt  }
0x83: {  	_ =	shalt  }
0x84: {  	_ =	shalt  }
0x85: {  	_ =	shalt  }
0x86: {  	_ =	shalt  }
0x87: {  	_ =	shalt  }
.Lfunc_end0:
.L_simem_size_0:
called_computation_lowered:
.L_overlay_start_0:
0x88: {  	s2 =	sld [smem:$0x3FD9]  }
0x89: {  	s3 =	sld [smem:$0x3FFE];
	_ =	sdelay $0x1  }
0x8a: {  	s1 =	srdreg.scid  }
0x8b: {  	s0 =	sand.u32 $0x1, s1  }
0x8c: {  	s17 =	sshll.u32 s0, $0xA;
	s2 =	sadd.s32 s3, s2  }
0x8d: {  	s2 =	sadd.s32 s2, s17  }
0x8e: {  	[smem:$0x3FC5] =	sst s2  }
0x8f: {  	_ = 	snop  }
0x90: {  	s2 =	sld [smem:$0x3FD0];
	(tm) =	ssettm $0x1  }
0x91: {  	s18 =	sld [smem:$0x3FFB];
	_ =	sdelay $0x3  }
0x92: {  	_ =	strace s18  }
0x93: {  	s3 =	sld [smem:$0x3FFC];
	_ =	sdelay $0x3  }
0x94: {  	_ =	strace s3  }
0x95: {  	s3 =	sld [smem:$0x3FFD];
	_ =	sdelay $0x3  }
0x96: {  	_ =	strace s3  }
0x97: {  	_ =	strace $0x8FFFFFFF  }
0x98: {  	s19 =	sld [smem:$0x3FDB];
	_ =	sdelay $0x1  }
0x99: {  	s4 =	simm.s32 $_scs_section_size  }
0x9a: {  	s5 =	simm.s32 $_size__tile_overlayer_lowered;
	s6 =	simm.s32 $_tile_overlayer_lowered  }
0x9b: {  	s22 =	simm.s32 $0x1BFF;
	s21 =	sshll.u32 s6, $0x1;
	s3 =	sadd.s32 s4, s19  }
0x9c: {  	s7 =	simm.s32 $0x0;
	s20 =	sshll.u32 s5, $0x1;
	s5 =	sadd.s32 s21, s3  }
0x9d: {  	[timem:s7], [sflag:s22] =	dma.local [hbm:s5], s20  }
0x9e: {  	_ =	swait.ge [sflag:s22], s20  }
0x9f: {  	s4 =	ssub.s32 $0x0, s20;
	[sflag:s22] =	ssyncset.done $0x0  }
0xa0: {  	[sflag:s22] =	ssyncadd.s32 s4;
	_ =	sdelay $0x1  }
0xa1: {  	s23 =	simm.s32 $0x1B8B  }
0xa2: {  	_ =	swait.ge [sflag:s23], $0x1  }
0xa3: {  	[sflag:s23] =	ssyncset.done $0x0  }
0xa4: {  	s25 =	simm.s32 $0x1B8E;
	s24 =	sld [smem:$0x3FFE];
	[sflag:s23] =	ssyncadd.s32 $0xFFFFFFFF  }
0xa5: {  	s26 =	simm.s32 $execute0_lowered;
	[smem:$0x3FD2] =	sst s25  }
0xa6: {  	s5 =	sshll.u32 s26, $0x1;
	_ =	strace $0x80000046;
	[dreg:$0x1] =	wrdreg $0xFFFFFFFF  }
0xa7: {  	s28 =	simm.s32 $_size_execute0_lowered;
	s3 =	sadd.s32 s3, s5;
	[dreg:$0x0] =	wrdreg $0x0  }
0xa8: {  	s5 =	sshll.u32 s28, $0x1;
	[dreg:$0x2] =	wrdreg s3  }
0xa9: {  	[dreg:$0x3] =	wrdreg s5  }
0xaa: {  	[dreg:$0x4] =	wrdreg $0xC0  }
0xab: {  	_ =	task [dreg:s7], $0x5FFFF  }
0xac: {  	[dreg:$0x1] =	wrdreg $0xFFFFFFFF  }
0xad: {  	[dreg:$0x0] =	wrdreg $0x60  }
0xae: {  	[dreg:$0x2] =	wrdreg s2  }
0xaf: {  	[dreg:$0x3] =	wrdreg s24  }
0xb0: {  	[dreg:$0x4] =	wrdreg $0x9  }
0xb1: {  	_ =	task.clear_ibuf [dreg:s7], $0x5FFFF;
	_ =	strace $0x90000046  }
0xb2: {  	s29 =	simm.s32 $0x9;
	_ =	strace $0x80000048  }
0xb3: {  	_ =	swait.ge [sflag:s29], $0x1  }
0xb4: {  	[sflag:s29] =	ssyncadd.s32 $0xFFFFFFFF  }
0xb5: {  	_ =	strace $0x90000048  }
0xb6: {  	_ =	sfence  }
0xb7: {  	s30 =	sld [smem:$0x0];
	_ =	sdelay $0x2  }
0xb8: {  	s31 =	sshll.u32 s1, $0xD;
	s1 =	sshrl.u32 s1, $0x2  }
0xb9: {  	s3 =	sand.u32 $0x4000, s31;
	s1 =	sadd.s32 s1, s30  }
0xba: {  	s0 =	sor.u32 s3, s0;
	s1 =	sshll.u32 s1, $0x11  }
0xbb: {  	s0 =	sor.u32 s1, s0  }
0xbc: {  	s0 =	sadd.s32 $0x8F2B, s0  }
0xbd: {  	[sflag:s0] =	ssyncadd.remote.s32 $0x1  }
0xbe: {  	_ =	sfence.sel $0xFFFF  }
0xbf: {  	[dreg:$0x0] =	wrdreg $0xFFFFFFFF;
	(pc) =	sbr.abs _section_cstart, $3  }
0xc0: {  	[dreg:$0x1] =	wrdreg $0xFFFFFFFF  }
0xc1: {  	_ =	task.clear_ibuf [dreg:s7], $0x2FFFF;
	_ =	strace $0x9FFFFFFF  }
0xc2: {  	(tm) =	ssettm $0x7FFFFFFF  }
0xc3: {  	_ =	shalt  }
tec
execute0_lowered:
.L_overlay_start_1:
0x0: {  	(tag) =	ssettag $0x1  }
0x1: {  	s0 =	rddreg [dreg:$0x1];
	s2 =	srdreg.scid  }
0x2: {  	s1 =	simm.s32 $0x0;
	s4 =	stileid.u32;
	s2 =	sand.u32 $0x1, s2  }
0x3: {  	[smem:$0x7FF] =	sst s1;
	s4 =	sshll.u32 s4, $0xE;
	s5 =	sshll.u32 s2, $0xD  }
0x4: {  	s3 =	sadd.s32 $0xC00, s0;
	s12 =	ssub.s32 $0x2, s2;
	s2 =	sor.u32 s5, s4  }
0x5: {  	s6 =	sadd.s32 $0x40C00, s0;
	s13 =	sshrl.u32 s12, $0x1;
	s5 =	sor.u32 $0x200, s2  }
0x6: {  	s7 =	sor.u32 $0x400, s2;
	s4 =	ssub.s32 s12, s13;
	s17 =	sor.u32 $0x600, s2  }
0x7: {  	s18 =	sor.u32 $0x800, s2;
	s20 =	sor.u32 $0xA00, s2;
	s14 =	sadd.s32 s3, s5  }
0x8: {  	s21 =	sor.u32 $0xC00, s2;
	s15 =	sadd.s32 s3, s7;
	[dreg:$0x3] =	wrdreg s14  }
0x9: {  	s24 =	sor.u32 $0xE00, s2;
	s16 =	sadd.s32 s6, s5;
	[dreg:$0x4] =	wrdreg s15  }
0xa: {  	s25 =	sor.u32 $0x1000, s2;
	s8 =	sadd.s32 s3, s17;
	[dreg:$0x5] =	wrdreg s16  }
0xb: {  	s10 =	sor.u32 $0x1200, s2;
	s7 =	sadd.s32 s6, s7;
	[dreg:$0x6] =	wrdreg s8  }
0xc: {  	s11 =	sor.u32 $0x1400, s2;
	s19 =	sadd.s32 s3, s18;
	[dreg:$0x7] =	wrdreg s7  }
0xd: {  	s13 =	sor.u32 $0x1600, s2;
	s0 =	sadd.s32 s6, s17;
	[dreg:$0x8] =	wrdreg s19  }
0xe: {  	s29 =	sadd.s32 s3, s2;
	s22 =	sadd.s32 s3, s20;
	[dreg:$0x9] =	wrdreg s0  }
0xf: {  	s30 =	sadd.s32 s6, s2;
	s5 =	sadd.s32 s6, s18;
	[dreg:$0xa] =	wrdreg s22  }
0x10: {  	s23 =	sadd.s32 s3, s21;
	s26 =	sadd.s32 s3, s24;
	[dreg:$0xb] =	wrdreg s5  }
0x11: {  	s9 =	sadd.s32 s3, s25;
	s12 =	sadd.s32 s3, s10;
	[dreg:$0xc] =	wrdreg s23  }
0x12: {  	s18 =	sadd.s32 s6, s25;
	s17 =	sor.u32 $0x1E00, s2;
	[dreg:$0xe] =	wrdreg s26  }
0x13: {  	s4 =	smax.u32 s4, $0x1;
	s0 =	sadd.s32 s6, s20;
	[dreg:$0x10] =	wrdreg s9  }
0x14: {  	s7 =	sadd.s32 s6, s21;
	[dreg:$0x12] =	wrdreg s12;
	s19 =	sadd.s32 s3, s11  }
0x15: {  	s20 =	sadd.s32 s6, s10;
	s21 =	sadd.s32 s6, s11;
	s22 =	sadd.s32 s3, s13  }
0x16: {  	s23 =	sadd.s32 s6, s13;
	s14 =	sor.u32 $0x1800, s2;
	s15 =	sor.u32 $0x1A00, s2  }
0x17: {  	s16 =	sor.u32 $0x1C00, s2;
	s5 =	simm.s32 $0x18800;
	s8 =	simm.s32 $0x2  }
0x18: {  	s9 =	simm.s32 $0x1A800;
	s10 =	simm.s32 $0x3;
	s11 =	simm.s32 $0x1B800  }
0x19: {  	s12 =	simm.s32 $0x4;
	s13 =	simm.s32 $0x5;
	[dreg:$0xd] =	wrdreg s0  }
0x1a: {  	[dreg:$0xf] =	wrdreg s7;
	s0 =	sadd.s32 s6, s24;
	s24 =	sadd.s32 s3, s14  }
0x1b: {  	s25 =	sadd.s32 s6, s14;
	s26 =	sadd.s32 s3, s15;
	s28 =	sadd.s32 s6, s15  }
0x1c: {  	s31 =	sadd.s32 s3, s16;
	s2 =	sadd.s32 s6, s16;
	s7 =	simm.s32 $0x1  }
0x1d: {  	s14 =	simm.s32 $0x0;
	[dreg:$0x11] =	wrdreg s0;
	s0 =	sadd.s32 s3, s17  }
0x1e: {  	v0 =	vlaneseq.u32;
	s3 =	sadd.s32 s6, s17;
	s6 =	simm.s32 $0x19800;
	_ =	strace $0x80000047  }
.LBB2_1:
0x1f: {  	s15 =	rddreg [dreg:$0x0]  }
0x20: {  	[tilespmem:s1], [sflag:$0x1] =	stream.linear.gather [hbm4b:s15+s1], $0x18800, $0x38;
	[tilespmem:$0x1C800] =	vst v63  }
0x21: {  	_ = 	snop  }
0x22: {  	[tilespmem:s5], [sflag:$0x2] =	stream.linear.gather [hbm4b:s29+s1], $0x1000, $0x38;
	[tilespmem:$0x1C800] =	vst v63  }
0x23: {  	s17 =	rddreg [dreg:$0x3]  }
0x24: {  	[tilespmem:s6], [sflag:$0x3] =	stream.linear.gather [hbm4b:s17+s1], $0x1000, $0x38;
	[tilespmem:$0x1C800] =	vst v63  }
0x25: {  	_ =	swait.ge [sflag:s7], $0x18800  }
0x26: {  	[sflag:s7] =	ssyncset.done $0x0  }
0x27: {  	[sflag:s7] =	ssyncadd.s32 $0xFFFE7800  }
0x28: {  	v1 =	vld [tilespmem:$0x0];
	_ =	sdelay $0x3  }
0x29: {  	vm0 =	veq.s32 v0, $0x1  }
0x2a: {  	v1 =	vsel vm0, $0x0, v1  }
0x2b: {  	[tilespmem:$0x0] =	vst v1  }
0x2c: {  	_ =	swait.ge [sflag:s8], $0x1000  }
0x2d: {  	[sflag:s8] =	ssyncset.done $0x0  }
0x2e: {  	s15 =	simm.s32 $0x0;
	[sflag:s8] =	ssyncadd.s32 $0xFFFFF000  }
0x2f: {  	v1 =	vld [tilespmem:s15+$0x18800];
	_ =	sdelay $0x6  }
0x30: {  	v2 =	vld [tilespmem:s15+$0x18810]  }
0x31: {  	v1 =	vld.idx.msk [tilespmem:v1+s1+$0x0], $0xffff;
	_ =	sdelay $0x4  }
0x32: {  	[tilespmem:s15+$0x1A800] =	vst v1;
	v1 =	vld [tilespmem:s15+$0x18820];
	_ =	sdelay $0x1  }
0x33: {  	v2 =	vld.idx.msk [tilespmem:v2+s1+$0x0], $0xffff;
	_ =	sdelay $0x4  }
0x34: {  	[tilespmem:s15+$0x1A810] =	vst v2;
	v2 =	vld [tilespmem:s15+$0x18830]  }
0x35: {  	v1 =	vld.idx.msk [tilespmem:v1+s1+$0x0], $0xffff;
	_ =	sdelay $0x4  }
0x36: {  	[tilespmem:s15+$0x1A820] =	vst v1;
	v1 =	vld [tilespmem:s15+$0x18840];
	_ =	sdelay $0x1  }
0x37: {  	v2 =	vld.idx.msk [tilespmem:v2+s1+$0x0], $0xffff;
	_ =	sdelay $0x4  }
0x38: {  	[tilespmem:s15+$0x1A830] =	vst v2;
	v2 =	vld [tilespmem:s15+$0x18850]  }
0x39: {  	v1 =	vld.idx.msk [tilespmem:v1+s1+$0x0], $0xffff;
	_ =	sdelay $0x4  }
0x3a: {  	[tilespmem:s15+$0x1A840] =	vst v1;
	v1 =	vld [tilespmem:s15+$0x18854];
	_ =	sdelay $0x1  }
0x3b: {  	v2 =	vld.idx.msk [tilespmem:v2+s1+$0x0], $0xffff;
	_ =	sdelay $0x3  }
0x3c: {  	s16 =	simm.s32 $0x400;
	s17 =	simm.s32 $0x80  }
.LBB2_2:
0x3d: {  	p0 =	sne.s32 s16, $0x3E00;
	v3 =	vld [tilespmem:s17+$0x18800];
	[tilespmem:s15+$0x1A850] =	vst v2  }
0x3e: {  	v1 =	vld.idx.msk [tilespmem:v1+s1+$0x0], $0xffff;
	_ =	sdelay $0x5  }
0x3f: {  	v2 =	vld [tilespmem:s17+$0x18810];
	[tilespmem:s15+$0x1A854] =	vst v1;
	s15 =	smov.u32 s17  }
0x40: {  	v1 =	vld.idx.msk [tilespmem:v3+s1+$0x0], $0xffff;
	_ =	sdelay $0x5  }
0x41: {  	[tilespmem:s15+$0x1A800] =	vst v1;
	v1 =	vld [tilespmem:s15+$0x18820]  }
0x42: {  	v2 =	vld.idx.msk [tilespmem:v2+s1+$0x0], $0xffff;
	_ =	sdelay $0x5  }
0x43: {  	[tilespmem:s15+$0x1A810] =	vst v2;
	v2 =	vld [tilespmem:s15+$0x18830]  }
0x44: {  	v1 =	vld.idx.msk [tilespmem:v1+s1+$0x0], $0xffff;
	_ =	sdelay $0x5  }
0x45: {  	[tilespmem:s15+$0x1A820] =	vst v1;
	v1 =	vld [tilespmem:s15+$0x18840]  }
0x46: {  	v2 =	vld.idx.msk [tilespmem:v2+s1+$0x0], $0xffff;
	_ =	sdelay $0x5  }
0x47: {  	[tilespmem:s15+$0x1A830] =	vst v2;
	v2 =	vld [tilespmem:s15+$0x18850]  }
0x48: {  	v1 =	vld.idx.msk [tilespmem:v1+s1+$0x0], $0xffff;
	_ =	sdelay $0x5  }
0x49: {  	[tilespmem:s15+$0x1A840] =	vst v1;
	v1 =	vld [tilespmem:s15+$0x18854]  }
0x4a: {  	v2 =	vld.idx.msk [tilespmem:v2+s1+$0x0], $0xffff  }
.Ltmp0:
0x4b: {  	(pc) =	sbr.rel @p0 .LBB2_2-.Ltmp0, $2  }
0x4c: {  	_ =	sdelay $0x2  }
0x4d: {  	s17 =	sshra.s32 s16, $0x2;
	s16 =	sadd.s32 $0x200, s16  }
0x4e: {  	_ =	sdelay $0x1  }
0x4f: {  	v3 =	vld [tilespmem:s17+$0x18800]  }
0x50: {  	[tilespmem:s15+$0x1A850] =	vst v2  }
0x51: {  	v1 =	vld.idx.msk [tilespmem:v1+s1+$0x0], $0xffff;
	_ =	sdelay $0x4  }
0x52: {  	v2 =	vld [tilespmem:s17+$0x18810];
	[tilespmem:s15+$0x1A854] =	vst v1  }
0x53: {  	v1 =	vld.idx.msk [tilespmem:v3+s1+$0x0], $0xffff;
	_ =	sdelay $0x4  }
0x54: {  	[tilespmem:s17+$0x1A800] =	vst v1;
	v1 =	vld [tilespmem:s17+$0x18820];
	_ =	sdelay $0x1  }
0x55: {  	v2 =	vld.idx.msk [tilespmem:v2+s1+$0x0], $0xffff;
	_ =	sdelay $0x4  }
0x56: {  	[tilespmem:s17+$0x1A810] =	vst v2;
	v2 =	vld [tilespmem:s17+$0x18830]  }
0x57: {  	v1 =	vld.idx.msk [tilespmem:v1+s1+$0x0], $0xffff;
	_ =	sdelay $0x4  }
0x58: {  	[tilespmem:s17+$0x1A820] =	vst v1;
	v1 =	vld [tilespmem:s17+$0x18840];
	_ =	sdelay $0x1  }
0x59: {  	v2 =	vld.idx.msk [tilespmem:v2+s1+$0x0], $0xffff;
	_ =	sdelay $0x4  }
0x5a: {  	[tilespmem:s17+$0x1A830] =	vst v2;
	v2 =	vld [tilespmem:s17+$0x18850]  }
0x5b: {  	v1 =	vld.idx.msk [tilespmem:v1+s1+$0x0], $0xffff;
	_ =	sdelay $0x4  }
0x5c: {  	[tilespmem:s17+$0x1A840] =	vst v1;
	v1 =	vld [tilespmem:s17+$0x18854];
	_ =	sdelay $0x1  }
0x5d: {  	v2 =	vld.idx.msk [tilespmem:v2+s1+$0x0], $0xffff;
	_ =	sdelay $0x4  }
0x5e: {  	[tilespmem:s17+$0x1A850] =	vst v2  }
0x5f: {  	v1 =	vld.idx.msk [tilespmem:v1+s1+$0x0], $0xffff;
	_ =	sdelay $0x4  }
0x60: {  	[tilespmem:s17+$0x1A854] =	vst v1;
	s17 =	simm.s32 $0x0  }
0x61: {  	[hbm4b:s30+s17] =	stream.linear.scatter [tilespmem:s9], [sflag:$0x4], $0x1000, $0x38;
	[tilespmem:$0x1C800] =	vst v63  }
0x62: {  	s16 =	rddreg [dreg:$0x4]  }
0x63: {  	[tilespmem:s5], [sflag:$0x2] =	stream.linear.gather [hbm4b:s16+s17], $0x1000, $0x38;
	[tilespmem:$0x1C800] =	vst v63  }
0x64: {  	_ =	swait.ge [sflag:s10], $0x1000  }
0x65: {  	[sflag:s10] =	ssyncset.done $0x0  }
0x66: {  	s15 =	simm.s32 $0x0;
	[sflag:s10] =	ssyncadd.s32 $0xFFFFF000  }
0x67: {  	v1 =	vld [tilespmem:s15+$0x19800];
	_ =	sdelay $0x6  }
0x68: {  	v2 =	vld [tilespmem:s15+$0x19810]  }
0x69: {  	v1 =	vld.idx.msk [tilespmem:v1+s1+$0x0], $0xffff;
	_ =	sdelay $0x4  }
0x6a: {  	[tilespmem:s15+$0x1B800] =	vst v1;
	v1 =	vld [tilespmem:s15+$0x19820];
	_ =	sdelay $0x1  }
0x6b: {  	v2 =	vld.idx.msk [tilespmem:v2+s1+$0x0], $0xffff;
	_ =	sdelay $0x4  }
0x6c: {  	[tilespmem:s15+$0x1B810] =	vst v2;
	v2 =	vld [tilespmem:s15+$0x19830]  }
0x6d: {  	v1 =	vld.idx.msk [tilespmem:v1+s1+$0x0], $0xffff;
	_ =	sdelay $0x4  }
0x6e: {  	[tilespmem:s15+$0x1B820] =	vst v1;
	v1 =	vld [tilespmem:s15+$0x19840];
	_ =	sdelay $0x1  }
0x6f: {  	v2 =	vld.idx.msk [tilespmem:v2+s1+$0x0], $0xffff;
	_ =	sdelay $0x4  }
0x70: {  	[tilespmem:s15+$0x1B830] =	vst v2;
	v2 =	vld [tilespmem:s15+$0x19850]  }
0x71: {  	v1 =	vld.idx.msk [tilespmem:v1+s1+$0x0], $0xffff;
	_ =	sdelay $0x4  }
0x72: {  	[tilespmem:s15+$0x1B840] =	vst v1;
	v1 =	vld [tilespmem:s15+$0x19854];
	_ =	sdelay $0x1  }
0x73: {  	v2 =	vld.idx.msk [tilespmem:v2+s1+$0x0], $0xffff;
	_ =	sdelay $0x3  }
0x74: {  	s17 =	simm.s32 $0x80;
	s16 =	simm.s32 $0x400  }
.LBB2_4:
0x75: {  	p0 =	sne.s32 s16, $0x3E00;
	v3 =	vld [tilespmem:s17+$0x19800];
	[tilespmem:s15+$0x1B850] =	vst v2  }
0x76: {  	v1 =	vld.idx.msk [tilespmem:v1+s1+$0x0], $0xffff;
	_ =	sdelay $0x5  }
0x77: {  	v2 =	vld [tilespmem:s17+$0x19810];
	[tilespmem:s15+$0x1B854] =	vst v1;
	s15 =	smov.u32 s17  }
0x78: {  	v1 =	vld.idx.msk [tilespmem:v3+s1+$0x0], $0xffff;
	_ =	sdelay $0x5  }
0x79: {  	[tilespmem:s15+$0x1B800] =	vst v1;
	v1 =	vld [tilespmem:s15+$0x19820]  }
0x7a: {  	v2 =	vld.idx.msk [tilespmem:v2+s1+$0x0], $0xffff;
	_ =	sdelay $0x5  }
0x7b: {  	[tilespmem:s15+$0x1B810] =	vst v2;
	v2 =	vld [tilespmem:s15+$0x19830]  }
0x7c: {  	v1 =	vld.idx.msk [tilespmem:v1+s1+$0x0], $0xffff;
	_ =	sdelay $0x5  }
0x7d: {  	[tilespmem:s15+$0x1B820] =	vst v1;
	v1 =	vld [tilespmem:s15+$0x19840]  }
0x7e: {  	v2 =	vld.idx.msk [tilespmem:v2+s1+$0x0], $0xffff;
	_ =	sdelay $0x5  }
0x7f: {  	[tilespmem:s15+$0x1B830] =	vst v2;
	v2 =	vld [tilespmem:s15+$0x19850]  }
0x80: {  	v1 =	vld.idx.msk [tilespmem:v1+s1+$0x0], $0xffff;
	_ =	sdelay $0x5  }
0x81: {  	[tilespmem:s15+$0x1B840] =	vst v1;
	v1 =	vld [tilespmem:s15+$0x19854]  }
0x82: {  	v2 =	vld.idx.msk [tilespmem:v2+s1+$0x0], $0xffff  }
.Ltmp1:
0x83: {  	(pc) =	sbr.rel @p0 .LBB2_4-.Ltmp1, $2  }
0x84: {  	_ =	sdelay $0x2  }
0x85: {  	s17 =	sshra.s32 s16, $0x2;
	s16 =	sadd.s32 $0x200, s16  }
0x86: {  	_ =	sdelay $0x1  }
0x87: {  	v3 =	vld [tilespmem:s17+$0x19800]  }
0x88: {  	[tilespmem:s15+$0x1B850] =	vst v2  }
0x89: {  	v1 =	vld.idx.msk [tilespmem:v1+s1+$0x0], $0xffff;
	_ =	sdelay $0x4  }
0x8a: {  	v2 =	vld [tilespmem:s17+$0x19810];
	[tilespmem:s15+$0x1B854] =	vst v1  }
0x8b: {  	v1 =	vld.idx.msk [tilespmem:v3+s1+$0x0], $0xffff;
	_ =	sdelay $0x4  }
0x8c: {  	[tilespmem:s17+$0x1B800] =	vst v1;
	v1 =	vld [tilespmem:s17+$0x19820];
	_ =	sdelay $0x1  }
0x8d: {  	v2 =	vld.idx.msk [tilespmem:v2+s1+$0x0], $0xffff;
	_ =	sdelay $0x4  }
0x8e: {  	[tilespmem:s17+$0x1B810] =	vst v2;
	v2 =	vld [tilespmem:s17+$0x19830]  }
0x8f: {  	v1 =	vld.idx.msk [tilespmem:v1+s1+$0x0], $0xffff;
	_ =	sdelay $0x4  }
0x90: {  	[tilespmem:s17+$0x1B820] =	vst v1;
	v1 =	vld [tilespmem:s17+$0x19840];
	_ =	sdelay $0x1  }
0x91: {  	v2 =	vld.idx.msk [tilespmem:v2+s1+$0x0], $0xffff;
	_ =	sdelay $0x4  }
0x92: {  	[tilespmem:s17+$0x1B830] =	vst v2;
	v2 =	vld [tilespmem:s17+$0x19850]  }
0x93: {  	v1 =	vld.idx.msk [tilespmem:v1+s1+$0x0], $0xffff;
	_ =	sdelay $0x4  }
0x94: {  	[tilespmem:s17+$0x1B840] =	vst v1;
	v1 =	vld [tilespmem:s17+$0x19854];
	_ =	sdelay $0x1  }
0x95: {  	v2 =	vld.idx.msk [tilespmem:v2+s1+$0x0], $0xffff;
	_ =	sdelay $0x4  }
0x96: {  	[tilespmem:s17+$0x1B850] =	vst v2  }
0x97: {  	v1 =	vld.idx.msk [tilespmem:v1+s1+$0x0], $0xffff;
	_ =	sdelay $0x4  }
0x98: {  	s16 =	rddreg [dreg:$0x5];
	s15 =	simm.s32 $0x0;
	[tilespmem:s17+$0x1B854] =	vst v1  }
0x99: {  	[hbm4b:s16+s15] =	stream.linear.scatter [tilespmem:s11], [sflag:$0x5], $0x1000, $0x38;
	[tilespmem:$0x1C800] =	vst v63  }
0x9a: {  	s17 =	rddreg [dreg:$0x6]  }
0x9b: {  	[tilespmem:s6], [sflag:$0x3] =	stream.linear.gather [hbm4b:s17+s15], $0x1000, $0x38;
	[tilespmem:$0x1C800] =	vst v63  }
0x9c: {  	_ =	swait.ge [sflag:s8], $0x1000  }
0x9d: {  	[sflag:s8] =	ssyncset.done $0x0  }
0x9e: {  	[sflag:s8] =	ssyncadd.s32 $0xFFFFF000  }
0x9f: {  	_ =	swait.ge [sflag:s12], $0x1000  }
0xa0: {  	[sflag:s12] =	ssyncset.done $0x0  }
0xa1: {  	s15 =	simm.s32 $0x0;
	[sflag:s12] =	ssyncadd.s32 $0xFFFFF000  }
0xa2: {  	v1 =	vld [tilespmem:s15+$0x18800];
	_ =	sdelay $0x6  }
0xa3: {  	v2 =	vld [tilespmem:s15+$0x18810]  }
0xa4: {  	v1 =	vld.idx.msk [tilespmem:v1+s1+$0x0], $0xffff;
	_ =	sdelay $0x4  }
0xa5: {  	[tilespmem:s15+$0x1A800] =	vst v1;
	v1 =	vld [tilespmem:s15+$0x18820];
	_ =	sdelay $0x1  }
0xa6: {  	v2 =	vld.idx.msk [tilespmem:v2+s1+$0x0], $0xffff;
	_ =	sdelay $0x4  }
0xa7: {  	[tilespmem:s15+$0x1A810] =	vst v2;
	v2 =	vld [tilespmem:s15+$0x18830]  }
0xa8: {  	v1 =	vld.idx.msk [tilespmem:v1+s1+$0x0], $0xffff;
	_ =	sdelay $0x4  }
0xa9: {  	[tilespmem:s15+$0x1A820] =	vst v1;
	v1 =	vld [tilespmem:s15+$0x18840];
	_ =	sdelay $0x1  }
0xaa: {  	v2 =	vld.idx.msk [tilespmem:v2+s1+$0x0], $0xffff;
	_ =	sdelay $0x4  }
0xab: {  	[tilespmem:s15+$0x1A830] =	vst v2;
	v2 =	vld [tilespmem:s15+$0x18850]  }
0xac: {  	v1 =	vld.idx.msk [tilespmem:v1+s1+$0x0], $0xffff;
	_ =	sdelay $0x4  }
0xad: {  	[tilespmem:s15+$0x1A840] =	vst v1;
	v1 =	vld [tilespmem:s15+$0x18854];
	_ =	sdelay $0x1  }
0xae: {  	v2 =	vld.idx.msk [tilespmem:v2+s1+$0x0], $0xffff;
	_ =	sdelay $0x3  }
0xaf: {  	s16 =	simm.s32 $0x400;
	s17 =	simm.s32 $0x80  }
.LBB2_6:
0xb0: {  	p0 =	sne.s32 s16, $0x3E00;
	v3 =	vld [tilespmem:s17+$0x18800];
	[tilespmem:s15+$0x1A850] =	vst v2  }
0xb1: {  	v1 =	vld.idx.msk [tilespmem:v1+s1+$0x0], $0xffff;
	_ =	sdelay $0x5  }
0xb2: {  	v2 =	vld [tilespmem:s17+$0x18810];
	[tilespmem:s15+$0x1A854] =	vst v1;
	s15 =	smov.u32 s17  }
0xb3: {  	v1 =	vld.idx.msk [tilespmem:v3+s1+$0x0], $0xffff;
	_ =	sdelay $0x5  }
0xb4: {  	[tilespmem:s15+$0x1A800] =	vst v1;
	v1 =	vld [tilespmem:s15+$0x18820]  }
0xb5: {  	v2 =	vld.idx.msk [tilespmem:v2+s1+$0x0], $0xffff;
	_ =	sdelay $0x5  }
0xb6: {  	[tilespmem:s15+$0x1A810] =	vst v2;
	v2 =	vld [tilespmem:s15+$0x18830]  }
0xb7: {  	v1 =	vld.idx.msk [tilespmem:v1+s1+$0x0], $0xffff;
	_ =	sdelay $0x5  }
0xb8: {  	[tilespmem:s15+$0x1A820] =	vst v1;
	v1 =	vld [tilespmem:s15+$0x18840]  }
0xb9: {  	v2 =	vld.idx.msk [tilespmem:v2+s1+$0x0], $0xffff;
	_ =	sdelay $0x5  }
0xba: {  	[tilespmem:s15+$0x1A830] =	vst v2;
	v2 =	vld [tilespmem:s15+$0x18850]  }
0xbb: {  	v1 =	vld.idx.msk [tilespmem:v1+s1+$0x0], $0xffff;
	_ =	sdelay $0x5  }
0xbc: {  	[tilespmem:s15+$0x1A840] =	vst v1;
	v1 =	vld [tilespmem:s15+$0x18854]  }
0xbd: {  	v2 =	vld.idx.msk [tilespmem:v2+s1+$0x0], $0xffff  }
.Ltmp2:
0xbe: {  	(pc) =	sbr.rel @p0 .LBB2_6-.Ltmp2, $2  }
0xbf: {  	_ =	sdelay $0x2  }
0xc0: {  	s17 =	sshra.s32 s16, $0x2;
	s16 =	sadd.s32 $0x200, s16  }
0xc1: {  	_ =	sdelay $0x1  }
0xc2: {  	v3 =	vld [tilespmem:s17+$0x18800]  }
0xc3: {  	[tilespmem:s15+$0x1A850] =	vst v2  }
0xc4: {  	v1 =	vld.idx.msk [tilespmem:v1+s1+$0x0], $0xffff;
	_ =	sdelay $0x4  }
0xc5: {  	v2 =	vld [tilespmem:s17+$0x18810];
	[tilespmem:s15+$0x1A854] =	vst v1  }
0xc6: {  	v1 =	vld.idx.msk [tilespmem:v3+s1+$0x0], $0xffff;
	_ =	sdelay $0x4  }
0xc7: {  	[tilespmem:s17+$0x1A800] =	vst v1;
	v1 =	vld [tilespmem:s17+$0x18820];
	_ =	sdelay $0x1  }
0xc8: {  	v2 =	vld.idx.msk [tilespmem:v2+s1+$0x0], $0xffff;
	_ =	sdelay $0x4  }
0xc9: {  	[tilespmem:s17+$0x1A810] =	vst v2;
	v2 =	vld [tilespmem:s17+$0x18830]  }
0xca: {  	v1 =	vld.idx.msk [tilespmem:v1+s1+$0x0], $0xffff;
	_ =	sdelay $0x4  }
0xcb: {  	[tilespmem:s17+$0x1A820] =	vst v1;
	v1 =	vld [tilespmem:s17+$0x18840];
	_ =	sdelay $0x1  }
0xcc: {  	v2 =	vld.idx.msk [tilespmem:v2+s1+$0x0], $0xffff;
	_ =	sdelay $0x4  }
0xcd: {  	[tilespmem:s17+$0x1A830] =	vst v2;
	v2 =	vld [tilespmem:s17+$0x18850]  }
0xce: {  	v1 =	vld.idx.msk [tilespmem:v1+s1+$0x0], $0xffff;
	_ =	sdelay $0x4  }
0xcf: {  	[tilespmem:s17+$0x1A840] =	vst v1;
	v1 =	vld [tilespmem:s17+$0x18854];
	_ =	sdelay $0x1  }
0xd0: {  	v2 =	vld.idx.msk [tilespmem:v2+s1+$0x0], $0xffff;
	_ =	sdelay $0x4  }
0xd1: {  	[tilespmem:s17+$0x1A850] =	vst v2  }
0xd2: {  	v1 =	vld.idx.msk [tilespmem:v1+s1+$0x0], $0xffff;
	_ =	sdelay $0x4  }
0xd3: {  	s16 =	rddreg [dreg:$0x7];
	s15 =	simm.s32 $0x0;
	[tilespmem:s17+$0x1A854] =	vst v1  }
0xd4: {  	[hbm4b:s16+s15] =	stream.linear.scatter [tilespmem:s9], [sflag:$0x4], $0x1000, $0x38;
	[tilespmem:$0x1C800] =	vst v63  }
0xd5: {  	s17 =	rddreg [dreg:$0x8]  }
0xd6: {  	[tilespmem:s5], [sflag:$0x2] =	stream.linear.gather [hbm4b:s17+s15], $0x1000, $0x38;
	[tilespmem:$0x1C800] =	vst v63  }
0xd7: {  	_ =	swait.ge [sflag:s10], $0x1000  }
0xd8: {  	[sflag:s10] =	ssyncset.done $0x0  }
0xd9: {  	[sflag:s10] =	ssyncadd.s32 $0xFFFFF000  }
0xda: {  	_ =	swait.ge [sflag:s13], $0x1000  }
0xdb: {  	[sflag:s13] =	ssyncset.done $0x0  }
0xdc: {  	s15 =	simm.s32 $0x0;
	[sflag:s13] =	ssyncadd.s32 $0xFFFFF000  }
0xdd: {  	v1 =	vld [tilespmem:s15+$0x19800];
	_ =	sdelay $0x6  }
0xde: {  	v2 =	vld [tilespmem:s15+$0x19810]  }
0xdf: {  	v1 =	vld.idx.msk [tilespmem:v1+s1+$0x0], $0xffff;
	_ =	sdelay $0x4  }
0xe0: {  	[tilespmem:s15+$0x1B800] =	vst v1;
	v1 =	vld [tilespmem:s15+$0x19820];
	_ =	sdelay $0x1  }
0xe1: {  	v2 =	vld.idx.msk [tilespmem:v2+s1+$0x0], $0xffff;
	_ =	sdelay $0x4  }
0xe2: {  	[tilespmem:s15+$0x1B810] =	vst v2;
	v2 =	vld [tilespmem:s15+$0x19830]  }
0xe3: {  	v1 =	vld.idx.msk [tilespmem:v1+s1+$0x0], $0xffff;
	_ =	sdelay $0x4  }
0xe4: {  	[tilespmem:s15+$0x1B820] =	vst v1;
	v1 =	vld [tilespmem:s15+$0x19840];
	_ =	sdelay $0x1  }
0xe5: {  	v2 =	vld.idx.msk [tilespmem:v2+s1+$0x0], $0xffff;
	_ =	sdelay $0x4  }
0xe6: {  	[tilespmem:s15+$0x1B830] =	vst v2;
	v2 =	vld [tilespmem:s15+$0x19850]  }
0xe7: {  	v1 =	vld.idx.msk [tilespmem:v1+s1+$0x0], $0xffff;
	_ =	sdelay $0x4  }
0xe8: {  	[tilespmem:s15+$0x1B840] =	vst v1;
	v1 =	vld [tilespmem:s15+$0x19854];
	_ =	sdelay $0x1  }
0xe9: {  	v2 =	vld.idx.msk [tilespmem:v2+s1+$0x0], $0xffff;
	_ =	sdelay $0x3  }
0xea: {  	s16 =	simm.s32 $0x400;
	s17 =	simm.s32 $0x80  }
.LBB2_8:
0xeb: {  	p0 =	sne.s32 s16, $0x3E00;
	v3 =	vld [tilespmem:s17+$0x19800];
	[tilespmem:s15+$0x1B850] =	vst v2  }
0xec: {  	v1 =	vld.idx.msk [tilespmem:v1+s1+$0x0], $0xffff;
	_ =	sdelay $0x5  }
0xed: {  	v2 =	vld [tilespmem:s17+$0x19810];
	[tilespmem:s15+$0x1B854] =	vst v1;
	s15 =	smov.u32 s17  }
0xee: {  	v1 =	vld.idx.msk [tilespmem:v3+s1+$0x0], $0xffff;
	_ =	sdelay $0x5  }
0xef: {  	[tilespmem:s15+$0x1B800] =	vst v1;
	v1 =	vld [tilespmem:s15+$0x19820]  }
0xf0: {  	v2 =	vld.idx.msk [tilespmem:v2+s1+$0x0], $0xffff;
	_ =	sdelay $0x5  }
0xf1: {  	[tilespmem:s15+$0x1B810] =	vst v2;
	v2 =	vld [tilespmem:s15+$0x19830]  }
0xf2: {  	v1 =	vld.idx.msk [tilespmem:v1+s1+$0x0], $0xffff;
	_ =	sdelay $0x5  }
0xf3: {  	[tilespmem:s15+$0x1B820] =	vst v1;
	v1 =	vld [tilespmem:s15+$0x19840]  }
0xf4: {  	v2 =	vld.idx.msk [tilespmem:v2+s1+$0x0], $0xffff;
	_ =	sdelay $0x5  }
0xf5: {  	[tilespmem:s15+$0x1B830] =	vst v2;
	v2 =	vld [tilespmem:s15+$0x19850]  }
0xf6: {  	v1 =	vld.idx.msk [tilespmem:v1+s1+$0x0], $0xffff;
	_ =	sdelay $0x5  }
0xf7: {  	[tilespmem:s15+$0x1B840] =	vst v1;
	v1 =	vld [tilespmem:s15+$0x19854]  }
0xf8: {  	v2 =	vld.idx.msk [tilespmem:v2+s1+$0x0], $0xffff  }
.Ltmp3:
0xf9: {  	(pc) =	sbr.rel @p0 .LBB2_8-.Ltmp3, $2  }
0xfa: {  	_ =	sdelay $0x2  }
0xfb: {  	s17 =	sshra.s32 s16, $0x2;
	s16 =	sadd.s32 $0x200, s16  }
0xfc: {  	_ =	sdelay $0x1  }
0xfd: {  	v3 =	vld [tilespmem:s17+$0x19800]  }
0xfe: {  	[tilespmem:s15+$0x1B850] =	vst v2  }
0xff: {  	v1 =	vld.idx.msk [tilespmem:v1+s1+$0x0], $0xffff;
	_ =	sdelay $0x4  }
0x100: {  	v2 =	vld [tilespmem:s17+$0x19810];
	[tilespmem:s15+$0x1B854] =	vst v1  }
0x101: {  	v1 =	vld.idx.msk [tilespmem:v3+s1+$0x0], $0xffff;
	_ =	sdelay $0x4  }
0x102: {  	[tilespmem:s17+$0x1B800] =	vst v1;
	v1 =	vld [tilespmem:s17+$0x19820];
	_ =	sdelay $0x1  }
0x103: {  	v2 =	vld.idx.msk [tilespmem:v2+s1+$0x0], $0xffff;
	_ =	sdelay $0x4  }
0x104: {  	[tilespmem:s17+$0x1B810] =	vst v2;
	v2 =	vld [tilespmem:s17+$0x19830]  }
0x105: {  	v1 =	vld.idx.msk [tilespmem:v1+s1+$0x0], $0xffff;
	_ =	sdelay $0x4  }
0x106: {  	[tilespmem:s17+$0x1B820] =	vst v1;
	v1 =	vld [tilespmem:s17+$0x19840];
	_ =	sdelay $0x1  }
0x107: {  	v2 =	vld.idx.msk [tilespmem:v2+s1+$0x0], $0xffff;
	_ =	sdelay $0x4  }
0x108: {  	[tilespmem:s17+$0x1B830] =	vst v2;
	v2 =	vld [tilespmem:s17+$0x19850]  }
0x109: {  	v1 =	vld.idx.msk [tilespmem:v1+s1+$0x0], $0xffff;
	_ =	sdelay $0x4  }
0x10a: {  	[tilespmem:s17+$0x1B840] =	vst v1;
	v1 =	vld [tilespmem:s17+$0x19854];
	_ =	sdelay $0x1  }
0x10b: {  	v2 =	vld.idx.msk [tilespmem:v2+s1+$0x0], $0xffff;
	_ =	sdelay $0x4  }
0x10c: {  	[tilespmem:s17+$0x1B850] =	vst v2  }
0x10d: {  	v1 =	vld.idx.msk [tilespmem:v1+s1+$0x0], $0xffff;
	_ =	sdelay $0x4  }
0x10e: {  	s16 =	rddreg [dreg:$0x9];
	s15 =	simm.s32 $0x0;
	[tilespmem:s17+$0x1B854] =	vst v1  }
0x10f: {  	[hbm4b:s16+s15] =	stream.linear.scatter [tilespmem:s11], [sflag:$0x5], $0x1000, $0x38;
	[tilespmem:$0x1C800] =	vst v63  }
0x110: {  	s17 =	rddreg [dreg:$0xa]  }
0x111: {  	[tilespmem:s6], [sflag:$0x3] =	stream.linear.gather [hbm4b:s17+s15], $0x1000, $0x38;
	[tilespmem:$0x1C800] =	vst v63  }
0x112: {  	_ =	swait.ge [sflag:s8], $0x1000  }
0x113: {  	[sflag:s8] =	ssyncset.done $0x0  }
0x114: {  	[sflag:s8] =	ssyncadd.s32 $0xFFFFF000  }
0x115: {  	_ =	swait.ge [sflag:s12], $0x1000  }
0x116: {  	[sflag:s12] =	ssyncset.done $0x0  }
0x117: {  	s15 =	simm.s32 $0x0;
	[sflag:s12] =	ssyncadd.s32 $0xFFFFF000  }
0x118: {  	v1 =	vld [tilespmem:s15+$0x18800];
	_ =	sdelay $0x6  }
0x119: {  	v2 =	vld [tilespmem:s15+$0x18810]  }
0x11a: {  	v1 =	vld.idx.msk [tilespmem:v1+s1+$0x0], $0xffff;
	_ =	sdelay $0x4  }
0x11b: {  	[tilespmem:s15+$0x1A800] =	vst v1;
	v1 =	vld [tilespmem:s15+$0x18820];
	_ =	sdelay $0x1  }
0x11c: {  	v2 =	vld.idx.msk [tilespmem:v2+s1+$0x0], $0xffff;
	_ =	sdelay $0x4  }
0x11d: {  	[tilespmem:s15+$0x1A810] =	vst v2;
	v2 =	vld [tilespmem:s15+$0x18830]  }
0x11e: {  	v1 =	vld.idx.msk [tilespmem:v1+s1+$0x0], $0xffff;
	_ =	sdelay $0x4  }
0x11f: {  	[tilespmem:s15+$0x1A820] =	vst v1;
	v1 =	vld [tilespmem:s15+$0x18840];
	_ =	sdelay $0x1  }
0x120: {  	v2 =	vld.idx.msk [tilespmem:v2+s1+$0x0], $0xffff;
	_ =	sdelay $0x4  }
0x121: {  	[tilespmem:s15+$0x1A830] =	vst v2;
	v2 =	vld [tilespmem:s15+$0x18850]  }
0x122: {  	v1 =	vld.idx.msk [tilespmem:v1+s1+$0x0], $0xffff;
	_ =	sdelay $0x4  }
0x123: {  	[tilespmem:s15+$0x1A840] =	vst v1;
	v1 =	vld [tilespmem:s15+$0x18854];
	_ =	sdelay $0x1  }
0x124: {  	v2 =	vld.idx.msk [tilespmem:v2+s1+$0x0], $0xffff;
	_ =	sdelay $0x3  }
0x125: {  	s16 =	simm.s32 $0x400;
	s17 =	simm.s32 $0x80  }
.LBB2_10:
0x126: {  	p0 =	sne.s32 s16, $0x3E00;
	v3 =	vld [tilespmem:s17+$0x18800];
	[tilespmem:s15+$0x1A850] =	vst v2  }
0x127: {  	v1 =	vld.idx.msk [tilespmem:v1+s1+$0x0], $0xffff;
	_ =	sdelay $0x5  }
0x128: {  	v2 =	vld [tilespmem:s17+$0x18810];
	[tilespmem:s15+$0x1A854] =	vst v1;
	s15 =	smov.u32 s17  }
0x129: {  	v1 =	vld.idx.msk [tilespmem:v3+s1+$0x0], $0xffff;
	_ =	sdelay $0x5  }
0x12a: {  	[tilespmem:s15+$0x1A800] =	vst v1;
	v1 =	vld [tilespmem:s15+$0x18820]  }
0x12b: {  	v2 =	vld.idx.msk [tilespmem:v2+s1+$0x0], $0xffff;
	_ =	sdelay $0x5  }
0x12c: {  	[tilespmem:s15+$0x1A810] =	vst v2;
	v2 =	vld [tilespmem:s15+$0x18830]  }
0x12d: {  	v1 =	vld.idx.msk [tilespmem:v1+s1+$0x0], $0xffff;
	_ =	sdelay $0x5  }
0x12e: {  	[tilespmem:s15+$0x1A820] =	vst v1;
	v1 =	vld [tilespmem:s15+$0x18840]  }
0x12f: {  	v2 =	vld.idx.msk [tilespmem:v2+s1+$0x0], $0xffff;
	_ =	sdelay $0x5  }
0x130: {  	[tilespmem:s15+$0x1A830] =	vst v2;
	v2 =	vld [tilespmem:s15+$0x18850]  }
0x131: {  	v1 =	vld.idx.msk [tilespmem:v1+s1+$0x0], $0xffff;
	_ =	sdelay $0x5  }
0x132: {  	[tilespmem:s15+$0x1A840] =	vst v1;
	v1 =	vld [tilespmem:s15+$0x18854]  }
0x133: {  	v2 =	vld.idx.msk [tilespmem:v2+s1+$0x0], $0xffff  }
.Ltmp4:
0x134: {  	(pc) =	sbr.rel @p0 .LBB2_10-.Ltmp4, $2  }
0x135: {  	_ =	sdelay $0x2  }
0x136: {  	s17 =	sshra.s32 s16, $0x2;
	s16 =	sadd.s32 $0x200, s16  }
0x137: {  	_ =	sdelay $0x1  }
0x138: {  	v3 =	vld [tilespmem:s17+$0x18800]  }
0x139: {  	[tilespmem:s15+$0x1A850] =	vst v2  }
0x13a: {  	v1 =	vld.idx.msk [tilespmem:v1+s1+$0x0], $0xffff;
	_ =	sdelay $0x4  }
0x13b: {  	v2 =	vld [tilespmem:s17+$0x18810];
	[tilespmem:s15+$0x1A854] =	vst v1  }
0x13c: {  	v1 =	vld.idx.msk [tilespmem:v3+s1+$0x0], $0xffff;
	_ =	sdelay $0x4  }
0x13d: {  	[tilespmem:s17+$0x1A800] =	vst v1;
	v1 =	vld [tilespmem:s17+$0x18820];
	_ =	sdelay $0x1  }
0x13e: {  	v2 =	vld.idx.msk [tilespmem:v2+s1+$0x0], $0xffff;
	_ =	sdelay $0x4  }
0x13f: {  	[tilespmem:s17+$0x1A810] =	vst v2;
	v2 =	vld [tilespmem:s17+$0x18830]  }
0x140: {  	v1 =	vld.idx.msk [tilespmem:v1+s1+$0x0], $0xffff;
	_ =	sdelay $0x4  }
0x141: {  	[tilespmem:s17+$0x1A820] =	vst v1;
	v1 =	vld [tilespmem:s17+$0x18840];
	_ =	sdelay $0x1  }
0x142: {  	v2 =	vld.idx.msk [tilespmem:v2+s1+$0x0], $0xffff;
	_ =	sdelay $0x4  }
0x143: {  	[tilespmem:s17+$0x1A830] =	vst v2;
	v2 =	vld [tilespmem:s17+$0x18850]  }
0x144: {  	v1 =	vld.idx.msk [tilespmem:v1+s1+$0x0], $0xffff;
	_ =	sdelay $0x4  }
0x145: {  	[tilespmem:s17+$0x1A840] =	vst v1;
	v1 =	vld [tilespmem:s17+$0x18854];
	_ =	sdelay $0x1  }
0x146: {  	v2 =	vld.idx.msk [tilespmem:v2+s1+$0x0], $0xffff;
	_ =	sdelay $0x4  }
0x147: {  	[tilespmem:s17+$0x1A850] =	vst v2  }
0x148: {  	v1 =	vld.idx.msk [tilespmem:v1+s1+$0x0], $0xffff;
	_ =	sdelay $0x4  }
0x149: {  	s16 =	rddreg [dreg:$0xb];
	s15 =	simm.s32 $0x0;
	[tilespmem:s17+$0x1A854] =	vst v1  }
0x14a: {  	[hbm4b:s16+s15] =	stream.linear.scatter [tilespmem:s9], [sflag:$0x4], $0x1000, $0x38;
	[tilespmem:$0x1C800] =	vst v63  }
0x14b: {  	s17 =	rddreg [dreg:$0xc]  }
0x14c: {  	[tilespmem:s5], [sflag:$0x2] =	stream.linear.gather [hbm4b:s17+s15], $0x1000, $0x38;
	[tilespmem:$0x1C800] =	vst v63  }
0x14d: {  	_ =	swait.ge [sflag:s10], $0x1000  }
0x14e: {  	[sflag:s10] =	ssyncset.done $0x0  }
0x14f: {  	[sflag:s10] =	ssyncadd.s32 $0xFFFFF000  }
0x150: {  	_ =	swait.ge [sflag:s13], $0x1000  }
0x151: {  	[sflag:s13] =	ssyncset.done $0x0  }
0x152: {  	s15 =	simm.s32 $0x0;
	[sflag:s13] =	ssyncadd.s32 $0xFFFFF000  }
0x153: {  	v1 =	vld [tilespmem:s15+$0x19800];
	_ =	sdelay $0x6  }
0x154: {  	v2 =	vld [tilespmem:s15+$0x19810]  }
0x155: {  	v1 =	vld.idx.msk [tilespmem:v1+s1+$0x0], $0xffff;
	_ =	sdelay $0x4  }
0x156: {  	[tilespmem:s15+$0x1B800] =	vst v1;
	v1 =	vld [tilespmem:s15+$0x19820];
	_ =	sdelay $0x1  }
0x157: {  	v2 =	vld.idx.msk [tilespmem:v2+s1+$0x0], $0xffff;
	_ =	sdelay $0x4  }
0x158: {  	[tilespmem:s15+$0x1B810] =	vst v2;
	v2 =	vld [tilespmem:s15+$0x19830]  }
0x159: {  	v1 =	vld.idx.msk [tilespmem:v1+s1+$0x0], $0xffff;
	_ =	sdelay $0x4  }
0x15a: {  	[tilespmem:s15+$0x1B820] =	vst v1;
	v1 =	vld [tilespmem:s15+$0x19840];
	_ =	sdelay $0x1  }
0x15b: {  	v2 =	vld.idx.msk [tilespmem:v2+s1+$0x0], $0xffff;
	_ =	sdelay $0x4  }
0x15c: {  	[tilespmem:s15+$0x1B830] =	vst v2;
	v2 =	vld [tilespmem:s15+$0x19850]  }
0x15d: {  	v1 =	vld.idx.msk [tilespmem:v1+s1+$0x0], $0xffff;
	_ =	sdelay $0x4  }
0x15e: {  	[tilespmem:s15+$0x1B840] =	vst v1;
	v1 =	vld [tilespmem:s15+$0x19854];
	_ =	sdelay $0x1  }
0x15f: {  	v2 =	vld.idx.msk [tilespmem:v2+s1+$0x0], $0xffff;
	_ =	sdelay $0x3  }
0x160: {  	s16 =	simm.s32 $0x400;
	s17 =	simm.s32 $0x80  }
.LBB2_12:
0x161: {  	p0 =	sne.s32 s16, $0x3E00;
	v3 =	vld [tilespmem:s17+$0x19800];
	[tilespmem:s15+$0x1B850] =	vst v2  }
0x162: {  	v1 =	vld.idx.msk [tilespmem:v1+s1+$0x0], $0xffff;
	_ =	sdelay $0x5  }
0x163: {  	v2 =	vld [tilespmem:s17+$0x19810];
	[tilespmem:s15+$0x1B854] =	vst v1;
	s15 =	smov.u32 s17  }
0x164: {  	v1 =	vld.idx.msk [tilespmem:v3+s1+$0x0], $0xffff;
	_ =	sdelay $0x5  }
0x165: {  	[tilespmem:s15+$0x1B800] =	vst v1;
	v1 =	vld [tilespmem:s15+$0x19820]  }
0x166: {  	v2 =	vld.idx.msk [tilespmem:v2+s1+$0x0], $0xffff;
	_ =	sdelay $0x5  }
0x167: {  	[tilespmem:s15+$0x1B810] =	vst v2;
	v2 =	vld [tilespmem:s15+$0x19830]  }
0x168: {  	v1 =	vld.idx.msk [tilespmem:v1+s1+$0x0], $0xffff;
	_ =	sdelay $0x5  }
0x169: {  	[tilespmem:s15+$0x1B820] =	vst v1;
	v1 =	vld [tilespmem:s15+$0x19840]  }
0x16a: {  	v2 =	vld.idx.msk [tilespmem:v2+s1+$0x0], $0xffff;
	_ =	sdelay $0x5  }
0x16b: {  	[tilespmem:s15+$0x1B830] =	vst v2;
	v2 =	vld [tilespmem:s15+$0x19850]  }
0x16c: {  	v1 =	vld.idx.msk [tilespmem:v1+s1+$0x0], $0xffff;
	_ =	sdelay $0x5  }
0x16d: {  	[tilespmem:s15+$0x1B840] =	vst v1;
	v1 =	vld [tilespmem:s15+$0x19854]  }
0x16e: {  	v2 =	vld.idx.msk [tilespmem:v2+s1+$0x0], $0xffff  }
.Ltmp5:
0x16f: {  	(pc) =	sbr.rel @p0 .LBB2_12-.Ltmp5, $2  }
0x170: {  	_ =	sdelay $0x2  }
0x171: {  	s17 =	sshra.s32 s16, $0x2;
	s16 =	sadd.s32 $0x200, s16  }
0x172: {  	_ =	sdelay $0x1  }
0x173: {  	v3 =	vld [tilespmem:s17+$0x19800]  }
0x174: {  	[tilespmem:s15+$0x1B850] =	vst v2  }
0x175: {  	v1 =	vld.idx.msk [tilespmem:v1+s1+$0x0], $0xffff;
	_ =	sdelay $0x4  }
0x176: {  	v2 =	vld [tilespmem:s17+$0x19810];
	[tilespmem:s15+$0x1B854] =	vst v1  }
0x177: {  	v1 =	vld.idx.msk [tilespmem:v3+s1+$0x0], $0xffff;
	_ =	sdelay $0x4  }
0x178: {  	[tilespmem:s17+$0x1B800] =	vst v1;
	v1 =	vld [tilespmem:s17+$0x19820];
	_ =	sdelay $0x1  }
0x179: {  	v2 =	vld.idx.msk [tilespmem:v2+s1+$0x0], $0xffff;
	_ =	sdelay $0x4  }
0x17a: {  	[tilespmem:s17+$0x1B810] =	vst v2;
	v2 =	vld [tilespmem:s17+$0x19830]  }
0x17b: {  	v1 =	vld.idx.msk [tilespmem:v1+s1+$0x0], $0xffff;
	_ =	sdelay $0x4  }
0x17c: {  	[tilespmem:s17+$0x1B820] =	vst v1;
	v1 =	vld [tilespmem:s17+$0x19840];
	_ =	sdelay $0x1  }
0x17d: {  	v2 =	vld.idx.msk [tilespmem:v2+s1+$0x0], $0xffff;
	_ =	sdelay $0x4  }
0x17e: {  	[tilespmem:s17+$0x1B830] =	vst v2;
	v2 =	vld [tilespmem:s17+$0x19850]  }
0x17f: {  	v1 =	vld.idx.msk [tilespmem:v1+s1+$0x0], $0xffff;
	_ =	sdelay $0x4  }
0x180: {  	[tilespmem:s17+$0x1B840] =	vst v1;
	v1 =	vld [tilespmem:s17+$0x19854];
	_ =	sdelay $0x1  }
0x181: {  	v2 =	vld.idx.msk [tilespmem:v2+s1+$0x0], $0xffff;
	_ =	sdelay $0x4  }
0x182: {  	[tilespmem:s17+$0x1B850] =	vst v2  }
0x183: {  	v1 =	vld.idx.msk [tilespmem:v1+s1+$0x0], $0xffff;
	_ =	sdelay $0x4  }
0x184: {  	s16 =	rddreg [dreg:$0xd];
	s15 =	simm.s32 $0x0;
	[tilespmem:s17+$0x1B854] =	vst v1  }
0x185: {  	[hbm4b:s16+s15] =	stream.linear.scatter [tilespmem:s11], [sflag:$0x5], $0x1000, $0x38;
	[tilespmem:$0x1C800] =	vst v63  }
0x186: {  	s17 =	rddreg [dreg:$0xe]  }
0x187: {  	[tilespmem:s6], [sflag:$0x3] =	stream.linear.gather [hbm4b:s17+s15], $0x1000, $0x38;
	[tilespmem:$0x1C800] =	vst v63  }
0x188: {  	_ =	swait.ge [sflag:s8], $0x1000  }
0x189: {  	[sflag:s8] =	ssyncset.done $0x0  }
0x18a: {  	[sflag:s8] =	ssyncadd.s32 $0xFFFFF000  }
0x18b: {  	_ =	swait.ge [sflag:s12], $0x1000  }
0x18c: {  	[sflag:s12] =	ssyncset.done $0x0  }
0x18d: {  	s15 =	simm.s32 $0x0;
	[sflag:s12] =	ssyncadd.s32 $0xFFFFF000  }
0x18e: {  	v1 =	vld [tilespmem:s15+$0x18800];
	_ =	sdelay $0x6  }
0x18f: {  	v2 =	vld [tilespmem:s15+$0x18810]  }
0x190: {  	v1 =	vld.idx.msk [tilespmem:v1+s1+$0x0], $0xffff;
	_ =	sdelay $0x4  }
0x191: {  	[tilespmem:s15+$0x1A800] =	vst v1;
	v1 =	vld [tilespmem:s15+$0x18820];
	_ =	sdelay $0x1  }
0x192: {  	v2 =	vld.idx.msk [tilespmem:v2+s1+$0x0], $0xffff;
	_ =	sdelay $0x4  }
0x193: {  	[tilespmem:s15+$0x1A810] =	vst v2;
	v2 =	vld [tilespmem:s15+$0x18830]  }
0x194: {  	v1 =	vld.idx.msk [tilespmem:v1+s1+$0x0], $0xffff;
	_ =	sdelay $0x4  }
0x195: {  	[tilespmem:s15+$0x1A820] =	vst v1;
	v1 =	vld [tilespmem:s15+$0x18840];
	_ =	sdelay $0x1  }
0x196: {  	v2 =	vld.idx.msk [tilespmem:v2+s1+$0x0], $0xffff;
	_ =	sdelay $0x4  }
0x197: {  	[tilespmem:s15+$0x1A830] =	vst v2;
	v2 =	vld [tilespmem:s15+$0x18850]  }
0x198: {  	v1 =	vld.idx.msk [tilespmem:v1+s1+$0x0], $0xffff;
	_ =	sdelay $0x4  }
0x199: {  	[tilespmem:s15+$0x1A840] =	vst v1;
	v1 =	vld [tilespmem:s15+$0x18854];
	_ =	sdelay $0x1  }
0x19a: {  	v2 =	vld.idx.msk [tilespmem:v2+s1+$0x0], $0xffff;
	_ =	sdelay $0x3  }
0x19b: {  	s16 =	simm.s32 $0x400;
	s17 =	simm.s32 $0x80  }
.LBB2_14:
0x19c: {  	p0 =	sne.s32 s16, $0x3E00;
	v3 =	vld [tilespmem:s17+$0x18800];
	[tilespmem:s15+$0x1A850] =	vst v2  }
0x19d: {  	v1 =	vld.idx.msk [tilespmem:v1+s1+$0x0], $0xffff;
	_ =	sdelay $0x5  }
0x19e: {  	v2 =	vld [tilespmem:s17+$0x18810];
	[tilespmem:s15+$0x1A854] =	vst v1;
	s15 =	smov.u32 s17  }
0x19f: {  	v1 =	vld.idx.msk [tilespmem:v3+s1+$0x0], $0xffff;
	_ =	sdelay $0x5  }
0x1a0: {  	[tilespmem:s15+$0x1A800] =	vst v1;
	v1 =	vld [tilespmem:s15+$0x18820]  }
0x1a1: {  	v2 =	vld.idx.msk [tilespmem:v2+s1+$0x0], $0xffff;
	_ =	sdelay $0x5  }
0x1a2: {  	[tilespmem:s15+$0x1A810] =	vst v2;
	v2 =	vld [tilespmem:s15+$0x18830]  }
0x1a3: {  	v1 =	vld.idx.msk [tilespmem:v1+s1+$0x0], $0xffff;
	_ =	sdelay $0x5  }
0x1a4: {  	[tilespmem:s15+$0x1A820] =	vst v1;
	v1 =	vld [tilespmem:s15+$0x18840]  }
0x1a5: {  	v2 =	vld.idx.msk [tilespmem:v2+s1+$0x0], $0xffff;
	_ =	sdelay $0x5  }
0x1a6: {  	[tilespmem:s15+$0x1A830] =	vst v2;
	v2 =	vld [tilespmem:s15+$0x18850]  }
0x1a7: {  	v1 =	vld.idx.msk [tilespmem:v1+s1+$0x0], $0xffff;
	_ =	sdelay $0x5  }
0x1a8: {  	[tilespmem:s15+$0x1A840] =	vst v1;
	v1 =	vld [tilespmem:s15+$0x18854]  }
0x1a9: {  	v2 =	vld.idx.msk [tilespmem:v2+s1+$0x0], $0xffff  }
.Ltmp6:
0x1aa: {  	(pc) =	sbr.rel @p0 .LBB2_14-.Ltmp6, $2  }
0x1ab: {  	_ =	sdelay $0x2  }
0x1ac: {  	s17 =	sshra.s32 s16, $0x2;
	s16 =	sadd.s32 $0x200, s16  }
0x1ad: {  	_ =	sdelay $0x1  }
0x1ae: {  	v3 =	vld [tilespmem:s17+$0x18800]  }
0x1af: {  	[tilespmem:s15+$0x1A850] =	vst v2  }
0x1b0: {  	v1 =	vld.idx.msk [tilespmem:v1+s1+$0x0], $0xffff;
	_ =	sdelay $0x4  }
0x1b1: {  	v2 =	vld [tilespmem:s17+$0x18810];
	[tilespmem:s15+$0x1A854] =	vst v1  }
0x1b2: {  	v1 =	vld.idx.msk [tilespmem:v3+s1+$0x0], $0xffff;
	_ =	sdelay $0x4  }
0x1b3: {  	[tilespmem:s17+$0x1A800] =	vst v1;
	v1 =	vld [tilespmem:s17+$0x18820];
	_ =	sdelay $0x1  }
0x1b4: {  	v2 =	vld.idx.msk [tilespmem:v2+s1+$0x0], $0xffff;
	_ =	sdelay $0x4  }
0x1b5: {  	[tilespmem:s17+$0x1A810] =	vst v2;
	v2 =	vld [tilespmem:s17+$0x18830]  }
0x1b6: {  	v1 =	vld.idx.msk [tilespmem:v1+s1+$0x0], $0xffff;
	_ =	sdelay $0x4  }
0x1b7: {  	[tilespmem:s17+$0x1A820] =	vst v1;
	v1 =	vld [tilespmem:s17+$0x18840];
	_ =	sdelay $0x1  }
0x1b8: {  	v2 =	vld.idx.msk [tilespmem:v2+s1+$0x0], $0xffff;
	_ =	sdelay $0x4  }
0x1b9: {  	[tilespmem:s17+$0x1A830] =	vst v2;
	v2 =	vld [tilespmem:s17+$0x18850]  }
0x1ba: {  	v1 =	vld.idx.msk [tilespmem:v1+s1+$0x0], $0xffff;
	_ =	sdelay $0x4  }
0x1bb: {  	[tilespmem:s17+$0x1A840] =	vst v1;
	v1 =	vld [tilespmem:s17+$0x18854];
	_ =	sdelay $0x1  }
0x1bc: {  	v2 =	vld.idx.msk [tilespmem:v2+s1+$0x0], $0xffff;
	_ =	sdelay $0x4  }
0x1bd: {  	[tilespmem:s17+$0x1A850] =	vst v2  }
0x1be: {  	v1 =	vld.idx.msk [tilespmem:v1+s1+$0x0], $0xffff;
	_ =	sdelay $0x4  }
0x1bf: {  	s16 =	rddreg [dreg:$0xf];
	s15 =	simm.s32 $0x0;
	[tilespmem:s17+$0x1A854] =	vst v1  }
0x1c0: {  	[hbm4b:s16+s15] =	stream.linear.scatter [tilespmem:s9], [sflag:$0x4], $0x1000, $0x38;
	[tilespmem:$0x1C800] =	vst v63  }
0x1c1: {  	s17 =	rddreg [dreg:$0x10]  }
0x1c2: {  	[tilespmem:s5], [sflag:$0x2] =	stream.linear.gather [hbm4b:s17+s15], $0x1000, $0x38;
	[tilespmem:$0x1C800] =	vst v63  }
0x1c3: {  	_ =	swait.ge [sflag:s10], $0x1000  }
0x1c4: {  	[sflag:s10] =	ssyncset.done $0x0  }
0x1c5: {  	[sflag:s10] =	ssyncadd.s32 $0xFFFFF000  }
0x1c6: {  	_ =	swait.ge [sflag:s13], $0x1000  }
0x1c7: {  	[sflag:s13] =	ssyncset.done $0x0  }
0x1c8: {  	s15 =	simm.s32 $0x0;
	[sflag:s13] =	ssyncadd.s32 $0xFFFFF000  }
0x1c9: {  	v1 =	vld [tilespmem:s15+$0x19800];
	_ =	sdelay $0x6  }
0x1ca: {  	v2 =	vld [tilespmem:s15+$0x19810]  }
0x1cb: {  	v1 =	vld.idx.msk [tilespmem:v1+s1+$0x0], $0xffff;
	_ =	sdelay $0x4  }
0x1cc: {  	[tilespmem:s15+$0x1B800] =	vst v1;
	v1 =	vld [tilespmem:s15+$0x19820];
	_ =	sdelay $0x1  }
0x1cd: {  	v2 =	vld.idx.msk [tilespmem:v2+s1+$0x0], $0xffff;
	_ =	sdelay $0x4  }
0x1ce: {  	[tilespmem:s15+$0x1B810] =	vst v2;
	v2 =	vld [tilespmem:s15+$0x19830]  }
0x1cf: {  	v1 =	vld.idx.msk [tilespmem:v1+s1+$0x0], $0xffff;
	_ =	sdelay $0x4  }
0x1d0: {  	[tilespmem:s15+$0x1B820] =	vst v1;
	v1 =	vld [tilespmem:s15+$0x19840];
	_ =	sdelay $0x1  }
0x1d1: {  	v2 =	vld.idx.msk [tilespmem:v2+s1+$0x0], $0xffff;
	_ =	sdelay $0x4  }
0x1d2: {  	[tilespmem:s15+$0x1B830] =	vst v2;
	v2 =	vld [tilespmem:s15+$0x19850]  }
0x1d3: {  	v1 =	vld.idx.msk [tilespmem:v1+s1+$0x0], $0xffff;
	_ =	sdelay $0x4  }
0x1d4: {  	[tilespmem:s15+$0x1B840] =	vst v1;
	v1 =	vld [tilespmem:s15+$0x19854];
	_ =	sdelay $0x1  }
0x1d5: {  	v2 =	vld.idx.msk [tilespmem:v2+s1+$0x0], $0xffff;
	_ =	sdelay $0x3  }
0x1d6: {  	s16 =	simm.s32 $0x400;
	s17 =	simm.s32 $0x80  }
.LBB2_16:
0x1d7: {  	p0 =	sne.s32 s16, $0x3E00;
	v3 =	vld [tilespmem:s17+$0x19800];
	[tilespmem:s15+$0x1B850] =	vst v2  }
0x1d8: {  	v1 =	vld.idx.msk [tilespmem:v1+s1+$0x0], $0xffff;
	_ =	sdelay $0x5  }
0x1d9: {  	v2 =	vld [tilespmem:s17+$0x19810];
	[tilespmem:s15+$0x1B854] =	vst v1;
	s15 =	smov.u32 s17  }
0x1da: {  	v1 =	vld.idx.msk [tilespmem:v3+s1+$0x0], $0xffff;
	_ =	sdelay $0x5  }
0x1db: {  	[tilespmem:s15+$0x1B800] =	vst v1;
	v1 =	vld [tilespmem:s15+$0x19820]  }
0x1dc: {  	v2 =	vld.idx.msk [tilespmem:v2+s1+$0x0], $0xffff;
	_ =	sdelay $0x5  }
0x1dd: {  	[tilespmem:s15+$0x1B810] =	vst v2;
	v2 =	vld [tilespmem:s15+$0x19830]  }
0x1de: {  	v1 =	vld.idx.msk [tilespmem:v1+s1+$0x0], $0xffff;
	_ =	sdelay $0x5  }
0x1df: {  	[tilespmem:s15+$0x1B820] =	vst v1;
	v1 =	vld [tilespmem:s15+$0x19840]  }
0x1e0: {  	v2 =	vld.idx.msk [tilespmem:v2+s1+$0x0], $0xffff;
	_ =	sdelay $0x5  }
0x1e1: {  	[tilespmem:s15+$0x1B830] =	vst v2;
	v2 =	vld [tilespmem:s15+$0x19850]  }
0x1e2: {  	v1 =	vld.idx.msk [tilespmem:v1+s1+$0x0], $0xffff;
	_ =	sdelay $0x5  }
0x1e3: {  	[tilespmem:s15+$0x1B840] =	vst v1;
	v1 =	vld [tilespmem:s15+$0x19854]  }
0x1e4: {  	v2 =	vld.idx.msk [tilespmem:v2+s1+$0x0], $0xffff  }
.Ltmp7:
0x1e5: {  	(pc) =	sbr.rel @p0 .LBB2_16-.Ltmp7, $2  }
0x1e6: {  	_ =	sdelay $0x2  }
0x1e7: {  	s17 =	sshra.s32 s16, $0x2;
	s16 =	sadd.s32 $0x200, s16  }
0x1e8: {  	_ =	sdelay $0x1  }
0x1e9: {  	v3 =	vld [tilespmem:s17+$0x19800]  }
0x1ea: {  	[tilespmem:s15+$0x1B850] =	vst v2  }
0x1eb: {  	v1 =	vld.idx.msk [tilespmem:v1+s1+$0x0], $0xffff;
	_ =	sdelay $0x4  }
0x1ec: {  	v2 =	vld [tilespmem:s17+$0x19810];
	[tilespmem:s15+$0x1B854] =	vst v1  }
0x1ed: {  	v1 =	vld.idx.msk [tilespmem:v3+s1+$0x0], $0xffff;
	_ =	sdelay $0x4  }
0x1ee: {  	[tilespmem:s17+$0x1B800] =	vst v1;
	v1 =	vld [tilespmem:s17+$0x19820];
	_ =	sdelay $0x1  }
0x1ef: {  	v2 =	vld.idx.msk [tilespmem:v2+s1+$0x0], $0xffff;
	_ =	sdelay $0x4  }
0x1f0: {  	[tilespmem:s17+$0x1B810] =	vst v2;
	v2 =	vld [tilespmem:s17+$0x19830]  }
0x1f1: {  	v1 =	vld.idx.msk [tilespmem:v1+s1+$0x0], $0xffff;
	_ =	sdelay $0x4  }
0x1f2: {  	[tilespmem:s17+$0x1B820] =	vst v1;
	v1 =	vld [tilespmem:s17+$0x19840];
	_ =	sdelay $0x1  }
0x1f3: {  	v2 =	vld.idx.msk [tilespmem:v2+s1+$0x0], $0xffff;
	_ =	sdelay $0x4  }
0x1f4: {  	[tilespmem:s17+$0x1B830] =	vst v2;
	v2 =	vld [tilespmem:s17+$0x19850]  }
0x1f5: {  	v1 =	vld.idx.msk [tilespmem:v1+s1+$0x0], $0xffff;
	_ =	sdelay $0x4  }
0x1f6: {  	[tilespmem:s17+$0x1B840] =	vst v1;
	v1 =	vld [tilespmem:s17+$0x19854];
	_ =	sdelay $0x1  }
0x1f7: {  	v2 =	vld.idx.msk [tilespmem:v2+s1+$0x0], $0xffff;
	_ =	sdelay $0x4  }
0x1f8: {  	[tilespmem:s17+$0x1B850] =	vst v2  }
0x1f9: {  	v1 =	vld.idx.msk [tilespmem:v1+s1+$0x0], $0xffff;
	_ =	sdelay $0x4  }
0x1fa: {  	s16 =	rddreg [dreg:$0x11];
	s15 =	simm.s32 $0x0;
	[tilespmem:s17+$0x1B854] =	vst v1  }
0x1fb: {  	[hbm4b:s16+s15] =	stream.linear.scatter [tilespmem:s11], [sflag:$0x5], $0x1000, $0x38;
	[tilespmem:$0x1C800] =	vst v63  }
0x1fc: {  	s17 =	rddreg [dreg:$0x12]  }
0x1fd: {  	[tilespmem:s6], [sflag:$0x3] =	stream.linear.gather [hbm4b:s17+s15], $0x1000, $0x38;
	[tilespmem:$0x1C800] =	vst v63  }
0x1fe: {  	_ =	swait.ge [sflag:s8], $0x1000  }
0x1ff: {  	[sflag:s8] =	ssyncset.done $0x0  }
0x200: {  	[sflag:s8] =	ssyncadd.s32 $0xFFFFF000  }
0x201: {  	_ =	swait.ge [sflag:s12], $0x1000  }
0x202: {  	[sflag:s12] =	ssyncset.done $0x0  }
0x203: {  	s15 =	simm.s32 $0x0;
	[sflag:s12] =	ssyncadd.s32 $0xFFFFF000  }
0x204: {  	v1 =	vld [tilespmem:s15+$0x18800];
	_ =	sdelay $0x6  }
0x205: {  	v2 =	vld [tilespmem:s15+$0x18810]  }
0x206: {  	v1 =	vld.idx.msk [tilespmem:v1+s1+$0x0], $0xffff;
	_ =	sdelay $0x4  }
0x207: {  	[tilespmem:s15+$0x1A800] =	vst v1;
	v1 =	vld [tilespmem:s15+$0x18820];
	_ =	sdelay $0x1  }
0x208: {  	v2 =	vld.idx.msk [tilespmem:v2+s1+$0x0], $0xffff;
	_ =	sdelay $0x4  }
0x209: {  	[tilespmem:s15+$0x1A810] =	vst v2;
	v2 =	vld [tilespmem:s15+$0x18830]  }
0x20a: {  	v1 =	vld.idx.msk [tilespmem:v1+s1+$0x0], $0xffff;
	_ =	sdelay $0x4  }
0x20b: {  	[tilespmem:s15+$0x1A820] =	vst v1;
	v1 =	vld [tilespmem:s15+$0x18840];
	_ =	sdelay $0x1  }
0x20c: {  	v2 =	vld.idx.msk [tilespmem:v2+s1+$0x0], $0xffff;
	_ =	sdelay $0x4  }
0x20d: {  	[tilespmem:s15+$0x1A830] =	vst v2;
	v2 =	vld [tilespmem:s15+$0x18850]  }
0x20e: {  	v1 =	vld.idx.msk [tilespmem:v1+s1+$0x0], $0xffff;
	_ =	sdelay $0x4  }
0x20f: {  	[tilespmem:s15+$0x1A840] =	vst v1;
	v1 =	vld [tilespmem:s15+$0x18854];
	_ =	sdelay $0x1  }
0x210: {  	v2 =	vld.idx.msk [tilespmem:v2+s1+$0x0], $0xffff;
	_ =	sdelay $0x3  }
0x211: {  	s16 =	simm.s32 $0x400;
	s17 =	simm.s32 $0x80  }
.LBB2_18:
0x212: {  	p0 =	sne.s32 s16, $0x3E00;
	v3 =	vld [tilespmem:s17+$0x18800];
	[tilespmem:s15+$0x1A850] =	vst v2  }
0x213: {  	v1 =	vld.idx.msk [tilespmem:v1+s1+$0x0], $0xffff;
	_ =	sdelay $0x5  }
0x214: {  	v2 =	vld [tilespmem:s17+$0x18810];
	[tilespmem:s15+$0x1A854] =	vst v1;
	s15 =	smov.u32 s17  }
0x215: {  	v1 =	vld.idx.msk [tilespmem:v3+s1+$0x0], $0xffff;
	_ =	sdelay $0x5  }
0x216: {  	[tilespmem:s15+$0x1A800] =	vst v1;
	v1 =	vld [tilespmem:s15+$0x18820]  }
0x217: {  	v2 =	vld.idx.msk [tilespmem:v2+s1+$0x0], $0xffff;
	_ =	sdelay $0x5  }
0x218: {  	[tilespmem:s15+$0x1A810] =	vst v2;
	v2 =	vld [tilespmem:s15+$0x18830]  }
0x219: {  	v1 =	vld.idx.msk [tilespmem:v1+s1+$0x0], $0xffff;
	_ =	sdelay $0x5  }
0x21a: {  	[tilespmem:s15+$0x1A820] =	vst v1;
	v1 =	vld [tilespmem:s15+$0x18840]  }
0x21b: {  	v2 =	vld.idx.msk [tilespmem:v2+s1+$0x0], $0xffff;
	_ =	sdelay $0x5  }
0x21c: {  	[tilespmem:s15+$0x1A830] =	vst v2;
	v2 =	vld [tilespmem:s15+$0x18850]  }
0x21d: {  	v1 =	vld.idx.msk [tilespmem:v1+s1+$0x0], $0xffff;
	_ =	sdelay $0x5  }
0x21e: {  	[tilespmem:s15+$0x1A840] =	vst v1;
	v1 =	vld [tilespmem:s15+$0x18854]  }
0x21f: {  	v2 =	vld.idx.msk [tilespmem:v2+s1+$0x0], $0xffff  }
.Ltmp8:
0x220: {  	(pc) =	sbr.rel @p0 .LBB2_18-.Ltmp8, $2  }
0x221: {  	_ =	sdelay $0x2  }
0x222: {  	s17 =	sshra.s32 s16, $0x2;
	s16 =	sadd.s32 $0x200, s16  }
0x223: {  	_ =	sdelay $0x1  }
0x224: {  	v3 =	vld [tilespmem:s17+$0x18800]  }
0x225: {  	[tilespmem:s15+$0x1A850] =	vst v2  }
0x226: {  	v1 =	vld.idx.msk [tilespmem:v1+s1+$0x0], $0xffff;
	_ =	sdelay $0x4  }
0x227: {  	v2 =	vld [tilespmem:s17+$0x18810];
	[tilespmem:s15+$0x1A854] =	vst v1  }
0x228: {  	v1 =	vld.idx.msk [tilespmem:v3+s1+$0x0], $0xffff;
	_ =	sdelay $0x4  }
0x229: {  	[tilespmem:s17+$0x1A800] =	vst v1;
	v1 =	vld [tilespmem:s17+$0x18820];
	_ =	sdelay $0x1  }
0x22a: {  	v2 =	vld.idx.msk [tilespmem:v2+s1+$0x0], $0xffff;
	_ =	sdelay $0x4  }
0x22b: {  	[tilespmem:s17+$0x1A810] =	vst v2;
	v2 =	vld [tilespmem:s17+$0x18830]  }
0x22c: {  	v1 =	vld.idx.msk [tilespmem:v1+s1+$0x0], $0xffff;
	_ =	sdelay $0x4  }
0x22d: {  	[tilespmem:s17+$0x1A820] =	vst v1;
	v1 =	vld [tilespmem:s17+$0x18840];
	_ =	sdelay $0x1  }
0x22e: {  	v2 =	vld.idx.msk [tilespmem:v2+s1+$0x0], $0xffff;
	_ =	sdelay $0x4  }
0x22f: {  	[tilespmem:s17+$0x1A830] =	vst v2;
	v2 =	vld [tilespmem:s17+$0x18850]  }
0x230: {  	v1 =	vld.idx.msk [tilespmem:v1+s1+$0x0], $0xffff;
	_ =	sdelay $0x4  }
0x231: {  	[tilespmem:s17+$0x1A840] =	vst v1;
	v1 =	vld [tilespmem:s17+$0x18854];
	_ =	sdelay $0x1  }
0x232: {  	v2 =	vld.idx.msk [tilespmem:v2+s1+$0x0], $0xffff;
	_ =	sdelay $0x4  }
0x233: {  	[tilespmem:s17+$0x1A850] =	vst v2  }
0x234: {  	v1 =	vld.idx.msk [tilespmem:v1+s1+$0x0], $0xffff;
	_ =	sdelay $0x4  }
0x235: {  	[tilespmem:s17+$0x1A854] =	vst v1;
	s17 =	simm.s32 $0x0  }
0x236: {  	[hbm4b:s18+s17] =	stream.linear.scatter [tilespmem:s9], [sflag:$0x4], $0x1000, $0x38;
	[tilespmem:$0x1C800] =	vst v63  }
0x237: {  	_ = 	snop  }
0x238: {  	[tilespmem:s5], [sflag:$0x2] =	stream.linear.gather [hbm4b:s19+s17], $0x1000, $0x38;
	[tilespmem:$0x1C800] =	vst v63  }
0x239: {  	_ =	swait.ge [sflag:s10], $0x1000  }
0x23a: {  	[sflag:s10] =	ssyncset.done $0x0  }
0x23b: {  	[sflag:s10] =	ssyncadd.s32 $0xFFFFF000  }
0x23c: {  	_ =	swait.ge [sflag:s13], $0x1000  }
0x23d: {  	[sflag:s13] =	ssyncset.done $0x0  }
0x23e: {  	s15 =	simm.s32 $0x0;
	[sflag:s13] =	ssyncadd.s32 $0xFFFFF000  }
0x23f: {  	v1 =	vld [tilespmem:s15+$0x19800];
	_ =	sdelay $0x6  }
0x240: {  	v2 =	vld [tilespmem:s15+$0x19810]  }
0x241: {  	v1 =	vld.idx.msk [tilespmem:v1+s1+$0x0], $0xffff;
	_ =	sdelay $0x4  }
0x242: {  	[tilespmem:s15+$0x1B800] =	vst v1;
	v1 =	vld [tilespmem:s15+$0x19820];
	_ =	sdelay $0x1  }
0x243: {  	v2 =	vld.idx.msk [tilespmem:v2+s1+$0x0], $0xffff;
	_ =	sdelay $0x4  }
0x244: {  	[tilespmem:s15+$0x1B810] =	vst v2;
	v2 =	vld [tilespmem:s15+$0x19830]  }
0x245: {  	v1 =	vld.idx.msk [tilespmem:v1+s1+$0x0], $0xffff;
	_ =	sdelay $0x4  }
0x246: {  	[tilespmem:s15+$0x1B820] =	vst v1;
	v1 =	vld [tilespmem:s15+$0x19840];
	_ =	sdelay $0x1  }
0x247: {  	v2 =	vld.idx.msk [tilespmem:v2+s1+$0x0], $0xffff;
	_ =	sdelay $0x4  }
0x248: {  	[tilespmem:s15+$0x1B830] =	vst v2;
	v2 =	vld [tilespmem:s15+$0x19850]  }
0x249: {  	v1 =	vld.idx.msk [tilespmem:v1+s1+$0x0], $0xffff;
	_ =	sdelay $0x4  }
0x24a: {  	[tilespmem:s15+$0x1B840] =	vst v1;
	v1 =	vld [tilespmem:s15+$0x19854];
	_ =	sdelay $0x1  }
0x24b: {  	v2 =	vld.idx.msk [tilespmem:v2+s1+$0x0], $0xffff;
	_ =	sdelay $0x3  }
0x24c: {  	s16 =	simm.s32 $0x400;
	s17 =	simm.s32 $0x80  }
.LBB2_20:
0x24d: {  	p0 =	sne.s32 s16, $0x3E00;
	v3 =	vld [tilespmem:s17+$0x19800];
	[tilespmem:s15+$0x1B850] =	vst v2  }
0x24e: {  	v1 =	vld.idx.msk [tilespmem:v1+s1+$0x0], $0xffff;
	_ =	sdelay $0x5  }
0x24f: {  	v2 =	vld [tilespmem:s17+$0x19810];
	[tilespmem:s15+$0x1B854] =	vst v1;
	s15 =	smov.u32 s17  }
0x250: {  	v1 =	vld.idx.msk [tilespmem:v3+s1+$0x0], $0xffff;
	_ =	sdelay $0x5  }
0x251: {  	[tilespmem:s15+$0x1B800] =	vst v1;
	v1 =	vld [tilespmem:s15+$0x19820]  }
0x252: {  	v2 =	vld.idx.msk [tilespmem:v2+s1+$0x0], $0xffff;
	_ =	sdelay $0x5  }
0x253: {  	[tilespmem:s15+$0x1B810] =	vst v2;
	v2 =	vld [tilespmem:s15+$0x19830]  }
0x254: {  	v1 =	vld.idx.msk [tilespmem:v1+s1+$0x0], $0xffff;
	_ =	sdelay $0x5  }
0x255: {  	[tilespmem:s15+$0x1B820] =	vst v1;
	v1 =	vld [tilespmem:s15+$0x19840]  }
0x256: {  	v2 =	vld.idx.msk [tilespmem:v2+s1+$0x0], $0xffff;
	_ =	sdelay $0x5  }
0x257: {  	[tilespmem:s15+$0x1B830] =	vst v2;
	v2 =	vld [tilespmem:s15+$0x19850]  }
0x258: {  	v1 =	vld.idx.msk [tilespmem:v1+s1+$0x0], $0xffff;
	_ =	sdelay $0x5  }
0x259: {  	[tilespmem:s15+$0x1B840] =	vst v1;
	v1 =	vld [tilespmem:s15+$0x19854]  }
0x25a: {  	v2 =	vld.idx.msk [tilespmem:v2+s1+$0x0], $0xffff  }
.Ltmp9:
0x25b: {  	(pc) =	sbr.rel @p0 .LBB2_20-.Ltmp9, $2  }
0x25c: {  	_ =	sdelay $0x2  }
0x25d: {  	s17 =	sshra.s32 s16, $0x2;
	s16 =	sadd.s32 $0x200, s16  }
0x25e: {  	_ =	sdelay $0x1  }
0x25f: {  	v3 =	vld [tilespmem:s17+$0x19800]  }
0x260: {  	[tilespmem:s15+$0x1B850] =	vst v2  }
0x261: {  	v1 =	vld.idx.msk [tilespmem:v1+s1+$0x0], $0xffff;
	_ =	sdelay $0x4  }
0x262: {  	v2 =	vld [tilespmem:s17+$0x19810];
	[tilespmem:s15+$0x1B854] =	vst v1  }
0x263: {  	v1 =	vld.idx.msk [tilespmem:v3+s1+$0x0], $0xffff;
	_ =	sdelay $0x4  }
0x264: {  	[tilespmem:s17+$0x1B800] =	vst v1;
	v1 =	vld [tilespmem:s17+$0x19820];
	_ =	sdelay $0x1  }
0x265: {  	v2 =	vld.idx.msk [tilespmem:v2+s1+$0x0], $0xffff;
	_ =	sdelay $0x4  }
0x266: {  	[tilespmem:s17+$0x1B810] =	vst v2;
	v2 =	vld [tilespmem:s17+$0x19830]  }
0x267: {  	v1 =	vld.idx.msk [tilespmem:v1+s1+$0x0], $0xffff;
	_ =	sdelay $0x4  }
0x268: {  	[tilespmem:s17+$0x1B820] =	vst v1;
	v1 =	vld [tilespmem:s17+$0x19840];
	_ =	sdelay $0x1  }
0x269: {  	v2 =	vld.idx.msk [tilespmem:v2+s1+$0x0], $0xffff;
	_ =	sdelay $0x4  }
0x26a: {  	[tilespmem:s17+$0x1B830] =	vst v2;
	v2 =	vld [tilespmem:s17+$0x19850]  }
0x26b: {  	v1 =	vld.idx.msk [tilespmem:v1+s1+$0x0], $0xffff;
	_ =	sdelay $0x4  }
0x26c: {  	[tilespmem:s17+$0x1B840] =	vst v1;
	v1 =	vld [tilespmem:s17+$0x19854];
	_ =	sdelay $0x1  }
0x26d: {  	v2 =	vld.idx.msk [tilespmem:v2+s1+$0x0], $0xffff;
	_ =	sdelay $0x4  }
0x26e: {  	[tilespmem:s17+$0x1B850] =	vst v2  }
0x26f: {  	v1 =	vld.idx.msk [tilespmem:v1+s1+$0x0], $0xffff;
	_ =	sdelay $0x4  }
0x270: {  	[tilespmem:s17+$0x1B854] =	vst v1;
	s17 =	simm.s32 $0x0  }
0x271: {  	[hbm4b:s20+s17] =	stream.linear.scatter [tilespmem:s11], [sflag:$0x5], $0x1000, $0x38;
	[tilespmem:$0x1C800] =	vst v63  }
0x272: {  	_ = 	snop  }
0x273: {  	[tilespmem:s6], [sflag:$0x3] =	stream.linear.gather [hbm4b:s22+s17], $0x1000, $0x38;
	[tilespmem:$0x1C800] =	vst v63  }
0x274: {  	_ =	swait.ge [sflag:s8], $0x1000  }
0x275: {  	[sflag:s8] =	ssyncset.done $0x0  }
0x276: {  	[sflag:s8] =	ssyncadd.s32 $0xFFFFF000  }
0x277: {  	_ =	swait.ge [sflag:s12], $0x1000  }
0x278: {  	[sflag:s12] =	ssyncset.done $0x0  }
0x279: {  	s15 =	simm.s32 $0x0;
	[sflag:s12] =	ssyncadd.s32 $0xFFFFF000  }
0x27a: {  	v1 =	vld [tilespmem:s15+$0x18800];
	_ =	sdelay $0x6  }
0x27b: {  	v2 =	vld [tilespmem:s15+$0x18810]  }
0x27c: {  	v1 =	vld.idx.msk [tilespmem:v1+s1+$0x0], $0xffff;
	_ =	sdelay $0x4  }
0x27d: {  	[tilespmem:s15+$0x1A800] =	vst v1;
	v1 =	vld [tilespmem:s15+$0x18820];
	_ =	sdelay $0x1  }
0x27e: {  	v2 =	vld.idx.msk [tilespmem:v2+s1+$0x0], $0xffff;
	_ =	sdelay $0x4  }
0x27f: {  	[tilespmem:s15+$0x1A810] =	vst v2;
	v2 =	vld [tilespmem:s15+$0x18830]  }
0x280: {  	v1 =	vld.idx.msk [tilespmem:v1+s1+$0x0], $0xffff;
	_ =	sdelay $0x4  }
0x281: {  	[tilespmem:s15+$0x1A820] =	vst v1;
	v1 =	vld [tilespmem:s15+$0x18840];
	_ =	sdelay $0x1  }
0x282: {  	v2 =	vld.idx.msk [tilespmem:v2+s1+$0x0], $0xffff;
	_ =	sdelay $0x4  }
0x283: {  	[tilespmem:s15+$0x1A830] =	vst v2;
	v2 =	vld [tilespmem:s15+$0x18850]  }
0x284: {  	v1 =	vld.idx.msk [tilespmem:v1+s1+$0x0], $0xffff;
	_ =	sdelay $0x4  }
0x285: {  	[tilespmem:s15+$0x1A840] =	vst v1;
	v1 =	vld [tilespmem:s15+$0x18854];
	_ =	sdelay $0x1  }
0x286: {  	v2 =	vld.idx.msk [tilespmem:v2+s1+$0x0], $0xffff;
	_ =	sdelay $0x3  }
0x287: {  	s16 =	simm.s32 $0x400;
	s17 =	simm.s32 $0x80  }
.LBB2_22:
0x288: {  	p0 =	sne.s32 s16, $0x3E00;
	v3 =	vld [tilespmem:s17+$0x18800];
	[tilespmem:s15+$0x1A850] =	vst v2  }
0x289: {  	v1 =	vld.idx.msk [tilespmem:v1+s1+$0x0], $0xffff;
	_ =	sdelay $0x5  }
0x28a: {  	v2 =	vld [tilespmem:s17+$0x18810];
	[tilespmem:s15+$0x1A854] =	vst v1;
	s15 =	smov.u32 s17  }
0x28b: {  	v1 =	vld.idx.msk [tilespmem:v3+s1+$0x0], $0xffff;
	_ =	sdelay $0x5  }
0x28c: {  	[tilespmem:s15+$0x1A800] =	vst v1;
	v1 =	vld [tilespmem:s15+$0x18820]  }
0x28d: {  	v2 =	vld.idx.msk [tilespmem:v2+s1+$0x0], $0xffff;
	_ =	sdelay $0x5  }
0x28e: {  	[tilespmem:s15+$0x1A810] =	vst v2;
	v2 =	vld [tilespmem:s15+$0x18830]  }
0x28f: {  	v1 =	vld.idx.msk [tilespmem:v1+s1+$0x0], $0xffff;
	_ =	sdelay $0x5  }
0x290: {  	[tilespmem:s15+$0x1A820] =	vst v1;
	v1 =	vld [tilespmem:s15+$0x18840]  }
0x291: {  	v2 =	vld.idx.msk [tilespmem:v2+s1+$0x0], $0xffff;
	_ =	sdelay $0x5  }
0x292: {  	[tilespmem:s15+$0x1A830] =	vst v2;
	v2 =	vld [tilespmem:s15+$0x18850]  }
0x293: {  	v1 =	vld.idx.msk [tilespmem:v1+s1+$0x0], $0xffff;
	_ =	sdelay $0x5  }
0x294: {  	[tilespmem:s15+$0x1A840] =	vst v1;
	v1 =	vld [tilespmem:s15+$0x18854]  }
0x295: {  	v2 =	vld.idx.msk [tilespmem:v2+s1+$0x0], $0xffff  }
.Ltmp10:
0x296: {  	(pc) =	sbr.rel @p0 .LBB2_22-.Ltmp10, $2  }
0x297: {  	_ =	sdelay $0x2  }
0x298: {  	s17 =	sshra.s32 s16, $0x2;
	s16 =	sadd.s32 $0x200, s16  }
0x299: {  	_ =	sdelay $0x1  }
0x29a: {  	v3 =	vld [tilespmem:s17+$0x18800]  }
0x29b: {  	[tilespmem:s15+$0x1A850] =	vst v2  }
0x29c: {  	v1 =	vld.idx.msk [tilespmem:v1+s1+$0x0], $0xffff;
	_ =	sdelay $0x4  }
0x29d: {  	v2 =	vld [tilespmem:s17+$0x18810];
	[tilespmem:s15+$0x1A854] =	vst v1  }
0x29e: {  	v1 =	vld.idx.msk [tilespmem:v3+s1+$0x0], $0xffff;
	_ =	sdelay $0x4  }
0x29f: {  	[tilespmem:s17+$0x1A800] =	vst v1;
	v1 =	vld [tilespmem:s17+$0x18820];
	_ =	sdelay $0x1  }
0x2a0: {  	v2 =	vld.idx.msk [tilespmem:v2+s1+$0x0], $0xffff;
	_ =	sdelay $0x4  }
0x2a1: {  	[tilespmem:s17+$0x1A810] =	vst v2;
	v2 =	vld [tilespmem:s17+$0x18830]  }
0x2a2: {  	v1 =	vld.idx.msk [tilespmem:v1+s1+$0x0], $0xffff;
	_ =	sdelay $0x4  }
0x2a3: {  	[tilespmem:s17+$0x1A820] =	vst v1;
	v1 =	vld [tilespmem:s17+$0x18840];
	_ =	sdelay $0x1  }
0x2a4: {  	v2 =	vld.idx.msk [tilespmem:v2+s1+$0x0], $0xffff;
	_ =	sdelay $0x4  }
0x2a5: {  	[tilespmem:s17+$0x1A830] =	vst v2;
	v2 =	vld [tilespmem:s17+$0x18850]  }
0x2a6: {  	v1 =	vld.idx.msk [tilespmem:v1+s1+$0x0], $0xffff;
	_ =	sdelay $0x4  }
0x2a7: {  	[tilespmem:s17+$0x1A840] =	vst v1;
	v1 =	vld [tilespmem:s17+$0x18854];
	_ =	sdelay $0x1  }
0x2a8: {  	v2 =	vld.idx.msk [tilespmem:v2+s1+$0x0], $0xffff;
	_ =	sdelay $0x4  }
0x2a9: {  	[tilespmem:s17+$0x1A850] =	vst v2  }
0x2aa: {  	v1 =	vld.idx.msk [tilespmem:v1+s1+$0x0], $0xffff;
	_ =	sdelay $0x4  }
0x2ab: {  	[tilespmem:s17+$0x1A854] =	vst v1;
	s17 =	simm.s32 $0x0  }
0x2ac: {  	[hbm4b:s21+s17] =	stream.linear.scatter [tilespmem:s9], [sflag:$0x4], $0x1000, $0x38;
	[tilespmem:$0x1C800] =	vst v63  }
0x2ad: {  	_ = 	snop  }
0x2ae: {  	[tilespmem:s5], [sflag:$0x2] =	stream.linear.gather [hbm4b:s24+s17], $0x1000, $0x38;
	[tilespmem:$0x1C800] =	vst v63  }
0x2af: {  	_ =	swait.ge [sflag:s10], $0x1000  }
0x2b0: {  	[sflag:s10] =	ssyncset.done $0x0  }
0x2b1: {  	[sflag:s10] =	ssyncadd.s32 $0xFFFFF000  }
0x2b2: {  	_ =	swait.ge [sflag:s13], $0x1000  }
0x2b3: {  	[sflag:s13] =	ssyncset.done $0x0  }
0x2b4: {  	s15 =	simm.s32 $0x0;
	[sflag:s13] =	ssyncadd.s32 $0xFFFFF000  }
0x2b5: {  	v1 =	vld [tilespmem:s15+$0x19800];
	_ =	sdelay $0x6  }
0x2b6: {  	v2 =	vld [tilespmem:s15+$0x19810]  }
0x2b7: {  	v1 =	vld.idx.msk [tilespmem:v1+s1+$0x0], $0xffff;
	_ =	sdelay $0x4  }
0x2b8: {  	[tilespmem:s15+$0x1B800] =	vst v1;
	v1 =	vld [tilespmem:s15+$0x19820];
	_ =	sdelay $0x1  }
0x2b9: {  	v2 =	vld.idx.msk [tilespmem:v2+s1+$0x0], $0xffff;
	_ =	sdelay $0x4  }
0x2ba: {  	[tilespmem:s15+$0x1B810] =	vst v2;
	v2 =	vld [tilespmem:s15+$0x19830]  }
0x2bb: {  	v1 =	vld.idx.msk [tilespmem:v1+s1+$0x0], $0xffff;
	_ =	sdelay $0x4  }
0x2bc: {  	[tilespmem:s15+$0x1B820] =	vst v1;
	v1 =	vld [tilespmem:s15+$0x19840];
	_ =	sdelay $0x1  }
0x2bd: {  	v2 =	vld.idx.msk [tilespmem:v2+s1+$0x0], $0xffff;
	_ =	sdelay $0x4  }
0x2be: {  	[tilespmem:s15+$0x1B830] =	vst v2;
	v2 =	vld [tilespmem:s15+$0x19850]  }
0x2bf: {  	v1 =	vld.idx.msk [tilespmem:v1+s1+$0x0], $0xffff;
	_ =	sdelay $0x4  }
0x2c0: {  	[tilespmem:s15+$0x1B840] =	vst v1;
	v1 =	vld [tilespmem:s15+$0x19854];
	_ =	sdelay $0x1  }
0x2c1: {  	v2 =	vld.idx.msk [tilespmem:v2+s1+$0x0], $0xffff;
	_ =	sdelay $0x3  }
0x2c2: {  	s16 =	simm.s32 $0x400;
	s17 =	simm.s32 $0x80  }
.LBB2_24:
0x2c3: {  	p0 =	sne.s32 s16, $0x3E00;
	v3 =	vld [tilespmem:s17+$0x19800];
	[tilespmem:s15+$0x1B850] =	vst v2  }
0x2c4: {  	v1 =	vld.idx.msk [tilespmem:v1+s1+$0x0], $0xffff;
	_ =	sdelay $0x5  }
0x2c5: {  	v2 =	vld [tilespmem:s17+$0x19810];
	[tilespmem:s15+$0x1B854] =	vst v1;
	s15 =	smov.u32 s17  }
0x2c6: {  	v1 =	vld.idx.msk [tilespmem:v3+s1+$0x0], $0xffff;
	_ =	sdelay $0x5  }
0x2c7: {  	[tilespmem:s15+$0x1B800] =	vst v1;
	v1 =	vld [tilespmem:s15+$0x19820]  }
0x2c8: {  	v2 =	vld.idx.msk [tilespmem:v2+s1+$0x0], $0xffff;
	_ =	sdelay $0x5  }
0x2c9: {  	[tilespmem:s15+$0x1B810] =	vst v2;
	v2 =	vld [tilespmem:s15+$0x19830]  }
0x2ca: {  	v1 =	vld.idx.msk [tilespmem:v1+s1+$0x0], $0xffff;
	_ =	sdelay $0x5  }
0x2cb: {  	[tilespmem:s15+$0x1B820] =	vst v1;
	v1 =	vld [tilespmem:s15+$0x19840]  }
0x2cc: {  	v2 =	vld.idx.msk [tilespmem:v2+s1+$0x0], $0xffff;
	_ =	sdelay $0x5  }
0x2cd: {  	[tilespmem:s15+$0x1B830] =	vst v2;
	v2 =	vld [tilespmem:s15+$0x19850]  }
0x2ce: {  	v1 =	vld.idx.msk [tilespmem:v1+s1+$0x0], $0xffff;
	_ =	sdelay $0x5  }
0x2cf: {  	[tilespmem:s15+$0x1B840] =	vst v1;
	v1 =	vld [tilespmem:s15+$0x19854]  }
0x2d0: {  	v2 =	vld.idx.msk [tilespmem:v2+s1+$0x0], $0xffff  }
.Ltmp11:
0x2d1: {  	(pc) =	sbr.rel @p0 .LBB2_24-.Ltmp11, $2  }
0x2d2: {  	_ =	sdelay $0x2  }
0x2d3: {  	s17 =	sshra.s32 s16, $0x2;
	s16 =	sadd.s32 $0x200, s16  }
0x2d4: {  	_ =	sdelay $0x1  }
0x2d5: {  	v3 =	vld [tilespmem:s17+$0x19800]  }
0x2d6: {  	[tilespmem:s15+$0x1B850] =	vst v2  }
0x2d7: {  	v1 =	vld.idx.msk [tilespmem:v1+s1+$0x0], $0xffff;
	_ =	sdelay $0x4  }
0x2d8: {  	v2 =	vld [tilespmem:s17+$0x19810];
	[tilespmem:s15+$0x1B854] =	vst v1  }
0x2d9: {  	v1 =	vld.idx.msk [tilespmem:v3+s1+$0x0], $0xffff;
	_ =	sdelay $0x4  }
0x2da: {  	[tilespmem:s17+$0x1B800] =	vst v1;
	v1 =	vld [tilespmem:s17+$0x19820];
	_ =	sdelay $0x1  }
0x2db: {  	v2 =	vld.idx.msk [tilespmem:v2+s1+$0x0], $0xffff;
	_ =	sdelay $0x4  }
0x2dc: {  	[tilespmem:s17+$0x1B810] =	vst v2;
	v2 =	vld [tilespmem:s17+$0x19830]  }
0x2dd: {  	v1 =	vld.idx.msk [tilespmem:v1+s1+$0x0], $0xffff;
	_ =	sdelay $0x4  }
0x2de: {  	[tilespmem:s17+$0x1B820] =	vst v1;
	v1 =	vld [tilespmem:s17+$0x19840];
	_ =	sdelay $0x1  }
0x2df: {  	v2 =	vld.idx.msk [tilespmem:v2+s1+$0x0], $0xffff;
	_ =	sdelay $0x4  }
0x2e0: {  	[tilespmem:s17+$0x1B830] =	vst v2;
	v2 =	vld [tilespmem:s17+$0x19850]  }
0x2e1: {  	v1 =	vld.idx.msk [tilespmem:v1+s1+$0x0], $0xffff;
	_ =	sdelay $0x4  }
0x2e2: {  	[tilespmem:s17+$0x1B840] =	vst v1;
	v1 =	vld [tilespmem:s17+$0x19854];
	_ =	sdelay $0x1  }
0x2e3: {  	v2 =	vld.idx.msk [tilespmem:v2+s1+$0x0], $0xffff;
	_ =	sdelay $0x4  }
0x2e4: {  	[tilespmem:s17+$0x1B850] =	vst v2  }
0x2e5: {  	v1 =	vld.idx.msk [tilespmem:v1+s1+$0x0], $0xffff;
	_ =	sdelay $0x4  }
0x2e6: {  	[tilespmem:s17+$0x1B854] =	vst v1;
	s17 =	simm.s32 $0x0  }
0x2e7: {  	[hbm4b:s23+s17] =	stream.linear.scatter [tilespmem:s11], [sflag:$0x5], $0x1000, $0x38;
	[tilespmem:$0x1C800] =	vst v63  }
0x2e8: {  	_ = 	snop  }
0x2e9: {  	[tilespmem:s6], [sflag:$0x3] =	stream.linear.gather [hbm4b:s26+s17], $0x1000, $0x38;
	[tilespmem:$0x1C800] =	vst v63  }
0x2ea: {  	_ =	swait.ge [sflag:s8], $0x1000  }
0x2eb: {  	[sflag:s8] =	ssyncset.done $0x0  }
0x2ec: {  	[sflag:s8] =	ssyncadd.s32 $0xFFFFF000  }
0x2ed: {  	_ =	swait.ge [sflag:s12], $0x1000  }
0x2ee: {  	[sflag:s12] =	ssyncset.done $0x0  }
0x2ef: {  	s15 =	simm.s32 $0x0;
	[sflag:s12] =	ssyncadd.s32 $0xFFFFF000  }
0x2f0: {  	v1 =	vld [tilespmem:s15+$0x18800];
	_ =	sdelay $0x6  }
0x2f1: {  	v2 =	vld [tilespmem:s15+$0x18810]  }
0x2f2: {  	v1 =	vld.idx.msk [tilespmem:v1+s1+$0x0], $0xffff;
	_ =	sdelay $0x4  }
0x2f3: {  	[tilespmem:s15+$0x1A800] =	vst v1;
	v1 =	vld [tilespmem:s15+$0x18820];
	_ =	sdelay $0x1  }
0x2f4: {  	v2 =	vld.idx.msk [tilespmem:v2+s1+$0x0], $0xffff;
	_ =	sdelay $0x4  }
0x2f5: {  	[tilespmem:s15+$0x1A810] =	vst v2;
	v2 =	vld [tilespmem:s15+$0x18830]  }
0x2f6: {  	v1 =	vld.idx.msk [tilespmem:v1+s1+$0x0], $0xffff;
	_ =	sdelay $0x4  }
0x2f7: {  	[tilespmem:s15+$0x1A820] =	vst v1;
	v1 =	vld [tilespmem:s15+$0x18840];
	_ =	sdelay $0x1  }
0x2f8: {  	v2 =	vld.idx.msk [tilespmem:v2+s1+$0x0], $0xffff;
	_ =	sdelay $0x4  }
0x2f9: {  	[tilespmem:s15+$0x1A830] =	vst v2;
	v2 =	vld [tilespmem:s15+$0x18850]  }
0x2fa: {  	v1 =	vld.idx.msk [tilespmem:v1+s1+$0x0], $0xffff;
	_ =	sdelay $0x4  }
0x2fb: {  	[tilespmem:s15+$0x1A840] =	vst v1;
	v1 =	vld [tilespmem:s15+$0x18854];
	_ =	sdelay $0x1  }
0x2fc: {  	v2 =	vld.idx.msk [tilespmem:v2+s1+$0x0], $0xffff;
	_ =	sdelay $0x3  }
0x2fd: {  	s16 =	simm.s32 $0x400;
	s17 =	simm.s32 $0x80  }
.LBB2_26:
0x2fe: {  	p0 =	sne.s32 s16, $0x3E00;
	v3 =	vld [tilespmem:s17+$0x18800];
	[tilespmem:s15+$0x1A850] =	vst v2  }
0x2ff: {  	v1 =	vld.idx.msk [tilespmem:v1+s1+$0x0], $0xffff;
	_ =	sdelay $0x5  }
0x300: {  	v2 =	vld [tilespmem:s17+$0x18810];
	[tilespmem:s15+$0x1A854] =	vst v1;
	s15 =	smov.u32 s17  }
0x301: {  	v1 =	vld.idx.msk [tilespmem:v3+s1+$0x0], $0xffff;
	_ =	sdelay $0x5  }
0x302: {  	[tilespmem:s15+$0x1A800] =	vst v1;
	v1 =	vld [tilespmem:s15+$0x18820]  }
0x303: {  	v2 =	vld.idx.msk [tilespmem:v2+s1+$0x0], $0xffff;
	_ =	sdelay $0x5  }
0x304: {  	[tilespmem:s15+$0x1A810] =	vst v2;
	v2 =	vld [tilespmem:s15+$0x18830]  }
0x305: {  	v1 =	vld.idx.msk [tilespmem:v1+s1+$0x0], $0xffff;
	_ =	sdelay $0x5  }
0x306: {  	[tilespmem:s15+$0x1A820] =	vst v1;
	v1 =	vld [tilespmem:s15+$0x18840]  }
0x307: {  	v2 =	vld.idx.msk [tilespmem:v2+s1+$0x0], $0xffff;
	_ =	sdelay $0x5  }
0x308: {  	[tilespmem:s15+$0x1A830] =	vst v2;
	v2 =	vld [tilespmem:s15+$0x18850]  }
0x309: {  	v1 =	vld.idx.msk [tilespmem:v1+s1+$0x0], $0xffff;
	_ =	sdelay $0x5  }
0x30a: {  	[tilespmem:s15+$0x1A840] =	vst v1;
	v1 =	vld [tilespmem:s15+$0x18854]  }
0x30b: {  	v2 =	vld.idx.msk [tilespmem:v2+s1+$0x0], $0xffff  }
.Ltmp12:
0x30c: {  	(pc) =	sbr.rel @p0 .LBB2_26-.Ltmp12, $2  }
0x30d: {  	_ =	sdelay $0x2  }
0x30e: {  	s17 =	sshra.s32 s16, $0x2;
	s16 =	sadd.s32 $0x200, s16  }
0x30f: {  	_ =	sdelay $0x1  }
0x310: {  	v3 =	vld [tilespmem:s17+$0x18800]  }
0x311: {  	[tilespmem:s15+$0x1A850] =	vst v2  }
0x312: {  	v1 =	vld.idx.msk [tilespmem:v1+s1+$0x0], $0xffff;
	_ =	sdelay $0x4  }
0x313: {  	v2 =	vld [tilespmem:s17+$0x18810];
	[tilespmem:s15+$0x1A854] =	vst v1  }
0x314: {  	v1 =	vld.idx.msk [tilespmem:v3+s1+$0x0], $0xffff;
	_ =	sdelay $0x4  }
0x315: {  	[tilespmem:s17+$0x1A800] =	vst v1;
	v1 =	vld [tilespmem:s17+$0x18820];
	_ =	sdelay $0x1  }
0x316: {  	v2 =	vld.idx.msk [tilespmem:v2+s1+$0x0], $0xffff;
	_ =	sdelay $0x4  }
0x317: {  	[tilespmem:s17+$0x1A810] =	vst v2;
	v2 =	vld [tilespmem:s17+$0x18830]  }
0x318: {  	v1 =	vld.idx.msk [tilespmem:v1+s1+$0x0], $0xffff;
	_ =	sdelay $0x4  }
0x319: {  	[tilespmem:s17+$0x1A820] =	vst v1;
	v1 =	vld [tilespmem:s17+$0x18840];
	_ =	sdelay $0x1  }
0x31a: {  	v2 =	vld.idx.msk [tilespmem:v2+s1+$0x0], $0xffff;
	_ =	sdelay $0x4  }
0x31b: {  	[tilespmem:s17+$0x1A830] =	vst v2;
	v2 =	vld [tilespmem:s17+$0x18850]  }
0x31c: {  	v1 =	vld.idx.msk [tilespmem:v1+s1+$0x0], $0xffff;
	_ =	sdelay $0x4  }
0x31d: {  	[tilespmem:s17+$0x1A840] =	vst v1;
	v1 =	vld [tilespmem:s17+$0x18854];
	_ =	sdelay $0x1  }
0x31e: {  	v2 =	vld.idx.msk [tilespmem:v2+s1+$0x0], $0xffff;
	_ =	sdelay $0x4  }
0x31f: {  	[tilespmem:s17+$0x1A850] =	vst v2  }
0x320: {  	v1 =	vld.idx.msk [tilespmem:v1+s1+$0x0], $0xffff;
	_ =	sdelay $0x4  }
0x321: {  	[tilespmem:s17+$0x1A854] =	vst v1;
	s17 =	simm.s32 $0x0  }
0x322: {  	[hbm4b:s25+s17] =	stream.linear.scatter [tilespmem:s9], [sflag:$0x4], $0x1000, $0x38;
	[tilespmem:$0x1C800] =	vst v63  }
0x323: {  	_ = 	snop  }
0x324: {  	[tilespmem:s5], [sflag:$0x2] =	stream.linear.gather [hbm4b:s31+s17], $0x1000, $0x38;
	[tilespmem:$0x1C800] =	vst v63  }
0x325: {  	_ =	swait.ge [sflag:s10], $0x1000  }
0x326: {  	[sflag:s10] =	ssyncset.done $0x0  }
0x327: {  	[sflag:s10] =	ssyncadd.s32 $0xFFFFF000  }
0x328: {  	_ =	swait.ge [sflag:s13], $0x1000  }
0x329: {  	[sflag:s13] =	ssyncset.done $0x0  }
0x32a: {  	s15 =	simm.s32 $0x0;
	[sflag:s13] =	ssyncadd.s32 $0xFFFFF000  }
0x32b: {  	v1 =	vld [tilespmem:s15+$0x19800];
	_ =	sdelay $0x6  }
0x32c: {  	v2 =	vld [tilespmem:s15+$0x19810]  }
0x32d: {  	v1 =	vld.idx.msk [tilespmem:v1+s1+$0x0], $0xffff;
	_ =	sdelay $0x4  }
0x32e: {  	[tilespmem:s15+$0x1B800] =	vst v1;
	v1 =	vld [tilespmem:s15+$0x19820];
	_ =	sdelay $0x1  }
0x32f: {  	v2 =	vld.idx.msk [tilespmem:v2+s1+$0x0], $0xffff;
	_ =	sdelay $0x4  }
0x330: {  	[tilespmem:s15+$0x1B810] =	vst v2;
	v2 =	vld [tilespmem:s15+$0x19830]  }
0x331: {  	v1 =	vld.idx.msk [tilespmem:v1+s1+$0x0], $0xffff;
	_ =	sdelay $0x4  }
0x332: {  	[tilespmem:s15+$0x1B820] =	vst v1;
	v1 =	vld [tilespmem:s15+$0x19840];
	_ =	sdelay $0x1  }
0x333: {  	v2 =	vld.idx.msk [tilespmem:v2+s1+$0x0], $0xffff;
	_ =	sdelay $0x4  }
0x334: {  	[tilespmem:s15+$0x1B830] =	vst v2;
	v2 =	vld [tilespmem:s15+$0x19850]  }
0x335: {  	v1 =	vld.idx.msk [tilespmem:v1+s1+$0x0], $0xffff;
	_ =	sdelay $0x4  }
0x336: {  	[tilespmem:s15+$0x1B840] =	vst v1;
	v1 =	vld [tilespmem:s15+$0x19854];
	_ =	sdelay $0x1  }
0x337: {  	v2 =	vld.idx.msk [tilespmem:v2+s1+$0x0], $0xffff;
	_ =	sdelay $0x3  }
0x338: {  	s16 =	simm.s32 $0x400;
	s17 =	simm.s32 $0x80  }
.LBB2_28:
0x339: {  	p0 =	sne.s32 s16, $0x3E00;
	v3 =	vld [tilespmem:s17+$0x19800];
	[tilespmem:s15+$0x1B850] =	vst v2  }
0x33a: {  	v1 =	vld.idx.msk [tilespmem:v1+s1+$0x0], $0xffff;
	_ =	sdelay $0x5  }
0x33b: {  	v2 =	vld [tilespmem:s17+$0x19810];
	[tilespmem:s15+$0x1B854] =	vst v1;
	s15 =	smov.u32 s17  }
0x33c: {  	v1 =	vld.idx.msk [tilespmem:v3+s1+$0x0], $0xffff;
	_ =	sdelay $0x5  }
0x33d: {  	[tilespmem:s15+$0x1B800] =	vst v1;
	v1 =	vld [tilespmem:s15+$0x19820]  }
0x33e: {  	v2 =	vld.idx.msk [tilespmem:v2+s1+$0x0], $0xffff;
	_ =	sdelay $0x5  }
0x33f: {  	[tilespmem:s15+$0x1B810] =	vst v2;
	v2 =	vld [tilespmem:s15+$0x19830]  }
0x340: {  	v1 =	vld.idx.msk [tilespmem:v1+s1+$0x0], $0xffff;
	_ =	sdelay $0x5  }
0x341: {  	[tilespmem:s15+$0x1B820] =	vst v1;
	v1 =	vld [tilespmem:s15+$0x19840]  }
0x342: {  	v2 =	vld.idx.msk [tilespmem:v2+s1+$0x0], $0xffff;
	_ =	sdelay $0x5  }
0x343: {  	[tilespmem:s15+$0x1B830] =	vst v2;
	v2 =	vld [tilespmem:s15+$0x19850]  }
0x344: {  	v1 =	vld.idx.msk [tilespmem:v1+s1+$0x0], $0xffff;
	_ =	sdelay $0x5  }
0x345: {  	[tilespmem:s15+$0x1B840] =	vst v1;
	v1 =	vld [tilespmem:s15+$0x19854]  }
0x346: {  	v2 =	vld.idx.msk [tilespmem:v2+s1+$0x0], $0xffff  }
.Ltmp13:
0x347: {  	(pc) =	sbr.rel @p0 .LBB2_28-.Ltmp13, $2  }
0x348: {  	_ =	sdelay $0x2  }
0x349: {  	s17 =	sshra.s32 s16, $0x2;
	s16 =	sadd.s32 $0x200, s16  }
0x34a: {  	_ =	sdelay $0x1  }
0x34b: {  	v3 =	vld [tilespmem:s17+$0x19800]  }
0x34c: {  	[tilespmem:s15+$0x1B850] =	vst v2  }
0x34d: {  	v1 =	vld.idx.msk [tilespmem:v1+s1+$0x0], $0xffff;
	_ =	sdelay $0x4  }
0x34e: {  	v2 =	vld [tilespmem:s17+$0x19810];
	[tilespmem:s15+$0x1B854] =	vst v1  }
0x34f: {  	v1 =	vld.idx.msk [tilespmem:v3+s1+$0x0], $0xffff;
	_ =	sdelay $0x4  }
0x350: {  	[tilespmem:s17+$0x1B800] =	vst v1;
	v1 =	vld [tilespmem:s17+$0x19820];
	_ =	sdelay $0x1  }
0x351: {  	v2 =	vld.idx.msk [tilespmem:v2+s1+$0x0], $0xffff;
	_ =	sdelay $0x4  }
0x352: {  	[tilespmem:s17+$0x1B810] =	vst v2;
	v2 =	vld [tilespmem:s17+$0x19830]  }
0x353: {  	v1 =	vld.idx.msk [tilespmem:v1+s1+$0x0], $0xffff;
	_ =	sdelay $0x4  }
0x354: {  	[tilespmem:s17+$0x1B820] =	vst v1;
	v1 =	vld [tilespmem:s17+$0x19840];
	_ =	sdelay $0x1  }
0x355: {  	v2 =	vld.idx.msk [tilespmem:v2+s1+$0x0], $0xffff;
	_ =	sdelay $0x4  }
0x356: {  	[tilespmem:s17+$0x1B830] =	vst v2;
	v2 =	vld [tilespmem:s17+$0x19850]  }
0x357: {  	v1 =	vld.idx.msk [tilespmem:v1+s1+$0x0], $0xffff;
	_ =	sdelay $0x4  }
0x358: {  	[tilespmem:s17+$0x1B840] =	vst v1;
	v1 =	vld [tilespmem:s17+$0x19854];
	_ =	sdelay $0x1  }
0x359: {  	v2 =	vld.idx.msk [tilespmem:v2+s1+$0x0], $0xffff;
	_ =	sdelay $0x4  }
0x35a: {  	[tilespmem:s17+$0x1B850] =	vst v2  }
0x35b: {  	v1 =	vld.idx.msk [tilespmem:v1+s1+$0x0], $0xffff;
	_ =	sdelay $0x4  }
0x35c: {  	[tilespmem:s17+$0x1B854] =	vst v1;
	s17 =	simm.s32 $0x0  }
0x35d: {  	[hbm4b:s28+s17] =	stream.linear.scatter [tilespmem:s11], [sflag:$0x5], $0x1000, $0x38;
	[tilespmem:$0x1C800] =	vst v63  }
0x35e: {  	_ = 	snop  }
0x35f: {  	[tilespmem:s6], [sflag:$0x3] =	stream.linear.gather [hbm4b:s0+s17], $0x1000, $0x38;
	[tilespmem:$0x1C800] =	vst v63  }
0x360: {  	_ =	swait.ge [sflag:s8], $0x1000  }
0x361: {  	[sflag:s8] =	ssyncset.done $0x0  }
0x362: {  	[sflag:s8] =	ssyncadd.s32 $0xFFFFF000  }
0x363: {  	_ =	swait.ge [sflag:s12], $0x1000  }
0x364: {  	[sflag:s12] =	ssyncset.done $0x0  }
0x365: {  	s15 =	simm.s32 $0x0;
	[sflag:s12] =	ssyncadd.s32 $0xFFFFF000  }
0x366: {  	v1 =	vld [tilespmem:s15+$0x18800];
	_ =	sdelay $0x6  }
0x367: {  	v2 =	vld [tilespmem:s15+$0x18810]  }
0x368: {  	v1 =	vld.idx.msk [tilespmem:v1+s1+$0x0], $0xffff;
	_ =	sdelay $0x4  }
0x369: {  	[tilespmem:s15+$0x1A800] =	vst v1;
	v1 =	vld [tilespmem:s15+$0x18820];
	_ =	sdelay $0x1  }
0x36a: {  	v2 =	vld.idx.msk [tilespmem:v2+s1+$0x0], $0xffff;
	_ =	sdelay $0x4  }
0x36b: {  	[tilespmem:s15+$0x1A810] =	vst v2;
	v2 =	vld [tilespmem:s15+$0x18830]  }
0x36c: {  	v1 =	vld.idx.msk [tilespmem:v1+s1+$0x0], $0xffff;
	_ =	sdelay $0x4  }
0x36d: {  	[tilespmem:s15+$0x1A820] =	vst v1;
	v1 =	vld [tilespmem:s15+$0x18840];
	_ =	sdelay $0x1  }
0x36e: {  	v2 =	vld.idx.msk [tilespmem:v2+s1+$0x0], $0xffff;
	_ =	sdelay $0x4  }
0x36f: {  	[tilespmem:s15+$0x1A830] =	vst v2;
	v2 =	vld [tilespmem:s15+$0x18850]  }
0x370: {  	v1 =	vld.idx.msk [tilespmem:v1+s1+$0x0], $0xffff;
	_ =	sdelay $0x4  }
0x371: {  	[tilespmem:s15+$0x1A840] =	vst v1;
	v1 =	vld [tilespmem:s15+$0x18854];
	_ =	sdelay $0x1  }
0x372: {  	v2 =	vld.idx.msk [tilespmem:v2+s1+$0x0], $0xffff;
	_ =	sdelay $0x3  }
0x373: {  	s16 =	simm.s32 $0x400;
	s17 =	simm.s32 $0x80  }
.LBB2_30:
0x374: {  	p0 =	sne.s32 s16, $0x3E00;
	v3 =	vld [tilespmem:s17+$0x18800];
	[tilespmem:s15+$0x1A850] =	vst v2  }
0x375: {  	v1 =	vld.idx.msk [tilespmem:v1+s1+$0x0], $0xffff;
	_ =	sdelay $0x5  }
0x376: {  	v2 =	vld [tilespmem:s17+$0x18810];
	[tilespmem:s15+$0x1A854] =	vst v1;
	s15 =	smov.u32 s17  }
0x377: {  	v1 =	vld.idx.msk [tilespmem:v3+s1+$0x0], $0xffff;
	_ =	sdelay $0x5  }
0x378: {  	[tilespmem:s15+$0x1A800] =	vst v1;
	v1 =	vld [tilespmem:s15+$0x18820]  }
0x379: {  	v2 =	vld.idx.msk [tilespmem:v2+s1+$0x0], $0xffff;
	_ =	sdelay $0x5  }
0x37a: {  	[tilespmem:s15+$0x1A810] =	vst v2;
	v2 =	vld [tilespmem:s15+$0x18830]  }
0x37b: {  	v1 =	vld.idx.msk [tilespmem:v1+s1+$0x0], $0xffff;
	_ =	sdelay $0x5  }
0x37c: {  	[tilespmem:s15+$0x1A820] =	vst v1;
	v1 =	vld [tilespmem:s15+$0x18840]  }
0x37d: {  	v2 =	vld.idx.msk [tilespmem:v2+s1+$0x0], $0xffff;
	_ =	sdelay $0x5  }
0x37e: {  	[tilespmem:s15+$0x1A830] =	vst v2;
	v2 =	vld [tilespmem:s15+$0x18850]  }
0x37f: {  	v1 =	vld.idx.msk [tilespmem:v1+s1+$0x0], $0xffff;
	_ =	sdelay $0x5  }
0x380: {  	[tilespmem:s15+$0x1A840] =	vst v1;
	v1 =	vld [tilespmem:s15+$0x18854]  }
0x381: {  	v2 =	vld.idx.msk [tilespmem:v2+s1+$0x0], $0xffff  }
.Ltmp14:
0x382: {  	(pc) =	sbr.rel @p0 .LBB2_30-.Ltmp14, $2  }
0x383: {  	_ =	sdelay $0x2  }
0x384: {  	s17 =	sshra.s32 s16, $0x2;
	s16 =	sadd.s32 $0x200, s16  }
0x385: {  	_ =	sdelay $0x1  }
0x386: {  	v3 =	vld [tilespmem:s17+$0x18800]  }
0x387: {  	[tilespmem:s15+$0x1A850] =	vst v2  }
0x388: {  	v1 =	vld.idx.msk [tilespmem:v1+s1+$0x0], $0xffff;
	_ =	sdelay $0x4  }
0x389: {  	v2 =	vld [tilespmem:s17+$0x18810];
	[tilespmem:s15+$0x1A854] =	vst v1  }
0x38a: {  	v1 =	vld.idx.msk [tilespmem:v3+s1+$0x0], $0xffff;
	_ =	sdelay $0x4  }
0x38b: {  	[tilespmem:s17+$0x1A800] =	vst v1;
	v1 =	vld [tilespmem:s17+$0x18820];
	_ =	sdelay $0x1  }
0x38c: {  	v2 =	vld.idx.msk [tilespmem:v2+s1+$0x0], $0xffff;
	_ =	sdelay $0x4  }
0x38d: {  	[tilespmem:s17+$0x1A810] =	vst v2;
	v2 =	vld [tilespmem:s17+$0x18830]  }
0x38e: {  	v1 =	vld.idx.msk [tilespmem:v1+s1+$0x0], $0xffff;
	_ =	sdelay $0x4  }
0x38f: {  	[tilespmem:s17+$0x1A820] =	vst v1;
	v1 =	vld [tilespmem:s17+$0x18840];
	_ =	sdelay $0x1  }
0x390: {  	v2 =	vld.idx.msk [tilespmem:v2+s1+$0x0], $0xffff;
	_ =	sdelay $0x4  }
0x391: {  	[tilespmem:s17+$0x1A830] =	vst v2;
	v2 =	vld [tilespmem:s17+$0x18850]  }
0x392: {  	v1 =	vld.idx.msk [tilespmem:v1+s1+$0x0], $0xffff;
	_ =	sdelay $0x4  }
0x393: {  	[tilespmem:s17+$0x1A840] =	vst v1;
	v1 =	vld [tilespmem:s17+$0x18854];
	_ =	sdelay $0x1  }
0x394: {  	v2 =	vld.idx.msk [tilespmem:v2+s1+$0x0], $0xffff;
	_ =	sdelay $0x4  }
0x395: {  	[tilespmem:s17+$0x1A850] =	vst v2  }
0x396: {  	v1 =	vld.idx.msk [tilespmem:v1+s1+$0x0], $0xffff;
	_ =	sdelay $0x4  }
0x397: {  	[tilespmem:s17+$0x1A854] =	vst v1;
	s17 =	simm.s32 $0x0  }
0x398: {  	[hbm4b:s2+s17] =	stream.linear.scatter [tilespmem:s9], [sflag:$0x4], $0x1000, $0x38;
	[tilespmem:$0x1C800] =	vst v63  }
0x399: {  	_ =	swait.ge [sflag:s10], $0x1000  }
0x39a: {  	[sflag:s10] =	ssyncset.done $0x0  }
0x39b: {  	[sflag:s10] =	ssyncadd.s32 $0xFFFFF000  }
0x39c: {  	_ =	swait.ge [sflag:s13], $0x1000  }
0x39d: {  	[sflag:s13] =	ssyncset.done $0x0  }
0x39e: {  	s15 =	simm.s32 $0x0;
	[sflag:s13] =	ssyncadd.s32 $0xFFFFF000  }
0x39f: {  	v1 =	vld [tilespmem:s15+$0x19800];
	_ =	sdelay $0x6  }
0x3a0: {  	v2 =	vld [tilespmem:s15+$0x19810]  }
0x3a1: {  	v1 =	vld.idx.msk [tilespmem:v1+s1+$0x0], $0xffff;
	_ =	sdelay $0x4  }
0x3a2: {  	[tilespmem:s15+$0x1B800] =	vst v1;
	v1 =	vld [tilespmem:s15+$0x19820];
	_ =	sdelay $0x1  }
0x3a3: {  	v2 =	vld.idx.msk [tilespmem:v2+s1+$0x0], $0xffff;
	_ =	sdelay $0x4  }
0x3a4: {  	[tilespmem:s15+$0x1B810] =	vst v2;
	v2 =	vld [tilespmem:s15+$0x19830]  }
0x3a5: {  	v1 =	vld.idx.msk [tilespmem:v1+s1+$0x0], $0xffff;
	_ =	sdelay $0x4  }
0x3a6: {  	[tilespmem:s15+$0x1B820] =	vst v1;
	v1 =	vld [tilespmem:s15+$0x19840];
	_ =	sdelay $0x1  }
0x3a7: {  	v2 =	vld.idx.msk [tilespmem:v2+s1+$0x0], $0xffff;
	_ =	sdelay $0x4  }
0x3a8: {  	[tilespmem:s15+$0x1B830] =	vst v2;
	v2 =	vld [tilespmem:s15+$0x19850]  }
0x3a9: {  	v1 =	vld.idx.msk [tilespmem:v1+s1+$0x0], $0xffff;
	_ =	sdelay $0x4  }
0x3aa: {  	[tilespmem:s15+$0x1B840] =	vst v1;
	v1 =	vld [tilespmem:s15+$0x19854];
	_ =	sdelay $0x1  }
0x3ab: {  	v2 =	vld.idx.msk [tilespmem:v2+s1+$0x0], $0xffff;
	_ =	sdelay $0x3  }
0x3ac: {  	s16 =	simm.s32 $0x400;
	s17 =	simm.s32 $0x80  }
.LBB2_32:
0x3ad: {  	p0 =	sne.s32 s16, $0x3E00;
	v3 =	vld [tilespmem:s17+$0x19800];
	[tilespmem:s15+$0x1B850] =	vst v2  }
0x3ae: {  	v1 =	vld.idx.msk [tilespmem:v1+s1+$0x0], $0xffff;
	_ =	sdelay $0x5  }
0x3af: {  	v2 =	vld [tilespmem:s17+$0x19810];
	[tilespmem:s15+$0x1B854] =	vst v1;
	s15 =	smov.u32 s17  }
0x3b0: {  	v1 =	vld.idx.msk [tilespmem:v3+s1+$0x0], $0xffff;
	_ =	sdelay $0x5  }
0x3b1: {  	[tilespmem:s15+$0x1B800] =	vst v1;
	v1 =	vld [tilespmem:s15+$0x19820]  }
0x3b2: {  	v2 =	vld.idx.msk [tilespmem:v2+s1+$0x0], $0xffff;
	_ =	sdelay $0x5  }
0x3b3: {  	[tilespmem:s15+$0x1B810] =	vst v2;
	v2 =	vld [tilespmem:s15+$0x19830]  }
0x3b4: {  	v1 =	vld.idx.msk [tilespmem:v1+s1+$0x0], $0xffff;
	_ =	sdelay $0x5  }
0x3b5: {  	[tilespmem:s15+$0x1B820] =	vst v1;
	v1 =	vld [tilespmem:s15+$0x19840]  }
0x3b6: {  	v2 =	vld.idx.msk [tilespmem:v2+s1+$0x0], $0xffff;
	_ =	sdelay $0x5  }
0x3b7: {  	[tilespmem:s15+$0x1B830] =	vst v2;
	v2 =	vld [tilespmem:s15+$0x19850]  }
0x3b8: {  	v1 =	vld.idx.msk [tilespmem:v1+s1+$0x0], $0xffff;
	_ =	sdelay $0x5  }
0x3b9: {  	[tilespmem:s15+$0x1B840] =	vst v1;
	v1 =	vld [tilespmem:s15+$0x19854]  }
0x3ba: {  	v2 =	vld.idx.msk [tilespmem:v2+s1+$0x0], $0xffff  }
.Ltmp15:
0x3bb: {  	(pc) =	sbr.rel @p0 .LBB2_32-.Ltmp15, $2  }
0x3bc: {  	_ =	sdelay $0x2  }
0x3bd: {  	s17 =	sshra.s32 s16, $0x2;
	s16 =	sadd.s32 $0x200, s16  }
0x3be: {  	_ =	sdelay $0x1  }
0x3bf: {  	v3 =	vld [tilespmem:s17+$0x19800]  }
0x3c0: {  	[tilespmem:s15+$0x1B850] =	vst v2  }
0x3c1: {  	v1 =	vld.idx.msk [tilespmem:v1+s1+$0x0], $0xffff;
	_ =	sdelay $0x4  }
0x3c2: {  	v2 =	vld [tilespmem:s17+$0x19810];
	[tilespmem:s15+$0x1B854] =	vst v1  }
0x3c3: {  	v1 =	vld.idx.msk [tilespmem:v3+s1+$0x0], $0xffff;
	_ =	sdelay $0x4  }
0x3c4: {  	[tilespmem:s17+$0x1B800] =	vst v1;
	v1 =	vld [tilespmem:s17+$0x19820];
	_ =	sdelay $0x1  }
0x3c5: {  	v2 =	vld.idx.msk [tilespmem:v2+s1+$0x0], $0xffff;
	_ =	sdelay $0x4  }
0x3c6: {  	[tilespmem:s17+$0x1B810] =	vst v2;
	v2 =	vld [tilespmem:s17+$0x19830]  }
0x3c7: {  	v1 =	vld.idx.msk [tilespmem:v1+s1+$0x0], $0xffff;
	_ =	sdelay $0x4  }
0x3c8: {  	[tilespmem:s17+$0x1B820] =	vst v1;
	v1 =	vld [tilespmem:s17+$0x19840];
	_ =	sdelay $0x1  }
0x3c9: {  	v2 =	vld.idx.msk [tilespmem:v2+s1+$0x0], $0xffff;
	_ =	sdelay $0x4  }
0x3ca: {  	[tilespmem:s17+$0x1B830] =	vst v2;
	v2 =	vld [tilespmem:s17+$0x19850]  }
0x3cb: {  	v1 =	vld.idx.msk [tilespmem:v1+s1+$0x0], $0xffff;
	_ =	sdelay $0x4  }
0x3cc: {  	[tilespmem:s17+$0x1B840] =	vst v1;
	v1 =	vld [tilespmem:s17+$0x19854];
	_ =	sdelay $0x1  }
0x3cd: {  	v2 =	vld.idx.msk [tilespmem:v2+s1+$0x0], $0xffff;
	_ =	sdelay $0x4  }
0x3ce: {  	[tilespmem:s17+$0x1B850] =	vst v2  }
0x3cf: {  	v1 =	vld.idx.msk [tilespmem:v1+s1+$0x0], $0xffff;
	_ =	sdelay $0x4  }
0x3d0: {  	s14 =	sadd.s32 $0x1, s14;
	[tilespmem:s17+$0x1B854] =	vst v1  }
0x3d1: {  	[hbm4b:s3+s1] =	stream.linear.scatter [tilespmem:s11], [sflag:$0x5], $0x1000, $0x38;
	[tilespmem:$0x1C800] =	vst v63  }
0x3d2: {  	p0 =	sne.s32 s14, s4;
	_ =	swait.ge [sflag:s12], $0x1000  }
.Ltmp16:
0x3d3: {  	[sflag:s12] =	ssyncset.done $0x0;
	(pc) =	sbr.rel @p0 .LBB2_1-.Ltmp16, $4  }
0x3d4: {  	[sflag:s12] =	ssyncadd.s32 $0xFFFFF000  }
0x3d5: {  	_ =	swait.ge [sflag:s13], $0x1000  }
0x3d6: {  	[sflag:s13] =	ssyncset.done $0x0  }
0x3d7: {  	[sflag:s13] =	ssyncadd.s32 $0xFFFFF000  }
0x3d8: {  	_ =	sfence.sel $0x180000  }
0x3d9: {  	[bflag:$0x0] =	sbarrier.arrive $0xFFFF  }
0x3da: {  	_ =	strace $0x90000047  }
0x3db: {  	s0 =	stileid.u32;
	[bflag:$0x2] =	sbarrier.arrive $0xFFFF  }
0x3dc: {  	p0 =	sne.s32 s0, $0x0;
	s0 =	rddreg [dreg:$0x2]  }
0x3dd: {  	s0 =	sadd.s32 @!p0 $0x100000, s0  }
0x3de: {  	[sflag:s0] =	ssyncadd.tile.s32 @!p0 $0x1;
	_ =	shalt  }
.Lfunc_end2:
_tile_overlayer_lowered:
.L_overlay_start_2:
0x3df: {  	(tag) =	ssettag $0x2  }
0x3e0: {  	s0 =	rddreg [dreg:$0x0];
	s2 =	stileid.u32  }
0x3e1: {  	s1 =	rddreg [dreg:$0x1];
	p0 =	sne.s32 s2, $0x0  }
0x3e2: {  	s3 =	rddreg [dreg:$0x2];
	[bflag:$0x3] =	sbarrier.arrive $0xFFFF;
	s2 =	simm.s32 @!p0 $0x1C06  }
0x3e3: {  	[timem:s3], [sflag:s2] =	dma.local @!p0 [hbm:s0], s1  }
0x3e4: {  	s0 =	simm.s32 @!p0 $0x6  }
0x3e5: {  	_ =	swait.ge @!p0 [sflag:s0], s1  }
0x3e6: {  	s1 =	ssub.s32 @!p0 $0x0, s1;
	[sflag:s0] =	ssyncset.done @!p0 $0x0  }
0x3e7: {  	[sflag:s0] =	ssyncadd.s32 @!p0 s1  }
0x3e8: {  	[bflag:$0x3] =	sbarrier.arrive $0xFFFF  }
0x3e9: {  	_ =	shalt  }

</sc_bundles>
